<compile_context>
chip_gen: v7x
topology: tpu7x:2x2x1
jax: 0.10.2.dev20260603
libtpu: 0.0.44.dev20260713+nightly
codegen_flags: <defaults>
</compile_context>

<pallas_src>
import functools

import jax
import jax.numpy as jnp
from jax import lax
from jax.experimental import pallas as pl
from jax.experimental.pallas import tpu as pltpu
from jax.experimental.pallas import tpu_sc as plsc

_NC = 2
_NS = 16
_NW = _NC * _NS
_L = 16
_BINS = 10
_ROWS = 2 * _BINS
_CHUNK = 8192
_UNROLL = 4
_TC_R = 512
_TC_C = 512
_TC_PAD = 4
_TC_FRAC_NUM, _TC_FRAC_DEN = 1, 2

_LOG1P = (
    2.2117031200252768e-05, 0.9990104466294587, -0.4891568472023044,
    0.28330432451740856, -0.13011941539126315, 0.03010262501167511,
)


def _log1p_poly(u):
    acc = jnp.float32(_LOG1P[5])
    for k in range(4, -1, -1):
        acc = acc * u + jnp.float32(_LOG1P[k])
    return acc


def _hist_body(n, m_off, x_hbm, t_hbm, w_hbm, parts_hbm, xb, tb, wb, hist,
               s0, s1):
    wid = lax.axis_index("s") * _NC + lax.axis_index("c")
    per_w = (n - m_off) // _NW
    nchunks = per_w // _CHUNK
    base = m_off + wid * per_w
    sems = (s0, s1)
    lane = lax.iota(jnp.int32, _L)

    for r in range(_UNROLL * _ROWS):
        hist[pl.ds(r * _L, _L)] = jnp.zeros((_L,), jnp.float32)

    def start(c, buf):
        off = base + c * _CHUNK
        sem = sems[buf]
        pltpu.make_async_copy(x_hbm.at[pl.ds(off, _CHUNK)], xb.at[buf], sem).start()
        pltpu.make_async_copy(t_hbm.at[pl.ds(off, _CHUNK)], tb.at[buf], sem).start()
        pltpu.make_async_copy(w_hbm.at[pl.ds(off, _CHUNK)], wb.at[buf], sem).start()

    def wait(buf):
        sem = sems[buf]
        pltpu.make_async_copy(x_hbm.at[pl.ds(0, _CHUNK)], xb.at[buf], sem).wait()
        pltpu.make_async_copy(t_hbm.at[pl.ds(0, _CHUNK)], tb.at[buf], sem).wait()
        pltpu.make_async_copy(w_hbm.at[pl.ds(0, _CHUNK)], wb.at[buf], sem).wait()

    ones = jnp.ones((_L,), jnp.float32)
    nu = _UNROLL

    def process(buf):
        def vbody(v, carry):
            s = v * (nu * _L)
            x = [xb[buf, pl.ds(s + u * _L, _L)] for u in range(nu)]
            tf = [tb[buf, pl.ds(s + u * _L, _L)].astype(jnp.float32)
                  for u in range(nu)]
            lw = [wb[buf, pl.ds(s + u * _L, _L)] for u in range(nu)]
            ax = [jnp.abs(xi) for xi in x]
            e = [jnp.exp(-a) for a in ax]
            r = [1.0 / (1.0 + ei) for ei in e]
            p = [jnp.where(x[u] >= 0, r[u], e[u] * r[u]) for u in range(nu)]
            g = [jnp.abs(p[u] - tf[u]) for u in range(nu)]
            bi = [jnp.minimum((gi * 10.0).astype(jnp.int32), _BINS - 1)
                  for gi in g]
            sp = [_log1p_poly(ei) for ei in e]
            pe = [jnp.maximum(x[u], 0.0) - x[u] * tf[u] + sp[u]
                  for u in range(nu)]
            valid = [lwi > 0 for lwi in lw]
            flat = [b * _L + lane for b in bi]
            for u in range(nu):
                base_u = u * _ROWS * _L
                plsc.addupdate_scatter(
                    hist, [flat[u] + base_u], ones, mask=valid[u])
                plsc.addupdate_scatter(
                    hist, [flat[u] + (base_u + _BINS * _L)], pe[u],
                    mask=valid[u])
            return carry

        lax.fori_loop(0, _CHUNK // (nu * _L), vbody, 0)

    start(0, 0)

    def cbody(i, carry):
        c0 = 2 * i
        wait(0)
        start(c0 + 1, 1)
        process(0)
        wait(1)

        @pl.when(c0 + 2 < nchunks)
        def _():
            start(c0 + 2, 0)

        process(1)
        return carry

    lax.fori_loop(0, nchunks // 2, cbody, 0)
    pltpu.sync_copy(hist, parts_hbm.at[wid])


def _tc_body(nsteps, x_ref, t_ref, w_ref, out_ref):
    i = pl.program_id(0)
    x = x_ref[...]
    tf = t_ref[...].astype(jnp.float32)
    lw = w_ref[...]
    ax = jnp.abs(x)
    e = jnp.exp(-ax)
    r = 1.0 / (1.0 + e)
    p = jnp.where(x >= 0, r, e * r)
    g = jnp.abs(p - tf)
    pe = jnp.maximum(x, 0.0) - x * tf + _log1p_poly(e)
    validf = (lw > 0).astype(jnp.float32)
    pem = pe * validf
    cnts, sums = [], []
    for j in range(_BINS):
        if j == 0:
            indc, inds = validf, pem
        else:
            m = g >= jnp.float32(j / 10.0)
            indc = jnp.where(m, validf, 0.0)
            inds = jnp.where(m, pem, 0.0)
        cnts.append(jnp.sum(indc, axis=0, keepdims=True))
        sums.append(jnp.sum(inds, axis=0, keepdims=True))
    upd = jnp.concatenate(
        cnts + sums + [jnp.zeros((_TC_PAD, _TC_C), jnp.float32)], axis=0
    )

    @pl.when(i == 0)
    def _():
        out_ref[...] = jnp.zeros_like(out_ref)

    out_ref[...] += upd


def _combine_body(parts_hbm, tc_hbm, out_hbm, pv, tcv, ov, sem):
    wid = lax.axis_index("s") * _NC + lax.axis_index("c")

    @pl.when(wid == 0)
    def _():
        pltpu.make_async_copy(parts_hbm, pv, sem).start()
        pltpu.make_async_copy(tc_hbm, tcv, sem).start()
        pltpu.make_async_copy(parts_hbm, pv, sem).wait()
        pltpu.make_async_copy(tc_hbm, tcv, sem).wait()

        def wbody(w, accs):
            new = list(accs)
            for k in range(_UNROLL):
                for r in range(_ROWS):
                    new[r] = new[r] + pv[w, pl.ds((k * _ROWS + r) * _L, _L)]
            return tuple(new)

        zero = jnp.zeros((_L,), jnp.float32)
        accs = lax.fori_loop(0, _NW, wbody, tuple(zero for _ in range(_ROWS)))

        def tbody(k, taccs):
            return tuple(
                taccs[r] + tcv[r, pl.ds(k * _L, _L)] for r in range(_ROWS)
            )

        taccs = lax.fori_loop(
            0, _TC_C // _L, tbody, tuple(zero for _ in range(_ROWS))
        )
        c = [jnp.sum(taccs[r]) for r in range(_ROWS)]

        nbv = jnp.zeros((_L,), jnp.float32)
        contribv = jnp.zeros((_L,), jnp.float32)
        for b in range(_BINS):
            tc_cnt = c[b] - c[b + 1] if b < _BINS - 1 else c[_BINS - 1]
            tc_bs = (c[_BINS + b] - c[_BINS + b + 1]
                     if b < _BINS - 1 else c[2 * _BINS - 1])
            cntv = jnp.broadcast_to(jnp.sum(accs[b]) + tc_cnt, (_L,))
            bsv = jnp.broadcast_to(jnp.sum(accs[b + _BINS]) + tc_bs, (_L,))
            has = cntv > 0
            nbv = nbv + jnp.where(has, 1.0, 0.0).astype(jnp.float32)
            contribv = contribv + jnp.where(
                has, bsv / jnp.maximum(cntv, 1.0), 0.0
            ).astype(jnp.float32)
        lossv = jnp.where(nbv > 0, contribv / jnp.maximum(nbv, 1.0), 0.0)
        ov[...] = lossv.astype(jnp.float32)
        pltpu.sync_copy(ov, out_hbm)


def kernel(input, target, label_weight):
    n = input.shape[0]
    blk = _TC_R * _TC_C
    m = (n * _TC_FRAC_NUM // _TC_FRAC_DEN) // blk * blk
    nsteps = m // blk
    mesh = plsc.VectorSubcoreMesh(
        core_axis_name="c", subcore_axis_name="s", num_cores=_NC, num_subcores=_NS
    )
    parts = pl.kernel(
        functools.partial(_hist_body, n, m),
        out_type=jax.ShapeDtypeStruct((_NW, _UNROLL * _ROWS * _L), jnp.float32),
        mesh=mesh,
        scratch_types=[
            pltpu.VMEM((2, _CHUNK), jnp.float32),
            pltpu.VMEM((2, _CHUNK), jnp.int32),
            pltpu.VMEM((2, _CHUNK), jnp.float32),
            pltpu.VMEM((_UNROLL * _ROWS * _L,), jnp.float32),
            pltpu.SemaphoreType.DMA,
            pltpu.SemaphoreType.DMA,
        ],
        compiler_params=pltpu.CompilerParams(needs_layout_passes=False),
    )(input, target, label_weight)
    tc_cums = pl.pallas_call(
        functools.partial(_tc_body, nsteps),
        grid=(nsteps,),
        in_specs=[
            pl.BlockSpec((_TC_R, _TC_C), lambda i: (i, 0)),
            pl.BlockSpec((_TC_R, _TC_C), lambda i: (i, 0)),
            pl.BlockSpec((_TC_R, _TC_C), lambda i: (i, 0)),
        ],
        out_specs=pl.BlockSpec((_ROWS + _TC_PAD, _TC_C), lambda i: (0, 0)),
        out_shape=jax.ShapeDtypeStruct((_ROWS + _TC_PAD, _TC_C), jnp.float32),
    )(
        input.reshape(-1, _TC_C),
        target.reshape(-1, _TC_C),
        label_weight.reshape(-1, _TC_C),
    )
    out = pl.kernel(
        _combine_body,
        out_type=jax.ShapeDtypeStruct((_L,), jnp.float32),
        mesh=mesh,
        scratch_types=[
            pltpu.VMEM((_NW, _UNROLL * _ROWS * _L), jnp.float32),
            pltpu.VMEM((_ROWS + _TC_PAD, _TC_C), jnp.float32),
            pltpu.VMEM((_L,), jnp.float32),
            pltpu.SemaphoreType.DMA,
        ],
        compiler_params=pltpu.CompilerParams(needs_layout_passes=False),
    )(parts, tc_cums)
    return out[0]

# --- scband reference (transcript-rebuilt; emitter-appended) ---
"""Pipeline reference for scband-ghmloss-25056839205987 (READ-ONLY COPY).

The authoritative reference and input builder live on the scoring server;
editing this copy changes nothing except your own understanding.
"""

import jax, jax.numpy as jnp
import numpy as np

BINS = 10
EDGES = [float(x) / BINS for x in range(BINS + 1)]
EDGES[-1] += 1e-06


def setup_inputs(seed: int = 0) -> dict:
    key = jax.random.key(seed)
    k1, k2 = jax.random.split(key)
    N = 8388608
    inp = jax.random.normal(k1, (N,), dtype=jnp.float32)
    target = jax.random.randint(k2, (N,), 0, 2, dtype=jnp.int32)
    label_weight = jnp.ones((N,), dtype=jnp.float32)
    return {"input": inp, "target": target, "label_weight": label_weight}


def _ghm_loss(input, target_f, label_weight):
    # with_logits=True, momentum=0, bins=10
    prob = jax.nn.sigmoid(input)
    g = jnp.abs(jax.lax.stop_gradient(prob) - target_f)
    valid = label_weight > 0
    tot = jnp.maximum(jnp.sum(valid.astype(jnp.float32)), 1.0)
    weights = jnp.zeros_like(input)
    n = jnp.zeros((), dtype=jnp.float32)
    for i in range(BINS):
        inds = (g >= EDGES[i]) & (g < EDGES[i + 1]) & valid
        num_in_bin = jnp.sum(inds.astype(jnp.float32))
        has = num_in_bin > 0
        weights = jnp.where(inds & has, tot / jnp.maximum(num_in_bin, 1.0), weights)
        n = n + has.astype(jnp.float32)
    weights = jnp.where(n > 0, weights / jnp.maximum(n, 1.0), weights)
    # binary_cross_entropy_with_logits with per-element weight, reduction='sum'
    per_elem = jnp.maximum(input, 0.0) - input * target_f + jnp.log1p(jnp.exp(-jnp.abs(input)))
    loss = jnp.sum(weights * per_elem) / tot
    return loss


def reference(input, target, label_weight):
    target_f = target.astype(jnp.float32)
    lw = label_weight.astype(jnp.float32)
    return _ghm_loss(input, target_f, lw)

if __name__ == "__main__":
    import jax
    _d = setup_inputs()
    print(jax.jit(kernel)(*tuple(_d.values())))

</pallas_src>

<mosaic_0001>
#map = affine_map<(d0, d1) -> (0, 0)>
#map1 = affine_map<(d0, d1) -> (0)>
module attributes {stable_mosaic.version = 14 : i64} {
  func.func @_combine_body(%arg0: i32, %arg1: i32, %arg2: memref<32x1280xf32, #tpu.memory_space<hbm>>, %arg3: memref<24x512xf32, #tpu.memory_space<hbm>>, %arg4: memref<16xf32, #tpu.memory_space<hbm>>, %arg5: memref<32x1280xf32, #tpu.memory_space<vmem>>, %arg6: memref<24x512xf32, #tpu.memory_space<vmem>>, %arg7: memref<16xf32, #tpu.memory_space<vmem>>, %arg8: memref<!tpu.dma_semaphore, #tpu.memory_space<semaphore_mem>>) attributes {dimension_semantics = [#tpu.dimension_semantics<core_parallel>, #tpu.dimension_semantics<subcore_parallel>], iteration_bounds = array<i64: 2, 16>, scalar_prefetch = 0 : i64, scratch_operands = 4 : i64, tpu.core_type = #tpu.core_type<sc_vector_subcore>, window_params = [{transform_indices = #map}, {transform_indices = #map}, {transform_indices = #map1}]} {
    %mul3A = arith.constant 2 : i32
    %mul3A_0 = arith.muli %arg1, %mul3A : i32
    %add3A = arith.addi %mul3A_0, %arg0 : i32
    %eq3A = arith.constant 0 : i32
    %eq3A_1 = arith.cmpi eq, %add3A, %eq3A : i32
    %convert_element_type3A = arith.extui %eq3A_1 : i1 to i32
    %cond3A = arith.constant 0 : i32
    %cond3A_2 = arith.cmpi ne, %convert_element_type3A, %cond3A : i32
    scf.if %cond3A_2 {
      tpu.enqueue_dma source(%arg2 : memref<32x1280xf32, #tpu.memory_space<hbm>>) target(%arg5 : memref<32x1280xf32, #tpu.memory_space<vmem>>) target_semaphore(%arg8 : memref<!tpu.dma_semaphore, #tpu.memory_space<semaphore_mem>>)
      tpu.enqueue_dma source(%arg3 : memref<24x512xf32, #tpu.memory_space<hbm>>) target(%arg6 : memref<24x512xf32, #tpu.memory_space<vmem>>) target_semaphore(%arg8 : memref<!tpu.dma_semaphore, #tpu.memory_space<semaphore_mem>>)
      tpu.wait_dma2 semaphore(%arg8 : memref<!tpu.dma_semaphore, #tpu.memory_space<semaphore_mem>>) src(%arg2 : memref<32x1280xf32, #tpu.memory_space<hbm>>) dst(%arg5 : memref<32x1280xf32, #tpu.memory_space<vmem>>)
      tpu.wait_dma2 semaphore(%arg8 : memref<!tpu.dma_semaphore, #tpu.memory_space<semaphore_mem>>) src(%arg3 : memref<24x512xf32, #tpu.memory_space<hbm>>) dst(%arg6 : memref<24x512xf32, #tpu.memory_space<vmem>>)
      %broadcast_in_dim3A = arith.constant 0.000000e+00 : f32
      %broadcast_in_dim3A_3 = vector.broadcast %broadcast_in_dim3A : f32 to vector<16xf32>
      %scan3A = arith.constant 0 : i32
      %scan3A_4 = arith.constant 32 : i32
      %scan3A_5 = arith.addi %scan3A, %scan3A_4 : i32
      %scan3A_6 = arith.constant 1 : i32
      %scan3A_7:20 = scf.for %scan3A_411 = %scan3A to %scan3A_5 step %scan3A_6 iter_args(%scan3A_412 = %broadcast_in_dim3A_3, %scan3A_413 = %broadcast_in_dim3A_3, %scan3A_414 = %broadcast_in_dim3A_3, %scan3A_415 = %broadcast_in_dim3A_3, %scan3A_416 = %broadcast_in_dim3A_3, %scan3A_417 = %broadcast_in_dim3A_3, %scan3A_418 = %broadcast_in_dim3A_3, %scan3A_419 = %broadcast_in_dim3A_3, %scan3A_420 = %broadcast_in_dim3A_3, %scan3A_421 = %broadcast_in_dim3A_3, %scan3A_422 = %broadcast_in_dim3A_3, %scan3A_423 = %broadcast_in_dim3A_3, %scan3A_424 = %broadcast_in_dim3A_3, %scan3A_425 = %broadcast_in_dim3A_3, %scan3A_426 = %broadcast_in_dim3A_3, %scan3A_427 = %broadcast_in_dim3A_3, %scan3A_428 = %broadcast_in_dim3A_3, %scan3A_429 = %broadcast_in_dim3A_3, %scan3A_430 = %broadcast_in_dim3A_3, %scan3A_431 = %broadcast_in_dim3A_3) -> (vector<16xf32>, vector<16xf32>, vector<16xf32>, vector<16xf32>, vector<16xf32>, vector<16xf32>, vector<16xf32>, vector<16xf32>, vector<16xf32>, vector<16xf32>, vector<16xf32>, vector<16xf32>, vector<16xf32>, vector<16xf32>, vector<16xf32>, vector<16xf32>, vector<16xf32>, vector<16xf32>, vector<16xf32>, vector<16xf32>)  : i32 {
        %get3A = arith.index_cast %scan3A_411 : i32 to index
        %get3A_432 = arith.constant 0 : index
        %get3A_433 = tpu.vector_load %arg5[%get3A, %get3A_432] {strides = array<i32>} : memref<32x1280xf32, #tpu.memory_space<vmem>>, vector<16xf32>,
        %add3A_434 = arith.addf %scan3A_412, %get3A_433 : vector<16xf32>
        %get3A_435 = arith.index_cast %scan3A_411 : i32 to index
        %get3A_436 = arith.constant 16 : index
        %get3A_437 = tpu.vector_load %arg5[%get3A_435, %get3A_436] {strides = array<i32>} : memref<32x1280xf32, #tpu.memory_space<vmem>>, vector<16xf32>,
        %add3A_438 = arith.addf %scan3A_413, %get3A_437 : vector<16xf32>
        %get3A_439 = arith.index_cast %scan3A_411 : i32 to index
        %get3A_440 = arith.constant 32 : index
        %get3A_441 = tpu.vector_load %arg5[%get3A_439, %get3A_440] {strides = array<i32>} : memref<32x1280xf32, #tpu.memory_space<vmem>>, vector<16xf32>,
        %add3A_442 = arith.addf %scan3A_414, %get3A_441 : vector<16xf32>
        %get3A_443 = arith.index_cast %scan3A_411 : i32 to index
        %get3A_444 = arith.constant 48 : index
        %get3A_445 = tpu.vector_load %arg5[%get3A_443, %get3A_444] {strides = array<i32>} : memref<32x1280xf32, #tpu.memory_space<vmem>>, vector<16xf32>,
        %add3A_446 = arith.addf %scan3A_415, %get3A_445 : vector<16xf32>
        %get3A_447 = arith.index_cast %scan3A_411 : i32 to index
        %get3A_448 = arith.constant 64 : index
        %get3A_449 = tpu.vector_load %arg5[%get3A_447, %get3A_448] {strides = array<i32>} : memref<32x1280xf32, #tpu.memory_space<vmem>>, vector<16xf32>,
        %add3A_450 = arith.addf %scan3A_416, %get3A_449 : vector<16xf32>
        %get3A_451 = arith.index_cast %scan3A_411 : i32 to index
        %get3A_452 = arith.constant 80 : index
        %get3A_453 = tpu.vector_load %arg5[%get3A_451, %get3A_452] {strides = array<i32>} : memref<32x1280xf32, #tpu.memory_space<vmem>>, vector<16xf32>,
        %add3A_454 = arith.addf %scan3A_417, %get3A_453 : vector<16xf32>
        %get3A_455 = arith.index_cast %scan3A_411 : i32 to index
        %get3A_456 = arith.constant 96 : index
        %get3A_457 = tpu.vector_load %arg5[%get3A_455, %get3A_456] {strides = array<i32>} : memref<32x1280xf32, #tpu.memory_space<vmem>>, vector<16xf32>,
        %add3A_458 = arith.addf %scan3A_418, %get3A_457 : vector<16xf32>
        %get3A_459 = arith.index_cast %scan3A_411 : i32 to index
        %get3A_460 = arith.constant 112 : index
        %get3A_461 = tpu.vector_load %arg5[%get3A_459, %get3A_460] {strides = array<i32>} : memref<32x1280xf32, #tpu.memory_space<vmem>>, vector<16xf32>,
        %add3A_462 = arith.addf %scan3A_419, %get3A_461 : vector<16xf32>
        %get3A_463 = arith.index_cast %scan3A_411 : i32 to index
        %get3A_464 = arith.constant 128 : index
        %get3A_465 = tpu.vector_load %arg5[%get3A_463, %get3A_464] {strides = array<i32>} : memref<32x1280xf32, #tpu.memory_space<vmem>>, vector<16xf32>,
        %add3A_466 = arith.addf %scan3A_420, %get3A_465 : vector<16xf32>
        %get3A_467 = arith.index_cast %scan3A_411 : i32 to index
        %get3A_468 = arith.constant 144 : index
        %get3A_469 = tpu.vector_load %arg5[%get3A_467, %get3A_468] {strides = array<i32>} : memref<32x1280xf32, #tpu.memory_space<vmem>>, vector<16xf32>,
        %add3A_470 = arith.addf %scan3A_421, %get3A_469 : vector<16xf32>
        %get3A_471 = arith.index_cast %scan3A_411 : i32 to index
        %get3A_472 = arith.constant 160 : index
        %get3A_473 = tpu.vector_load %arg5[%get3A_471, %get3A_472] {strides = array<i32>} : memref<32x1280xf32, #tpu.memory_space<vmem>>, vector<16xf32>,
        %add3A_474 = arith.addf %scan3A_422, %get3A_473 : vector<16xf32>
        %get3A_475 = arith.index_cast %scan3A_411 : i32 to index
        %get3A_476 = arith.constant 176 : index
        %get3A_477 = tpu.vector_load %arg5[%get3A_475, %get3A_476] {strides = array<i32>} : memref<32x1280xf32, #tpu.memory_space<vmem>>, vector<16xf32>,
        %add3A_478 = arith.addf %scan3A_423, %get3A_477 : vector<16xf32>
        %get3A_479 = arith.index_cast %scan3A_411 : i32 to index
        %get3A_480 = arith.constant 192 : index
        %get3A_481 = tpu.vector_load %arg5[%get3A_479, %get3A_480] {strides = array<i32>} : memref<32x1280xf32, #tpu.memory_space<vmem>>, vector<16xf32>,
        %add3A_482 = arith.addf %scan3A_424, %get3A_481 : vector<16xf32>
        %get3A_483 = arith.index_cast %scan3A_411 : i32 to index
        %get3A_484 = arith.constant 208 : index
        %get3A_485 = tpu.vector_load %arg5[%get3A_483, %get3A_484] {strides = array<i32>} : memref<32x1280xf32, #tpu.memory_space<vmem>>, vector<16xf32>,
        %add3A_486 = arith.addf %scan3A_425, %get3A_485 : vector<16xf32>
        %get3A_487 = arith.index_cast %scan3A_411 : i32 to index
        %get3A_488 = arith.constant 224 : index
        %get3A_489 = tpu.vector_load %arg5[%get3A_487, %get3A_488] {strides = array<i32>} : memref<32x1280xf32, #tpu.memory_space<vmem>>, vector<16xf32>,
        %add3A_490 = arith.addf %scan3A_426, %get3A_489 : vector<16xf32>
        %get3A_491 = arith.index_cast %scan3A_411 : i32 to index
        %get3A_492 = arith.constant 240 : index
        %get3A_493 = tpu.vector_load %arg5[%get3A_491, %get3A_492] {strides = array<i32>} : memref<32x1280xf32, #tpu.memory_space<vmem>>, vector<16xf32>,
        %add3A_494 = arith.addf %scan3A_427, %get3A_493 : vector<16xf32>
        %get3A_495 = arith.index_cast %scan3A_411 : i32 to index
        %get3A_496 = arith.constant 256 : index
        %get3A_497 = tpu.vector_load %arg5[%get3A_495, %get3A_496] {strides = array<i32>} : memref<32x1280xf32, #tpu.memory_space<vmem>>, vector<16xf32>,
        %add3A_498 = arith.addf %scan3A_428, %get3A_497 : vector<16xf32>
        %get3A_499 = arith.index_cast %scan3A_411 : i32 to index
        %get3A_500 = arith.constant 272 : index
        %get3A_501 = tpu.vector_load %arg5[%get3A_499, %get3A_500] {strides = array<i32>} : memref<32x1280xf32, #tpu.memory_space<vmem>>, vector<16xf32>,
        %add3A_502 = arith.addf %scan3A_429, %get3A_501 : vector<16xf32>
        %get3A_503 = arith.index_cast %scan3A_411 : i32 to index
        %get3A_504 = arith.constant 288 : index
        %get3A_505 = tpu.vector_load %arg5[%get3A_503, %get3A_504] {strides = array<i32>} : memref<32x1280xf32, #tpu.memory_space<vmem>>, vector<16xf32>,
        %add3A_506 = arith.addf %scan3A_430, %get3A_505 : vector<16xf32>
        %get3A_507 = arith.index_cast %scan3A_411 : i32 to index
        %get3A_508 = arith.constant 304 : index
        %get3A_509 = tpu.vector_load %arg5[%get3A_507, %get3A_508] {strides = array<i32>} : memref<32x1280xf32, #tpu.memory_space<vmem>>, vector<16xf32>,
        %add3A_510 = arith.addf %scan3A_431, %get3A_509 : vector<16xf32>
        %get3A_511 = arith.index_cast %scan3A_411 : i32 to index
        %get3A_512 = arith.constant 320 : index
        %get3A_513 = tpu.vector_load %arg5[%get3A_511, %get3A_512] {strides = array<i32>} : memref<32x1280xf32, #tpu.memory_space<vmem>>, vector<16xf32>,
        %add3A_514 = arith.addf %add3A_434, %get3A_513 : vector<16xf32>
        %get3A_515 = arith.index_cast %scan3A_411 : i32 to index
        %get3A_516 = arith.constant 336 : index
        %get3A_517 = tpu.vector_load %arg5[%get3A_515, %get3A_516] {strides = array<i32>} : memref<32x1280xf32, #tpu.memory_space<vmem>>, vector<16xf32>,
        %add3A_518 = arith.addf %add3A_438, %get3A_517 : vector<16xf32>
        %get3A_519 = arith.index_cast %scan3A_411 : i32 to index
        %get3A_520 = arith.constant 352 : index
        %get3A_521 = tpu.vector_load %arg5[%get3A_519, %get3A_520] {strides = array<i32>} : memref<32x1280xf32, #tpu.memory_space<vmem>>, vector<16xf32>,
        %add3A_522 = arith.addf %add3A_442, %get3A_521 : vector<16xf32>
        %get3A_523 = arith.index_cast %scan3A_411 : i32 to index
        %get3A_524 = arith.constant 368 : index
        %get3A_525 = tpu.vector_load %arg5[%get3A_523, %get3A_524] {strides = array<i32>} : memref<32x1280xf32, #tpu.memory_space<vmem>>, vector<16xf32>,
        %add3A_526 = arith.addf %add3A_446, %get3A_525 : vector<16xf32>
        %get3A_527 = arith.index_cast %scan3A_411 : i32 to index
        %get3A_528 = arith.constant 384 : index
        %get3A_529 = tpu.vector_load %arg5[%get3A_527, %get3A_528] {strides = array<i32>} : memref<32x1280xf32, #tpu.memory_space<vmem>>, vector<16xf32>,
        %add3A_530 = arith.addf %add3A_450, %get3A_529 : vector<16xf32>
        %get3A_531 = arith.index_cast %scan3A_411 : i32 to index
        %get3A_532 = arith.constant 400 : index
        %get3A_533 = tpu.vector_load %arg5[%get3A_531, %get3A_532] {strides = array<i32>} : memref<32x1280xf32, #tpu.memory_space<vmem>>, vector<16xf32>,
        %add3A_534 = arith.addf %add3A_454, %get3A_533 : vector<16xf32>
        %get3A_535 = arith.index_cast %scan3A_411 : i32 to index
        %get3A_536 = arith.constant 416 : index
        %get3A_537 = tpu.vector_load %arg5[%get3A_535, %get3A_536] {strides = array<i32>} : memref<32x1280xf32, #tpu.memory_space<vmem>>, vector<16xf32>,
        %add3A_538 = arith.addf %add3A_458, %get3A_537 : vector<16xf32>
        %get3A_539 = arith.index_cast %scan3A_411 : i32 to index
        %get3A_540 = arith.constant 432 : index
        %get3A_541 = tpu.vector_load %arg5[%get3A_539, %get3A_540] {strides = array<i32>} : memref<32x1280xf32, #tpu.memory_space<vmem>>, vector<16xf32>,
        %add3A_542 = arith.addf %add3A_462, %get3A_541 : vector<16xf32>
        %get3A_543 = arith.index_cast %scan3A_411 : i32 to index
        %get3A_544 = arith.constant 448 : index
        %get3A_545 = tpu.vector_load %arg5[%get3A_543, %get3A_544] {strides = array<i32>} : memref<32x1280xf32, #tpu.memory_space<vmem>>, vector<16xf32>,
        %add3A_546 = arith.addf %add3A_466, %get3A_545 : vector<16xf32>
        %get3A_547 = arith.index_cast %scan3A_411 : i32 to index
        %get3A_548 = arith.constant 464 : index
        %get3A_549 = tpu.vector_load %arg5[%get3A_547, %get3A_548] {strides = array<i32>} : memref<32x1280xf32, #tpu.memory_space<vmem>>, vector<16xf32>,
        %add3A_550 = arith.addf %add3A_470, %get3A_549 : vector<16xf32>
        %get3A_551 = arith.index_cast %scan3A_411 : i32 to index
        %get3A_552 = arith.constant 480 : index
        %get3A_553 = tpu.vector_load %arg5[%get3A_551, %get3A_552] {strides = array<i32>} : memref<32x1280xf32, #tpu.memory_space<vmem>>, vector<16xf32>,
        %add3A_554 = arith.addf %add3A_474, %get3A_553 : vector<16xf32>
        %get3A_555 = arith.index_cast %scan3A_411 : i32 to index
        %get3A_556 = arith.constant 496 : index
        %get3A_557 = tpu.vector_load %arg5[%get3A_555, %get3A_556] {strides = array<i32>} : memref<32x1280xf32, #tpu.memory_space<vmem>>, vector<16xf32>,
        %add3A_558 = arith.addf %add3A_478, %get3A_557 : vector<16xf32>
        %get3A_559 = arith.index_cast %scan3A_411 : i32 to index
        %get3A_560 = arith.constant 512 : index
        %get3A_561 = tpu.vector_load %arg5[%get3A_559, %get3A_560] {strides = array<i32>} : memref<32x1280xf32, #tpu.memory_space<vmem>>, vector<16xf32>,
        %add3A_562 = arith.addf %add3A_482, %get3A_561 : vector<16xf32>
        %get3A_563 = arith.index_cast %scan3A_411 : i32 to index
        %get3A_564 = arith.constant 528 : index
        %get3A_565 = tpu.vector_load %arg5[%get3A_563, %get3A_564] {strides = array<i32>} : memref<32x1280xf32, #tpu.memory_space<vmem>>, vector<16xf32>,
        %add3A_566 = arith.addf %add3A_486, %get3A_565 : vector<16xf32>
        %get3A_567 = arith.index_cast %scan3A_411 : i32 to index
        %get3A_568 = arith.constant 544 : index
        %get3A_569 = tpu.vector_load %arg5[%get3A_567, %get3A_568] {strides = array<i32>} : memref<32x1280xf32, #tpu.memory_space<vmem>>, vector<16xf32>,
        %add3A_570 = arith.addf %add3A_490, %get3A_569 : vector<16xf32>
        %get3A_571 = arith.index_cast %scan3A_411 : i32 to index
        %get3A_572 = arith.constant 560 : index
        %get3A_573 = tpu.vector_load %arg5[%get3A_571, %get3A_572] {strides = array<i32>} : memref<32x1280xf32, #tpu.memory_space<vmem>>, vector<16xf32>,
        %add3A_574 = arith.addf %add3A_494, %get3A_573 : vector<16xf32>
        %get3A_575 = arith.index_cast %scan3A_411 : i32 to index
        %get3A_576 = arith.constant 576 : index
        %get3A_577 = tpu.vector_load %arg5[%get3A_575, %get3A_576] {strides = array<i32>} : memref<32x1280xf32, #tpu.memory_space<vmem>>, vector<16xf32>,
        %add3A_578 = arith.addf %add3A_498, %get3A_577 : vector<16xf32>
        %get3A_579 = arith.index_cast %scan3A_411 : i32 to index
        %get3A_580 = arith.constant 592 : index
        %get3A_581 = tpu.vector_load %arg5[%get3A_579, %get3A_580] {strides = array<i32>} : memref<32x1280xf32, #tpu.memory_space<vmem>>, vector<16xf32>,
        %add3A_582 = arith.addf %add3A_502, %get3A_581 : vector<16xf32>
        %get3A_583 = arith.index_cast %scan3A_411 : i32 to index
        %get3A_584 = arith.constant 608 : index
        %get3A_585 = tpu.vector_load %arg5[%get3A_583, %get3A_584] {strides = array<i32>} : memref<32x1280xf32, #tpu.memory_space<vmem>>, vector<16xf32>,
        %add3A_586 = arith.addf %add3A_506, %get3A_585 : vector<16xf32>
        %get3A_587 = arith.index_cast %scan3A_411 : i32 to index
        %get3A_588 = arith.constant 624 : index
        %get3A_589 = tpu.vector_load %arg5[%get3A_587, %get3A_588] {strides = array<i32>} : memref<32x1280xf32, #tpu.memory_space<vmem>>, vector<16xf32>,
        %add3A_590 = arith.addf %add3A_510, %get3A_589 : vector<16xf32>
        %get3A_591 = arith.index_cast %scan3A_411 : i32 to index
        %get3A_592 = arith.constant 640 : index
        %get3A_593 = tpu.vector_load %arg5[%get3A_591, %get3A_592] {strides = array<i32>} : memref<32x1280xf32, #tpu.memory_space<vmem>>, vector<16xf32>,
        %add3A_594 = arith.addf %add3A_514, %get3A_593 : vector<16xf32>
        %get3A_595 = arith.index_cast %scan3A_411 : i32 to index
        %get3A_596 = arith.constant 656 : index
        %get3A_597 = tpu.vector_load %arg5[%get3A_595, %get3A_596] {strides = array<i32>} : memref<32x1280xf32, #tpu.memory_space<vmem>>, vector<16xf32>,
        %add3A_598 = arith.addf %add3A_518, %get3A_597 : vector<16xf32>
        %get3A_599 = arith.index_cast %scan3A_411 : i32 to index
        %get3A_600 = arith.constant 672 : index
        %get3A_601 = tpu.vector_load %arg5[%get3A_599, %get3A_600] {strides = array<i32>} : memref<32x1280xf32, #tpu.memory_space<vmem>>, vector<16xf32>,
        %add3A_602 = arith.addf %add3A_522, %get3A_601 : vector<16xf32>
        %get3A_603 = arith.index_cast %scan3A_411 : i32 to index
        %get3A_604 = arith.constant 688 : index
        %get3A_605 = tpu.vector_load %arg5[%get3A_603, %get3A_604] {strides = array<i32>} : memref<32x1280xf32, #tpu.memory_space<vmem>>, vector<16xf32>,
        %add3A_606 = arith.addf %add3A_526, %get3A_605 : vector<16xf32>
        %get3A_607 = arith.index_cast %scan3A_411 : i32 to index
        %get3A_608 = arith.constant 704 : index
        %get3A_609 = tpu.vector_load %arg5[%get3A_607, %get3A_608] {strides = array<i32>} : memref<32x1280xf32, #tpu.memory_space<vmem>>, vector<16xf32>,
        %add3A_610 = arith.addf %add3A_530, %get3A_609 : vector<16xf32>
        %get3A_611 = arith.index_cast %scan3A_411 : i32 to index
        %get3A_612 = arith.constant 720 : index
        %get3A_613 = tpu.vector_load %arg5[%get3A_611, %get3A_612] {strides = array<i32>} : memref<32x1280xf32, #tpu.memory_space<vmem>>, vector<16xf32>,
        %add3A_614 = arith.addf %add3A_534, %get3A_613 : vector<16xf32>
        %get3A_615 = arith.index_cast %scan3A_411 : i32 to index
        %get3A_616 = arith.constant 736 : index
        %get3A_617 = tpu.vector_load %arg5[%get3A_615, %get3A_616] {strides = array<i32>} : memref<32x1280xf32, #tpu.memory_space<vmem>>, vector<16xf32>,
        %add3A_618 = arith.addf %add3A_538, %get3A_617 : vector<16xf32>
        %get3A_619 = arith.index_cast %scan3A_411 : i32 to index
        %get3A_620 = arith.constant 752 : index
        %get3A_621 = tpu.vector_load %arg5[%get3A_619, %get3A_620] {strides = array<i32>} : memref<32x1280xf32, #tpu.memory_space<vmem>>, vector<16xf32>,
        %add3A_622 = arith.addf %add3A_542, %get3A_621 : vector<16xf32>
        %get3A_623 = arith.index_cast %scan3A_411 : i32 to index
        %get3A_624 = arith.constant 768 : index
        %get3A_625 = tpu.vector_load %arg5[%get3A_623, %get3A_624] {strides = array<i32>} : memref<32x1280xf32, #tpu.memory_space<vmem>>, vector<16xf32>,
        %add3A_626 = arith.addf %add3A_546, %get3A_625 : vector<16xf32>
        %get3A_627 = arith.index_cast %scan3A_411 : i32 to index
        %get3A_628 = arith.constant 784 : index
        %get3A_629 = tpu.vector_load %arg5[%get3A_627, %get3A_628] {strides = array<i32>} : memref<32x1280xf32, #tpu.memory_space<vmem>>, vector<16xf32>,
        %add3A_630 = arith.addf %add3A_550, %get3A_629 : vector<16xf32>
        %get3A_631 = arith.index_cast %scan3A_411 : i32 to index
        %get3A_632 = arith.constant 800 : index
        %get3A_633 = tpu.vector_load %arg5[%get3A_631, %get3A_632] {strides = array<i32>} : memref<32x1280xf32, #tpu.memory_space<vmem>>, vector<16xf32>,
        %add3A_634 = arith.addf %add3A_554, %get3A_633 : vector<16xf32>
        %get3A_635 = arith.index_cast %scan3A_411 : i32 to index
        %get3A_636 = arith.constant 816 : index
        %get3A_637 = tpu.vector_load %arg5[%get3A_635, %get3A_636] {strides = array<i32>} : memref<32x1280xf32, #tpu.memory_space<vmem>>, vector<16xf32>,
        %add3A_638 = arith.addf %add3A_558, %get3A_637 : vector<16xf32>
        %get3A_639 = arith.index_cast %scan3A_411 : i32 to index
        %get3A_640 = arith.constant 832 : index
        %get3A_641 = tpu.vector_load %arg5[%get3A_639, %get3A_640] {strides = array<i32>} : memref<32x1280xf32, #tpu.memory_space<vmem>>, vector<16xf32>,
        %add3A_642 = arith.addf %add3A_562, %get3A_641 : vector<16xf32>
        %get3A_643 = arith.index_cast %scan3A_411 : i32 to index
        %get3A_644 = arith.constant 848 : index
        %get3A_645 = tpu.vector_load %arg5[%get3A_643, %get3A_644] {strides = array<i32>} : memref<32x1280xf32, #tpu.memory_space<vmem>>, vector<16xf32>,
        %add3A_646 = arith.addf %add3A_566, %get3A_645 : vector<16xf32>
        %get3A_647 = arith.index_cast %scan3A_411 : i32 to index
        %get3A_648 = arith.constant 864 : index
        %get3A_649 = tpu.vector_load %arg5[%get3A_647, %get3A_648] {strides = array<i32>} : memref<32x1280xf32, #tpu.memory_space<vmem>>, vector<16xf32>,
        %add3A_650 = arith.addf %add3A_570, %get3A_649 : vector<16xf32>
        %get3A_651 = arith.index_cast %scan3A_411 : i32 to index
        %get3A_652 = arith.constant 880 : index
        %get3A_653 = tpu.vector_load %arg5[%get3A_651, %get3A_652] {strides = array<i32>} : memref<32x1280xf32, #tpu.memory_space<vmem>>, vector<16xf32>,
        %add3A_654 = arith.addf %add3A_574, %get3A_653 : vector<16xf32>
        %get3A_655 = arith.index_cast %scan3A_411 : i32 to index
        %get3A_656 = arith.constant 896 : index
        %get3A_657 = tpu.vector_load %arg5[%get3A_655, %get3A_656] {strides = array<i32>} : memref<32x1280xf32, #tpu.memory_space<vmem>>, vector<16xf32>,
        %add3A_658 = arith.addf %add3A_578, %get3A_657 : vector<16xf32>
        %get3A_659 = arith.index_cast %scan3A_411 : i32 to index
        %get3A_660 = arith.constant 912 : index
        %get3A_661 = tpu.vector_load %arg5[%get3A_659, %get3A_660] {strides = array<i32>} : memref<32x1280xf32, #tpu.memory_space<vmem>>, vector<16xf32>,
        %add3A_662 = arith.addf %add3A_582, %get3A_661 : vector<16xf32>
        %get3A_663 = arith.index_cast %scan3A_411 : i32 to index
        %get3A_664 = arith.constant 928 : index
        %get3A_665 = tpu.vector_load %arg5[%get3A_663, %get3A_664] {strides = array<i32>} : memref<32x1280xf32, #tpu.memory_space<vmem>>, vector<16xf32>,
        %add3A_666 = arith.addf %add3A_586, %get3A_665 : vector<16xf32>
        %get3A_667 = arith.index_cast %scan3A_411 : i32 to index
        %get3A_668 = arith.constant 944 : index
        %get3A_669 = tpu.vector_load %arg5[%get3A_667, %get3A_668] {strides = array<i32>} : memref<32x1280xf32, #tpu.memory_space<vmem>>, vector<16xf32>,
        %add3A_670 = arith.addf %add3A_590, %get3A_669 : vector<16xf32>
        %get3A_671 = arith.index_cast %scan3A_411 : i32 to index
        %get3A_672 = arith.constant 960 : index
        %get3A_673 = tpu.vector_load %arg5[%get3A_671, %get3A_672] {strides = array<i32>} : memref<32x1280xf32, #tpu.memory_space<vmem>>, vector<16xf32>,
        %add3A_674 = arith.addf %add3A_594, %get3A_673 : vector<16xf32>
        %get3A_675 = arith.index_cast %scan3A_411 : i32 to index
        %get3A_676 = arith.constant 976 : index
        %get3A_677 = tpu.vector_load %arg5[%get3A_675, %get3A_676] {strides = array<i32>} : memref<32x1280xf32, #tpu.memory_space<vmem>>, vector<16xf32>,
        %add3A_678 = arith.addf %add3A_598, %get3A_677 : vector<16xf32>
        %get3A_679 = arith.index_cast %scan3A_411 : i32 to index
        %get3A_680 = arith.constant 992 : index
        %get3A_681 = tpu.vector_load %arg5[%get3A_679, %get3A_680] {strides = array<i32>} : memref<32x1280xf32, #tpu.memory_space<vmem>>, vector<16xf32>,
        %add3A_682 = arith.addf %add3A_602, %get3A_681 : vector<16xf32>
        %get3A_683 = arith.index_cast %scan3A_411 : i32 to index
        %get3A_684 = arith.constant 1008 : index
        %get3A_685 = tpu.vector_load %arg5[%get3A_683, %get3A_684] {strides = array<i32>} : memref<32x1280xf32, #tpu.memory_space<vmem>>, vector<16xf32>,
        %add3A_686 = arith.addf %add3A_606, %get3A_685 : vector<16xf32>
        %get3A_687 = arith.index_cast %scan3A_411 : i32 to index
        %get3A_688 = arith.constant 1024 : index
        %get3A_689 = tpu.vector_load %arg5[%get3A_687, %get3A_688] {strides = array<i32>} : memref<32x1280xf32, #tpu.memory_space<vmem>>, vector<16xf32>,
        %add3A_690 = arith.addf %add3A_610, %get3A_689 : vector<16xf32>
        %get3A_691 = arith.index_cast %scan3A_411 : i32 to index
        %get3A_692 = arith.constant 1040 : index
        %get3A_693 = tpu.vector_load %arg5[%get3A_691, %get3A_692] {strides = array<i32>} : memref<32x1280xf32, #tpu.memory_space<vmem>>, vector<16xf32>,
        %add3A_694 = arith.addf %add3A_614, %get3A_693 : vector<16xf32>
        %get3A_695 = arith.index_cast %scan3A_411 : i32 to index
        %get3A_696 = arith.constant 1056 : index
        %get3A_697 = tpu.vector_load %arg5[%get3A_695, %get3A_696] {strides = array<i32>} : memref<32x1280xf32, #tpu.memory_space<vmem>>, vector<16xf32>,
        %add3A_698 = arith.addf %add3A_618, %get3A_697 : vector<16xf32>
        %get3A_699 = arith.index_cast %scan3A_411 : i32 to index
        %get3A_700 = arith.constant 1072 : index
        %get3A_701 = tpu.vector_load %arg5[%get3A_699, %get3A_700] {strides = array<i32>} : memref<32x1280xf32, #tpu.memory_space<vmem>>, vector<16xf32>,
        %add3A_702 = arith.addf %add3A_622, %get3A_701 : vector<16xf32>
        %get3A_703 = arith.index_cast %scan3A_411 : i32 to index
        %get3A_704 = arith.constant 1088 : index
        %get3A_705 = tpu.vector_load %arg5[%get3A_703, %get3A_704] {strides = array<i32>} : memref<32x1280xf32, #tpu.memory_space<vmem>>, vector<16xf32>,
        %add3A_706 = arith.addf %add3A_626, %get3A_705 : vector<16xf32>
        %get3A_707 = arith.index_cast %scan3A_411 : i32 to index
        %get3A_708 = arith.constant 1104 : index
        %get3A_709 = tpu.vector_load %arg5[%get3A_707, %get3A_708] {strides = array<i32>} : memref<32x1280xf32, #tpu.memory_space<vmem>>, vector<16xf32>,
        %add3A_710 = arith.addf %add3A_630, %get3A_709 : vector<16xf32>
        %get3A_711 = arith.index_cast %scan3A_411 : i32 to index
        %get3A_712 = arith.constant 1120 : index
        %get3A_713 = tpu.vector_load %arg5[%get3A_711, %get3A_712] {strides = array<i32>} : memref<32x1280xf32, #tpu.memory_space<vmem>>, vector<16xf32>,
        %add3A_714 = arith.addf %add3A_634, %get3A_713 : vector<16xf32>
        %get3A_715 = arith.index_cast %scan3A_411 : i32 to index
        %get3A_716 = arith.constant 1136 : index
        %get3A_717 = tpu.vector_load %arg5[%get3A_715, %get3A_716] {strides = array<i32>} : memref<32x1280xf32, #tpu.memory_space<vmem>>, vector<16xf32>,
        %add3A_718 = arith.addf %add3A_638, %get3A_717 : vector<16xf32>
        %get3A_719 = arith.index_cast %scan3A_411 : i32 to index
        %get3A_720 = arith.constant 1152 : index
        %get3A_721 = tpu.vector_load %arg5[%get3A_719, %get3A_720] {strides = array<i32>} : memref<32x1280xf32, #tpu.memory_space<vmem>>, vector<16xf32>,
        %add3A_722 = arith.addf %add3A_642, %get3A_721 : vector<16xf32>
        %get3A_723 = arith.index_cast %scan3A_411 : i32 to index
        %get3A_724 = arith.constant 1168 : index
        %get3A_725 = tpu.vector_load %arg5[%get3A_723, %get3A_724] {strides = array<i32>} : memref<32x1280xf32, #tpu.memory_space<vmem>>, vector<16xf32>,
        %add3A_726 = arith.addf %add3A_646, %get3A_725 : vector<16xf32>
        %get3A_727 = arith.index_cast %scan3A_411 : i32 to index
        %get3A_728 = arith.constant 1184 : index
        %get3A_729 = tpu.vector_load %arg5[%get3A_727, %get3A_728] {strides = array<i32>} : memref<32x1280xf32, #tpu.memory_space<vmem>>, vector<16xf32>,
        %add3A_730 = arith.addf %add3A_650, %get3A_729 : vector<16xf32>
        %get3A_731 = arith.index_cast %scan3A_411 : i32 to index
        %get3A_732 = arith.constant 1200 : index
        %get3A_733 = tpu.vector_load %arg5[%get3A_731, %get3A_732] {strides = array<i32>} : memref<32x1280xf32, #tpu.memory_space<vmem>>, vector<16xf32>,
        %add3A_734 = arith.addf %add3A_654, %get3A_733 : vector<16xf32>
        %get3A_735 = arith.index_cast %scan3A_411 : i32 to index
        %get3A_736 = arith.constant 1216 : index
        %get3A_737 = tpu.vector_load %arg5[%get3A_735, %get3A_736] {strides = array<i32>} : memref<32x1280xf32, #tpu.memory_space<vmem>>, vector<16xf32>,
        %add3A_738 = arith.addf %add3A_658, %get3A_737 : vector<16xf32>
        %get3A_739 = arith.index_cast %scan3A_411 : i32 to index
        %get3A_740 = arith.constant 1232 : index
        %get3A_741 = tpu.vector_load %arg5[%get3A_739, %get3A_740] {strides = array<i32>} : memref<32x1280xf32, #tpu.memory_space<vmem>>, vector<16xf32>,
        %add3A_742 = arith.addf %add3A_662, %get3A_741 : vector<16xf32>
        %get3A_743 = arith.index_cast %scan3A_411 : i32 to index
        %get3A_744 = arith.constant 1248 : index
        %get3A_745 = tpu.vector_load %arg5[%get3A_743, %get3A_744] {strides = array<i32>} : memref<32x1280xf32, #tpu.memory_space<vmem>>, vector<16xf32>,
        %add3A_746 = arith.addf %add3A_666, %get3A_745 : vector<16xf32>
        %get3A_747 = arith.index_cast %scan3A_411 : i32 to index
        %get3A_748 = arith.constant 1264 : index
        %get3A_749 = tpu.vector_load %arg5[%get3A_747, %get3A_748] {strides = array<i32>} : memref<32x1280xf32, #tpu.memory_space<vmem>>, vector<16xf32>,
        %add3A_750 = arith.addf %add3A_670, %get3A_749 : vector<16xf32>
        scf.yield %add3A_674, %add3A_678, %add3A_682, %add3A_686, %add3A_690, %add3A_694, %add3A_698, %add3A_702, %add3A_706, %add3A_710, %add3A_714, %add3A_718, %add3A_722, %add3A_726, %add3A_730, %add3A_734, %add3A_738, %add3A_742, %add3A_746, %add3A_750 : vector<16xf32>, vector<16xf32>, vector<16xf32>, vector<16xf32>, vector<16xf32>, vector<16xf32>, vector<16xf32>, vector<16xf32>, vector<16xf32>, vector<16xf32>, vector<16xf32>, vector<16xf32>, vector<16xf32>, vector<16xf32>, vector<16xf32>, vector<16xf32>, vector<16xf32>, vector<16xf32>, vector<16xf32>, vector<16xf32>
      }
      %scan3A_8 = arith.constant 32 : i32
      %scan3A_9 = arith.constant 0 : i32
      %scan3A_10 = arith.constant 32 : i32
      %scan3A_11 = arith.addi %scan3A_9, %scan3A_10 : i32
      %scan3A_12 = arith.constant 1 : i32
      %scan3A_13:20 = scf.for %scan3A_411 = %scan3A_9 to %scan3A_11 step %scan3A_12 iter_args(%scan3A_412 = %broadcast_in_dim3A_3, %scan3A_413 = %broadcast_in_dim3A_3, %scan3A_414 = %broadcast_in_dim3A_3, %scan3A_415 = %broadcast_in_dim3A_3, %scan3A_416 = %broadcast_in_dim3A_3, %scan3A_417 = %broadcast_in_dim3A_3, %scan3A_418 = %broadcast_in_dim3A_3, %scan3A_419 = %broadcast_in_dim3A_3, %scan3A_420 = %broadcast_in_dim3A_3, %scan3A_421 = %broadcast_in_dim3A_3, %scan3A_422 = %broadcast_in_dim3A_3, %scan3A_423 = %broadcast_in_dim3A_3, %scan3A_424 = %broadcast_in_dim3A_3, %scan3A_425 = %broadcast_in_dim3A_3, %scan3A_426 = %broadcast_in_dim3A_3, %scan3A_427 = %broadcast_in_dim3A_3, %scan3A_428 = %broadcast_in_dim3A_3, %scan3A_429 = %broadcast_in_dim3A_3, %scan3A_430 = %broadcast_in_dim3A_3, %scan3A_431 = %broadcast_in_dim3A_3) -> (vector<16xf32>, vector<16xf32>, vector<16xf32>, vector<16xf32>, vector<16xf32>, vector<16xf32>, vector<16xf32>, vector<16xf32>, vector<16xf32>, vector<16xf32>, vector<16xf32>, vector<16xf32>, vector<16xf32>, vector<16xf32>, vector<16xf32>, vector<16xf32>, vector<16xf32>, vector<16xf32>, vector<16xf32>, vector<16xf32>)  : i32 {
        %mul3A_432 = arith.constant 16 : i32
        %mul3A_433 = arith.muli %scan3A_411, %mul3A_432 : i32
        %get3A = arith.constant 0 : i32
        %get3A_434 = arith.index_cast %get3A : i32 to index
        %get3A_435 = arith.index_cast %mul3A_433 : i32 to index
        %get3A_436 = tpu.vector_load %arg6[%get3A_434, %get3A_435] {strides = array<i32>} : memref<24x512xf32, #tpu.memory_space<vmem>>, vector<16xf32>,
        %add3A_437 = arith.addf %scan3A_412, %get3A_436 : vector<16xf32>
        %mul3A_438 = arith.constant 16 : i32
        %mul3A_439 = arith.muli %scan3A_411, %mul3A_438 : i32
        %get3A_440 = arith.constant 1 : i32
        %get3A_441 = arith.index_cast %get3A_440 : i32 to index
        %get3A_442 = arith.index_cast %mul3A_439 : i32 to index
        %get3A_443 = tpu.vector_load %arg6[%get3A_441, %get3A_442] {strides = array<i32>} : memref<24x512xf32, #tpu.memory_space<vmem>>, vector<16xf32>,
        %add3A_444 = arith.addf %scan3A_413, %get3A_443 : vector<16xf32>
        %mul3A_445 = arith.constant 16 : i32
        %mul3A_446 = arith.muli %scan3A_411, %mul3A_445 : i32
        %get3A_447 = arith.constant 2 : i32
        %get3A_448 = arith.index_cast %get3A_447 : i32 to index
        %get3A_449 = arith.index_cast %mul3A_446 : i32 to index
        %get3A_450 = tpu.vector_load %arg6[%get3A_448, %get3A_449] {strides = array<i32>} : memref<24x512xf32, #tpu.memory_space<vmem>>, vector<16xf32>,
        %add3A_451 = arith.addf %scan3A_414, %get3A_450 : vector<16xf32>
        %mul3A_452 = arith.constant 16 : i32
        %mul3A_453 = arith.muli %scan3A_411, %mul3A_452 : i32
        %get3A_454 = arith.constant 3 : i32
        %get3A_455 = arith.index_cast %get3A_454 : i32 to index
        %get3A_456 = arith.index_cast %mul3A_453 : i32 to index
        %get3A_457 = tpu.vector_load %arg6[%get3A_455, %get3A_456] {strides = array<i32>} : memref<24x512xf32, #tpu.memory_space<vmem>>, vector<16xf32>,
        %add3A_458 = arith.addf %scan3A_415, %get3A_457 : vector<16xf32>
        %mul3A_459 = arith.constant 16 : i32
        %mul3A_460 = arith.muli %scan3A_411, %mul3A_459 : i32
        %get3A_461 = arith.constant 4 : i32
        %get3A_462 = arith.index_cast %get3A_461 : i32 to index
        %get3A_463 = arith.index_cast %mul3A_460 : i32 to index
        %get3A_464 = tpu.vector_load %arg6[%get3A_462, %get3A_463] {strides = array<i32>} : memref<24x512xf32, #tpu.memory_space<vmem>>, vector<16xf32>,
        %add3A_465 = arith.addf %scan3A_416, %get3A_464 : vector<16xf32>
        %mul3A_466 = arith.constant 16 : i32
        %mul3A_467 = arith.muli %scan3A_411, %mul3A_466 : i32
        %get3A_468 = arith.constant 5 : i32
        %get3A_469 = arith.index_cast %get3A_468 : i32 to index
        %get3A_470 = arith.index_cast %mul3A_467 : i32 to index
        %get3A_471 = tpu.vector_load %arg6[%get3A_469, %get3A_470] {strides = array<i32>} : memref<24x512xf32, #tpu.memory_space<vmem>>, vector<16xf32>,
        %add3A_472 = arith.addf %scan3A_417, %get3A_471 : vector<16xf32>
        %mul3A_473 = arith.constant 16 : i32
        %mul3A_474 = arith.muli %scan3A_411, %mul3A_473 : i32
        %get3A_475 = arith.constant 6 : i32
        %get3A_476 = arith.index_cast %get3A_475 : i32 to index
        %get3A_477 = arith.index_cast %mul3A_474 : i32 to index
        %get3A_478 = tpu.vector_load %arg6[%get3A_476, %get3A_477] {strides = array<i32>} : memref<24x512xf32, #tpu.memory_space<vmem>>, vector<16xf32>,
        %add3A_479 = arith.addf %scan3A_418, %get3A_478 : vector<16xf32>
        %mul3A_480 = arith.constant 16 : i32
        %mul3A_481 = arith.muli %scan3A_411, %mul3A_480 : i32
        %get3A_482 = arith.constant 7 : i32
        %get3A_483 = arith.index_cast %get3A_482 : i32 to index
        %get3A_484 = arith.index_cast %mul3A_481 : i32 to index
        %get3A_485 = tpu.vector_load %arg6[%get3A_483, %get3A_484] {strides = array<i32>} : memref<24x512xf32, #tpu.memory_space<vmem>>, vector<16xf32>,
        %add3A_486 = arith.addf %scan3A_419, %get3A_485 : vector<16xf32>
        %mul3A_487 = arith.constant 16 : i32
        %mul3A_488 = arith.muli %scan3A_411, %mul3A_487 : i32
        %get3A_489 = arith.constant 8 : i32
        %get3A_490 = arith.index_cast %get3A_489 : i32 to index
        %get3A_491 = arith.index_cast %mul3A_488 : i32 to index
        %get3A_492 = tpu.vector_load %arg6[%get3A_490, %get3A_491] {strides = array<i32>} : memref<24x512xf32, #tpu.memory_space<vmem>>, vector<16xf32>,
        %add3A_493 = arith.addf %scan3A_420, %get3A_492 : vector<16xf32>
        %mul3A_494 = arith.constant 16 : i32
        %mul3A_495 = arith.muli %scan3A_411, %mul3A_494 : i32
        %get3A_496 = arith.constant 9 : i32
        %get3A_497 = arith.index_cast %get3A_496 : i32 to index
        %get3A_498 = arith.index_cast %mul3A_495 : i32 to index
        %get3A_499 = tpu.vector_load %arg6[%get3A_497, %get3A_498] {strides = array<i32>} : memref<24x512xf32, #tpu.memory_space<vmem>>, vector<16xf32>,
        %add3A_500 = arith.addf %scan3A_421, %get3A_499 : vector<16xf32>
        %mul3A_501 = arith.constant 16 : i32
        %mul3A_502 = arith.muli %scan3A_411, %mul3A_501 : i32
        %get3A_503 = arith.constant 10 : i32
        %get3A_504 = arith.index_cast %get3A_503 : i32 to index
        %get3A_505 = arith.index_cast %mul3A_502 : i32 to index
        %get3A_506 = tpu.vector_load %arg6[%get3A_504, %get3A_505] {strides = array<i32>} : memref<24x512xf32, #tpu.memory_space<vmem>>, vector<16xf32>,
        %add3A_507 = arith.addf %scan3A_422, %get3A_506 : vector<16xf32>
        %mul3A_508 = arith.constant 16 : i32
        %mul3A_509 = arith.muli %scan3A_411, %mul3A_508 : i32
        %get3A_510 = arith.constant 11 : i32
        %get3A_511 = arith.index_cast %get3A_510 : i32 to index
        %get3A_512 = arith.index_cast %mul3A_509 : i32 to index
        %get3A_513 = tpu.vector_load %arg6[%get3A_511, %get3A_512] {strides = array<i32>} : memref<24x512xf32, #tpu.memory_space<vmem>>, vector<16xf32>,
        %add3A_514 = arith.addf %scan3A_423, %get3A_513 : vector<16xf32>
        %mul3A_515 = arith.constant 16 : i32
        %mul3A_516 = arith.muli %scan3A_411, %mul3A_515 : i32
        %get3A_517 = arith.constant 12 : i32
        %get3A_518 = arith.index_cast %get3A_517 : i32 to index
        %get3A_519 = arith.index_cast %mul3A_516 : i32 to index
        %get3A_520 = tpu.vector_load %arg6[%get3A_518, %get3A_519] {strides = array<i32>} : memref<24x512xf32, #tpu.memory_space<vmem>>, vector<16xf32>,
        %add3A_521 = arith.addf %scan3A_424, %get3A_520 : vector<16xf32>
        %mul3A_522 = arith.constant 16 : i32
        %mul3A_523 = arith.muli %scan3A_411, %mul3A_522 : i32
        %get3A_524 = arith.constant 13 : i32
        %get3A_525 = arith.index_cast %get3A_524 : i32 to index
        %get3A_526 = arith.index_cast %mul3A_523 : i32 to index
        %get3A_527 = tpu.vector_load %arg6[%get3A_525, %get3A_526] {strides = array<i32>} : memref<24x512xf32, #tpu.memory_space<vmem>>, vector<16xf32>,
        %add3A_528 = arith.addf %scan3A_425, %get3A_527 : vector<16xf32>
        %mul3A_529 = arith.constant 16 : i32
        %mul3A_530 = arith.muli %scan3A_411, %mul3A_529 : i32
        %get3A_531 = arith.constant 14 : i32
        %get3A_532 = arith.index_cast %get3A_531 : i32 to index
        %get3A_533 = arith.index_cast %mul3A_530 : i32 to index
        %get3A_534 = tpu.vector_load %arg6[%get3A_532, %get3A_533] {strides = array<i32>} : memref<24x512xf32, #tpu.memory_space<vmem>>, vector<16xf32>,
        %add3A_535 = arith.addf %scan3A_426, %get3A_534 : vector<16xf32>
        %mul3A_536 = arith.constant 16 : i32
        %mul3A_537 = arith.muli %scan3A_411, %mul3A_536 : i32
        %get3A_538 = arith.constant 15 : i32
        %get3A_539 = arith.index_cast %get3A_538 : i32 to index
        %get3A_540 = arith.index_cast %mul3A_537 : i32 to index
        %get3A_541 = tpu.vector_load %arg6[%get3A_539, %get3A_540] {strides = array<i32>} : memref<24x512xf32, #tpu.memory_space<vmem>>, vector<16xf32>,
        %add3A_542 = arith.addf %scan3A_427, %get3A_541 : vector<16xf32>
        %mul3A_543 = arith.constant 16 : i32
        %mul3A_544 = arith.muli %scan3A_411, %mul3A_543 : i32
        %get3A_545 = arith.constant 16 : i32
        %get3A_546 = arith.index_cast %get3A_545 : i32 to index
        %get3A_547 = arith.index_cast %mul3A_544 : i32 to index
        %get3A_548 = tpu.vector_load %arg6[%get3A_546, %get3A_547] {strides = array<i32>} : memref<24x512xf32, #tpu.memory_space<vmem>>, vector<16xf32>,
        %add3A_549 = arith.addf %scan3A_428, %get3A_548 : vector<16xf32>
        %mul3A_550 = arith.constant 16 : i32
        %mul3A_551 = arith.muli %scan3A_411, %mul3A_550 : i32
        %get3A_552 = arith.constant 17 : i32
        %get3A_553 = arith.index_cast %get3A_552 : i32 to index
        %get3A_554 = arith.index_cast %mul3A_551 : i32 to index
        %get3A_555 = tpu.vector_load %arg6[%get3A_553, %get3A_554] {strides = array<i32>} : memref<24x512xf32, #tpu.memory_space<vmem>>, vector<16xf32>,
        %add3A_556 = arith.addf %scan3A_429, %get3A_555 : vector<16xf32>
        %mul3A_557 = arith.constant 16 : i32
        %mul3A_558 = arith.muli %scan3A_411, %mul3A_557 : i32
        %get3A_559 = arith.constant 18 : i32
        %get3A_560 = arith.index_cast %get3A_559 : i32 to index
        %get3A_561 = arith.index_cast %mul3A_558 : i32 to index
        %get3A_562 = tpu.vector_load %arg6[%get3A_560, %get3A_561] {strides = array<i32>} : memref<24x512xf32, #tpu.memory_space<vmem>>, vector<16xf32>,
        %add3A_563 = arith.addf %scan3A_430, %get3A_562 : vector<16xf32>
        %mul3A_564 = arith.constant 16 : i32
        %mul3A_565 = arith.muli %scan3A_411, %mul3A_564 : i32
        %get3A_566 = arith.constant 19 : i32
        %get3A_567 = arith.index_cast %get3A_566 : i32 to index
        %get3A_568 = arith.index_cast %mul3A_565 : i32 to index
        %get3A_569 = tpu.vector_load %arg6[%get3A_567, %get3A_568] {strides = array<i32>} : memref<24x512xf32, #tpu.memory_space<vmem>>, vector<16xf32>,
        %add3A_570 = arith.addf %scan3A_431, %get3A_569 : vector<16xf32>
        scf.yield %add3A_437, %add3A_444, %add3A_451, %add3A_458, %add3A_465, %add3A_472, %add3A_479, %add3A_486, %add3A_493, %add3A_500, %add3A_507, %add3A_514, %add3A_521, %add3A_528, %add3A_535, %add3A_542, %add3A_549, %add3A_556, %add3A_563, %add3A_570 : vector<16xf32>, vector<16xf32>, vector<16xf32>, vector<16xf32>, vector<16xf32>, vector<16xf32>, vector<16xf32>, vector<16xf32>, vector<16xf32>, vector<16xf32>, vector<16xf32>, vector<16xf32>, vector<16xf32>, vector<16xf32>, vector<16xf32>, vector<16xf32>, vector<16xf32>, vector<16xf32>, vector<16xf32>, vector<16xf32>
      }
      %scan3A_14 = arith.constant 32 : i32
      %reduce_sum3A = arith.constant true
      %reduce_sum3A_15 = vector.broadcast %reduce_sum3A : i1 to vector<16xi1>
      %reduce_sum3A_16 = tpu.scan <sum>, %scan3A_13#0 masked %reduce_sum3A_15 : vector<16xf32>, vector<16xi1> -> vector<16xf32>
      %reduce_sum3A_17 = vector.extract %reduce_sum3A_16[15] : f32 from vector<16xf32>
      %reduce_sum3A_18 = arith.constant true
      %reduce_sum3A_19 = vector.broadcast %reduce_sum3A_18 : i1 to vector<16xi1>
      %reduce_sum3A_20 = tpu.scan <sum>, %scan3A_13#1 masked %reduce_sum3A_19 : vector<16xf32>, vector<16xi1> -> vector<16xf32>
      %reduce_sum3A_21 = vector.extract %reduce_sum3A_20[15] : f32 from vector<16xf32>
      %reduce_sum3A_22 = arith.constant true
      %reduce_sum3A_23 = vector.broadcast %reduce_sum3A_22 : i1 to vector<16xi1>
      %reduce_sum3A_24 = tpu.scan <sum>, %scan3A_13#2 masked %reduce_sum3A_23 : vector<16xf32>, vector<16xi1> -> vector<16xf32>
      %reduce_sum3A_25 = vector.extract %reduce_sum3A_24[15] : f32 from vector<16xf32>
      %reduce_sum3A_26 = arith.constant true
      %reduce_sum3A_27 = vector.broadcast %reduce_sum3A_26 : i1 to vector<16xi1>
      %reduce_sum3A_28 = tpu.scan <sum>, %scan3A_13#3 masked %reduce_sum3A_27 : vector<16xf32>, vector<16xi1> -> vector<16xf32>
      %reduce_sum3A_29 = vector.extract %reduce_sum3A_28[15] : f32 from vector<16xf32>
      %reduce_sum3A_30 = arith.constant true
      %reduce_sum3A_31 = vector.broadcast %reduce_sum3A_30 : i1 to vector<16xi1>
      %reduce_sum3A_32 = tpu.scan <sum>, %scan3A_13#4 masked %reduce_sum3A_31 : vector<16xf32>, vector<16xi1> -> vector<16xf32>
      %reduce_sum3A_33 = vector.extract %reduce_sum3A_32[15] : f32 from vector<16xf32>
      %reduce_sum3A_34 = arith.constant true
      %reduce_sum3A_35 = vector.broadcast %reduce_sum3A_34 : i1 to vector<16xi1>
      %reduce_sum3A_36 = tpu.scan <sum>, %scan3A_13#5 masked %reduce_sum3A_35 : vector<16xf32>, vector<16xi1> -> vector<16xf32>
      %reduce_sum3A_37 = vector.extract %reduce_sum3A_36[15] : f32 from vector<16xf32>
      %reduce_sum3A_38 = arith.constant true
      %reduce_sum3A_39 = vector.broadcast %reduce_sum3A_38 : i1 to vector<16xi1>
      %reduce_sum3A_40 = tpu.scan <sum>, %scan3A_13#6 masked %reduce_sum3A_39 : vector<16xf32>, vector<16xi1> -> vector<16xf32>
      %reduce_sum3A_41 = vector.extract %reduce_sum3A_40[15] : f32 from vector<16xf32>
      %reduce_sum3A_42 = arith.constant true
      %reduce_sum3A_43 = vector.broadcast %reduce_sum3A_42 : i1 to vector<16xi1>
      %reduce_sum3A_44 = tpu.scan <sum>, %scan3A_13#7 masked %reduce_sum3A_43 : vector<16xf32>, vector<16xi1> -> vector<16xf32>
      %reduce_sum3A_45 = vector.extract %reduce_sum3A_44[15] : f32 from vector<16xf32>
      %reduce_sum3A_46 = arith.constant true
      %reduce_sum3A_47 = vector.broadcast %reduce_sum3A_46 : i1 to vector<16xi1>
      %reduce_sum3A_48 = tpu.scan <sum>, %scan3A_13#8 masked %reduce_sum3A_47 : vector<16xf32>, vector<16xi1> -> vector<16xf32>
      %reduce_sum3A_49 = vector.extract %reduce_sum3A_48[15] : f32 from vector<16xf32>
      %reduce_sum3A_50 = arith.constant true
      %reduce_sum3A_51 = vector.broadcast %reduce_sum3A_50 : i1 to vector<16xi1>
      %reduce_sum3A_52 = tpu.scan <sum>, %scan3A_13#9 masked %reduce_sum3A_51 : vector<16xf32>, vector<16xi1> -> vector<16xf32>
      %reduce_sum3A_53 = vector.extract %reduce_sum3A_52[15] : f32 from vector<16xf32>
      %reduce_sum3A_54 = arith.constant true
      %reduce_sum3A_55 = vector.broadcast %reduce_sum3A_54 : i1 to vector<16xi1>
      %reduce_sum3A_56 = tpu.scan <sum>, %scan3A_13#10 masked %reduce_sum3A_55 : vector<16xf32>, vector<16xi1> -> vector<16xf32>
      %reduce_sum3A_57 = vector.extract %reduce_sum3A_56[15] : f32 from vector<16xf32>
      %reduce_sum3A_58 = arith.constant true
      %reduce_sum3A_59 = vector.broadcast %reduce_sum3A_58 : i1 to vector<16xi1>
      %reduce_sum3A_60 = tpu.scan <sum>, %scan3A_13#11 masked %reduce_sum3A_59 : vector<16xf32>, vector<16xi1> -> vector<16xf32>
      %reduce_sum3A_61 = vector.extract %reduce_sum3A_60[15] : f32 from vector<16xf32>
      %reduce_sum3A_62 = arith.constant true
      %reduce_sum3A_63 = vector.broadcast %reduce_sum3A_62 : i1 to vector<16xi1>
      %reduce_sum3A_64 = tpu.scan <sum>, %scan3A_13#12 masked %reduce_sum3A_63 : vector<16xf32>, vector<16xi1> -> vector<16xf32>
      %reduce_sum3A_65 = vector.extract %reduce_sum3A_64[15] : f32 from vector<16xf32>
      %reduce_sum3A_66 = arith.constant true
      %reduce_sum3A_67 = vector.broadcast %reduce_sum3A_66 : i1 to vector<16xi1>
      %reduce_sum3A_68 = tpu.scan <sum>, %scan3A_13#13 masked %reduce_sum3A_67 : vector<16xf32>, vector<16xi1> -> vector<16xf32>
      %reduce_sum3A_69 = vector.extract %reduce_sum3A_68[15] : f32 from vector<16xf32>
      %reduce_sum3A_70 = arith.constant true
      %reduce_sum3A_71 = vector.broadcast %reduce_sum3A_70 : i1 to vector<16xi1>
      %reduce_sum3A_72 = tpu.scan <sum>, %scan3A_13#14 masked %reduce_sum3A_71 : vector<16xf32>, vector<16xi1> -> vector<16xf32>
      %reduce_sum3A_73 = vector.extract %reduce_sum3A_72[15] : f32 from vector<16xf32>
      %reduce_sum3A_74 = arith.constant true
      %reduce_sum3A_75 = vector.broadcast %reduce_sum3A_74 : i1 to vector<16xi1>
      %reduce_sum3A_76 = tpu.scan <sum>, %scan3A_13#15 masked %reduce_sum3A_75 : vector<16xf32>, vector<16xi1> -> vector<16xf32>
      %reduce_sum3A_77 = vector.extract %reduce_sum3A_76[15] : f32 from vector<16xf32>
      %reduce_sum3A_78 = arith.constant true
      %reduce_sum3A_79 = vector.broadcast %reduce_sum3A_78 : i1 to vector<16xi1>
      %reduce_sum3A_80 = tpu.scan <sum>, %scan3A_13#16 masked %reduce_sum3A_79 : vector<16xf32>, vector<16xi1> -> vector<16xf32>
      %reduce_sum3A_81 = vector.extract %reduce_sum3A_80[15] : f32 from vector<16xf32>
      %reduce_sum3A_82 = arith.constant true
      %reduce_sum3A_83 = vector.broadcast %reduce_sum3A_82 : i1 to vector<16xi1>
      %reduce_sum3A_84 = tpu.scan <sum>, %scan3A_13#17 masked %reduce_sum3A_83 : vector<16xf32>, vector<16xi1> -> vector<16xf32>
      %reduce_sum3A_85 = vector.extract %reduce_sum3A_84[15] : f32 from vector<16xf32>
      %reduce_sum3A_86 = arith.constant true
      %reduce_sum3A_87 = vector.broadcast %reduce_sum3A_86 : i1 to vector<16xi1>
      %reduce_sum3A_88 = tpu.scan <sum>, %scan3A_13#18 masked %reduce_sum3A_87 : vector<16xf32>, vector<16xi1> -> vector<16xf32>
      %reduce_sum3A_89 = vector.extract %reduce_sum3A_88[15] : f32 from vector<16xf32>
      %reduce_sum3A_90 = arith.constant true
      %reduce_sum3A_91 = vector.broadcast %reduce_sum3A_90 : i1 to vector<16xi1>
      %reduce_sum3A_92 = tpu.scan <sum>, %scan3A_13#19 masked %reduce_sum3A_91 : vector<16xf32>, vector<16xi1> -> vector<16xf32>
      %reduce_sum3A_93 = vector.extract %reduce_sum3A_92[15] : f32 from vector<16xf32>
      %broadcast_in_dim3A_94 = arith.constant 0.000000e+00 : f32
      %broadcast_in_dim3A_95 = vector.broadcast %broadcast_in_dim3A_94 : f32 to vector<16xf32>
      %broadcast_in_dim3A_96 = arith.constant 0.000000e+00 : f32
      %broadcast_in_dim3A_97 = vector.broadcast %broadcast_in_dim3A_96 : f32 to vector<16xf32>
      %sub3A = arith.subf %reduce_sum3A_17, %reduce_sum3A_21 : f32
      %sub3A_98 = arith.subf %reduce_sum3A_57, %reduce_sum3A_61 : f32
      %reduce_sum3A_99 = arith.constant true
      %reduce_sum3A_100 = vector.broadcast %reduce_sum3A_99 : i1 to vector<16xi1>
      %reduce_sum3A_101 = tpu.scan <sum>, %scan3A_7#0 masked %reduce_sum3A_100 : vector<16xf32>, vector<16xi1> -> vector<16xf32>
      %reduce_sum3A_102 = vector.extract %reduce_sum3A_101[15] : f32 from vector<16xf32>
      %add3A_103 = arith.addf %reduce_sum3A_102, %sub3A : f32
      %broadcast_in_dim3A_104 = vector.broadcast %add3A_103 : f32 to vector<16xf32>
      %reduce_sum3A_105 = arith.constant true
      %reduce_sum3A_106 = vector.broadcast %reduce_sum3A_105 : i1 to vector<16xi1>
      %reduce_sum3A_107 = tpu.scan <sum>, %scan3A_7#10 masked %reduce_sum3A_106 : vector<16xf32>, vector<16xi1> -> vector<16xf32>
      %reduce_sum3A_108 = vector.extract %reduce_sum3A_107[15] : f32 from vector<16xf32>
      %add3A_109 = arith.addf %reduce_sum3A_108, %sub3A_98 : f32
      %broadcast_in_dim3A_110 = vector.broadcast %add3A_109 : f32 to vector<16xf32>
      %gt3A = arith.constant 0.000000e+00 : f32
      %gt3A_111 = vector.broadcast %gt3A : f32 to vector<16xf32>
      %gt3A_112 = arith.cmpf ogt, %broadcast_in_dim3A_104, %gt3A_111 : vector<16xf32>
      %jit3A = arith.constant 1.000000e+00 : f32
      %jit3A_113 = arith.constant 0.000000e+00 : f32
      %broadcast_in_dim3A_114 = vector.broadcast %jit3A : f32 to vector<16xf32>
      %broadcast_in_dim3A_115 = vector.broadcast %jit3A_113 : f32 to vector<16xf32>
      %select_n3A = arith.select %gt3A_112, %broadcast_in_dim3A_114, %broadcast_in_dim3A_115 : vector<16xi1>, vector<16xf32>
      %add3A_116 = arith.addf %broadcast_in_dim3A_95, %select_n3A : vector<16xf32>
      %max3A = arith.constant 1.000000e+00 : f32
      %max3A_117 = vector.broadcast %max3A : f32 to vector<16xf32>
      %max3A_118 = arith.maximumf %broadcast_in_dim3A_104, %max3A_117 : vector<16xf32>
      %div3A = arith.divf %broadcast_in_dim3A_110, %max3A_118 : vector<16xf32>
      %jit3A_119 = arith.constant 0.000000e+00 : f32
      %broadcast_in_dim3A_120 = vector.broadcast %jit3A_119 : f32 to vector<16xf32>
      %select_n3A_121 = arith.select %gt3A_112, %div3A, %broadcast_in_dim3A_120 : vector<16xi1>, vector<16xf32>
      %add3A_122 = arith.addf %broadcast_in_dim3A_97, %select_n3A_121 : vector<16xf32>
      %sub3A_123 = arith.subf %reduce_sum3A_21, %reduce_sum3A_25 : f32
      %sub3A_124 = arith.subf %reduce_sum3A_61, %reduce_sum3A_65 : f32
      %reduce_sum3A_125 = arith.constant true
      %reduce_sum3A_126 = vector.broadcast %reduce_sum3A_125 : i1 to vector<16xi1>
      %reduce_sum3A_127 = tpu.scan <sum>, %scan3A_7#1 masked %reduce_sum3A_126 : vector<16xf32>, vector<16xi1> -> vector<16xf32>
      %reduce_sum3A_128 = vector.extract %reduce_sum3A_127[15] : f32 from vector<16xf32>
      %add3A_129 = arith.addf %reduce_sum3A_128, %sub3A_123 : f32
      %broadcast_in_dim3A_130 = vector.broadcast %add3A_129 : f32 to vector<16xf32>
      %reduce_sum3A_131 = arith.constant true
      %reduce_sum3A_132 = vector.broadcast %reduce_sum3A_131 : i1 to vector<16xi1>
      %reduce_sum3A_133 = tpu.scan <sum>, %scan3A_7#11 masked %reduce_sum3A_132 : vector<16xf32>, vector<16xi1> -> vector<16xf32>
      %reduce_sum3A_134 = vector.extract %reduce_sum3A_133[15] : f32 from vector<16xf32>
      %add3A_135 = arith.addf %reduce_sum3A_134, %sub3A_124 : f32
      %broadcast_in_dim3A_136 = vector.broadcast %add3A_135 : f32 to vector<16xf32>
      %gt3A_137 = arith.constant 0.000000e+00 : f32
      %gt3A_138 = vector.broadcast %gt3A_137 : f32 to vector<16xf32>
      %gt3A_139 = arith.cmpf ogt, %broadcast_in_dim3A_130, %gt3A_138 : vector<16xf32>
      %jit3A_140 = arith.constant 1.000000e+00 : f32
      %jit3A_141 = arith.constant 0.000000e+00 : f32
      %broadcast_in_dim3A_142 = vector.broadcast %jit3A_140 : f32 to vector<16xf32>
      %broadcast_in_dim3A_143 = vector.broadcast %jit3A_141 : f32 to vector<16xf32>
      %select_n3A_144 = arith.select %gt3A_139, %broadcast_in_dim3A_142, %broadcast_in_dim3A_143 : vector<16xi1>, vector<16xf32>
      %add3A_145 = arith.addf %add3A_116, %select_n3A_144 : vector<16xf32>
      %max3A_146 = arith.constant 1.000000e+00 : f32
      %max3A_147 = vector.broadcast %max3A_146 : f32 to vector<16xf32>
      %max3A_148 = arith.maximumf %broadcast_in_dim3A_130, %max3A_147 : vector<16xf32>
      %div3A_149 = arith.divf %broadcast_in_dim3A_136, %max3A_148 : vector<16xf32>
      %jit3A_150 = arith.constant 0.000000e+00 : f32
      %broadcast_in_dim3A_151 = vector.broadcast %jit3A_150 : f32 to vector<16xf32>
      %select_n3A_152 = arith.select %gt3A_139, %div3A_149, %broadcast_in_dim3A_151 : vector<16xi1>, vector<16xf32>
      %add3A_153 = arith.addf %add3A_122, %select_n3A_152 : vector<16xf32>
      %sub3A_154 = arith.subf %reduce_sum3A_25, %reduce_sum3A_29 : f32
      %sub3A_155 = arith.subf %reduce_sum3A_65, %reduce_sum3A_69 : f32
      %reduce_sum3A_156 = arith.constant true
      %reduce_sum3A_157 = vector.broadcast %reduce_sum3A_156 : i1 to vector<16xi1>
      %reduce_sum3A_158 = tpu.scan <sum>, %scan3A_7#2 masked %reduce_sum3A_157 : vector<16xf32>, vector<16xi1> -> vector<16xf32>
      %reduce_sum3A_159 = vector.extract %reduce_sum3A_158[15] : f32 from vector<16xf32>
      %add3A_160 = arith.addf %reduce_sum3A_159, %sub3A_154 : f32
      %broadcast_in_dim3A_161 = vector.broadcast %add3A_160 : f32 to vector<16xf32>
      %reduce_sum3A_162 = arith.constant true
      %reduce_sum3A_163 = vector.broadcast %reduce_sum3A_162 : i1 to vector<16xi1>
      %reduce_sum3A_164 = tpu.scan <sum>, %scan3A_7#12 masked %reduce_sum3A_163 : vector<16xf32>, vector<16xi1> -> vector<16xf32>
      %reduce_sum3A_165 = vector.extract %reduce_sum3A_164[15] : f32 from vector<16xf32>
      %add3A_166 = arith.addf %reduce_sum3A_165, %sub3A_155 : f32
      %broadcast_in_dim3A_167 = vector.broadcast %add3A_166 : f32 to vector<16xf32>
      %gt3A_168 = arith.constant 0.000000e+00 : f32
      %gt3A_169 = vector.broadcast %gt3A_168 : f32 to vector<16xf32>
      %gt3A_170 = arith.cmpf ogt, %broadcast_in_dim3A_161, %gt3A_169 : vector<16xf32>
      %jit3A_171 = arith.constant 1.000000e+00 : f32
      %jit3A_172 = arith.constant 0.000000e+00 : f32
      %broadcast_in_dim3A_173 = vector.broadcast %jit3A_171 : f32 to vector<16xf32>
      %broadcast_in_dim3A_174 = vector.broadcast %jit3A_172 : f32 to vector<16xf32>
      %select_n3A_175 = arith.select %gt3A_170, %broadcast_in_dim3A_173, %broadcast_in_dim3A_174 : vector<16xi1>, vector<16xf32>
      %add3A_176 = arith.addf %add3A_145, %select_n3A_175 : vector<16xf32>
      %max3A_177 = arith.constant 1.000000e+00 : f32
      %max3A_178 = vector.broadcast %max3A_177 : f32 to vector<16xf32>
      %max3A_179 = arith.maximumf %broadcast_in_dim3A_161, %max3A_178 : vector<16xf32>
      %div3A_180 = arith.divf %broadcast_in_dim3A_167, %max3A_179 : vector<16xf32>
      %jit3A_181 = arith.constant 0.000000e+00 : f32
      %broadcast_in_dim3A_182 = vector.broadcast %jit3A_181 : f32 to vector<16xf32>
      %select_n3A_183 = arith.select %gt3A_170, %div3A_180, %broadcast_in_dim3A_182 : vector<16xi1>, vector<16xf32>
      %add3A_184 = arith.addf %add3A_153, %select_n3A_183 : vector<16xf32>
      %sub3A_185 = arith.subf %reduce_sum3A_29, %reduce_sum3A_33 : f32
      %sub3A_186 = arith.subf %reduce_sum3A_69, %reduce_sum3A_73 : f32
      %reduce_sum3A_187 = arith.constant true
      %reduce_sum3A_188 = vector.broadcast %reduce_sum3A_187 : i1 to vector<16xi1>
      %reduce_sum3A_189 = tpu.scan <sum>, %scan3A_7#3 masked %reduce_sum3A_188 : vector<16xf32>, vector<16xi1> -> vector<16xf32>
      %reduce_sum3A_190 = vector.extract %reduce_sum3A_189[15] : f32 from vector<16xf32>
      %add3A_191 = arith.addf %reduce_sum3A_190, %sub3A_185 : f32
      %broadcast_in_dim3A_192 = vector.broadcast %add3A_191 : f32 to vector<16xf32>
      %reduce_sum3A_193 = arith.constant true
      %reduce_sum3A_194 = vector.broadcast %reduce_sum3A_193 : i1 to vector<16xi1>
      %reduce_sum3A_195 = tpu.scan <sum>, %scan3A_7#13 masked %reduce_sum3A_194 : vector<16xf32>, vector<16xi1> -> vector<16xf32>
      %reduce_sum3A_196 = vector.extract %reduce_sum3A_195[15] : f32 from vector<16xf32>
      %add3A_197 = arith.addf %reduce_sum3A_196, %sub3A_186 : f32
      %broadcast_in_dim3A_198 = vector.broadcast %add3A_197 : f32 to vector<16xf32>
      %gt3A_199 = arith.constant 0.000000e+00 : f32
      %gt3A_200 = vector.broadcast %gt3A_199 : f32 to vector<16xf32>
      %gt3A_201 = arith.cmpf ogt, %broadcast_in_dim3A_192, %gt3A_200 : vector<16xf32>
      %jit3A_202 = arith.constant 1.000000e+00 : f32
      %jit3A_203 = arith.constant 0.000000e+00 : f32
      %broadcast_in_dim3A_204 = vector.broadcast %jit3A_202 : f32 to vector<16xf32>
      %broadcast_in_dim3A_205 = vector.broadcast %jit3A_203 : f32 to vector<16xf32>
      %select_n3A_206 = arith.select %gt3A_201, %broadcast_in_dim3A_204, %broadcast_in_dim3A_205 : vector<16xi1>, vector<16xf32>
      %add3A_207 = arith.addf %add3A_176, %select_n3A_206 : vector<16xf32>
      %max3A_208 = arith.constant 1.000000e+00 : f32
      %max3A_209 = vector.broadcast %max3A_208 : f32 to vector<16xf32>
      %max3A_210 = arith.maximumf %broadcast_in_dim3A_192, %max3A_209 : vector<16xf32>
      %div3A_211 = arith.divf %broadcast_in_dim3A_198, %max3A_210 : vector<16xf32>
      %jit3A_212 = arith.constant 0.000000e+00 : f32
      %broadcast_in_dim3A_213 = vector.broadcast %jit3A_212 : f32 to vector<16xf32>
      %select_n3A_214 = arith.select %gt3A_201, %div3A_211, %broadcast_in_dim3A_213 : vector<16xi1>, vector<16xf32>
      %add3A_215 = arith.addf %add3A_184, %select_n3A_214 : vector<16xf32>
      %sub3A_216 = arith.subf %reduce_sum3A_33, %reduce_sum3A_37 : f32
      %sub3A_217 = arith.subf %reduce_sum3A_73, %reduce_sum3A_77 : f32
      %reduce_sum3A_218 = arith.constant true
      %reduce_sum3A_219 = vector.broadcast %reduce_sum3A_218 : i1 to vector<16xi1>
      %reduce_sum3A_220 = tpu.scan <sum>, %scan3A_7#4 masked %reduce_sum3A_219 : vector<16xf32>, vector<16xi1> -> vector<16xf32>
      %reduce_sum3A_221 = vector.extract %reduce_sum3A_220[15] : f32 from vector<16xf32>
      %add3A_222 = arith.addf %reduce_sum3A_221, %sub3A_216 : f32
      %broadcast_in_dim3A_223 = vector.broadcast %add3A_222 : f32 to vector<16xf32>
      %reduce_sum3A_224 = arith.constant true
      %reduce_sum3A_225 = vector.broadcast %reduce_sum3A_224 : i1 to vector<16xi1>
      %reduce_sum3A_226 = tpu.scan <sum>, %scan3A_7#14 masked %reduce_sum3A_225 : vector<16xf32>, vector<16xi1> -> vector<16xf32>
      %reduce_sum3A_227 = vector.extract %reduce_sum3A_226[15] : f32 from vector<16xf32>
      %add3A_228 = arith.addf %reduce_sum3A_227, %sub3A_217 : f32
      %broadcast_in_dim3A_229 = vector.broadcast %add3A_228 : f32 to vector<16xf32>
      %gt3A_230 = arith.constant 0.000000e+00 : f32
      %gt3A_231 = vector.broadcast %gt3A_230 : f32 to vector<16xf32>
      %gt3A_232 = arith.cmpf ogt, %broadcast_in_dim3A_223, %gt3A_231 : vector<16xf32>
      %jit3A_233 = arith.constant 1.000000e+00 : f32
      %jit3A_234 = arith.constant 0.000000e+00 : f32
      %broadcast_in_dim3A_235 = vector.broadcast %jit3A_233 : f32 to vector<16xf32>
      %broadcast_in_dim3A_236 = vector.broadcast %jit3A_234 : f32 to vector<16xf32>
      %select_n3A_237 = arith.select %gt3A_232, %broadcast_in_dim3A_235, %broadcast_in_dim3A_236 : vector<16xi1>, vector<16xf32>
      %add3A_238 = arith.addf %add3A_207, %select_n3A_237 : vector<16xf32>
      %max3A_239 = arith.constant 1.000000e+00 : f32
      %max3A_240 = vector.broadcast %max3A_239 : f32 to vector<16xf32>
      %max3A_241 = arith.maximumf %broadcast_in_dim3A_223, %max3A_240 : vector<16xf32>
      %div3A_242 = arith.divf %broadcast_in_dim3A_229, %max3A_241 : vector<16xf32>
      %jit3A_243 = arith.constant 0.000000e+00 : f32
      %broadcast_in_dim3A_244 = vector.broadcast %jit3A_243 : f32 to vector<16xf32>
      %select_n3A_245 = arith.select %gt3A_232, %div3A_242, %broadcast_in_dim3A_244 : vector<16xi1>, vector<16xf32>
      %add3A_246 = arith.addf %add3A_215, %select_n3A_245 : vector<16xf32>
      %sub3A_247 = arith.subf %reduce_sum3A_37, %reduce_sum3A_41 : f32
      %sub3A_248 = arith.subf %reduce_sum3A_77, %reduce_sum3A_81 : f32
      %reduce_sum3A_249 = arith.constant true
      %reduce_sum3A_250 = vector.broadcast %reduce_sum3A_249 : i1 to vector<16xi1>
      %reduce_sum3A_251 = tpu.scan <sum>, %scan3A_7#5 masked %reduce_sum3A_250 : vector<16xf32>, vector<16xi1> -> vector<16xf32>
      %reduce_sum3A_252 = vector.extract %reduce_sum3A_251[15] : f32 from vector<16xf32>
      %add3A_253 = arith.addf %reduce_sum3A_252, %sub3A_247 : f32
      %broadcast_in_dim3A_254 = vector.broadcast %add3A_253 : f32 to vector<16xf32>
      %reduce_sum3A_255 = arith.constant true
      %reduce_sum3A_256 = vector.broadcast %reduce_sum3A_255 : i1 to vector<16xi1>
      %reduce_sum3A_257 = tpu.scan <sum>, %scan3A_7#15 masked %reduce_sum3A_256 : vector<16xf32>, vector<16xi1> -> vector<16xf32>
      %reduce_sum3A_258 = vector.extract %reduce_sum3A_257[15] : f32 from vector<16xf32>
      %add3A_259 = arith.addf %reduce_sum3A_258, %sub3A_248 : f32
      %broadcast_in_dim3A_260 = vector.broadcast %add3A_259 : f32 to vector<16xf32>
      %gt3A_261 = arith.constant 0.000000e+00 : f32
      %gt3A_262 = vector.broadcast %gt3A_261 : f32 to vector<16xf32>
      %gt3A_263 = arith.cmpf ogt, %broadcast_in_dim3A_254, %gt3A_262 : vector<16xf32>
      %jit3A_264 = arith.constant 1.000000e+00 : f32
      %jit3A_265 = arith.constant 0.000000e+00 : f32
      %broadcast_in_dim3A_266 = vector.broadcast %jit3A_264 : f32 to vector<16xf32>
      %broadcast_in_dim3A_267 = vector.broadcast %jit3A_265 : f32 to vector<16xf32>
      %select_n3A_268 = arith.select %gt3A_263, %broadcast_in_dim3A_266, %broadcast_in_dim3A_267 : vector<16xi1>, vector<16xf32>
      %add3A_269 = arith.addf %add3A_238, %select_n3A_268 : vector<16xf32>
      %max3A_270 = arith.constant 1.000000e+00 : f32
      %max3A_271 = vector.broadcast %max3A_270 : f32 to vector<16xf32>
      %max3A_272 = arith.maximumf %broadcast_in_dim3A_254, %max3A_271 : vector<16xf32>
      %div3A_273 = arith.divf %broadcast_in_dim3A_260, %max3A_272 : vector<16xf32>
      %jit3A_274 = arith.constant 0.000000e+00 : f32
      %broadcast_in_dim3A_275 = vector.broadcast %jit3A_274 : f32 to vector<16xf32>
      %select_n3A_276 = arith.select %gt3A_263, %div3A_273, %broadcast_in_dim3A_275 : vector<16xi1>, vector<16xf32>
      %add3A_277 = arith.addf %add3A_246, %select_n3A_276 : vector<16xf32>
      %sub3A_278 = arith.subf %reduce_sum3A_41, %reduce_sum3A_45 : f32
      %sub3A_279 = arith.subf %reduce_sum3A_81, %reduce_sum3A_85 : f32
      %reduce_sum3A_280 = arith.constant true
      %reduce_sum3A_281 = vector.broadcast %reduce_sum3A_280 : i1 to vector<16xi1>
      %reduce_sum3A_282 = tpu.scan <sum>, %scan3A_7#6 masked %reduce_sum3A_281 : vector<16xf32>, vector<16xi1> -> vector<16xf32>
      %reduce_sum3A_283 = vector.extract %reduce_sum3A_282[15] : f32 from vector<16xf32>
      %add3A_284 = arith.addf %reduce_sum3A_283, %sub3A_278 : f32
      %broadcast_in_dim3A_285 = vector.broadcast %add3A_284 : f32 to vector<16xf32>
      %reduce_sum3A_286 = arith.constant true
      %reduce_sum3A_287 = vector.broadcast %reduce_sum3A_286 : i1 to vector<16xi1>
      %reduce_sum3A_288 = tpu.scan <sum>, %scan3A_7#16 masked %reduce_sum3A_287 : vector<16xf32>, vector<16xi1> -> vector<16xf32>
      %reduce_sum3A_289 = vector.extract %reduce_sum3A_288[15] : f32 from vector<16xf32>
      %add3A_290 = arith.addf %reduce_sum3A_289, %sub3A_279 : f32
      %broadcast_in_dim3A_291 = vector.broadcast %add3A_290 : f32 to vector<16xf32>
      %gt3A_292 = arith.constant 0.000000e+00 : f32
      %gt3A_293 = vector.broadcast %gt3A_292 : f32 to vector<16xf32>
      %gt3A_294 = arith.cmpf ogt, %broadcast_in_dim3A_285, %gt3A_293 : vector<16xf32>
      %jit3A_295 = arith.constant 1.000000e+00 : f32
      %jit3A_296 = arith.constant 0.000000e+00 : f32
      %broadcast_in_dim3A_297 = vector.broadcast %jit3A_295 : f32 to vector<16xf32>
      %broadcast_in_dim3A_298 = vector.broadcast %jit3A_296 : f32 to vector<16xf32>
      %select_n3A_299 = arith.select %gt3A_294, %broadcast_in_dim3A_297, %broadcast_in_dim3A_298 : vector<16xi1>, vector<16xf32>
      %add3A_300 = arith.addf %add3A_269, %select_n3A_299 : vector<16xf32>
      %max3A_301 = arith.constant 1.000000e+00 : f32
      %max3A_302 = vector.broadcast %max3A_301 : f32 to vector<16xf32>
      %max3A_303 = arith.maximumf %broadcast_in_dim3A_285, %max3A_302 : vector<16xf32>
      %div3A_304 = arith.divf %broadcast_in_dim3A_291, %max3A_303 : vector<16xf32>
      %jit3A_305 = arith.constant 0.000000e+00 : f32
      %broadcast_in_dim3A_306 = vector.broadcast %jit3A_305 : f32 to vector<16xf32>
      %select_n3A_307 = arith.select %gt3A_294, %div3A_304, %broadcast_in_dim3A_306 : vector<16xi1>, vector<16xf32>
      %add3A_308 = arith.addf %add3A_277, %select_n3A_307 : vector<16xf32>
      %sub3A_309 = arith.subf %reduce_sum3A_45, %reduce_sum3A_49 : f32
      %sub3A_310 = arith.subf %reduce_sum3A_85, %reduce_sum3A_89 : f32
      %reduce_sum3A_311 = arith.constant true
      %reduce_sum3A_312 = vector.broadcast %reduce_sum3A_311 : i1 to vector<16xi1>
      %reduce_sum3A_313 = tpu.scan <sum>, %scan3A_7#7 masked %reduce_sum3A_312 : vector<16xf32>, vector<16xi1> -> vector<16xf32>
      %reduce_sum3A_314 = vector.extract %reduce_sum3A_313[15] : f32 from vector<16xf32>
      %add3A_315 = arith.addf %reduce_sum3A_314, %sub3A_309 : f32
      %broadcast_in_dim3A_316 = vector.broadcast %add3A_315 : f32 to vector<16xf32>
      %reduce_sum3A_317 = arith.constant true
      %reduce_sum3A_318 = vector.broadcast %reduce_sum3A_317 : i1 to vector<16xi1>
      %reduce_sum3A_319 = tpu.scan <sum>, %scan3A_7#17 masked %reduce_sum3A_318 : vector<16xf32>, vector<16xi1> -> vector<16xf32>
      %reduce_sum3A_320 = vector.extract %reduce_sum3A_319[15] : f32 from vector<16xf32>
      %add3A_321 = arith.addf %reduce_sum3A_320, %sub3A_310 : f32
      %broadcast_in_dim3A_322 = vector.broadcast %add3A_321 : f32 to vector<16xf32>
      %gt3A_323 = arith.constant 0.000000e+00 : f32
      %gt3A_324 = vector.broadcast %gt3A_323 : f32 to vector<16xf32>
      %gt3A_325 = arith.cmpf ogt, %broadcast_in_dim3A_316, %gt3A_324 : vector<16xf32>
      %jit3A_326 = arith.constant 1.000000e+00 : f32
      %jit3A_327 = arith.constant 0.000000e+00 : f32
      %broadcast_in_dim3A_328 = vector.broadcast %jit3A_326 : f32 to vector<16xf32>
      %broadcast_in_dim3A_329 = vector.broadcast %jit3A_327 : f32 to vector<16xf32>
      %select_n3A_330 = arith.select %gt3A_325, %broadcast_in_dim3A_328, %broadcast_in_dim3A_329 : vector<16xi1>, vector<16xf32>
      %add3A_331 = arith.addf %add3A_300, %select_n3A_330 : vector<16xf32>
      %max3A_332 = arith.constant 1.000000e+00 : f32
      %max3A_333 = vector.broadcast %max3A_332 : f32 to vector<16xf32>
      %max3A_334 = arith.maximumf %broadcast_in_dim3A_316, %max3A_333 : vector<16xf32>
      %div3A_335 = arith.divf %broadcast_in_dim3A_322, %max3A_334 : vector<16xf32>
      %jit3A_336 = arith.constant 0.000000e+00 : f32
      %broadcast_in_dim3A_337 = vector.broadcast %jit3A_336 : f32 to vector<16xf32>
      %select_n3A_338 = arith.select %gt3A_325, %div3A_335, %broadcast_in_dim3A_337 : vector<16xi1>, vector<16xf32>
      %add3A_339 = arith.addf %add3A_308, %select_n3A_338 : vector<16xf32>
      %sub3A_340 = arith.subf %reduce_sum3A_49, %reduce_sum3A_53 : f32
      %sub3A_341 = arith.subf %reduce_sum3A_89, %reduce_sum3A_93 : f32
      %reduce_sum3A_342 = arith.constant true
      %reduce_sum3A_343 = vector.broadcast %reduce_sum3A_342 : i1 to vector<16xi1>
      %reduce_sum3A_344 = tpu.scan <sum>, %scan3A_7#8 masked %reduce_sum3A_343 : vector<16xf32>, vector<16xi1> -> vector<16xf32>
      %reduce_sum3A_345 = vector.extract %reduce_sum3A_344[15] : f32 from vector<16xf32>
      %add3A_346 = arith.addf %reduce_sum3A_345, %sub3A_340 : f32
      %broadcast_in_dim3A_347 = vector.broadcast %add3A_346 : f32 to vector<16xf32>
      %reduce_sum3A_348 = arith.constant true
      %reduce_sum3A_349 = vector.broadcast %reduce_sum3A_348 : i1 to vector<16xi1>
      %reduce_sum3A_350 = tpu.scan <sum>, %scan3A_7#18 masked %reduce_sum3A_349 : vector<16xf32>, vector<16xi1> -> vector<16xf32>
      %reduce_sum3A_351 = vector.extract %reduce_sum3A_350[15] : f32 from vector<16xf32>
      %add3A_352 = arith.addf %reduce_sum3A_351, %sub3A_341 : f32
      %broadcast_in_dim3A_353 = vector.broadcast %add3A_352 : f32 to vector<16xf32>
      %gt3A_354 = arith.constant 0.000000e+00 : f32
      %gt3A_355 = vector.broadcast %gt3A_354 : f32 to vector<16xf32>
      %gt3A_356 = arith.cmpf ogt, %broadcast_in_dim3A_347, %gt3A_355 : vector<16xf32>
      %jit3A_357 = arith.constant 1.000000e+00 : f32
      %jit3A_358 = arith.constant 0.000000e+00 : f32
      %broadcast_in_dim3A_359 = vector.broadcast %jit3A_357 : f32 to vector<16xf32>
      %broadcast_in_dim3A_360 = vector.broadcast %jit3A_358 : f32 to vector<16xf32>
      %select_n3A_361 = arith.select %gt3A_356, %broadcast_in_dim3A_359, %broadcast_in_dim3A_360 : vector<16xi1>, vector<16xf32>
      %add3A_362 = arith.addf %add3A_331, %select_n3A_361 : vector<16xf32>
      %max3A_363 = arith.constant 1.000000e+00 : f32
      %max3A_364 = vector.broadcast %max3A_363 : f32 to vector<16xf32>
      %max3A_365 = arith.maximumf %broadcast_in_dim3A_347, %max3A_364 : vector<16xf32>
      %div3A_366 = arith.divf %broadcast_in_dim3A_353, %max3A_365 : vector<16xf32>
      %jit3A_367 = arith.constant 0.000000e+00 : f32
      %broadcast_in_dim3A_368 = vector.broadcast %jit3A_367 : f32 to vector<16xf32>
      %select_n3A_369 = arith.select %gt3A_356, %div3A_366, %broadcast_in_dim3A_368 : vector<16xi1>, vector<16xf32>
      %add3A_370 = arith.addf %add3A_339, %select_n3A_369 : vector<16xf32>
      %reduce_sum3A_371 = arith.constant true
      %reduce_sum3A_372 = vector.broadcast %reduce_sum3A_371 : i1 to vector<16xi1>
      %reduce_sum3A_373 = tpu.scan <sum>, %scan3A_7#9 masked %reduce_sum3A_372 : vector<16xf32>, vector<16xi1> -> vector<16xf32>
      %reduce_sum3A_374 = vector.extract %reduce_sum3A_373[15] : f32 from vector<16xf32>
      %add3A_375 = arith.addf %reduce_sum3A_374, %reduce_sum3A_53 : f32
      %broadcast_in_dim3A_376 = vector.broadcast %add3A_375 : f32 to vector<16xf32>
      %reduce_sum3A_377 = arith.constant true
      %reduce_sum3A_378 = vector.broadcast %reduce_sum3A_377 : i1 to vector<16xi1>
      %reduce_sum3A_379 = tpu.scan <sum>, %scan3A_7#19 masked %reduce_sum3A_378 : vector<16xf32>, vector<16xi1> -> vector<16xf32>
      %reduce_sum3A_380 = vector.extract %reduce_sum3A_379[15] : f32 from vector<16xf32>
      %add3A_381 = arith.addf %reduce_sum3A_380, %reduce_sum3A_93 : f32
      %broadcast_in_dim3A_382 = vector.broadcast %add3A_381 : f32 to vector<16xf32>
      %gt3A_383 = arith.constant 0.000000e+00 : f32
      %gt3A_384 = vector.broadcast %gt3A_383 : f32 to vector<16xf32>
      %gt3A_385 = arith.cmpf ogt, %broadcast_in_dim3A_376, %gt3A_384 : vector<16xf32>
      %jit3A_386 = arith.constant 1.000000e+00 : f32
      %jit3A_387 = arith.constant 0.000000e+00 : f32
      %broadcast_in_dim3A_388 = vector.broadcast %jit3A_386 : f32 to vector<16xf32>
      %broadcast_in_dim3A_389 = vector.broadcast %jit3A_387 : f32 to vector<16xf32>
      %select_n3A_390 = arith.select %gt3A_385, %broadcast_in_dim3A_388, %broadcast_in_dim3A_389 : vector<16xi1>, vector<16xf32>
      %add3A_391 = arith.addf %add3A_362, %select_n3A_390 : vector<16xf32>
      %max3A_392 = arith.constant 1.000000e+00 : f32
      %max3A_393 = vector.broadcast %max3A_392 : f32 to vector<16xf32>
      %max3A_394 = arith.maximumf %broadcast_in_dim3A_376, %max3A_393 : vector<16xf32>
      %div3A_395 = arith.divf %broadcast_in_dim3A_382, %max3A_394 : vector<16xf32>
      %jit3A_396 = arith.constant 0.000000e+00 : f32
      %broadcast_in_dim3A_397 = vector.broadcast %jit3A_396 : f32 to vector<16xf32>
      %select_n3A_398 = arith.select %gt3A_385, %div3A_395, %broadcast_in_dim3A_397 : vector<16xi1>, vector<16xf32>
      %add3A_399 = arith.addf %add3A_370, %select_n3A_398 : vector<16xf32>
      %gt3A_400 = arith.constant 0.000000e+00 : f32
      %gt3A_401 = vector.broadcast %gt3A_400 : f32 to vector<16xf32>
      %gt3A_402 = arith.cmpf ogt, %add3A_391, %gt3A_401 : vector<16xf32>
      %max3A_403 = arith.constant 1.000000e+00 : f32
      %max3A_404 = vector.broadcast %max3A_403 : f32 to vector<16xf32>
      %max3A_405 = arith.maximumf %add3A_391, %max3A_404 : vector<16xf32>
      %div3A_406 = arith.divf %add3A_399, %max3A_405 : vector<16xf32>
      %jit3A_407 = arith.constant 0.000000e+00 : f32
      %broadcast_in_dim3A_408 = vector.broadcast %jit3A_407 : f32 to vector<16xf32>
      %select_n3A_409 = arith.select %gt3A_402, %div3A_406, %broadcast_in_dim3A_408 : vector<16xi1>, vector<16xf32>
      %swap3A = arith.constant 0 : index
      %swap3A_410 = tpu.vector_load %arg7[%swap3A] {strides = array<i32>} : memref<16xf32, #tpu.memory_space<vmem>>, vector<16xf32>,
      tpu.vector_store %arg7[%swap3A], %select_n3A_409 {strides = array<i32>} : memref<16xf32, #tpu.memory_space<vmem>>, vector<16xf32>,
      "tpu.region"() ({
        %run_scoped3A = tpu.sem_alloc : memref<!tpu.dma_semaphore, #tpu.memory_space<semaphore_mem>>
        tpu.enqueue_dma source(%arg7 : memref<16xf32, #tpu.memory_space<vmem>>) target(%arg4 : memref<16xf32, #tpu.memory_space<hbm>>) target_semaphore(%run_scoped3A : memref<!tpu.dma_semaphore, #tpu.memory_space<semaphore_mem>>)
        tpu.wait_dma2 semaphore(%run_scoped3A : memref<!tpu.dma_semaphore, #tpu.memory_space<semaphore_mem>>) src(%arg7 : memref<16xf32, #tpu.memory_space<vmem>>) dst(%arg4 : memref<16xf32, #tpu.memory_space<hbm>>)
        tpu.yield
      }) : () -> ()
    } else {
    }
    return
  }
}

#map = affine_map<(d0, d1) -> (0)>
#map1 = affine_map<(d0, d1) -> (0, 0)>
module attributes {stable_mosaic.version = 14 : i64} {
  func.func @_hist_body(%arg0: i32, %arg1: i32, %arg2: memref<8388608xf32, #tpu.memory_space<hbm>>, %arg3: memref<8388608xi32, #tpu.memory_space<hbm>>, %arg4: memref<8388608xf32, #tpu.memory_space<hbm>>, %arg5: memref<32x1280xf32, #tpu.memory_space<hbm>>, %arg6: memref<2x8192xf32, #tpu.memory_space<vmem>>, %arg7: memref<2x8192xi32, #tpu.memory_space<vmem>>, %arg8: memref<2x8192xf32, #tpu.memory_space<vmem>>, %arg9: memref<1280xf32, #tpu.memory_space<vmem>>, %arg10: memref<!tpu.dma_semaphore, #tpu.memory_space<semaphore_mem>>, %arg11: memref<!tpu.dma_semaphore, #tpu.memory_space<semaphore_mem>>) attributes {dimension_semantics = [#tpu.dimension_semantics<core_parallel>, #tpu.dimension_semantics<subcore_parallel>], iteration_bounds = array<i64: 2, 16>, scalar_prefetch = 0 : i64, scratch_operands = 6 : i64, tpu.core_type = #tpu.core_type<sc_vector_subcore>, window_params = [{transform_indices = #map}, {transform_indices = #map}, {transform_indices = #map}, {transform_indices = #map1}]} {
    %mul3A = arith.constant 2 : i32
    %mul3A_0 = arith.muli %arg1, %mul3A : i32
    %add3A = arith.addi %mul3A_0, %arg0 : i32
    %mul3A_1 = arith.constant 131072 : i32
    %mul3A_2 = arith.muli %add3A, %mul3A_1 : i32
    %add3A_3 = arith.constant 4194304 : i32
    %add3A_4 = arith.addi %add3A_3, %mul3A_2 : i32
    %iota3A = tpu.iota {dimensions = array<i32: 0>} : vector<16xi32>
    %broadcast_in_dim3A = arith.constant 0.000000e+00 : f32
    %broadcast_in_dim3A_5 = vector.broadcast %broadcast_in_dim3A : f32 to vector<16xf32>
    %swap3A = arith.constant 0 : index
    %swap3A_6 = tpu.vector_load %arg9[%swap3A] {strides = array<i32>} : memref<1280xf32, #tpu.memory_space<vmem>>, vector<16xf32>,
    tpu.vector_store %arg9[%swap3A], %broadcast_in_dim3A_5 {strides = array<i32>} : memref<1280xf32, #tpu.memory_space<vmem>>, vector<16xf32>,
    %broadcast_in_dim3A_7 = arith.constant 0.000000e+00 : f32
    %broadcast_in_dim3A_8 = vector.broadcast %broadcast_in_dim3A_7 : f32 to vector<16xf32>
    %swap3A_9 = arith.constant 16 : index
    %swap3A_10 = tpu.vector_load %arg9[%swap3A_9] {strides = array<i32>} : memref<1280xf32, #tpu.memory_space<vmem>>, vector<16xf32>,
    tpu.vector_store %arg9[%swap3A_9], %broadcast_in_dim3A_8 {strides = array<i32>} : memref<1280xf32, #tpu.memory_space<vmem>>, vector<16xf32>,
    %broadcast_in_dim3A_11 = arith.constant 0.000000e+00 : f32
    %broadcast_in_dim3A_12 = vector.broadcast %broadcast_in_dim3A_11 : f32 to vector<16xf32>
    %swap3A_13 = arith.constant 32 : index
    %swap3A_14 = tpu.vector_load %arg9[%swap3A_13] {strides = array<i32>} : memref<1280xf32, #tpu.memory_space<vmem>>, vector<16xf32>,
    tpu.vector_store %arg9[%swap3A_13], %broadcast_in_dim3A_12 {strides = array<i32>} : memref<1280xf32, #tpu.memory_space<vmem>>, vector<16xf32>,
    %broadcast_in_dim3A_15 = arith.constant 0.000000e+00 : f32
    %broadcast_in_dim3A_16 = vector.broadcast %broadcast_in_dim3A_15 : f32 to vector<16xf32>
    %swap3A_17 = arith.constant 48 : index
    %swap3A_18 = tpu.vector_load %arg9[%swap3A_17] {strides = array<i32>} : memref<1280xf32, #tpu.memory_space<vmem>>, vector<16xf32>,
    tpu.vector_store %arg9[%swap3A_17], %broadcast_in_dim3A_16 {strides = array<i32>} : memref<1280xf32, #tpu.memory_space<vmem>>, vector<16xf32>,
    %broadcast_in_dim3A_19 = arith.constant 0.000000e+00 : f32
    %broadcast_in_dim3A_20 = vector.broadcast %broadcast_in_dim3A_19 : f32 to vector<16xf32>
    %swap3A_21 = arith.constant 64 : index
    %swap3A_22 = tpu.vector_load %arg9[%swap3A_21] {strides = array<i32>} : memref<1280xf32, #tpu.memory_space<vmem>>, vector<16xf32>,
    tpu.vector_store %arg9[%swap3A_21], %broadcast_in_dim3A_20 {strides = array<i32>} : memref<1280xf32, #tpu.memory_space<vmem>>, vector<16xf32>,
    %broadcast_in_dim3A_23 = arith.constant 0.000000e+00 : f32
    %broadcast_in_dim3A_24 = vector.broadcast %broadcast_in_dim3A_23 : f32 to vector<16xf32>
    %swap3A_25 = arith.constant 80 : index
    %swap3A_26 = tpu.vector_load %arg9[%swap3A_25] {strides = array<i32>} : memref<1280xf32, #tpu.memory_space<vmem>>, vector<16xf32>,
    tpu.vector_store %arg9[%swap3A_25], %broadcast_in_dim3A_24 {strides = array<i32>} : memref<1280xf32, #tpu.memory_space<vmem>>, vector<16xf32>,
    %broadcast_in_dim3A_27 = arith.constant 0.000000e+00 : f32
    %broadcast_in_dim3A_28 = vector.broadcast %broadcast_in_dim3A_27 : f32 to vector<16xf32>
    %swap3A_29 = arith.constant 96 : index
    %swap3A_30 = tpu.vector_load %arg9[%swap3A_29] {strides = array<i32>} : memref<1280xf32, #tpu.memory_space<vmem>>, vector<16xf32>,
    tpu.vector_store %arg9[%swap3A_29], %broadcast_in_dim3A_28 {strides = array<i32>} : memref<1280xf32, #tpu.memory_space<vmem>>, vector<16xf32>,
    %broadcast_in_dim3A_31 = arith.constant 0.000000e+00 : f32
    %broadcast_in_dim3A_32 = vector.broadcast %broadcast_in_dim3A_31 : f32 to vector<16xf32>
    %swap3A_33 = arith.constant 112 : index
    %swap3A_34 = tpu.vector_load %arg9[%swap3A_33] {strides = array<i32>} : memref<1280xf32, #tpu.memory_space<vmem>>, vector<16xf32>,
    tpu.vector_store %arg9[%swap3A_33], %broadcast_in_dim3A_32 {strides = array<i32>} : memref<1280xf32, #tpu.memory_space<vmem>>, vector<16xf32>,
    %broadcast_in_dim3A_35 = arith.constant 0.000000e+00 : f32
    %broadcast_in_dim3A_36 = vector.broadcast %broadcast_in_dim3A_35 : f32 to vector<16xf32>
    %swap3A_37 = arith.constant 128 : index
    %swap3A_38 = tpu.vector_load %arg9[%swap3A_37] {strides = array<i32>} : memref<1280xf32, #tpu.memory_space<vmem>>, vector<16xf32>,
    tpu.vector_store %arg9[%swap3A_37], %broadcast_in_dim3A_36 {strides = array<i32>} : memref<1280xf32, #tpu.memory_space<vmem>>, vector<16xf32>,
    %broadcast_in_dim3A_39 = arith.constant 0.000000e+00 : f32
    %broadcast_in_dim3A_40 = vector.broadcast %broadcast_in_dim3A_39 : f32 to vector<16xf32>
    %swap3A_41 = arith.constant 144 : index
    %swap3A_42 = tpu.vector_load %arg9[%swap3A_41] {strides = array<i32>} : memref<1280xf32, #tpu.memory_space<vmem>>, vector<16xf32>,
    tpu.vector_store %arg9[%swap3A_41], %broadcast_in_dim3A_40 {strides = array<i32>} : memref<1280xf32, #tpu.memory_space<vmem>>, vector<16xf32>,
    %broadcast_in_dim3A_43 = arith.constant 0.000000e+00 : f32
    %broadcast_in_dim3A_44 = vector.broadcast %broadcast_in_dim3A_43 : f32 to vector<16xf32>
    %swap3A_45 = arith.constant 160 : index
    %swap3A_46 = tpu.vector_load %arg9[%swap3A_45] {strides = array<i32>} : memref<1280xf32, #tpu.memory_space<vmem>>, vector<16xf32>,
    tpu.vector_store %arg9[%swap3A_45], %broadcast_in_dim3A_44 {strides = array<i32>} : memref<1280xf32, #tpu.memory_space<vmem>>, vector<16xf32>,
    %broadcast_in_dim3A_47 = arith.constant 0.000000e+00 : f32
    %broadcast_in_dim3A_48 = vector.broadcast %broadcast_in_dim3A_47 : f32 to vector<16xf32>
    %swap3A_49 = arith.constant 176 : index
    %swap3A_50 = tpu.vector_load %arg9[%swap3A_49] {strides = array<i32>} : memref<1280xf32, #tpu.memory_space<vmem>>, vector<16xf32>,
    tpu.vector_store %arg9[%swap3A_49], %broadcast_in_dim3A_48 {strides = array<i32>} : memref<1280xf32, #tpu.memory_space<vmem>>, vector<16xf32>,
    %broadcast_in_dim3A_51 = arith.constant 0.000000e+00 : f32
    %broadcast_in_dim3A_52 = vector.broadcast %broadcast_in_dim3A_51 : f32 to vector<16xf32>
    %swap3A_53 = arith.constant 192 : index
    %swap3A_54 = tpu.vector_load %arg9[%swap3A_53] {strides = array<i32>} : memref<1280xf32, #tpu.memory_space<vmem>>, vector<16xf32>,
    tpu.vector_store %arg9[%swap3A_53], %broadcast_in_dim3A_52 {strides = array<i32>} : memref<1280xf32, #tpu.memory_space<vmem>>, vector<16xf32>,
    %broadcast_in_dim3A_55 = arith.constant 0.000000e+00 : f32
    %broadcast_in_dim3A_56 = vector.broadcast %broadcast_in_dim3A_55 : f32 to vector<16xf32>
    %swap3A_57 = arith.constant 208 : index
    %swap3A_58 = tpu.vector_load %arg9[%swap3A_57] {strides = array<i32>} : memref<1280xf32, #tpu.memory_space<vmem>>, vector<16xf32>,
    tpu.vector_store %arg9[%swap3A_57], %broadcast_in_dim3A_56 {strides = array<i32>} : memref<1280xf32, #tpu.memory_space<vmem>>, vector<16xf32>,
    %broadcast_in_dim3A_59 = arith.constant 0.000000e+00 : f32
    %broadcast_in_dim3A_60 = vector.broadcast %broadcast_in_dim3A_59 : f32 to vector<16xf32>
    %swap3A_61 = arith.constant 224 : index
    %swap3A_62 = tpu.vector_load %arg9[%swap3A_61] {strides = array<i32>} : memref<1280xf32, #tpu.memory_space<vmem>>, vector<16xf32>,
    tpu.vector_store %arg9[%swap3A_61], %broadcast_in_dim3A_60 {strides = array<i32>} : memref<1280xf32, #tpu.memory_space<vmem>>, vector<16xf32>,
    %broadcast_in_dim3A_63 = arith.constant 0.000000e+00 : f32
    %broadcast_in_dim3A_64 = vector.broadcast %broadcast_in_dim3A_63 : f32 to vector<16xf32>
    %swap3A_65 = arith.constant 240 : index
    %swap3A_66 = tpu.vector_load %arg9[%swap3A_65] {strides = array<i32>} : memref<1280xf32, #tpu.memory_space<vmem>>, vector<16xf32>,
    tpu.vector_store %arg9[%swap3A_65], %broadcast_in_dim3A_64 {strides = array<i32>} : memref<1280xf32, #tpu.memory_space<vmem>>, vector<16xf32>,
    %broadcast_in_dim3A_67 = arith.constant 0.000000e+00 : f32
    %broadcast_in_dim3A_68 = vector.broadcast %broadcast_in_dim3A_67 : f32 to vector<16xf32>
    %swap3A_69 = arith.constant 256 : index
    %swap3A_70 = tpu.vector_load %arg9[%swap3A_69] {strides = array<i32>} : memref<1280xf32, #tpu.memory_space<vmem>>, vector<16xf32>,
    tpu.vector_store %arg9[%swap3A_69], %broadcast_in_dim3A_68 {strides = array<i32>} : memref<1280xf32, #tpu.memory_space<vmem>>, vector<16xf32>,
    %broadcast_in_dim3A_71 = arith.constant 0.000000e+00 : f32
    %broadcast_in_dim3A_72 = vector.broadcast %broadcast_in_dim3A_71 : f32 to vector<16xf32>
    %swap3A_73 = arith.constant 272 : index
    %swap3A_74 = tpu.vector_load %arg9[%swap3A_73] {strides = array<i32>} : memref<1280xf32, #tpu.memory_space<vmem>>, vector<16xf32>,
    tpu.vector_store %arg9[%swap3A_73], %broadcast_in_dim3A_72 {strides = array<i32>} : memref<1280xf32, #tpu.memory_space<vmem>>, vector<16xf32>,
    %broadcast_in_dim3A_75 = arith.constant 0.000000e+00 : f32
    %broadcast_in_dim3A_76 = vector.broadcast %broadcast_in_dim3A_75 : f32 to vector<16xf32>
    %swap3A_77 = arith.constant 288 : index
    %swap3A_78 = tpu.vector_load %arg9[%swap3A_77] {strides = array<i32>} : memref<1280xf32, #tpu.memory_space<vmem>>, vector<16xf32>,
    tpu.vector_store %arg9[%swap3A_77], %broadcast_in_dim3A_76 {strides = array<i32>} : memref<1280xf32, #tpu.memory_space<vmem>>, vector<16xf32>,
    %broadcast_in_dim3A_79 = arith.constant 0.000000e+00 : f32
    %broadcast_in_dim3A_80 = vector.broadcast %broadcast_in_dim3A_79 : f32 to vector<16xf32>
    %swap3A_81 = arith.constant 304 : index
    %swap3A_82 = tpu.vector_load %arg9[%swap3A_81] {strides = array<i32>} : memref<1280xf32, #tpu.memory_space<vmem>>, vector<16xf32>,
    tpu.vector_store %arg9[%swap3A_81], %broadcast_in_dim3A_80 {strides = array<i32>} : memref<1280xf32, #tpu.memory_space<vmem>>, vector<16xf32>,
    %broadcast_in_dim3A_83 = arith.constant 0.000000e+00 : f32
    %broadcast_in_dim3A_84 = vector.broadcast %broadcast_in_dim3A_83 : f32 to vector<16xf32>
    %swap3A_85 = arith.constant 320 : index
    %swap3A_86 = tpu.vector_load %arg9[%swap3A_85] {strides = array<i32>} : memref<1280xf32, #tpu.memory_space<vmem>>, vector<16xf32>,
    tpu.vector_store %arg9[%swap3A_85], %broadcast_in_dim3A_84 {strides = array<i32>} : memref<1280xf32, #tpu.memory_space<vmem>>, vector<16xf32>,
    %broadcast_in_dim3A_87 = arith.constant 0.000000e+00 : f32
    %broadcast_in_dim3A_88 = vector.broadcast %broadcast_in_dim3A_87 : f32 to vector<16xf32>
    %swap3A_89 = arith.constant 336 : index
    %swap3A_90 = tpu.vector_load %arg9[%swap3A_89] {strides = array<i32>} : memref<1280xf32, #tpu.memory_space<vmem>>, vector<16xf32>,
    tpu.vector_store %arg9[%swap3A_89], %broadcast_in_dim3A_88 {strides = array<i32>} : memref<1280xf32, #tpu.memory_space<vmem>>, vector<16xf32>,
    %broadcast_in_dim3A_91 = arith.constant 0.000000e+00 : f32
    %broadcast_in_dim3A_92 = vector.broadcast %broadcast_in_dim3A_91 : f32 to vector<16xf32>
    %swap3A_93 = arith.constant 352 : index
    %swap3A_94 = tpu.vector_load %arg9[%swap3A_93] {strides = array<i32>} : memref<1280xf32, #tpu.memory_space<vmem>>, vector<16xf32>,
    tpu.vector_store %arg9[%swap3A_93], %broadcast_in_dim3A_92 {strides = array<i32>} : memref<1280xf32, #tpu.memory_space<vmem>>, vector<16xf32>,
    %broadcast_in_dim3A_95 = arith.constant 0.000000e+00 : f32
    %broadcast_in_dim3A_96 = vector.broadcast %broadcast_in_dim3A_95 : f32 to vector<16xf32>
    %swap3A_97 = arith.constant 368 : index
    %swap3A_98 = tpu.vector_load %arg9[%swap3A_97] {strides = array<i32>} : memref<1280xf32, #tpu.memory_space<vmem>>, vector<16xf32>,
    tpu.vector_store %arg9[%swap3A_97], %broadcast_in_dim3A_96 {strides = array<i32>} : memref<1280xf32, #tpu.memory_space<vmem>>, vector<16xf32>,
    %broadcast_in_dim3A_99 = arith.constant 0.000000e+00 : f32
    %broadcast_in_dim3A_100 = vector.broadcast %broadcast_in_dim3A_99 : f32 to vector<16xf32>
    %swap3A_101 = arith.constant 384 : index
    %swap3A_102 = tpu.vector_load %arg9[%swap3A_101] {strides = array<i32>} : memref<1280xf32, #tpu.memory_space<vmem>>, vector<16xf32>,
    tpu.vector_store %arg9[%swap3A_101], %broadcast_in_dim3A_100 {strides = array<i32>} : memref<1280xf32, #tpu.memory_space<vmem>>, vector<16xf32>,
    %broadcast_in_dim3A_103 = arith.constant 0.000000e+00 : f32
    %broadcast_in_dim3A_104 = vector.broadcast %broadcast_in_dim3A_103 : f32 to vector<16xf32>
    %swap3A_105 = arith.constant 400 : index
    %swap3A_106 = tpu.vector_load %arg9[%swap3A_105] {strides = array<i32>} : memref<1280xf32, #tpu.memory_space<vmem>>, vector<16xf32>,
    tpu.vector_store %arg9[%swap3A_105], %broadcast_in_dim3A_104 {strides = array<i32>} : memref<1280xf32, #tpu.memory_space<vmem>>, vector<16xf32>,
    %broadcast_in_dim3A_107 = arith.constant 0.000000e+00 : f32
    %broadcast_in_dim3A_108 = vector.broadcast %broadcast_in_dim3A_107 : f32 to vector<16xf32>
    %swap3A_109 = arith.constant 416 : index
    %swap3A_110 = tpu.vector_load %arg9[%swap3A_109] {strides = array<i32>} : memref<1280xf32, #tpu.memory_space<vmem>>, vector<16xf32>,
    tpu.vector_store %arg9[%swap3A_109], %broadcast_in_dim3A_108 {strides = array<i32>} : memref<1280xf32, #tpu.memory_space<vmem>>, vector<16xf32>,
    %broadcast_in_dim3A_111 = arith.constant 0.000000e+00 : f32
    %broadcast_in_dim3A_112 = vector.broadcast %broadcast_in_dim3A_111 : f32 to vector<16xf32>
    %swap3A_113 = arith.constant 432 : index
    %swap3A_114 = tpu.vector_load %arg9[%swap3A_113] {strides = array<i32>} : memref<1280xf32, #tpu.memory_space<vmem>>, vector<16xf32>,
    tpu.vector_store %arg9[%swap3A_113], %broadcast_in_dim3A_112 {strides = array<i32>} : memref<1280xf32, #tpu.memory_space<vmem>>, vector<16xf32>,
    %broadcast_in_dim3A_115 = arith.constant 0.000000e+00 : f32
    %broadcast_in_dim3A_116 = vector.broadcast %broadcast_in_dim3A_115 : f32 to vector<16xf32>
    %swap3A_117 = arith.constant 448 : index
    %swap3A_118 = tpu.vector_load %arg9[%swap3A_117] {strides = array<i32>} : memref<1280xf32, #tpu.memory_space<vmem>>, vector<16xf32>,
    tpu.vector_store %arg9[%swap3A_117], %broadcast_in_dim3A_116 {strides = array<i32>} : memref<1280xf32, #tpu.memory_space<vmem>>, vector<16xf32>,
    %broadcast_in_dim3A_119 = arith.constant 0.000000e+00 : f32
    %broadcast_in_dim3A_120 = vector.broadcast %broadcast_in_dim3A_119 : f32 to vector<16xf32>
    %swap3A_121 = arith.constant 464 : index
    %swap3A_122 = tpu.vector_load %arg9[%swap3A_121] {strides = array<i32>} : memref<1280xf32, #tpu.memory_space<vmem>>, vector<16xf32>,
    tpu.vector_store %arg9[%swap3A_121], %broadcast_in_dim3A_120 {strides = array<i32>} : memref<1280xf32, #tpu.memory_space<vmem>>, vector<16xf32>,
    %broadcast_in_dim3A_123 = arith.constant 0.000000e+00 : f32
    %broadcast_in_dim3A_124 = vector.broadcast %broadcast_in_dim3A_123 : f32 to vector<16xf32>
    %swap3A_125 = arith.constant 480 : index
    %swap3A_126 = tpu.vector_load %arg9[%swap3A_125] {strides = array<i32>} : memref<1280xf32, #tpu.memory_space<vmem>>, vector<16xf32>,
    tpu.vector_store %arg9[%swap3A_125], %broadcast_in_dim3A_124 {strides = array<i32>} : memref<1280xf32, #tpu.memory_space<vmem>>, vector<16xf32>,
    %broadcast_in_dim3A_127 = arith.constant 0.000000e+00 : f32
    %broadcast_in_dim3A_128 = vector.broadcast %broadcast_in_dim3A_127 : f32 to vector<16xf32>
    %swap3A_129 = arith.constant 496 : index
    %swap3A_130 = tpu.vector_load %arg9[%swap3A_129] {strides = array<i32>} : memref<1280xf32, #tpu.memory_space<vmem>>, vector<16xf32>,
    tpu.vector_store %arg9[%swap3A_129], %broadcast_in_dim3A_128 {strides = array<i32>} : memref<1280xf32, #tpu.memory_space<vmem>>, vector<16xf32>,
    %broadcast_in_dim3A_131 = arith.constant 0.000000e+00 : f32
    %broadcast_in_dim3A_132 = vector.broadcast %broadcast_in_dim3A_131 : f32 to vector<16xf32>
    %swap3A_133 = arith.constant 512 : index
    %swap3A_134 = tpu.vector_load %arg9[%swap3A_133] {strides = array<i32>} : memref<1280xf32, #tpu.memory_space<vmem>>, vector<16xf32>,
    tpu.vector_store %arg9[%swap3A_133], %broadcast_in_dim3A_132 {strides = array<i32>} : memref<1280xf32, #tpu.memory_space<vmem>>, vector<16xf32>,
    %broadcast_in_dim3A_135 = arith.constant 0.000000e+00 : f32
    %broadcast_in_dim3A_136 = vector.broadcast %broadcast_in_dim3A_135 : f32 to vector<16xf32>
    %swap3A_137 = arith.constant 528 : index
    %swap3A_138 = tpu.vector_load %arg9[%swap3A_137] {strides = array<i32>} : memref<1280xf32, #tpu.memory_space<vmem>>, vector<16xf32>,
    tpu.vector_store %arg9[%swap3A_137], %broadcast_in_dim3A_136 {strides = array<i32>} : memref<1280xf32, #tpu.memory_space<vmem>>, vector<16xf32>,
    %broadcast_in_dim3A_139 = arith.constant 0.000000e+00 : f32
    %broadcast_in_dim3A_140 = vector.broadcast %broadcast_in_dim3A_139 : f32 to vector<16xf32>
    %swap3A_141 = arith.constant 544 : index
    %swap3A_142 = tpu.vector_load %arg9[%swap3A_141] {strides = array<i32>} : memref<1280xf32, #tpu.memory_space<vmem>>, vector<16xf32>,
    tpu.vector_store %arg9[%swap3A_141], %broadcast_in_dim3A_140 {strides = array<i32>} : memref<1280xf32, #tpu.memory_space<vmem>>, vector<16xf32>,
    %broadcast_in_dim3A_143 = arith.constant 0.000000e+00 : f32
    %broadcast_in_dim3A_144 = vector.broadcast %broadcast_in_dim3A_143 : f32 to vector<16xf32>
    %swap3A_145 = arith.constant 560 : index
    %swap3A_146 = tpu.vector_load %arg9[%swap3A_145] {strides = array<i32>} : memref<1280xf32, #tpu.memory_space<vmem>>, vector<16xf32>,
    tpu.vector_store %arg9[%swap3A_145], %broadcast_in_dim3A_144 {strides = array<i32>} : memref<1280xf32, #tpu.memory_space<vmem>>, vector<16xf32>,
    %broadcast_in_dim3A_147 = arith.constant 0.000000e+00 : f32
    %broadcast_in_dim3A_148 = vector.broadcast %broadcast_in_dim3A_147 : f32 to vector<16xf32>
    %swap3A_149 = arith.constant 576 : index
    %swap3A_150 = tpu.vector_load %arg9[%swap3A_149] {strides = array<i32>} : memref<1280xf32, #tpu.memory_space<vmem>>, vector<16xf32>,
    tpu.vector_store %arg9[%swap3A_149], %broadcast_in_dim3A_148 {strides = array<i32>} : memref<1280xf32, #tpu.memory_space<vmem>>, vector<16xf32>,
    %broadcast_in_dim3A_151 = arith.constant 0.000000e+00 : f32
    %broadcast_in_dim3A_152 = vector.broadcast %broadcast_in_dim3A_151 : f32 to vector<16xf32>
    %swap3A_153 = arith.constant 592 : index
    %swap3A_154 = tpu.vector_load %arg9[%swap3A_153] {strides = array<i32>} : memref<1280xf32, #tpu.memory_space<vmem>>, vector<16xf32>,
    tpu.vector_store %arg9[%swap3A_153], %broadcast_in_dim3A_152 {strides = array<i32>} : memref<1280xf32, #tpu.memory_space<vmem>>, vector<16xf32>,
    %broadcast_in_dim3A_155 = arith.constant 0.000000e+00 : f32
    %broadcast_in_dim3A_156 = vector.broadcast %broadcast_in_dim3A_155 : f32 to vector<16xf32>
    %swap3A_157 = arith.constant 608 : index
    %swap3A_158 = tpu.vector_load %arg9[%swap3A_157] {strides = array<i32>} : memref<1280xf32, #tpu.memory_space<vmem>>, vector<16xf32>,
    tpu.vector_store %arg9[%swap3A_157], %broadcast_in_dim3A_156 {strides = array<i32>} : memref<1280xf32, #tpu.memory_space<vmem>>, vector<16xf32>,
    %broadcast_in_dim3A_159 = arith.constant 0.000000e+00 : f32
    %broadcast_in_dim3A_160 = vector.broadcast %broadcast_in_dim3A_159 : f32 to vector<16xf32>
    %swap3A_161 = arith.constant 624 : index
    %swap3A_162 = tpu.vector_load %arg9[%swap3A_161] {strides = array<i32>} : memref<1280xf32, #tpu.memory_space<vmem>>, vector<16xf32>,
    tpu.vector_store %arg9[%swap3A_161], %broadcast_in_dim3A_160 {strides = array<i32>} : memref<1280xf32, #tpu.memory_space<vmem>>, vector<16xf32>,
    %broadcast_in_dim3A_163 = arith.constant 0.000000e+00 : f32
    %broadcast_in_dim3A_164 = vector.broadcast %broadcast_in_dim3A_163 : f32 to vector<16xf32>
    %swap3A_165 = arith.constant 640 : index
    %swap3A_166 = tpu.vector_load %arg9[%swap3A_165] {strides = array<i32>} : memref<1280xf32, #tpu.memory_space<vmem>>, vector<16xf32>,
    tpu.vector_store %arg9[%swap3A_165], %broadcast_in_dim3A_164 {strides = array<i32>} : memref<1280xf32, #tpu.memory_space<vmem>>, vector<16xf32>,
    %broadcast_in_dim3A_167 = arith.constant 0.000000e+00 : f32
    %broadcast_in_dim3A_168 = vector.broadcast %broadcast_in_dim3A_167 : f32 to vector<16xf32>
    %swap3A_169 = arith.constant 656 : index
    %swap3A_170 = tpu.vector_load %arg9[%swap3A_169] {strides = array<i32>} : memref<1280xf32, #tpu.memory_space<vmem>>, vector<16xf32>,
    tpu.vector_store %arg9[%swap3A_169], %broadcast_in_dim3A_168 {strides = array<i32>} : memref<1280xf32, #tpu.memory_space<vmem>>, vector<16xf32>,
    %broadcast_in_dim3A_171 = arith.constant 0.000000e+00 : f32
    %broadcast_in_dim3A_172 = vector.broadcast %broadcast_in_dim3A_171 : f32 to vector<16xf32>
    %swap3A_173 = arith.constant 672 : index
    %swap3A_174 = tpu.vector_load %arg9[%swap3A_173] {strides = array<i32>} : memref<1280xf32, #tpu.memory_space<vmem>>, vector<16xf32>,
    tpu.vector_store %arg9[%swap3A_173], %broadcast_in_dim3A_172 {strides = array<i32>} : memref<1280xf32, #tpu.memory_space<vmem>>, vector<16xf32>,
    %broadcast_in_dim3A_175 = arith.constant 0.000000e+00 : f32
    %broadcast_in_dim3A_176 = vector.broadcast %broadcast_in_dim3A_175 : f32 to vector<16xf32>
    %swap3A_177 = arith.constant 688 : index
    %swap3A_178 = tpu.vector_load %arg9[%swap3A_177] {strides = array<i32>} : memref<1280xf32, #tpu.memory_space<vmem>>, vector<16xf32>,
    tpu.vector_store %arg9[%swap3A_177], %broadcast_in_dim3A_176 {strides = array<i32>} : memref<1280xf32, #tpu.memory_space<vmem>>, vector<16xf32>,
    %broadcast_in_dim3A_179 = arith.constant 0.000000e+00 : f32
    %broadcast_in_dim3A_180 = vector.broadcast %broadcast_in_dim3A_179 : f32 to vector<16xf32>
    %swap3A_181 = arith.constant 704 : index
    %swap3A_182 = tpu.vector_load %arg9[%swap3A_181] {strides = array<i32>} : memref<1280xf32, #tpu.memory_space<vmem>>, vector<16xf32>,
    tpu.vector_store %arg9[%swap3A_181], %broadcast_in_dim3A_180 {strides = array<i32>} : memref<1280xf32, #tpu.memory_space<vmem>>, vector<16xf32>,
    %broadcast_in_dim3A_183 = arith.constant 0.000000e+00 : f32
    %broadcast_in_dim3A_184 = vector.broadcast %broadcast_in_dim3A_183 : f32 to vector<16xf32>
    %swap3A_185 = arith.constant 720 : index
    %swap3A_186 = tpu.vector_load %arg9[%swap3A_185] {strides = array<i32>} : memref<1280xf32, #tpu.memory_space<vmem>>, vector<16xf32>,
    tpu.vector_store %arg9[%swap3A_185], %broadcast_in_dim3A_184 {strides = array<i32>} : memref<1280xf32, #tpu.memory_space<vmem>>, vector<16xf32>,
    %broadcast_in_dim3A_187 = arith.constant 0.000000e+00 : f32
    %broadcast_in_dim3A_188 = vector.broadcast %broadcast_in_dim3A_187 : f32 to vector<16xf32>
    %swap3A_189 = arith.constant 736 : index
    %swap3A_190 = tpu.vector_load %arg9[%swap3A_189] {strides = array<i32>} : memref<1280xf32, #tpu.memory_space<vmem>>, vector<16xf32>,
    tpu.vector_store %arg9[%swap3A_189], %broadcast_in_dim3A_188 {strides = array<i32>} : memref<1280xf32, #tpu.memory_space<vmem>>, vector<16xf32>,
    %broadcast_in_dim3A_191 = arith.constant 0.000000e+00 : f32
    %broadcast_in_dim3A_192 = vector.broadcast %broadcast_in_dim3A_191 : f32 to vector<16xf32>
    %swap3A_193 = arith.constant 752 : index
    %swap3A_194 = tpu.vector_load %arg9[%swap3A_193] {strides = array<i32>} : memref<1280xf32, #tpu.memory_space<vmem>>, vector<16xf32>,
    tpu.vector_store %arg9[%swap3A_193], %broadcast_in_dim3A_192 {strides = array<i32>} : memref<1280xf32, #tpu.memory_space<vmem>>, vector<16xf32>,
    %broadcast_in_dim3A_195 = arith.constant 0.000000e+00 : f32
    %broadcast_in_dim3A_196 = vector.broadcast %broadcast_in_dim3A_195 : f32 to vector<16xf32>
    %swap3A_197 = arith.constant 768 : index
    %swap3A_198 = tpu.vector_load %arg9[%swap3A_197] {strides = array<i32>} : memref<1280xf32, #tpu.memory_space<vmem>>, vector<16xf32>,
    tpu.vector_store %arg9[%swap3A_197], %broadcast_in_dim3A_196 {strides = array<i32>} : memref<1280xf32, #tpu.memory_space<vmem>>, vector<16xf32>,
    %broadcast_in_dim3A_199 = arith.constant 0.000000e+00 : f32
    %broadcast_in_dim3A_200 = vector.broadcast %broadcast_in_dim3A_199 : f32 to vector<16xf32>
    %swap3A_201 = arith.constant 784 : index
    %swap3A_202 = tpu.vector_load %arg9[%swap3A_201] {strides = array<i32>} : memref<1280xf32, #tpu.memory_space<vmem>>, vector<16xf32>,
    tpu.vector_store %arg9[%swap3A_201], %broadcast_in_dim3A_200 {strides = array<i32>} : memref<1280xf32, #tpu.memory_space<vmem>>, vector<16xf32>,
    %broadcast_in_dim3A_203 = arith.constant 0.000000e+00 : f32
    %broadcast_in_dim3A_204 = vector.broadcast %broadcast_in_dim3A_203 : f32 to vector<16xf32>
    %swap3A_205 = arith.constant 800 : index
    %swap3A_206 = tpu.vector_load %arg9[%swap3A_205] {strides = array<i32>} : memref<1280xf32, #tpu.memory_space<vmem>>, vector<16xf32>,
    tpu.vector_store %arg9[%swap3A_205], %broadcast_in_dim3A_204 {strides = array<i32>} : memref<1280xf32, #tpu.memory_space<vmem>>, vector<16xf32>,
    %broadcast_in_dim3A_207 = arith.constant 0.000000e+00 : f32
    %broadcast_in_dim3A_208 = vector.broadcast %broadcast_in_dim3A_207 : f32 to vector<16xf32>
    %swap3A_209 = arith.constant 816 : index
    %swap3A_210 = tpu.vector_load %arg9[%swap3A_209] {strides = array<i32>} : memref<1280xf32, #tpu.memory_space<vmem>>, vector<16xf32>,
    tpu.vector_store %arg9[%swap3A_209], %broadcast_in_dim3A_208 {strides = array<i32>} : memref<1280xf32, #tpu.memory_space<vmem>>, vector<16xf32>,
    %broadcast_in_dim3A_211 = arith.constant 0.000000e+00 : f32
    %broadcast_in_dim3A_212 = vector.broadcast %broadcast_in_dim3A_211 : f32 to vector<16xf32>
    %swap3A_213 = arith.constant 832 : index
    %swap3A_214 = tpu.vector_load %arg9[%swap3A_213] {strides = array<i32>} : memref<1280xf32, #tpu.memory_space<vmem>>, vector<16xf32>,
    tpu.vector_store %arg9[%swap3A_213], %broadcast_in_dim3A_212 {strides = array<i32>} : memref<1280xf32, #tpu.memory_space<vmem>>, vector<16xf32>,
    %broadcast_in_dim3A_215 = arith.constant 0.000000e+00 : f32
    %broadcast_in_dim3A_216 = vector.broadcast %broadcast_in_dim3A_215 : f32 to vector<16xf32>
    %swap3A_217 = arith.constant 848 : index
    %swap3A_218 = tpu.vector_load %arg9[%swap3A_217] {strides = array<i32>} : memref<1280xf32, #tpu.memory_space<vmem>>, vector<16xf32>,
    tpu.vector_store %arg9[%swap3A_217], %broadcast_in_dim3A_216 {strides = array<i32>} : memref<1280xf32, #tpu.memory_space<vmem>>, vector<16xf32>,
    %broadcast_in_dim3A_219 = arith.constant 0.000000e+00 : f32
    %broadcast_in_dim3A_220 = vector.broadcast %broadcast_in_dim3A_219 : f32 to vector<16xf32>
    %swap3A_221 = arith.constant 864 : index
    %swap3A_222 = tpu.vector_load %arg9[%swap3A_221] {strides = array<i32>} : memref<1280xf32, #tpu.memory_space<vmem>>, vector<16xf32>,
    tpu.vector_store %arg9[%swap3A_221], %broadcast_in_dim3A_220 {strides = array<i32>} : memref<1280xf32, #tpu.memory_space<vmem>>, vector<16xf32>,
    %broadcast_in_dim3A_223 = arith.constant 0.000000e+00 : f32
    %broadcast_in_dim3A_224 = vector.broadcast %broadcast_in_dim3A_223 : f32 to vector<16xf32>
    %swap3A_225 = arith.constant 880 : index
    %swap3A_226 = tpu.vector_load %arg9[%swap3A_225] {strides = array<i32>} : memref<1280xf32, #tpu.memory_space<vmem>>, vector<16xf32>,
    tpu.vector_store %arg9[%swap3A_225], %broadcast_in_dim3A_224 {strides = array<i32>} : memref<1280xf32, #tpu.memory_space<vmem>>, vector<16xf32>,
    %broadcast_in_dim3A_227 = arith.constant 0.000000e+00 : f32
    %broadcast_in_dim3A_228 = vector.broadcast %broadcast_in_dim3A_227 : f32 to vector<16xf32>
    %swap3A_229 = arith.constant 896 : index
    %swap3A_230 = tpu.vector_load %arg9[%swap3A_229] {strides = array<i32>} : memref<1280xf32, #tpu.memory_space<vmem>>, vector<16xf32>,
    tpu.vector_store %arg9[%swap3A_229], %broadcast_in_dim3A_228 {strides = array<i32>} : memref<1280xf32, #tpu.memory_space<vmem>>, vector<16xf32>,
    %broadcast_in_dim3A_231 = arith.constant 0.000000e+00 : f32
    %broadcast_in_dim3A_232 = vector.broadcast %broadcast_in_dim3A_231 : f32 to vector<16xf32>
    %swap3A_233 = arith.constant 912 : index
    %swap3A_234 = tpu.vector_load %arg9[%swap3A_233] {strides = array<i32>} : memref<1280xf32, #tpu.memory_space<vmem>>, vector<16xf32>,
    tpu.vector_store %arg9[%swap3A_233], %broadcast_in_dim3A_232 {strides = array<i32>} : memref<1280xf32, #tpu.memory_space<vmem>>, vector<16xf32>,
    %broadcast_in_dim3A_235 = arith.constant 0.000000e+00 : f32
    %broadcast_in_dim3A_236 = vector.broadcast %broadcast_in_dim3A_235 : f32 to vector<16xf32>
    %swap3A_237 = arith.constant 928 : index
    %swap3A_238 = tpu.vector_load %arg9[%swap3A_237] {strides = array<i32>} : memref<1280xf32, #tpu.memory_space<vmem>>, vector<16xf32>,
    tpu.vector_store %arg9[%swap3A_237], %broadcast_in_dim3A_236 {strides = array<i32>} : memref<1280xf32, #tpu.memory_space<vmem>>, vector<16xf32>,
    %broadcast_in_dim3A_239 = arith.constant 0.000000e+00 : f32
    %broadcast_in_dim3A_240 = vector.broadcast %broadcast_in_dim3A_239 : f32 to vector<16xf32>
    %swap3A_241 = arith.constant 944 : index
    %swap3A_242 = tpu.vector_load %arg9[%swap3A_241] {strides = array<i32>} : memref<1280xf32, #tpu.memory_space<vmem>>, vector<16xf32>,
    tpu.vector_store %arg9[%swap3A_241], %broadcast_in_dim3A_240 {strides = array<i32>} : memref<1280xf32, #tpu.memory_space<vmem>>, vector<16xf32>,
    %broadcast_in_dim3A_243 = arith.constant 0.000000e+00 : f32
    %broadcast_in_dim3A_244 = vector.broadcast %broadcast_in_dim3A_243 : f32 to vector<16xf32>
    %swap3A_245 = arith.constant 960 : index
    %swap3A_246 = tpu.vector_load %arg9[%swap3A_245] {strides = array<i32>} : memref<1280xf32, #tpu.memory_space<vmem>>, vector<16xf32>,
    tpu.vector_store %arg9[%swap3A_245], %broadcast_in_dim3A_244 {strides = array<i32>} : memref<1280xf32, #tpu.memory_space<vmem>>, vector<16xf32>,
    %broadcast_in_dim3A_247 = arith.constant 0.000000e+00 : f32
    %broadcast_in_dim3A_248 = vector.broadcast %broadcast_in_dim3A_247 : f32 to vector<16xf32>
    %swap3A_249 = arith.constant 976 : index
    %swap3A_250 = tpu.vector_load %arg9[%swap3A_249] {strides = array<i32>} : memref<1280xf32, #tpu.memory_space<vmem>>, vector<16xf32>,
    tpu.vector_store %arg9[%swap3A_249], %broadcast_in_dim3A_248 {strides = array<i32>} : memref<1280xf32, #tpu.memory_space<vmem>>, vector<16xf32>,
    %broadcast_in_dim3A_251 = arith.constant 0.000000e+00 : f32
    %broadcast_in_dim3A_252 = vector.broadcast %broadcast_in_dim3A_251 : f32 to vector<16xf32>
    %swap3A_253 = arith.constant 992 : index
    %swap3A_254 = tpu.vector_load %arg9[%swap3A_253] {strides = array<i32>} : memref<1280xf32, #tpu.memory_space<vmem>>, vector<16xf32>,
    tpu.vector_store %arg9[%swap3A_253], %broadcast_in_dim3A_252 {strides = array<i32>} : memref<1280xf32, #tpu.memory_space<vmem>>, vector<16xf32>,
    %broadcast_in_dim3A_255 = arith.constant 0.000000e+00 : f32
    %broadcast_in_dim3A_256 = vector.broadcast %broadcast_in_dim3A_255 : f32 to vector<16xf32>
    %swap3A_257 = arith.constant 1008 : index
    %swap3A_258 = tpu.vector_load %arg9[%swap3A_257] {strides = array<i32>} : memref<1280xf32, #tpu.memory_space<vmem>>, vector<16xf32>,
    tpu.vector_store %arg9[%swap3A_257], %broadcast_in_dim3A_256 {strides = array<i32>} : memref<1280xf32, #tpu.memory_space<vmem>>, vector<16xf32>,
    %broadcast_in_dim3A_259 = arith.constant 0.000000e+00 : f32
    %broadcast_in_dim3A_260 = vector.broadcast %broadcast_in_dim3A_259 : f32 to vector<16xf32>
    %swap3A_261 = arith.constant 1024 : index
    %swap3A_262 = tpu.vector_load %arg9[%swap3A_261] {strides = array<i32>} : memref<1280xf32, #tpu.memory_space<vmem>>, vector<16xf32>,
    tpu.vector_store %arg9[%swap3A_261], %broadcast_in_dim3A_260 {strides = array<i32>} : memref<1280xf32, #tpu.memory_space<vmem>>, vector<16xf32>,
    %broadcast_in_dim3A_263 = arith.constant 0.000000e+00 : f32
    %broadcast_in_dim3A_264 = vector.broadcast %broadcast_in_dim3A_263 : f32 to vector<16xf32>
    %swap3A_265 = arith.constant 1040 : index
    %swap3A_266 = tpu.vector_load %arg9[%swap3A_265] {strides = array<i32>} : memref<1280xf32, #tpu.memory_space<vmem>>, vector<16xf32>,
    tpu.vector_store %arg9[%swap3A_265], %broadcast_in_dim3A_264 {strides = array<i32>} : memref<1280xf32, #tpu.memory_space<vmem>>, vector<16xf32>,
    %broadcast_in_dim3A_267 = arith.constant 0.000000e+00 : f32
    %broadcast_in_dim3A_268 = vector.broadcast %broadcast_in_dim3A_267 : f32 to vector<16xf32>
    %swap3A_269 = arith.constant 1056 : index
    %swap3A_270 = tpu.vector_load %arg9[%swap3A_269] {strides = array<i32>} : memref<1280xf32, #tpu.memory_space<vmem>>, vector<16xf32>,
    tpu.vector_store %arg9[%swap3A_269], %broadcast_in_dim3A_268 {strides = array<i32>} : memref<1280xf32, #tpu.memory_space<vmem>>, vector<16xf32>,
    %broadcast_in_dim3A_271 = arith.constant 0.000000e+00 : f32
    %broadcast_in_dim3A_272 = vector.broadcast %broadcast_in_dim3A_271 : f32 to vector<16xf32>
    %swap3A_273 = arith.constant 1072 : index
    %swap3A_274 = tpu.vector_load %arg9[%swap3A_273] {strides = array<i32>} : memref<1280xf32, #tpu.memory_space<vmem>>, vector<16xf32>,
    tpu.vector_store %arg9[%swap3A_273], %broadcast_in_dim3A_272 {strides = array<i32>} : memref<1280xf32, #tpu.memory_space<vmem>>, vector<16xf32>,
    %broadcast_in_dim3A_275 = arith.constant 0.000000e+00 : f32
    %broadcast_in_dim3A_276 = vector.broadcast %broadcast_in_dim3A_275 : f32 to vector<16xf32>
    %swap3A_277 = arith.constant 1088 : index
    %swap3A_278 = tpu.vector_load %arg9[%swap3A_277] {strides = array<i32>} : memref<1280xf32, #tpu.memory_space<vmem>>, vector<16xf32>,
    tpu.vector_store %arg9[%swap3A_277], %broadcast_in_dim3A_276 {strides = array<i32>} : memref<1280xf32, #tpu.memory_space<vmem>>, vector<16xf32>,
    %broadcast_in_dim3A_279 = arith.constant 0.000000e+00 : f32
    %broadcast_in_dim3A_280 = vector.broadcast %broadcast_in_dim3A_279 : f32 to vector<16xf32>
    %swap3A_281 = arith.constant 1104 : index
    %swap3A_282 = tpu.vector_load %arg9[%swap3A_281] {strides = array<i32>} : memref<1280xf32, #tpu.memory_space<vmem>>, vector<16xf32>,
    tpu.vector_store %arg9[%swap3A_281], %broadcast_in_dim3A_280 {strides = array<i32>} : memref<1280xf32, #tpu.memory_space<vmem>>, vector<16xf32>,
    %broadcast_in_dim3A_283 = arith.constant 0.000000e+00 : f32
    %broadcast_in_dim3A_284 = vector.broadcast %broadcast_in_dim3A_283 : f32 to vector<16xf32>
    %swap3A_285 = arith.constant 1120 : index
    %swap3A_286 = tpu.vector_load %arg9[%swap3A_285] {strides = array<i32>} : memref<1280xf32, #tpu.memory_space<vmem>>, vector<16xf32>,
    tpu.vector_store %arg9[%swap3A_285], %broadcast_in_dim3A_284 {strides = array<i32>} : memref<1280xf32, #tpu.memory_space<vmem>>, vector<16xf32>,
    %broadcast_in_dim3A_287 = arith.constant 0.000000e+00 : f32
    %broadcast_in_dim3A_288 = vector.broadcast %broadcast_in_dim3A_287 : f32 to vector<16xf32>
    %swap3A_289 = arith.constant 1136 : index
    %swap3A_290 = tpu.vector_load %arg9[%swap3A_289] {strides = array<i32>} : memref<1280xf32, #tpu.memory_space<vmem>>, vector<16xf32>,
    tpu.vector_store %arg9[%swap3A_289], %broadcast_in_dim3A_288 {strides = array<i32>} : memref<1280xf32, #tpu.memory_space<vmem>>, vector<16xf32>,
    %broadcast_in_dim3A_291 = arith.constant 0.000000e+00 : f32
    %broadcast_in_dim3A_292 = vector.broadcast %broadcast_in_dim3A_291 : f32 to vector<16xf32>
    %swap3A_293 = arith.constant 1152 : index
    %swap3A_294 = tpu.vector_load %arg9[%swap3A_293] {strides = array<i32>} : memref<1280xf32, #tpu.memory_space<vmem>>, vector<16xf32>,
    tpu.vector_store %arg9[%swap3A_293], %broadcast_in_dim3A_292 {strides = array<i32>} : memref<1280xf32, #tpu.memory_space<vmem>>, vector<16xf32>,
    %broadcast_in_dim3A_295 = arith.constant 0.000000e+00 : f32
    %broadcast_in_dim3A_296 = vector.broadcast %broadcast_in_dim3A_295 : f32 to vector<16xf32>
    %swap3A_297 = arith.constant 1168 : index
    %swap3A_298 = tpu.vector_load %arg9[%swap3A_297] {strides = array<i32>} : memref<1280xf32, #tpu.memory_space<vmem>>, vector<16xf32>,
    tpu.vector_store %arg9[%swap3A_297], %broadcast_in_dim3A_296 {strides = array<i32>} : memref<1280xf32, #tpu.memory_space<vmem>>, vector<16xf32>,
    %broadcast_in_dim3A_299 = arith.constant 0.000000e+00 : f32
    %broadcast_in_dim3A_300 = vector.broadcast %broadcast_in_dim3A_299 : f32 to vector<16xf32>
    %swap3A_301 = arith.constant 1184 : index
    %swap3A_302 = tpu.vector_load %arg9[%swap3A_301] {strides = array<i32>} : memref<1280xf32, #tpu.memory_space<vmem>>, vector<16xf32>,
    tpu.vector_store %arg9[%swap3A_301], %broadcast_in_dim3A_300 {strides = array<i32>} : memref<1280xf32, #tpu.memory_space<vmem>>, vector<16xf32>,
    %broadcast_in_dim3A_303 = arith.constant 0.000000e+00 : f32
    %broadcast_in_dim3A_304 = vector.broadcast %broadcast_in_dim3A_303 : f32 to vector<16xf32>
    %swap3A_305 = arith.constant 1200 : index
    %swap3A_306 = tpu.vector_load %arg9[%swap3A_305] {strides = array<i32>} : memref<1280xf32, #tpu.memory_space<vmem>>, vector<16xf32>,
    tpu.vector_store %arg9[%swap3A_305], %broadcast_in_dim3A_304 {strides = array<i32>} : memref<1280xf32, #tpu.memory_space<vmem>>, vector<16xf32>,
    %broadcast_in_dim3A_307 = arith.constant 0.000000e+00 : f32
    %broadcast_in_dim3A_308 = vector.broadcast %broadcast_in_dim3A_307 : f32 to vector<16xf32>
    %swap3A_309 = arith.constant 1216 : index
    %swap3A_310 = tpu.vector_load %arg9[%swap3A_309] {strides = array<i32>} : memref<1280xf32, #tpu.memory_space<vmem>>, vector<16xf32>,
    tpu.vector_store %arg9[%swap3A_309], %broadcast_in_dim3A_308 {strides = array<i32>} : memref<1280xf32, #tpu.memory_space<vmem>>, vector<16xf32>,
    %broadcast_in_dim3A_311 = arith.constant 0.000000e+00 : f32
    %broadcast_in_dim3A_312 = vector.broadcast %broadcast_in_dim3A_311 : f32 to vector<16xf32>
    %swap3A_313 = arith.constant 1232 : index
    %swap3A_314 = tpu.vector_load %arg9[%swap3A_313] {strides = array<i32>} : memref<1280xf32, #tpu.memory_space<vmem>>, vector<16xf32>,
    tpu.vector_store %arg9[%swap3A_313], %broadcast_in_dim3A_312 {strides = array<i32>} : memref<1280xf32, #tpu.memory_space<vmem>>, vector<16xf32>,
    %broadcast_in_dim3A_315 = arith.constant 0.000000e+00 : f32
    %broadcast_in_dim3A_316 = vector.broadcast %broadcast_in_dim3A_315 : f32 to vector<16xf32>
    %swap3A_317 = arith.constant 1248 : index
    %swap3A_318 = tpu.vector_load %arg9[%swap3A_317] {strides = array<i32>} : memref<1280xf32, #tpu.memory_space<vmem>>, vector<16xf32>,
    tpu.vector_store %arg9[%swap3A_317], %broadcast_in_dim3A_316 {strides = array<i32>} : memref<1280xf32, #tpu.memory_space<vmem>>, vector<16xf32>,
    %broadcast_in_dim3A_319 = arith.constant 0.000000e+00 : f32
    %broadcast_in_dim3A_320 = vector.broadcast %broadcast_in_dim3A_319 : f32 to vector<16xf32>
    %swap3A_321 = arith.constant 1264 : index
    %swap3A_322 = tpu.vector_load %arg9[%swap3A_321] {strides = array<i32>} : memref<1280xf32, #tpu.memory_space<vmem>>, vector<16xf32>,
    tpu.vector_store %arg9[%swap3A_321], %broadcast_in_dim3A_320 {strides = array<i32>} : memref<1280xf32, #tpu.memory_space<vmem>>, vector<16xf32>,
    %broadcast_in_dim3A_323 = arith.constant 1.000000e+00 : f32
    %broadcast_in_dim3A_324 = vector.broadcast %broadcast_in_dim3A_323 : f32 to vector<16xf32>
    %add3A_325 = arith.constant 0 : i32
    %add3A_326 = arith.addi %add3A_4, %add3A_325 : i32
    %dma_start3A = arith.constant 0 : i32
    %dma_start3A_327 = arith.constant 0 : i32
    %dma_start3A_328 = tpu.memref_slice %arg6[%dma_start3A, %dma_start3A_327] : memref<2x8192xf32, #tpu.memory_space<vmem>> -> memref<1x8192xf32, #tpu.memory_space<vmem>>
    %dma_start3A_329 = tpu.memref_squeeze %dma_start3A_328 : memref<1x8192xf32, #tpu.memory_space<vmem>> -> memref<8192xf32, #tpu.memory_space<vmem>>
    %dma_start3A_330 = tpu.memref_slice %arg2[%add3A_326] : memref<8388608xf32, #tpu.memory_space<hbm>> -> memref<8192xf32, #tpu.memory_space<hbm>>
    %dma_start3A_331 = arith.constant 0 : i32
    %dma_start3A_332 = tpu.memref_slice %arg6[%dma_start3A, %dma_start3A_331] : memref<2x8192xf32, #tpu.memory_space<vmem>> -> memref<1x8192xf32, #tpu.memory_space<vmem>>
    %dma_start3A_333 = tpu.memref_squeeze %dma_start3A_332 : memref<1x8192xf32, #tpu.memory_space<vmem>> -> memref<8192xf32, #tpu.memory_space<vmem>>
    %dma_start3A_334 = tpu.memref_slice %arg2[%add3A_326] : memref<8388608xf32, #tpu.memory_space<hbm>> -> memref<8192xf32, #tpu.memory_space<hbm>>
    tpu.enqueue_dma source(%dma_start3A_334 : memref<8192xf32, #tpu.memory_space<hbm>>) target(%dma_start3A_333 : memref<8192xf32, #tpu.memory_space<vmem>>) target_semaphore(%arg10 : memref<!tpu.dma_semaphore, #tpu.memory_space<semaphore_mem>>)
    %dma_start3A_335 = arith.constant 0 : i32
    %dma_start3A_336 = arith.constant 0 : i32
    %dma_start3A_337 = tpu.memref_slice %arg7[%dma_start3A_335, %dma_start3A_336] : memref<2x8192xi32, #tpu.memory_space<vmem>> -> memref<1x8192xi32, #tpu.memory_space<vmem>>
    %dma_start3A_338 = tpu.memref_squeeze %dma_start3A_337 : memref<1x8192xi32, #tpu.memory_space<vmem>> -> memref<8192xi32, #tpu.memory_space<vmem>>
    %dma_start3A_339 = tpu.memref_slice %arg3[%add3A_326] : memref<8388608xi32, #tpu.memory_space<hbm>> -> memref<8192xi32, #tpu.memory_space<hbm>>
    %dma_start3A_340 = arith.constant 0 : i32
    %dma_start3A_341 = tpu.memref_slice %arg7[%dma_start3A_335, %dma_start3A_340] : memref<2x8192xi32, #tpu.memory_space<vmem>> -> memref<1x8192xi32, #tpu.memory_space<vmem>>
    %dma_start3A_342 = tpu.memref_squeeze %dma_start3A_341 : memref<1x8192xi32, #tpu.memory_space<vmem>> -> memref<8192xi32, #tpu.memory_space<vmem>>
    %dma_start3A_343 = tpu.memref_slice %arg3[%add3A_326] : memref<8388608xi32, #tpu.memory_space<hbm>> -> memref<8192xi32, #tpu.memory_space<hbm>>
    tpu.enqueue_dma source(%dma_start3A_343 : memref<8192xi32, #tpu.memory_space<hbm>>) target(%dma_start3A_342 : memref<8192xi32, #tpu.memory_space<vmem>>) target_semaphore(%arg10 : memref<!tpu.dma_semaphore, #tpu.memory_space<semaphore_mem>>)
    %dma_start3A_344 = arith.constant 0 : i32
    %dma_start3A_345 = arith.constant 0 : i32
    %dma_start3A_346 = tpu.memref_slice %arg8[%dma_start3A_344, %dma_start3A_345] : memref<2x8192xf32, #tpu.memory_space<vmem>> -> memref<1x8192xf32, #tpu.memory_space<vmem>>
    %dma_start3A_347 = tpu.memref_squeeze %dma_start3A_346 : memref<1x8192xf32, #tpu.memory_space<vmem>> -> memref<8192xf32, #tpu.memory_space<vmem>>
    %dma_start3A_348 = tpu.memref_slice %arg4[%add3A_326] : memref<8388608xf32, #tpu.memory_space<hbm>> -> memref<8192xf32, #tpu.memory_space<hbm>>
    %dma_start3A_349 = arith.constant 0 : i32
    %dma_start3A_350 = tpu.memref_slice %arg8[%dma_start3A_344, %dma_start3A_349] : memref<2x8192xf32, #tpu.memory_space<vmem>> -> memref<1x8192xf32, #tpu.memory_space<vmem>>
    %dma_start3A_351 = tpu.memref_squeeze %dma_start3A_350 : memref<1x8192xf32, #tpu.memory_space<vmem>> -> memref<8192xf32, #tpu.memory_space<vmem>>
    %dma_start3A_352 = tpu.memref_slice %arg4[%add3A_326] : memref<8388608xf32, #tpu.memory_space<hbm>> -> memref<8192xf32, #tpu.memory_space<hbm>>
    tpu.enqueue_dma source(%dma_start3A_352 : memref<8192xf32, #tpu.memory_space<hbm>>) target(%dma_start3A_351 : memref<8192xf32, #tpu.memory_space<vmem>>) target_semaphore(%arg10 : memref<!tpu.dma_semaphore, #tpu.memory_space<semaphore_mem>>)
    %scan3A = arith.constant 0 : i32
    %scan3A_353 = arith.constant 0 : i32
    %scan3A_354 = arith.constant 8 : i32
    %scan3A_355 = arith.addi %scan3A_353, %scan3A_354 : i32
    %scan3A_356 = arith.constant 1 : i32
    scf.for %scan3A_358 = %scan3A_353 to %scan3A_355 step %scan3A_356  : i32 {
      %mul3A_359 = arith.constant 2 : i32
      %mul3A_360 = arith.muli %mul3A_359, %scan3A_358 : i32
      %dma_wait3A = arith.constant 0 : i32
      %dma_wait3A_361 = arith.constant 0 : i32
      %dma_wait3A_362 = tpu.memref_slice %arg6[%dma_wait3A, %dma_wait3A_361] : memref<2x8192xf32, #tpu.memory_space<vmem>> -> memref<1x8192xf32, #tpu.memory_space<vmem>>
      %dma_wait3A_363 = tpu.memref_squeeze %dma_wait3A_362 : memref<1x8192xf32, #tpu.memory_space<vmem>> -> memref<8192xf32, #tpu.memory_space<vmem>>
      %dma_wait3A_364 = arith.constant 0 : i32
      %dma_wait3A_365 = tpu.memref_slice %arg2[%dma_wait3A_364] : memref<8388608xf32, #tpu.memory_space<hbm>> -> memref<8192xf32, #tpu.memory_space<hbm>>
      %dma_wait3A_366 = arith.constant 0 : i32
      %dma_wait3A_367 = tpu.memref_slice %arg6[%dma_wait3A, %dma_wait3A_366] : memref<2x8192xf32, #tpu.memory_space<vmem>> -> memref<1x8192xf32, #tpu.memory_space<vmem>>
      %dma_wait3A_368 = tpu.memref_squeeze %dma_wait3A_367 : memref<1x8192xf32, #tpu.memory_space<vmem>> -> memref<8192xf32, #tpu.memory_space<vmem>>
      %dma_wait3A_369 = arith.constant 0 : i32
      %dma_wait3A_370 = tpu.memref_slice %arg2[%dma_wait3A_369] : memref<8388608xf32, #tpu.memory_space<hbm>> -> memref<8192xf32, #tpu.memory_space<hbm>>
      tpu.wait_dma2 semaphore(%arg10 : memref<!tpu.dma_semaphore, #tpu.memory_space<semaphore_mem>>) src(%dma_wait3A_370 : memref<8192xf32, #tpu.memory_space<hbm>>) dst(%dma_wait3A_368 : memref<8192xf32, #tpu.memory_space<vmem>>)
      %dma_wait3A_371 = arith.constant 0 : i32
      %dma_wait3A_372 = arith.constant 0 : i32
      %dma_wait3A_373 = tpu.memref_slice %arg7[%dma_wait3A_371, %dma_wait3A_372] : memref<2x8192xi32, #tpu.memory_space<vmem>> -> memref<1x8192xi32, #tpu.memory_space<vmem>>
      %dma_wait3A_374 = tpu.memref_squeeze %dma_wait3A_373 : memref<1x8192xi32, #tpu.memory_space<vmem>> -> memref<8192xi32, #tpu.memory_space<vmem>>
      %dma_wait3A_375 = arith.constant 0 : i32
      %dma_wait3A_376 = tpu.memref_slice %arg3[%dma_wait3A_375] : memref<8388608xi32, #tpu.memory_space<hbm>> -> memref<8192xi32, #tpu.memory_space<hbm>>
      %dma_wait3A_377 = arith.constant 0 : i32
      %dma_wait3A_378 = tpu.memref_slice %arg7[%dma_wait3A_371, %dma_wait3A_377] : memref<2x8192xi32, #tpu.memory_space<vmem>> -> memref<1x8192xi32, #tpu.memory_space<vmem>>
      %dma_wait3A_379 = tpu.memref_squeeze %dma_wait3A_378 : memref<1x8192xi32, #tpu.memory_space<vmem>> -> memref<8192xi32, #tpu.memory_space<vmem>>
      %dma_wait3A_380 = arith.constant 0 : i32
      %dma_wait3A_381 = tpu.memref_slice %arg3[%dma_wait3A_380] : memref<8388608xi32, #tpu.memory_space<hbm>> -> memref<8192xi32, #tpu.memory_space<hbm>>
      tpu.wait_dma2 semaphore(%arg10 : memref<!tpu.dma_semaphore, #tpu.memory_space<semaphore_mem>>) src(%dma_wait3A_381 : memref<8192xi32, #tpu.memory_space<hbm>>) dst(%dma_wait3A_379 : memref<8192xi32, #tpu.memory_space<vmem>>)
      %dma_wait3A_382 = arith.constant 0 : i32
      %dma_wait3A_383 = arith.constant 0 : i32
      %dma_wait3A_384 = tpu.memref_slice %arg8[%dma_wait3A_382, %dma_wait3A_383] : memref<2x8192xf32, #tpu.memory_space<vmem>> -> memref<1x8192xf32, #tpu.memory_space<vmem>>
      %dma_wait3A_385 = tpu.memref_squeeze %dma_wait3A_384 : memref<1x8192xf32, #tpu.memory_space<vmem>> -> memref<8192xf32, #tpu.memory_space<vmem>>
      %dma_wait3A_386 = arith.constant 0 : i32
      %dma_wait3A_387 = tpu.memref_slice %arg4[%dma_wait3A_386] : memref<8388608xf32, #tpu.memory_space<hbm>> -> memref<8192xf32, #tpu.memory_space<hbm>>
      %dma_wait3A_388 = arith.constant 0 : i32
      %dma_wait3A_389 = tpu.memref_slice %arg8[%dma_wait3A_382, %dma_wait3A_388] : memref<2x8192xf32, #tpu.memory_space<vmem>> -> memref<1x8192xf32, #tpu.memory_space<vmem>>
      %dma_wait3A_390 = tpu.memref_squeeze %dma_wait3A_389 : memref<1x8192xf32, #tpu.memory_space<vmem>> -> memref<8192xf32, #tpu.memory_space<vmem>>
      %dma_wait3A_391 = arith.constant 0 : i32
      %dma_wait3A_392 = tpu.memref_slice %arg4[%dma_wait3A_391] : memref<8388608xf32, #tpu.memory_space<hbm>> -> memref<8192xf32, #tpu.memory_space<hbm>>
      tpu.wait_dma2 semaphore(%arg10 : memref<!tpu.dma_semaphore, #tpu.memory_space<semaphore_mem>>) src(%dma_wait3A_392 : memref<8192xf32, #tpu.memory_space<hbm>>) dst(%dma_wait3A_390 : memref<8192xf32, #tpu.memory_space<vmem>>)
      %add3A_393 = arith.constant 1 : i32
      %add3A_394 = arith.addi %mul3A_360, %add3A_393 : i32
      %mul3A_395 = arith.constant 8192 : i32
      %mul3A_396 = arith.muli %add3A_394, %mul3A_395 : i32
      %add3A_397 = arith.addi %add3A_4, %mul3A_396 : i32
      %dma_start3A_398 = arith.constant 1 : i32
      %dma_start3A_399 = arith.constant 0 : i32
      %dma_start3A_400 = tpu.memref_slice %arg6[%dma_start3A_398, %dma_start3A_399] : memref<2x8192xf32, #tpu.memory_space<vmem>> -> memref<1x8192xf32, #tpu.memory_space<vmem>>
      %dma_start3A_401 = tpu.memref_squeeze %dma_start3A_400 : memref<1x8192xf32, #tpu.memory_space<vmem>> -> memref<8192xf32, #tpu.memory_space<vmem>>
      %dma_start3A_402 = tpu.memref_slice %arg2[%add3A_397] : memref<8388608xf32, #tpu.memory_space<hbm>> -> memref<8192xf32, #tpu.memory_space<hbm>>
      %dma_start3A_403 = arith.constant 0 : i32
      %dma_start3A_404 = tpu.memref_slice %arg6[%dma_start3A_398, %dma_start3A_403] : memref<2x8192xf32, #tpu.memory_space<vmem>> -> memref<1x8192xf32, #tpu.memory_space<vmem>>
      %dma_start3A_405 = tpu.memref_squeeze %dma_start3A_404 : memref<1x8192xf32, #tpu.memory_space<vmem>> -> memref<8192xf32, #tpu.memory_space<vmem>>
      %dma_start3A_406 = tpu.memref_slice %arg2[%add3A_397] : memref<8388608xf32, #tpu.memory_space<hbm>> -> memref<8192xf32, #tpu.memory_space<hbm>>
      tpu.enqueue_dma source(%dma_start3A_406 : memref<8192xf32, #tpu.memory_space<hbm>>) target(%dma_start3A_405 : memref<8192xf32, #tpu.memory_space<vmem>>) target_semaphore(%arg11 : memref<!tpu.dma_semaphore, #tpu.memory_space<semaphore_mem>>)
      %dma_start3A_407 = arith.constant 1 : i32
      %dma_start3A_408 = arith.constant 0 : i32
      %dma_start3A_409 = tpu.memref_slice %arg7[%dma_start3A_407, %dma_start3A_408] : memref<2x8192xi32, #tpu.memory_space<vmem>> -> memref<1x8192xi32, #tpu.memory_space<vmem>>
      %dma_start3A_410 = tpu.memref_squeeze %dma_start3A_409 : memref<1x8192xi32, #tpu.memory_space<vmem>> -> memref<8192xi32, #tpu.memory_space<vmem>>
      %dma_start3A_411 = tpu.memref_slice %arg3[%add3A_397] : memref<8388608xi32, #tpu.memory_space<hbm>> -> memref<8192xi32, #tpu.memory_space<hbm>>
      %dma_start3A_412 = arith.constant 0 : i32
      %dma_start3A_413 = tpu.memref_slice %arg7[%dma_start3A_407, %dma_start3A_412] : memref<2x8192xi32, #tpu.memory_space<vmem>> -> memref<1x8192xi32, #tpu.memory_space<vmem>>
      %dma_start3A_414 = tpu.memref_squeeze %dma_start3A_413 : memref<1x8192xi32, #tpu.memory_space<vmem>> -> memref<8192xi32, #tpu.memory_space<vmem>>
      %dma_start3A_415 = tpu.memref_slice %arg3[%add3A_397] : memref<8388608xi32, #tpu.memory_space<hbm>> -> memref<8192xi32, #tpu.memory_space<hbm>>
      tpu.enqueue_dma source(%dma_start3A_415 : memref<8192xi32, #tpu.memory_space<hbm>>) target(%dma_start3A_414 : memref<8192xi32, #tpu.memory_space<vmem>>) target_semaphore(%arg11 : memref<!tpu.dma_semaphore, #tpu.memory_space<semaphore_mem>>)
      %dma_start3A_416 = arith.constant 1 : i32
      %dma_start3A_417 = arith.constant 0 : i32
      %dma_start3A_418 = tpu.memref_slice %arg8[%dma_start3A_416, %dma_start3A_417] : memref<2x8192xf32, #tpu.memory_space<vmem>> -> memref<1x8192xf32, #tpu.memory_space<vmem>>
      %dma_start3A_419 = tpu.memref_squeeze %dma_start3A_418 : memref<1x8192xf32, #tpu.memory_space<vmem>> -> memref<8192xf32, #tpu.memory_space<vmem>>
      %dma_start3A_420 = tpu.memref_slice %arg4[%add3A_397] : memref<8388608xf32, #tpu.memory_space<hbm>> -> memref<8192xf32, #tpu.memory_space<hbm>>
      %dma_start3A_421 = arith.constant 0 : i32
      %dma_start3A_422 = tpu.memref_slice %arg8[%dma_start3A_416, %dma_start3A_421] : memref<2x8192xf32, #tpu.memory_space<vmem>> -> memref<1x8192xf32, #tpu.memory_space<vmem>>
      %dma_start3A_423 = tpu.memref_squeeze %dma_start3A_422 : memref<1x8192xf32, #tpu.memory_space<vmem>> -> memref<8192xf32, #tpu.memory_space<vmem>>
      %dma_start3A_424 = tpu.memref_slice %arg4[%add3A_397] : memref<8388608xf32, #tpu.memory_space<hbm>> -> memref<8192xf32, #tpu.memory_space<hbm>>
      tpu.enqueue_dma source(%dma_start3A_424 : memref<8192xf32, #tpu.memory_space<hbm>>) target(%dma_start3A_423 : memref<8192xf32, #tpu.memory_space<vmem>>) target_semaphore(%arg11 : memref<!tpu.dma_semaphore, #tpu.memory_space<semaphore_mem>>)
      %scan3A_425 = arith.constant 0 : i32
      %scan3A_426 = arith.constant 0 : i32
      %scan3A_427 = arith.constant 128 : i32
      %scan3A_428 = arith.addi %scan3A_426, %scan3A_427 : i32
      %scan3A_429 = arith.constant 1 : i32
      scf.for %scan3A_474 = %scan3A_426 to %scan3A_428 step %scan3A_429  : i32 {
        %mul3A_475 = arith.constant 64 : i32
        %mul3A_476 = arith.muli %scan3A_474, %mul3A_475 : i32
        %add3A_477 = arith.constant 0 : i32
        %add3A_478 = arith.addi %mul3A_476, %add3A_477 : i32
        %get3A = arith.constant 0 : i32
        %get3A_479 = arith.index_cast %get3A : i32 to index
        %get3A_480 = arith.index_cast %add3A_478 : i32 to index
        %get3A_481 = tpu.vector_load %arg6[%get3A_479, %get3A_480] {strides = array<i32>} : memref<2x8192xf32, #tpu.memory_space<vmem>>, vector<16xf32>,
        %add3A_482 = arith.constant 16 : i32
        %add3A_483 = arith.addi %mul3A_476, %add3A_482 : i32
        %get3A_484 = arith.constant 0 : i32
        %get3A_485 = arith.index_cast %get3A_484 : i32 to index
        %get3A_486 = arith.index_cast %add3A_483 : i32 to index
        %get3A_487 = tpu.vector_load %arg6[%get3A_485, %get3A_486] {strides = array<i32>} : memref<2x8192xf32, #tpu.memory_space<vmem>>, vector<16xf32>,
        %add3A_488 = arith.constant 32 : i32
        %add3A_489 = arith.addi %mul3A_476, %add3A_488 : i32
        %get3A_490 = arith.constant 0 : i32
        %get3A_491 = arith.index_cast %get3A_490 : i32 to index
        %get3A_492 = arith.index_cast %add3A_489 : i32 to index
        %get3A_493 = tpu.vector_load %arg6[%get3A_491, %get3A_492] {strides = array<i32>} : memref<2x8192xf32, #tpu.memory_space<vmem>>, vector<16xf32>,
        %add3A_494 = arith.constant 48 : i32
        %add3A_495 = arith.addi %mul3A_476, %add3A_494 : i32
        %get3A_496 = arith.constant 0 : i32
        %get3A_497 = arith.index_cast %get3A_496 : i32 to index
        %get3A_498 = arith.index_cast %add3A_495 : i32 to index
        %get3A_499 = tpu.vector_load %arg6[%get3A_497, %get3A_498] {strides = array<i32>} : memref<2x8192xf32, #tpu.memory_space<vmem>>, vector<16xf32>,
        %add3A_500 = arith.constant 0 : i32
        %add3A_501 = arith.addi %mul3A_476, %add3A_500 : i32
        %get3A_502 = arith.constant 0 : i32
        %get3A_503 = arith.index_cast %get3A_502 : i32 to index
        %get3A_504 = arith.index_cast %add3A_501 : i32 to index
        %get3A_505 = tpu.vector_load %arg7[%get3A_503, %get3A_504] {strides = array<i32>} : memref<2x8192xi32, #tpu.memory_space<vmem>>, vector<16xi32>,
        %convert_element_type3A_506 = arith.sitofp %get3A_505 : vector<16xi32> to vector<16xf32>
        %add3A_507 = arith.constant 16 : i32
        %add3A_508 = arith.addi %mul3A_476, %add3A_507 : i32
        %get3A_509 = arith.constant 0 : i32
        %get3A_510 = arith.index_cast %get3A_509 : i32 to index
        %get3A_511 = arith.index_cast %add3A_508 : i32 to index
        %get3A_512 = tpu.vector_load %arg7[%get3A_510, %get3A_511] {strides = array<i32>} : memref<2x8192xi32, #tpu.memory_space<vmem>>, vector<16xi32>,
        %convert_element_type3A_513 = arith.sitofp %get3A_512 : vector<16xi32> to vector<16xf32>
        %add3A_514 = arith.constant 32 : i32
        %add3A_515 = arith.addi %mul3A_476, %add3A_514 : i32
        %get3A_516 = arith.constant 0 : i32
        %get3A_517 = arith.index_cast %get3A_516 : i32 to index
        %get3A_518 = arith.index_cast %add3A_515 : i32 to index
        %get3A_519 = tpu.vector_load %arg7[%get3A_517, %get3A_518] {strides = array<i32>} : memref<2x8192xi32, #tpu.memory_space<vmem>>, vector<16xi32>,
        %convert_element_type3A_520 = arith.sitofp %get3A_519 : vector<16xi32> to vector<16xf32>
        %add3A_521 = arith.constant 48 : i32
        %add3A_522 = arith.addi %mul3A_476, %add3A_521 : i32
        %get3A_523 = arith.constant 0 : i32
        %get3A_524 = arith.index_cast %get3A_523 : i32 to index
        %get3A_525 = arith.index_cast %add3A_522 : i32 to index
        %get3A_526 = tpu.vector_load %arg7[%get3A_524, %get3A_525] {strides = array<i32>} : memref<2x8192xi32, #tpu.memory_space<vmem>>, vector<16xi32>,
        %convert_element_type3A_527 = arith.sitofp %get3A_526 : vector<16xi32> to vector<16xf32>
        %add3A_528 = arith.constant 0 : i32
        %add3A_529 = arith.addi %mul3A_476, %add3A_528 : i32
        %get3A_530 = arith.constant 0 : i32
        %get3A_531 = arith.index_cast %get3A_530 : i32 to index
        %get3A_532 = arith.index_cast %add3A_529 : i32 to index
        %get3A_533 = tpu.vector_load %arg8[%get3A_531, %get3A_532] {strides = array<i32>} : memref<2x8192xf32, #tpu.memory_space<vmem>>, vector<16xf32>,
        %add3A_534 = arith.constant 16 : i32
        %add3A_535 = arith.addi %mul3A_476, %add3A_534 : i32
        %get3A_536 = arith.constant 0 : i32
        %get3A_537 = arith.index_cast %get3A_536 : i32 to index
        %get3A_538 = arith.index_cast %add3A_535 : i32 to index
        %get3A_539 = tpu.vector_load %arg8[%get3A_537, %get3A_538] {strides = array<i32>} : memref<2x8192xf32, #tpu.memory_space<vmem>>, vector<16xf32>,
        %add3A_540 = arith.constant 32 : i32
        %add3A_541 = arith.addi %mul3A_476, %add3A_540 : i32
        %get3A_542 = arith.constant 0 : i32
        %get3A_543 = arith.index_cast %get3A_542 : i32 to index
        %get3A_544 = arith.index_cast %add3A_541 : i32 to index
        %get3A_545 = tpu.vector_load %arg8[%get3A_543, %get3A_544] {strides = array<i32>} : memref<2x8192xf32, #tpu.memory_space<vmem>>, vector<16xf32>,
        %add3A_546 = arith.constant 48 : i32
        %add3A_547 = arith.addi %mul3A_476, %add3A_546 : i32
        %get3A_548 = arith.constant 0 : i32
        %get3A_549 = arith.index_cast %get3A_548 : i32 to index
        %get3A_550 = arith.index_cast %add3A_547 : i32 to index
        %get3A_551 = tpu.vector_load %arg8[%get3A_549, %get3A_550] {strides = array<i32>} : memref<2x8192xf32, #tpu.memory_space<vmem>>, vector<16xf32>,
        %abs3A = math.absf %get3A_481 : vector<16xf32>
        %abs3A_552 = math.absf %get3A_487 : vector<16xf32>
        %abs3A_553 = math.absf %get3A_493 : vector<16xf32>
        %abs3A_554 = math.absf %get3A_499 : vector<16xf32>
        %neg3A = arith.constant 0.000000e+00 : f32
        %neg3A_555 = vector.broadcast %neg3A : f32 to vector<16xf32>
        %neg3A_556 = arith.subf %neg3A_555, %abs3A : vector<16xf32>
        %exp3A = math.exp %neg3A_556 : vector<16xf32>
        %neg3A_557 = arith.constant 0.000000e+00 : f32
        %neg3A_558 = vector.broadcast %neg3A_557 : f32 to vector<16xf32>
        %neg3A_559 = arith.subf %neg3A_558, %abs3A_552 : vector<16xf32>
        %exp3A_560 = math.exp %neg3A_559 : vector<16xf32>
        %neg3A_561 = arith.constant 0.000000e+00 : f32
        %neg3A_562 = vector.broadcast %neg3A_561 : f32 to vector<16xf32>
        %neg3A_563 = arith.subf %neg3A_562, %abs3A_553 : vector<16xf32>
        %exp3A_564 = math.exp %neg3A_563 : vector<16xf32>
        %neg3A_565 = arith.constant 0.000000e+00 : f32
        %neg3A_566 = vector.broadcast %neg3A_565 : f32 to vector<16xf32>
        %neg3A_567 = arith.subf %neg3A_566, %abs3A_554 : vector<16xf32>
        %exp3A_568 = math.exp %neg3A_567 : vector<16xf32>
        %add3A_569 = arith.constant 1.000000e+00 : f32
        %add3A_570 = vector.broadcast %add3A_569 : f32 to vector<16xf32>
        %add3A_571 = arith.addf %add3A_570, %exp3A : vector<16xf32>
        %div3A = arith.constant 1.000000e+00 : f32
        %div3A_572 = vector.broadcast %div3A : f32 to vector<16xf32>
        %div3A_573 = arith.divf %div3A_572, %add3A_571 : vector<16xf32>
        %add3A_574 = arith.constant 1.000000e+00 : f32
        %add3A_575 = vector.broadcast %add3A_574 : f32 to vector<16xf32>
        %add3A_576 = arith.addf %add3A_575, %exp3A_560 : vector<16xf32>
        %div3A_577 = arith.constant 1.000000e+00 : f32
        %div3A_578 = vector.broadcast %div3A_577 : f32 to vector<16xf32>
        %div3A_579 = arith.divf %div3A_578, %add3A_576 : vector<16xf32>
        %add3A_580 = arith.constant 1.000000e+00 : f32
        %add3A_581 = vector.broadcast %add3A_580 : f32 to vector<16xf32>
        %add3A_582 = arith.addf %add3A_581, %exp3A_564 : vector<16xf32>
        %div3A_583 = arith.constant 1.000000e+00 : f32
        %div3A_584 = vector.broadcast %div3A_583 : f32 to vector<16xf32>
        %div3A_585 = arith.divf %div3A_584, %add3A_582 : vector<16xf32>
        %add3A_586 = arith.constant 1.000000e+00 : f32
        %add3A_587 = vector.broadcast %add3A_586 : f32 to vector<16xf32>
        %add3A_588 = arith.addf %add3A_587, %exp3A_568 : vector<16xf32>
        %div3A_589 = arith.constant 1.000000e+00 : f32
        %div3A_590 = vector.broadcast %div3A_589 : f32 to vector<16xf32>
        %div3A_591 = arith.divf %div3A_590, %add3A_588 : vector<16xf32>
        %ge3A = arith.constant 0.000000e+00 : f32
        %ge3A_592 = vector.broadcast %ge3A : f32 to vector<16xf32>
        %ge3A_593 = arith.cmpf oge, %get3A_481, %ge3A_592 : vector<16xf32>
        %mul3A_594 = arith.mulf %exp3A, %div3A_573 : vector<16xf32>
        %select_n3A = arith.select %ge3A_593, %div3A_573, %mul3A_594 : vector<16xi1>, vector<16xf32>
        %ge3A_595 = arith.constant 0.000000e+00 : f32
        %ge3A_596 = vector.broadcast %ge3A_595 : f32 to vector<16xf32>
        %ge3A_597 = arith.cmpf oge, %get3A_487, %ge3A_596 : vector<16xf32>
        %mul3A_598 = arith.mulf %exp3A_560, %div3A_579 : vector<16xf32>
        %select_n3A_599 = arith.select %ge3A_597, %div3A_579, %mul3A_598 : vector<16xi1>, vector<16xf32>
        %ge3A_600 = arith.constant 0.000000e+00 : f32
        %ge3A_601 = vector.broadcast %ge3A_600 : f32 to vector<16xf32>
        %ge3A_602 = arith.cmpf oge, %get3A_493, %ge3A_601 : vector<16xf32>
        %mul3A_603 = arith.mulf %exp3A_564, %div3A_585 : vector<16xf32>
        %select_n3A_604 = arith.select %ge3A_602, %div3A_585, %mul3A_603 : vector<16xi1>, vector<16xf32>
        %ge3A_605 = arith.constant 0.000000e+00 : f32
        %ge3A_606 = vector.broadcast %ge3A_605 : f32 to vector<16xf32>
        %ge3A_607 = arith.cmpf oge, %get3A_499, %ge3A_606 : vector<16xf32>
        %mul3A_608 = arith.mulf %exp3A_568, %div3A_591 : vector<16xf32>
        %select_n3A_609 = arith.select %ge3A_607, %div3A_591, %mul3A_608 : vector<16xi1>, vector<16xf32>
        %sub3A = arith.subf %select_n3A, %convert_element_type3A_506 : vector<16xf32>
        %abs3A_610 = math.absf %sub3A : vector<16xf32>
        %sub3A_611 = arith.subf %select_n3A_599, %convert_element_type3A_513 : vector<16xf32>
        %abs3A_612 = math.absf %sub3A_611 : vector<16xf32>
        %sub3A_613 = arith.subf %select_n3A_604, %convert_element_type3A_520 : vector<16xf32>
        %abs3A_614 = math.absf %sub3A_613 : vector<16xf32>
        %sub3A_615 = arith.subf %select_n3A_609, %convert_element_type3A_527 : vector<16xf32>
        %abs3A_616 = math.absf %sub3A_615 : vector<16xf32>
        %mul3A_617 = arith.constant 1.000000e+01 : f32
        %mul3A_618 = vector.broadcast %mul3A_617 : f32 to vector<16xf32>
        %mul3A_619 = arith.mulf %abs3A_610, %mul3A_618 : vector<16xf32>
        %convert_element_type3A_620 = arith.fptosi %mul3A_619 : vector<16xf32> to vector<16xi32>
        %min3A = arith.constant 9 : i32
        %min3A_621 = vector.broadcast %min3A : i32 to vector<16xi32>
        %min3A_622 = arith.minsi %convert_element_type3A_620, %min3A_621 : vector<16xi32>
        %mul3A_623 = arith.constant 1.000000e+01 : f32
        %mul3A_624 = vector.broadcast %mul3A_623 : f32 to vector<16xf32>
        %mul3A_625 = arith.mulf %abs3A_612, %mul3A_624 : vector<16xf32>
        %convert_element_type3A_626 = arith.fptosi %mul3A_625 : vector<16xf32> to vector<16xi32>
        %min3A_627 = arith.constant 9 : i32
        %min3A_628 = vector.broadcast %min3A_627 : i32 to vector<16xi32>
        %min3A_629 = arith.minsi %convert_element_type3A_626, %min3A_628 : vector<16xi32>
        %mul3A_630 = arith.constant 1.000000e+01 : f32
        %mul3A_631 = vector.broadcast %mul3A_630 : f32 to vector<16xf32>
        %mul3A_632 = arith.mulf %abs3A_614, %mul3A_631 : vector<16xf32>
        %convert_element_type3A_633 = arith.fptosi %mul3A_632 : vector<16xf32> to vector<16xi32>
        %min3A_634 = arith.constant 9 : i32
        %min3A_635 = vector.broadcast %min3A_634 : i32 to vector<16xi32>
        %min3A_636 = arith.minsi %convert_element_type3A_633, %min3A_635 : vector<16xi32>
        %mul3A_637 = arith.constant 1.000000e+01 : f32
        %mul3A_638 = vector.broadcast %mul3A_637 : f32 to vector<16xf32>
        %mul3A_639 = arith.mulf %abs3A_616, %mul3A_638 : vector<16xf32>
        %convert_element_type3A_640 = arith.fptosi %mul3A_639 : vector<16xf32> to vector<16xi32>
        %min3A_641 = arith.constant 9 : i32
        %min3A_642 = vector.broadcast %min3A_641 : i32 to vector<16xi32>
        %min3A_643 = arith.minsi %convert_element_type3A_640, %min3A_642 : vector<16xi32>
        %mul3A_644 = arith.constant 0.0301026255 : f32
        %mul3A_645 = vector.broadcast %mul3A_644 : f32 to vector<16xf32>
        %mul3A_646 = arith.mulf %mul3A_645, %exp3A : vector<16xf32>
        %add3A_647 = arith.constant -0.130119413 : f32
        %add3A_648 = vector.broadcast %add3A_647 : f32 to vector<16xf32>
        %add3A_649 = arith.addf %mul3A_646, %add3A_648 : vector<16xf32>
        %mul3A_650 = arith.mulf %add3A_649, %exp3A : vector<16xf32>
        %add3A_651 = arith.constant 0.283304334 : f32
        %add3A_652 = vector.broadcast %add3A_651 : f32 to vector<16xf32>
        %add3A_653 = arith.addf %mul3A_650, %add3A_652 : vector<16xf32>
        %mul3A_654 = arith.mulf %add3A_653, %exp3A : vector<16xf32>
        %add3A_655 = arith.constant -0.489156842 : f32
        %add3A_656 = vector.broadcast %add3A_655 : f32 to vector<16xf32>
        %add3A_657 = arith.addf %mul3A_654, %add3A_656 : vector<16xf32>
        %mul3A_658 = arith.mulf %add3A_657, %exp3A : vector<16xf32>
        %add3A_659 = arith.constant 0.999010443 : f32
        %add3A_660 = vector.broadcast %add3A_659 : f32 to vector<16xf32>
        %add3A_661 = arith.addf %mul3A_658, %add3A_660 : vector<16xf32>
        %mul3A_662 = arith.mulf %add3A_661, %exp3A : vector<16xf32>
        %add3A_663 = arith.constant 2.21170303E-5 : f32
        %add3A_664 = vector.broadcast %add3A_663 : f32 to vector<16xf32>
        %add3A_665 = arith.addf %mul3A_662, %add3A_664 : vector<16xf32>
        %mul3A_666 = arith.constant 0.0301026255 : f32
        %mul3A_667 = vector.broadcast %mul3A_666 : f32 to vector<16xf32>
        %mul3A_668 = arith.mulf %mul3A_667, %exp3A_560 : vector<16xf32>
        %add3A_669 = arith.constant -0.130119413 : f32
        %add3A_670 = vector.broadcast %add3A_669 : f32 to vector<16xf32>
        %add3A_671 = arith.addf %mul3A_668, %add3A_670 : vector<16xf32>
        %mul3A_672 = arith.mulf %add3A_671, %exp3A_560 : vector<16xf32>
        %add3A_673 = arith.constant 0.283304334 : f32
        %add3A_674 = vector.broadcast %add3A_673 : f32 to vector<16xf32>
        %add3A_675 = arith.addf %mul3A_672, %add3A_674 : vector<16xf32>
        %mul3A_676 = arith.mulf %add3A_675, %exp3A_560 : vector<16xf32>
        %add3A_677 = arith.constant -0.489156842 : f32
        %add3A_678 = vector.broadcast %add3A_677 : f32 to vector<16xf32>
        %add3A_679 = arith.addf %mul3A_676, %add3A_678 : vector<16xf32>
        %mul3A_680 = arith.mulf %add3A_679, %exp3A_560 : vector<16xf32>
        %add3A_681 = arith.constant 0.999010443 : f32
        %add3A_682 = vector.broadcast %add3A_681 : f32 to vector<16xf32>
        %add3A_683 = arith.addf %mul3A_680, %add3A_682 : vector<16xf32>
        %mul3A_684 = arith.mulf %add3A_683, %exp3A_560 : vector<16xf32>
        %add3A_685 = arith.constant 2.21170303E-5 : f32
        %add3A_686 = vector.broadcast %add3A_685 : f32 to vector<16xf32>
        %add3A_687 = arith.addf %mul3A_684, %add3A_686 : vector<16xf32>
        %mul3A_688 = arith.constant 0.0301026255 : f32
        %mul3A_689 = vector.broadcast %mul3A_688 : f32 to vector<16xf32>
        %mul3A_690 = arith.mulf %mul3A_689, %exp3A_564 : vector<16xf32>
        %add3A_691 = arith.constant -0.130119413 : f32
        %add3A_692 = vector.broadcast %add3A_691 : f32 to vector<16xf32>
        %add3A_693 = arith.addf %mul3A_690, %add3A_692 : vector<16xf32>
        %mul3A_694 = arith.mulf %add3A_693, %exp3A_564 : vector<16xf32>
        %add3A_695 = arith.constant 0.283304334 : f32
        %add3A_696 = vector.broadcast %add3A_695 : f32 to vector<16xf32>
        %add3A_697 = arith.addf %mul3A_694, %add3A_696 : vector<16xf32>
        %mul3A_698 = arith.mulf %add3A_697, %exp3A_564 : vector<16xf32>
        %add3A_699 = arith.constant -0.489156842 : f32
        %add3A_700 = vector.broadcast %add3A_699 : f32 to vector<16xf32>
        %add3A_701 = arith.addf %mul3A_698, %add3A_700 : vector<16xf32>
        %mul3A_702 = arith.mulf %add3A_701, %exp3A_564 : vector<16xf32>
        %add3A_703 = arith.constant 0.999010443 : f32
        %add3A_704 = vector.broadcast %add3A_703 : f32 to vector<16xf32>
        %add3A_705 = arith.addf %mul3A_702, %add3A_704 : vector<16xf32>
        %mul3A_706 = arith.mulf %add3A_705, %exp3A_564 : vector<16xf32>
        %add3A_707 = arith.constant 2.21170303E-5 : f32
        %add3A_708 = vector.broadcast %add3A_707 : f32 to vector<16xf32>
        %add3A_709 = arith.addf %mul3A_706, %add3A_708 : vector<16xf32>
        %mul3A_710 = arith.constant 0.0301026255 : f32
        %mul3A_711 = vector.broadcast %mul3A_710 : f32 to vector<16xf32>
        %mul3A_712 = arith.mulf %mul3A_711, %exp3A_568 : vector<16xf32>
        %add3A_713 = arith.constant -0.130119413 : f32
        %add3A_714 = vector.broadcast %add3A_713 : f32 to vector<16xf32>
        %add3A_715 = arith.addf %mul3A_712, %add3A_714 : vector<16xf32>
        %mul3A_716 = arith.mulf %add3A_715, %exp3A_568 : vector<16xf32>
        %add3A_717 = arith.constant 0.283304334 : f32
        %add3A_718 = vector.broadcast %add3A_717 : f32 to vector<16xf32>
        %add3A_719 = arith.addf %mul3A_716, %add3A_718 : vector<16xf32>
        %mul3A_720 = arith.mulf %add3A_719, %exp3A_568 : vector<16xf32>
        %add3A_721 = arith.constant -0.489156842 : f32
        %add3A_722 = vector.broadcast %add3A_721 : f32 to vector<16xf32>
        %add3A_723 = arith.addf %mul3A_720, %add3A_722 : vector<16xf32>
        %mul3A_724 = arith.mulf %add3A_723, %exp3A_568 : vector<16xf32>
        %add3A_725 = arith.constant 0.999010443 : f32
        %add3A_726 = vector.broadcast %add3A_725 : f32 to vector<16xf32>
        %add3A_727 = arith.addf %mul3A_724, %add3A_726 : vector<16xf32>
        %mul3A_728 = arith.mulf %add3A_727, %exp3A_568 : vector<16xf32>
        %add3A_729 = arith.constant 2.21170303E-5 : f32
        %add3A_730 = vector.broadcast %add3A_729 : f32 to vector<16xf32>
        %add3A_731 = arith.addf %mul3A_728, %add3A_730 : vector<16xf32>
        %max3A = arith.constant 0.000000e+00 : f32
        %max3A_732 = vector.broadcast %max3A : f32 to vector<16xf32>
        %max3A_733 = arith.maximumf %get3A_481, %max3A_732 : vector<16xf32>
        %mul3A_734 = arith.mulf %get3A_481, %convert_element_type3A_506 : vector<16xf32>
        %sub3A_735 = arith.subf %max3A_733, %mul3A_734 : vector<16xf32>
        %add3A_736 = arith.addf %sub3A_735, %add3A_665 : vector<16xf32>
        %max3A_737 = arith.constant 0.000000e+00 : f32
        %max3A_738 = vector.broadcast %max3A_737 : f32 to vector<16xf32>
        %max3A_739 = arith.maximumf %get3A_487, %max3A_738 : vector<16xf32>
        %mul3A_740 = arith.mulf %get3A_487, %convert_element_type3A_513 : vector<16xf32>
        %sub3A_741 = arith.subf %max3A_739, %mul3A_740 : vector<16xf32>
        %add3A_742 = arith.addf %sub3A_741, %add3A_687 : vector<16xf32>
        %max3A_743 = arith.constant 0.000000e+00 : f32
        %max3A_744 = vector.broadcast %max3A_743 : f32 to vector<16xf32>
        %max3A_745 = arith.maximumf %get3A_493, %max3A_744 : vector<16xf32>
        %mul3A_746 = arith.mulf %get3A_493, %convert_element_type3A_520 : vector<16xf32>
        %sub3A_747 = arith.subf %max3A_745, %mul3A_746 : vector<16xf32>
        %add3A_748 = arith.addf %sub3A_747, %add3A_709 : vector<16xf32>
        %max3A_749 = arith.constant 0.000000e+00 : f32
        %max3A_750 = vector.broadcast %max3A_749 : f32 to vector<16xf32>
        %max3A_751 = arith.maximumf %get3A_499, %max3A_750 : vector<16xf32>
        %mul3A_752 = arith.mulf %get3A_499, %convert_element_type3A_527 : vector<16xf32>
        %sub3A_753 = arith.subf %max3A_751, %mul3A_752 : vector<16xf32>
        %add3A_754 = arith.addf %sub3A_753, %add3A_731 : vector<16xf32>
        %gt3A = arith.constant 0.000000e+00 : f32
        %gt3A_755 = vector.broadcast %gt3A : f32 to vector<16xf32>
        %gt3A_756 = arith.cmpf ogt, %get3A_533, %gt3A_755 : vector<16xf32>
        %gt3A_757 = arith.constant 0.000000e+00 : f32
        %gt3A_758 = vector.broadcast %gt3A_757 : f32 to vector<16xf32>
        %gt3A_759 = arith.cmpf ogt, %get3A_539, %gt3A_758 : vector<16xf32>
        %gt3A_760 = arith.constant 0.000000e+00 : f32
        %gt3A_761 = vector.broadcast %gt3A_760 : f32 to vector<16xf32>
        %gt3A_762 = arith.cmpf ogt, %get3A_545, %gt3A_761 : vector<16xf32>
        %gt3A_763 = arith.constant 0.000000e+00 : f32
        %gt3A_764 = vector.broadcast %gt3A_763 : f32 to vector<16xf32>
        %gt3A_765 = arith.cmpf ogt, %get3A_551, %gt3A_764 : vector<16xf32>
        %mul3A_766 = arith.constant 16 : i32
        %mul3A_767 = vector.broadcast %mul3A_766 : i32 to vector<16xi32>
        %mul3A_768 = arith.muli %min3A_622, %mul3A_767 : vector<16xi32>
        %add3A_769 = arith.addi %mul3A_768, %iota3A : vector<16xi32>
        %mul3A_770 = arith.constant 16 : i32
        %mul3A_771 = vector.broadcast %mul3A_770 : i32 to vector<16xi32>
        %mul3A_772 = arith.muli %min3A_629, %mul3A_771 : vector<16xi32>
        %add3A_773 = arith.addi %mul3A_772, %iota3A : vector<16xi32>
        %mul3A_774 = arith.constant 16 : i32
        %mul3A_775 = vector.broadcast %mul3A_774 : i32 to vector<16xi32>
        %mul3A_776 = arith.muli %min3A_636, %mul3A_775 : vector<16xi32>
        %add3A_777 = arith.addi %mul3A_776, %iota3A : vector<16xi32>
        %mul3A_778 = arith.constant 16 : i32
        %mul3A_779 = vector.broadcast %mul3A_778 : i32 to vector<16xi32>
        %mul3A_780 = arith.muli %min3A_643, %mul3A_779 : vector<16xi32>
        %add3A_781 = arith.addi %mul3A_780, %iota3A : vector<16xi32>
        %add3A_782 = arith.constant 0 : i32
        %add3A_783 = vector.broadcast %add3A_782 : i32 to vector<16xi32>
        %add3A_784 = arith.addi %add3A_769, %add3A_783 : vector<16xi32>
        tpu.vector_store_idx %arg9[%add3A_784], %broadcast_in_dim3A_324 masked %gt3A_756 {add = true} : memref<1280xf32, #tpu.memory_space<vmem>>[vector<16xi32>], vector<16xf32>, vector<16xi1>
        %add3A_785 = arith.constant 160 : i32
        %add3A_786 = vector.broadcast %add3A_785 : i32 to vector<16xi32>
        %add3A_787 = arith.addi %add3A_769, %add3A_786 : vector<16xi32>
        tpu.vector_store_idx %arg9[%add3A_787], %add3A_736 masked %gt3A_756 {add = true} : memref<1280xf32, #tpu.memory_space<vmem>>[vector<16xi32>], vector<16xf32>, vector<16xi1>
        %add3A_788 = arith.constant 320 : i32
        %add3A_789 = vector.broadcast %add3A_788 : i32 to vector<16xi32>
        %add3A_790 = arith.addi %add3A_773, %add3A_789 : vector<16xi32>
        tpu.vector_store_idx %arg9[%add3A_790], %broadcast_in_dim3A_324 masked %gt3A_759 {add = true} : memref<1280xf32, #tpu.memory_space<vmem>>[vector<16xi32>], vector<16xf32>, vector<16xi1>
        %add3A_791 = arith.constant 480 : i32
        %add3A_792 = vector.broadcast %add3A_791 : i32 to vector<16xi32>
        %add3A_793 = arith.addi %add3A_773, %add3A_792 : vector<16xi32>
        tpu.vector_store_idx %arg9[%add3A_793], %add3A_742 masked %gt3A_759 {add = true} : memref<1280xf32, #tpu.memory_space<vmem>>[vector<16xi32>], vector<16xf32>, vector<16xi1>
        %add3A_794 = arith.constant 640 : i32
        %add3A_795 = vector.broadcast %add3A_794 : i32 to vector<16xi32>
        %add3A_796 = arith.addi %add3A_777, %add3A_795 : vector<16xi32>
        tpu.vector_store_idx %arg9[%add3A_796], %broadcast_in_dim3A_324 masked %gt3A_762 {add = true} : memref<1280xf32, #tpu.memory_space<vmem>>[vector<16xi32>], vector<16xf32>, vector<16xi1>
        %add3A_797 = arith.constant 800 : i32
        %add3A_798 = vector.broadcast %add3A_797 : i32 to vector<16xi32>
        %add3A_799 = arith.addi %add3A_777, %add3A_798 : vector<16xi32>
        tpu.vector_store_idx %arg9[%add3A_799], %add3A_748 masked %gt3A_762 {add = true} : memref<1280xf32, #tpu.memory_space<vmem>>[vector<16xi32>], vector<16xf32>, vector<16xi1>
        %add3A_800 = arith.constant 960 : i32
        %add3A_801 = vector.broadcast %add3A_800 : i32 to vector<16xi32>
        %add3A_802 = arith.addi %add3A_781, %add3A_801 : vector<16xi32>
        tpu.vector_store_idx %arg9[%add3A_802], %broadcast_in_dim3A_324 masked %gt3A_765 {add = true} : memref<1280xf32, #tpu.memory_space<vmem>>[vector<16xi32>], vector<16xf32>, vector<16xi1>
        %add3A_803 = arith.constant 1120 : i32
        %add3A_804 = vector.broadcast %add3A_803 : i32 to vector<16xi32>
        %add3A_805 = arith.addi %add3A_781, %add3A_804 : vector<16xi32>
        tpu.vector_store_idx %arg9[%add3A_805], %add3A_754 masked %gt3A_765 {add = true} : memref<1280xf32, #tpu.memory_space<vmem>>[vector<16xi32>], vector<16xf32>, vector<16xi1>
      }
      %scan3A_430 = arith.constant 128 : i32
      %dma_wait3A_431 = arith.constant 1 : i32
      %dma_wait3A_432 = arith.constant 0 : i32
      %dma_wait3A_433 = tpu.memref_slice %arg6[%dma_wait3A_431, %dma_wait3A_432] : memref<2x8192xf32, #tpu.memory_space<vmem>> -> memref<1x8192xf32, #tpu.memory_space<vmem>>
      %dma_wait3A_434 = tpu.memref_squeeze %dma_wait3A_433 : memref<1x8192xf32, #tpu.memory_space<vmem>> -> memref<8192xf32, #tpu.memory_space<vmem>>
      %dma_wait3A_435 = arith.constant 0 : i32
      %dma_wait3A_436 = tpu.memref_slice %arg2[%dma_wait3A_435] : memref<8388608xf32, #tpu.memory_space<hbm>> -> memref<8192xf32, #tpu.memory_space<hbm>>
      %dma_wait3A_437 = arith.constant 0 : i32
      %dma_wait3A_438 = tpu.memref_slice %arg6[%dma_wait3A_431, %dma_wait3A_437] : memref<2x8192xf32, #tpu.memory_space<vmem>> -> memref<1x8192xf32, #tpu.memory_space<vmem>>
      %dma_wait3A_439 = tpu.memref_squeeze %dma_wait3A_438 : memref<1x8192xf32, #tpu.memory_space<vmem>> -> memref<8192xf32, #tpu.memory_space<vmem>>
      %dma_wait3A_440 = arith.constant 0 : i32
      %dma_wait3A_441 = tpu.memref_slice %arg2[%dma_wait3A_440] : memref<8388608xf32, #tpu.memory_space<hbm>> -> memref<8192xf32, #tpu.memory_space<hbm>>
      tpu.wait_dma2 semaphore(%arg11 : memref<!tpu.dma_semaphore, #tpu.memory_space<semaphore_mem>>) src(%dma_wait3A_441 : memref<8192xf32, #tpu.memory_space<hbm>>) dst(%dma_wait3A_439 : memref<8192xf32, #tpu.memory_space<vmem>>)
      %dma_wait3A_442 = arith.constant 1 : i32
      %dma_wait3A_443 = arith.constant 0 : i32
      %dma_wait3A_444 = tpu.memref_slice %arg7[%dma_wait3A_442, %dma_wait3A_443] : memref<2x8192xi32, #tpu.memory_space<vmem>> -> memref<1x8192xi32, #tpu.memory_space<vmem>>
      %dma_wait3A_445 = tpu.memref_squeeze %dma_wait3A_444 : memref<1x8192xi32, #tpu.memory_space<vmem>> -> memref<8192xi32, #tpu.memory_space<vmem>>
      %dma_wait3A_446 = arith.constant 0 : i32
      %dma_wait3A_447 = tpu.memref_slice %arg3[%dma_wait3A_446] : memref<8388608xi32, #tpu.memory_space<hbm>> -> memref<8192xi32, #tpu.memory_space<hbm>>
      %dma_wait3A_448 = arith.constant 0 : i32
      %dma_wait3A_449 = tpu.memref_slice %arg7[%dma_wait3A_442, %dma_wait3A_448] : memref<2x8192xi32, #tpu.memory_space<vmem>> -> memref<1x8192xi32, #tpu.memory_space<vmem>>
      %dma_wait3A_450 = tpu.memref_squeeze %dma_wait3A_449 : memref<1x8192xi32, #tpu.memory_space<vmem>> -> memref<8192xi32, #tpu.memory_space<vmem>>
      %dma_wait3A_451 = arith.constant 0 : i32
      %dma_wait3A_452 = tpu.memref_slice %arg3[%dma_wait3A_451] : memref<8388608xi32, #tpu.memory_space<hbm>> -> memref<8192xi32, #tpu.memory_space<hbm>>
      tpu.wait_dma2 semaphore(%arg11 : memref<!tpu.dma_semaphore, #tpu.memory_space<semaphore_mem>>) src(%dma_wait3A_452 : memref<8192xi32, #tpu.memory_space<hbm>>) dst(%dma_wait3A_450 : memref<8192xi32, #tpu.memory_space<vmem>>)
      %dma_wait3A_453 = arith.constant 1 : i32
      %dma_wait3A_454 = arith.constant 0 : i32
      %dma_wait3A_455 = tpu.memref_slice %arg8[%dma_wait3A_453, %dma_wait3A_454] : memref<2x8192xf32, #tpu.memory_space<vmem>> -> memref<1x8192xf32, #tpu.memory_space<vmem>>
      %dma_wait3A_456 = tpu.memref_squeeze %dma_wait3A_455 : memref<1x8192xf32, #tpu.memory_space<vmem>> -> memref<8192xf32, #tpu.memory_space<vmem>>
      %dma_wait3A_457 = arith.constant 0 : i32
      %dma_wait3A_458 = tpu.memref_slice %arg4[%dma_wait3A_457] : memref<8388608xf32, #tpu.memory_space<hbm>> -> memref<8192xf32, #tpu.memory_space<hbm>>
      %dma_wait3A_459 = arith.constant 0 : i32
      %dma_wait3A_460 = tpu.memref_slice %arg8[%dma_wait3A_453, %dma_wait3A_459] : memref<2x8192xf32, #tpu.memory_space<vmem>> -> memref<1x8192xf32, #tpu.memory_space<vmem>>
      %dma_wait3A_461 = tpu.memref_squeeze %dma_wait3A_460 : memref<1x8192xf32, #tpu.memory_space<vmem>> -> memref<8192xf32, #tpu.memory_space<vmem>>
      %dma_wait3A_462 = arith.constant 0 : i32
      %dma_wait3A_463 = tpu.memref_slice %arg4[%dma_wait3A_462] : memref<8388608xf32, #tpu.memory_space<hbm>> -> memref<8192xf32, #tpu.memory_space<hbm>>
      tpu.wait_dma2 semaphore(%arg11 : memref<!tpu.dma_semaphore, #tpu.memory_space<semaphore_mem>>) src(%dma_wait3A_463 : memref<8192xf32, #tpu.memory_space<hbm>>) dst(%dma_wait3A_461 : memref<8192xf32, #tpu.memory_space<vmem>>)
      %add3A_464 = arith.constant 2 : i32
      %add3A_465 = arith.addi %mul3A_360, %add3A_464 : i32
      %lt3A = arith.constant 16 : i32
      %lt3A_466 = arith.cmpi slt, %add3A_465, %lt3A : i32
      %convert_element_type3A = arith.extui %lt3A_466 : i1 to i32
      %cond3A = arith.constant 0 : i32
      %cond3A_467 = arith.cmpi ne, %convert_element_type3A, %cond3A : i32
      scf.if %cond3A_467 {
        %add3A_474 = arith.constant 2 : i32
        %add3A_475 = arith.addi %mul3A_360, %add3A_474 : i32
        %mul3A_476 = arith.constant 8192 : i32
        %mul3A_477 = arith.muli %add3A_475, %mul3A_476 : i32
        %add3A_478 = arith.addi %add3A_4, %mul3A_477 : i32
        %dma_start3A_479 = arith.constant 0 : i32
        %dma_start3A_480 = arith.constant 0 : i32
        %dma_start3A_481 = tpu.memref_slice %arg6[%dma_start3A_479, %dma_start3A_480] : memref<2x8192xf32, #tpu.memory_space<vmem>> -> memref<1x8192xf32, #tpu.memory_space<vmem>>
        %dma_start3A_482 = tpu.memref_squeeze %dma_start3A_481 : memref<1x8192xf32, #tpu.memory_space<vmem>> -> memref<8192xf32, #tpu.memory_space<vmem>>
        %dma_start3A_483 = tpu.memref_slice %arg2[%add3A_478] : memref<8388608xf32, #tpu.memory_space<hbm>> -> memref<8192xf32, #tpu.memory_space<hbm>>
        %dma_start3A_484 = arith.constant 0 : i32
        %dma_start3A_485 = tpu.memref_slice %arg6[%dma_start3A_479, %dma_start3A_484] : memref<2x8192xf32, #tpu.memory_space<vmem>> -> memref<1x8192xf32, #tpu.memory_space<vmem>>
        %dma_start3A_486 = tpu.memref_squeeze %dma_start3A_485 : memref<1x8192xf32, #tpu.memory_space<vmem>> -> memref<8192xf32, #tpu.memory_space<vmem>>
        %dma_start3A_487 = tpu.memref_slice %arg2[%add3A_478] : memref<8388608xf32, #tpu.memory_space<hbm>> -> memref<8192xf32, #tpu.memory_space<hbm>>
        tpu.enqueue_dma source(%dma_start3A_487 : memref<8192xf32, #tpu.memory_space<hbm>>) target(%dma_start3A_486 : memref<8192xf32, #tpu.memory_space<vmem>>) target_semaphore(%arg10 : memref<!tpu.dma_semaphore, #tpu.memory_space<semaphore_mem>>)
        %dma_start3A_488 = arith.constant 0 : i32
        %dma_start3A_489 = arith.constant 0 : i32
        %dma_start3A_490 = tpu.memref_slice %arg7[%dma_start3A_488, %dma_start3A_489] : memref<2x8192xi32, #tpu.memory_space<vmem>> -> memref<1x8192xi32, #tpu.memory_space<vmem>>
        %dma_start3A_491 = tpu.memref_squeeze %dma_start3A_490 : memref<1x8192xi32, #tpu.memory_space<vmem>> -> memref<8192xi32, #tpu.memory_space<vmem>>
        %dma_start3A_492 = tpu.memref_slice %arg3[%add3A_478] : memref<8388608xi32, #tpu.memory_space<hbm>> -> memref<8192xi32, #tpu.memory_space<hbm>>
        %dma_start3A_493 = arith.constant 0 : i32
        %dma_start3A_494 = tpu.memref_slice %arg7[%dma_start3A_488, %dma_start3A_493] : memref<2x8192xi32, #tpu.memory_space<vmem>> -> memref<1x8192xi32, #tpu.memory_space<vmem>>
        %dma_start3A_495 = tpu.memref_squeeze %dma_start3A_494 : memref<1x8192xi32, #tpu.memory_space<vmem>> -> memref<8192xi32, #tpu.memory_space<vmem>>
        %dma_start3A_496 = tpu.memref_slice %arg3[%add3A_478] : memref<8388608xi32, #tpu.memory_space<hbm>> -> memref<8192xi32, #tpu.memory_space<hbm>>
        tpu.enqueue_dma source(%dma_start3A_496 : memref<8192xi32, #tpu.memory_space<hbm>>) target(%dma_start3A_495 : memref<8192xi32, #tpu.memory_space<vmem>>) target_semaphore(%arg10 : memref<!tpu.dma_semaphore, #tpu.memory_space<semaphore_mem>>)
        %dma_start3A_497 = arith.constant 0 : i32
        %dma_start3A_498 = arith.constant 0 : i32
        %dma_start3A_499 = tpu.memref_slice %arg8[%dma_start3A_497, %dma_start3A_498] : memref<2x8192xf32, #tpu.memory_space<vmem>> -> memref<1x8192xf32, #tpu.memory_space<vmem>>
        %dma_start3A_500 = tpu.memref_squeeze %dma_start3A_499 : memref<1x8192xf32, #tpu.memory_space<vmem>> -> memref<8192xf32, #tpu.memory_space<vmem>>
        %dma_start3A_501 = tpu.memref_slice %arg4[%add3A_478] : memref<8388608xf32, #tpu.memory_space<hbm>> -> memref<8192xf32, #tpu.memory_space<hbm>>
        %dma_start3A_502 = arith.constant 0 : i32
        %dma_start3A_503 = tpu.memref_slice %arg8[%dma_start3A_497, %dma_start3A_502] : memref<2x8192xf32, #tpu.memory_space<vmem>> -> memref<1x8192xf32, #tpu.memory_space<vmem>>
        %dma_start3A_504 = tpu.memref_squeeze %dma_start3A_503 : memref<1x8192xf32, #tpu.memory_space<vmem>> -> memref<8192xf32, #tpu.memory_space<vmem>>
        %dma_start3A_505 = tpu.memref_slice %arg4[%add3A_478] : memref<8388608xf32, #tpu.memory_space<hbm>> -> memref<8192xf32, #tpu.memory_space<hbm>>
        tpu.enqueue_dma source(%dma_start3A_505 : memref<8192xf32, #tpu.memory_space<hbm>>) target(%dma_start3A_504 : memref<8192xf32, #tpu.memory_space<vmem>>) target_semaphore(%arg10 : memref<!tpu.dma_semaphore, #tpu.memory_space<semaphore_mem>>)
      } else {
      }
      %scan3A_468 = arith.constant 0 : i32
      %scan3A_469 = arith.constant 0 : i32
      %scan3A_470 = arith.constant 128 : i32
      %scan3A_471 = arith.addi %scan3A_469, %scan3A_470 : i32
      %scan3A_472 = arith.constant 1 : i32
      scf.for %scan3A_474 = %scan3A_469 to %scan3A_471 step %scan3A_472  : i32 {
        %mul3A_475 = arith.constant 64 : i32
        %mul3A_476 = arith.muli %scan3A_474, %mul3A_475 : i32
        %add3A_477 = arith.constant 0 : i32
        %add3A_478 = arith.addi %mul3A_476, %add3A_477 : i32
        %get3A = arith.constant 1 : i32
        %get3A_479 = arith.index_cast %get3A : i32 to index
        %get3A_480 = arith.index_cast %add3A_478 : i32 to index
        %get3A_481 = tpu.vector_load %arg6[%get3A_479, %get3A_480] {strides = array<i32>} : memref<2x8192xf32, #tpu.memory_space<vmem>>, vector<16xf32>,
        %add3A_482 = arith.constant 16 : i32
        %add3A_483 = arith.addi %mul3A_476, %add3A_482 : i32
        %get3A_484 = arith.constant 1 : i32
        %get3A_485 = arith.index_cast %get3A_484 : i32 to index
        %get3A_486 = arith.index_cast %add3A_483 : i32 to index
        %get3A_487 = tpu.vector_load %arg6[%get3A_485, %get3A_486] {strides = array<i32>} : memref<2x8192xf32, #tpu.memory_space<vmem>>, vector<16xf32>,
        %add3A_488 = arith.constant 32 : i32
        %add3A_489 = arith.addi %mul3A_476, %add3A_488 : i32
        %get3A_490 = arith.constant 1 : i32
        %get3A_491 = arith.index_cast %get3A_490 : i32 to index
        %get3A_492 = arith.index_cast %add3A_489 : i32 to index
        %get3A_493 = tpu.vector_load %arg6[%get3A_491, %get3A_492] {strides = array<i32>} : memref<2x8192xf32, #tpu.memory_space<vmem>>, vector<16xf32>,
        %add3A_494 = arith.constant 48 : i32
        %add3A_495 = arith.addi %mul3A_476, %add3A_494 : i32
        %get3A_496 = arith.constant 1 : i32
        %get3A_497 = arith.index_cast %get3A_496 : i32 to index
        %get3A_498 = arith.index_cast %add3A_495 : i32 to index
        %get3A_499 = tpu.vector_load %arg6[%get3A_497, %get3A_498] {strides = array<i32>} : memref<2x8192xf32, #tpu.memory_space<vmem>>, vector<16xf32>,
        %add3A_500 = arith.constant 0 : i32
        %add3A_501 = arith.addi %mul3A_476, %add3A_500 : i32
        %get3A_502 = arith.constant 1 : i32
        %get3A_503 = arith.index_cast %get3A_502 : i32 to index
        %get3A_504 = arith.index_cast %add3A_501 : i32 to index
        %get3A_505 = tpu.vector_load %arg7[%get3A_503, %get3A_504] {strides = array<i32>} : memref<2x8192xi32, #tpu.memory_space<vmem>>, vector<16xi32>,
        %convert_element_type3A_506 = arith.sitofp %get3A_505 : vector<16xi32> to vector<16xf32>
        %add3A_507 = arith.constant 16 : i32
        %add3A_508 = arith.addi %mul3A_476, %add3A_507 : i32
        %get3A_509 = arith.constant 1 : i32
        %get3A_510 = arith.index_cast %get3A_509 : i32 to index
        %get3A_511 = arith.index_cast %add3A_508 : i32 to index
        %get3A_512 = tpu.vector_load %arg7[%get3A_510, %get3A_511] {strides = array<i32>} : memref<2x8192xi32, #tpu.memory_space<vmem>>, vector<16xi32>,
        %convert_element_type3A_513 = arith.sitofp %get3A_512 : vector<16xi32> to vector<16xf32>
        %add3A_514 = arith.constant 32 : i32
        %add3A_515 = arith.addi %mul3A_476, %add3A_514 : i32
        %get3A_516 = arith.constant 1 : i32
        %get3A_517 = arith.index_cast %get3A_516 : i32 to index
        %get3A_518 = arith.index_cast %add3A_515 : i32 to index
        %get3A_519 = tpu.vector_load %arg7[%get3A_517, %get3A_518] {strides = array<i32>} : memref<2x8192xi32, #tpu.memory_space<vmem>>, vector<16xi32>,
        %convert_element_type3A_520 = arith.sitofp %get3A_519 : vector<16xi32> to vector<16xf32>
        %add3A_521 = arith.constant 48 : i32
        %add3A_522 = arith.addi %mul3A_476, %add3A_521 : i32
        %get3A_523 = arith.constant 1 : i32
        %get3A_524 = arith.index_cast %get3A_523 : i32 to index
        %get3A_525 = arith.index_cast %add3A_522 : i32 to index
        %get3A_526 = tpu.vector_load %arg7[%get3A_524, %get3A_525] {strides = array<i32>} : memref<2x8192xi32, #tpu.memory_space<vmem>>, vector<16xi32>,
        %convert_element_type3A_527 = arith.sitofp %get3A_526 : vector<16xi32> to vector<16xf32>
        %add3A_528 = arith.constant 0 : i32
        %add3A_529 = arith.addi %mul3A_476, %add3A_528 : i32
        %get3A_530 = arith.constant 1 : i32
        %get3A_531 = arith.index_cast %get3A_530 : i32 to index
        %get3A_532 = arith.index_cast %add3A_529 : i32 to index
        %get3A_533 = tpu.vector_load %arg8[%get3A_531, %get3A_532] {strides = array<i32>} : memref<2x8192xf32, #tpu.memory_space<vmem>>, vector<16xf32>,
        %add3A_534 = arith.constant 16 : i32
        %add3A_535 = arith.addi %mul3A_476, %add3A_534 : i32
        %get3A_536 = arith.constant 1 : i32
        %get3A_537 = arith.index_cast %get3A_536 : i32 to index
        %get3A_538 = arith.index_cast %add3A_535 : i32 to index
        %get3A_539 = tpu.vector_load %arg8[%get3A_537, %get3A_538] {strides = array<i32>} : memref<2x8192xf32, #tpu.memory_space<vmem>>, vector<16xf32>,
        %add3A_540 = arith.constant 32 : i32
        %add3A_541 = arith.addi %mul3A_476, %add3A_540 : i32
        %get3A_542 = arith.constant 1 : i32
        %get3A_543 = arith.index_cast %get3A_542 : i32 to index
        %get3A_544 = arith.index_cast %add3A_541 : i32 to index
        %get3A_545 = tpu.vector_load %arg8[%get3A_543, %get3A_544] {strides = array<i32>} : memref<2x8192xf32, #tpu.memory_space<vmem>>, vector<16xf32>,
        %add3A_546 = arith.constant 48 : i32
        %add3A_547 = arith.addi %mul3A_476, %add3A_546 : i32
        %get3A_548 = arith.constant 1 : i32
        %get3A_549 = arith.index_cast %get3A_548 : i32 to index
        %get3A_550 = arith.index_cast %add3A_547 : i32 to index
        %get3A_551 = tpu.vector_load %arg8[%get3A_549, %get3A_550] {strides = array<i32>} : memref<2x8192xf32, #tpu.memory_space<vmem>>, vector<16xf32>,
        %abs3A = math.absf %get3A_481 : vector<16xf32>
        %abs3A_552 = math.absf %get3A_487 : vector<16xf32>
        %abs3A_553 = math.absf %get3A_493 : vector<16xf32>
        %abs3A_554 = math.absf %get3A_499 : vector<16xf32>
        %neg3A = arith.constant 0.000000e+00 : f32
        %neg3A_555 = vector.broadcast %neg3A : f32 to vector<16xf32>
        %neg3A_556 = arith.subf %neg3A_555, %abs3A : vector<16xf32>
        %exp3A = math.exp %neg3A_556 : vector<16xf32>
        %neg3A_557 = arith.constant 0.000000e+00 : f32
        %neg3A_558 = vector.broadcast %neg3A_557 : f32 to vector<16xf32>
        %neg3A_559 = arith.subf %neg3A_558, %abs3A_552 : vector<16xf32>
        %exp3A_560 = math.exp %neg3A_559 : vector<16xf32>
        %neg3A_561 = arith.constant 0.000000e+00 : f32
        %neg3A_562 = vector.broadcast %neg3A_561 : f32 to vector<16xf32>
        %neg3A_563 = arith.subf %neg3A_562, %abs3A_553 : vector<16xf32>
        %exp3A_564 = math.exp %neg3A_563 : vector<16xf32>
        %neg3A_565 = arith.constant 0.000000e+00 : f32
        %neg3A_566 = vector.broadcast %neg3A_565 : f32 to vector<16xf32>
        %neg3A_567 = arith.subf %neg3A_566, %abs3A_554 : vector<16xf32>
        %exp3A_568 = math.exp %neg3A_567 : vector<16xf32>
        %add3A_569 = arith.constant 1.000000e+00 : f32
        %add3A_570 = vector.broadcast %add3A_569 : f32 to vector<16xf32>
        %add3A_571 = arith.addf %add3A_570, %exp3A : vector<16xf32>
        %div3A = arith.constant 1.000000e+00 : f32
        %div3A_572 = vector.broadcast %div3A : f32 to vector<16xf32>
        %div3A_573 = arith.divf %div3A_572, %add3A_571 : vector<16xf32>
        %add3A_574 = arith.constant 1.000000e+00 : f32
        %add3A_575 = vector.broadcast %add3A_574 : f32 to vector<16xf32>
        %add3A_576 = arith.addf %add3A_575, %exp3A_560 : vector<16xf32>
        %div3A_577 = arith.constant 1.000000e+00 : f32
        %div3A_578 = vector.broadcast %div3A_577 : f32 to vector<16xf32>
        %div3A_579 = arith.divf %div3A_578, %add3A_576 : vector<16xf32>
        %add3A_580 = arith.constant 1.000000e+00 : f32
        %add3A_581 = vector.broadcast %add3A_580 : f32 to vector<16xf32>
        %add3A_582 = arith.addf %add3A_581, %exp3A_564 : vector<16xf32>
        %div3A_583 = arith.constant 1.000000e+00 : f32
        %div3A_584 = vector.broadcast %div3A_583 : f32 to vector<16xf32>
        %div3A_585 = arith.divf %div3A_584, %add3A_582 : vector<16xf32>
        %add3A_586 = arith.constant 1.000000e+00 : f32
        %add3A_587 = vector.broadcast %add3A_586 : f32 to vector<16xf32>
        %add3A_588 = arith.addf %add3A_587, %exp3A_568 : vector<16xf32>
        %div3A_589 = arith.constant 1.000000e+00 : f32
        %div3A_590 = vector.broadcast %div3A_589 : f32 to vector<16xf32>
        %div3A_591 = arith.divf %div3A_590, %add3A_588 : vector<16xf32>
        %ge3A = arith.constant 0.000000e+00 : f32
        %ge3A_592 = vector.broadcast %ge3A : f32 to vector<16xf32>
        %ge3A_593 = arith.cmpf oge, %get3A_481, %ge3A_592 : vector<16xf32>
        %mul3A_594 = arith.mulf %exp3A, %div3A_573 : vector<16xf32>
        %select_n3A = arith.select %ge3A_593, %div3A_573, %mul3A_594 : vector<16xi1>, vector<16xf32>
        %ge3A_595 = arith.constant 0.000000e+00 : f32
        %ge3A_596 = vector.broadcast %ge3A_595 : f32 to vector<16xf32>
        %ge3A_597 = arith.cmpf oge, %get3A_487, %ge3A_596 : vector<16xf32>
        %mul3A_598 = arith.mulf %exp3A_560, %div3A_579 : vector<16xf32>
        %select_n3A_599 = arith.select %ge3A_597, %div3A_579, %mul3A_598 : vector<16xi1>, vector<16xf32>
        %ge3A_600 = arith.constant 0.000000e+00 : f32
        %ge3A_601 = vector.broadcast %ge3A_600 : f32 to vector<16xf32>
        %ge3A_602 = arith.cmpf oge, %get3A_493, %ge3A_601 : vector<16xf32>
        %mul3A_603 = arith.mulf %exp3A_564, %div3A_585 : vector<16xf32>
        %select_n3A_604 = arith.select %ge3A_602, %div3A_585, %mul3A_603 : vector<16xi1>, vector<16xf32>
        %ge3A_605 = arith.constant 0.000000e+00 : f32
        %ge3A_606 = vector.broadcast %ge3A_605 : f32 to vector<16xf32>
        %ge3A_607 = arith.cmpf oge, %get3A_499, %ge3A_606 : vector<16xf32>
        %mul3A_608 = arith.mulf %exp3A_568, %div3A_591 : vector<16xf32>
        %select_n3A_609 = arith.select %ge3A_607, %div3A_591, %mul3A_608 : vector<16xi1>, vector<16xf32>
        %sub3A = arith.subf %select_n3A, %convert_element_type3A_506 : vector<16xf32>
        %abs3A_610 = math.absf %sub3A : vector<16xf32>
        %sub3A_611 = arith.subf %select_n3A_599, %convert_element_type3A_513 : vector<16xf32>
        %abs3A_612 = math.absf %sub3A_611 : vector<16xf32>
        %sub3A_613 = arith.subf %select_n3A_604, %convert_element_type3A_520 : vector<16xf32>
        %abs3A_614 = math.absf %sub3A_613 : vector<16xf32>
        %sub3A_615 = arith.subf %select_n3A_609, %convert_element_type3A_527 : vector<16xf32>
        %abs3A_616 = math.absf %sub3A_615 : vector<16xf32>
        %mul3A_617 = arith.constant 1.000000e+01 : f32
        %mul3A_618 = vector.broadcast %mul3A_617 : f32 to vector<16xf32>
        %mul3A_619 = arith.mulf %abs3A_610, %mul3A_618 : vector<16xf32>
        %convert_element_type3A_620 = arith.fptosi %mul3A_619 : vector<16xf32> to vector<16xi32>
        %min3A = arith.constant 9 : i32
        %min3A_621 = vector.broadcast %min3A : i32 to vector<16xi32>
        %min3A_622 = arith.minsi %convert_element_type3A_620, %min3A_621 : vector<16xi32>
        %mul3A_623 = arith.constant 1.000000e+01 : f32
        %mul3A_624 = vector.broadcast %mul3A_623 : f32 to vector<16xf32>
        %mul3A_625 = arith.mulf %abs3A_612, %mul3A_624 : vector<16xf32>
        %convert_element_type3A_626 = arith.fptosi %mul3A_625 : vector<16xf32> to vector<16xi32>
        %min3A_627 = arith.constant 9 : i32
        %min3A_628 = vector.broadcast %min3A_627 : i32 to vector<16xi32>
        %min3A_629 = arith.minsi %convert_element_type3A_626, %min3A_628 : vector<16xi32>
        %mul3A_630 = arith.constant 1.000000e+01 : f32
        %mul3A_631 = vector.broadcast %mul3A_630 : f32 to vector<16xf32>
        %mul3A_632 = arith.mulf %abs3A_614, %mul3A_631 : vector<16xf32>
        %convert_element_type3A_633 = arith.fptosi %mul3A_632 : vector<16xf32> to vector<16xi32>
        %min3A_634 = arith.constant 9 : i32
        %min3A_635 = vector.broadcast %min3A_634 : i32 to vector<16xi32>
        %min3A_636 = arith.minsi %convert_element_type3A_633, %min3A_635 : vector<16xi32>
        %mul3A_637 = arith.constant 1.000000e+01 : f32
        %mul3A_638 = vector.broadcast %mul3A_637 : f32 to vector<16xf32>
        %mul3A_639 = arith.mulf %abs3A_616, %mul3A_638 : vector<16xf32>
        %convert_element_type3A_640 = arith.fptosi %mul3A_639 : vector<16xf32> to vector<16xi32>
        %min3A_641 = arith.constant 9 : i32
        %min3A_642 = vector.broadcast %min3A_641 : i32 to vector<16xi32>
        %min3A_643 = arith.minsi %convert_element_type3A_640, %min3A_642 : vector<16xi32>
        %mul3A_644 = arith.constant 0.0301026255 : f32
        %mul3A_645 = vector.broadcast %mul3A_644 : f32 to vector<16xf32>
        %mul3A_646 = arith.mulf %mul3A_645, %exp3A : vector<16xf32>
        %add3A_647 = arith.constant -0.130119413 : f32
        %add3A_648 = vector.broadcast %add3A_647 : f32 to vector<16xf32>
        %add3A_649 = arith.addf %mul3A_646, %add3A_648 : vector<16xf32>
        %mul3A_650 = arith.mulf %add3A_649, %exp3A : vector<16xf32>
        %add3A_651 = arith.constant 0.283304334 : f32
        %add3A_652 = vector.broadcast %add3A_651 : f32 to vector<16xf32>
        %add3A_653 = arith.addf %mul3A_650, %add3A_652 : vector<16xf32>
        %mul3A_654 = arith.mulf %add3A_653, %exp3A : vector<16xf32>
        %add3A_655 = arith.constant -0.489156842 : f32
        %add3A_656 = vector.broadcast %add3A_655 : f32 to vector<16xf32>
        %add3A_657 = arith.addf %mul3A_654, %add3A_656 : vector<16xf32>
        %mul3A_658 = arith.mulf %add3A_657, %exp3A : vector<16xf32>
        %add3A_659 = arith.constant 0.999010443 : f32
        %add3A_660 = vector.broadcast %add3A_659 : f32 to vector<16xf32>
        %add3A_661 = arith.addf %mul3A_658, %add3A_660 : vector<16xf32>
        %mul3A_662 = arith.mulf %add3A_661, %exp3A : vector<16xf32>
        %add3A_663 = arith.constant 2.21170303E-5 : f32
        %add3A_664 = vector.broadcast %add3A_663 : f32 to vector<16xf32>
        %add3A_665 = arith.addf %mul3A_662, %add3A_664 : vector<16xf32>
        %mul3A_666 = arith.constant 0.0301026255 : f32
        %mul3A_667 = vector.broadcast %mul3A_666 : f32 to vector<16xf32>
        %mul3A_668 = arith.mulf %mul3A_667, %exp3A_560 : vector<16xf32>
        %add3A_669 = arith.constant -0.130119413 : f32
        %add3A_670 = vector.broadcast %add3A_669 : f32 to vector<16xf32>
        %add3A_671 = arith.addf %mul3A_668, %add3A_670 : vector<16xf32>
        %mul3A_672 = arith.mulf %add3A_671, %exp3A_560 : vector<16xf32>
        %add3A_673 = arith.constant 0.283304334 : f32
        %add3A_674 = vector.broadcast %add3A_673 : f32 to vector<16xf32>
        %add3A_675 = arith.addf %mul3A_672, %add3A_674 : vector<16xf32>
        %mul3A_676 = arith.mulf %add3A_675, %exp3A_560 : vector<16xf32>
        %add3A_677 = arith.constant -0.489156842 : f32
        %add3A_678 = vector.broadcast %add3A_677 : f32 to vector<16xf32>
        %add3A_679 = arith.addf %mul3A_676, %add3A_678 : vector<16xf32>
        %mul3A_680 = arith.mulf %add3A_679, %exp3A_560 : vector<16xf32>
        %add3A_681 = arith.constant 0.999010443 : f32
        %add3A_682 = vector.broadcast %add3A_681 : f32 to vector<16xf32>
        %add3A_683 = arith.addf %mul3A_680, %add3A_682 : vector<16xf32>
        %mul3A_684 = arith.mulf %add3A_683, %exp3A_560 : vector<16xf32>
        %add3A_685 = arith.constant 2.21170303E-5 : f32
        %add3A_686 = vector.broadcast %add3A_685 : f32 to vector<16xf32>
        %add3A_687 = arith.addf %mul3A_684, %add3A_686 : vector<16xf32>
        %mul3A_688 = arith.constant 0.0301026255 : f32
        %mul3A_689 = vector.broadcast %mul3A_688 : f32 to vector<16xf32>
        %mul3A_690 = arith.mulf %mul3A_689, %exp3A_564 : vector<16xf32>
        %add3A_691 = arith.constant -0.130119413 : f32
        %add3A_692 = vector.broadcast %add3A_691 : f32 to vector<16xf32>
        %add3A_693 = arith.addf %mul3A_690, %add3A_692 : vector<16xf32>
        %mul3A_694 = arith.mulf %add3A_693, %exp3A_564 : vector<16xf32>
        %add3A_695 = arith.constant 0.283304334 : f32
        %add3A_696 = vector.broadcast %add3A_695 : f32 to vector<16xf32>
        %add3A_697 = arith.addf %mul3A_694, %add3A_696 : vector<16xf32>
        %mul3A_698 = arith.mulf %add3A_697, %exp3A_564 : vector<16xf32>
        %add3A_699 = arith.constant -0.489156842 : f32
        %add3A_700 = vector.broadcast %add3A_699 : f32 to vector<16xf32>
        %add3A_701 = arith.addf %mul3A_698, %add3A_700 : vector<16xf32>
        %mul3A_702 = arith.mulf %add3A_701, %exp3A_564 : vector<16xf32>
        %add3A_703 = arith.constant 0.999010443 : f32
        %add3A_704 = vector.broadcast %add3A_703 : f32 to vector<16xf32>
        %add3A_705 = arith.addf %mul3A_702, %add3A_704 : vector<16xf32>
        %mul3A_706 = arith.mulf %add3A_705, %exp3A_564 : vector<16xf32>
        %add3A_707 = arith.constant 2.21170303E-5 : f32
        %add3A_708 = vector.broadcast %add3A_707 : f32 to vector<16xf32>
        %add3A_709 = arith.addf %mul3A_706, %add3A_708 : vector<16xf32>
        %mul3A_710 = arith.constant 0.0301026255 : f32
        %mul3A_711 = vector.broadcast %mul3A_710 : f32 to vector<16xf32>
        %mul3A_712 = arith.mulf %mul3A_711, %exp3A_568 : vector<16xf32>
        %add3A_713 = arith.constant -0.130119413 : f32
        %add3A_714 = vector.broadcast %add3A_713 : f32 to vector<16xf32>
        %add3A_715 = arith.addf %mul3A_712, %add3A_714 : vector<16xf32>
        %mul3A_716 = arith.mulf %add3A_715, %exp3A_568 : vector<16xf32>
        %add3A_717 = arith.constant 0.283304334 : f32
        %add3A_718 = vector.broadcast %add3A_717 : f32 to vector<16xf32>
        %add3A_719 = arith.addf %mul3A_716, %add3A_718 : vector<16xf32>
        %mul3A_720 = arith.mulf %add3A_719, %exp3A_568 : vector<16xf32>
        %add3A_721 = arith.constant -0.489156842 : f32
        %add3A_722 = vector.broadcast %add3A_721 : f32 to vector<16xf32>
        %add3A_723 = arith.addf %mul3A_720, %add3A_722 : vector<16xf32>
        %mul3A_724 = arith.mulf %add3A_723, %exp3A_568 : vector<16xf32>
        %add3A_725 = arith.constant 0.999010443 : f32
        %add3A_726 = vector.broadcast %add3A_725 : f32 to vector<16xf32>
        %add3A_727 = arith.addf %mul3A_724, %add3A_726 : vector<16xf32>
        %mul3A_728 = arith.mulf %add3A_727, %exp3A_568 : vector<16xf32>
        %add3A_729 = arith.constant 2.21170303E-5 : f32
        %add3A_730 = vector.broadcast %add3A_729 : f32 to vector<16xf32>
        %add3A_731 = arith.addf %mul3A_728, %add3A_730 : vector<16xf32>
        %max3A = arith.constant 0.000000e+00 : f32
        %max3A_732 = vector.broadcast %max3A : f32 to vector<16xf32>
        %max3A_733 = arith.maximumf %get3A_481, %max3A_732 : vector<16xf32>
        %mul3A_734 = arith.mulf %get3A_481, %convert_element_type3A_506 : vector<16xf32>
        %sub3A_735 = arith.subf %max3A_733, %mul3A_734 : vector<16xf32>
        %add3A_736 = arith.addf %sub3A_735, %add3A_665 : vector<16xf32>
        %max3A_737 = arith.constant 0.000000e+00 : f32
        %max3A_738 = vector.broadcast %max3A_737 : f32 to vector<16xf32>
        %max3A_739 = arith.maximumf %get3A_487, %max3A_738 : vector<16xf32>
        %mul3A_740 = arith.mulf %get3A_487, %convert_element_type3A_513 : vector<16xf32>
        %sub3A_741 = arith.subf %max3A_739, %mul3A_740 : vector<16xf32>
        %add3A_742 = arith.addf %sub3A_741, %add3A_687 : vector<16xf32>
        %max3A_743 = arith.constant 0.000000e+00 : f32
        %max3A_744 = vector.broadcast %max3A_743 : f32 to vector<16xf32>
        %max3A_745 = arith.maximumf %get3A_493, %max3A_744 : vector<16xf32>
        %mul3A_746 = arith.mulf %get3A_493, %convert_element_type3A_520 : vector<16xf32>
        %sub3A_747 = arith.subf %max3A_745, %mul3A_746 : vector<16xf32>
        %add3A_748 = arith.addf %sub3A_747, %add3A_709 : vector<16xf32>
        %max3A_749 = arith.constant 0.000000e+00 : f32
        %max3A_750 = vector.broadcast %max3A_749 : f32 to vector<16xf32>
        %max3A_751 = arith.maximumf %get3A_499, %max3A_750 : vector<16xf32>
        %mul3A_752 = arith.mulf %get3A_499, %convert_element_type3A_527 : vector<16xf32>
        %sub3A_753 = arith.subf %max3A_751, %mul3A_752 : vector<16xf32>
        %add3A_754 = arith.addf %sub3A_753, %add3A_731 : vector<16xf32>
        %gt3A = arith.constant 0.000000e+00 : f32
        %gt3A_755 = vector.broadcast %gt3A : f32 to vector<16xf32>
        %gt3A_756 = arith.cmpf ogt, %get3A_533, %gt3A_755 : vector<16xf32>
        %gt3A_757 = arith.constant 0.000000e+00 : f32
        %gt3A_758 = vector.broadcast %gt3A_757 : f32 to vector<16xf32>
        %gt3A_759 = arith.cmpf ogt, %get3A_539, %gt3A_758 : vector<16xf32>
        %gt3A_760 = arith.constant 0.000000e+00 : f32
        %gt3A_761 = vector.broadcast %gt3A_760 : f32 to vector<16xf32>
        %gt3A_762 = arith.cmpf ogt, %get3A_545, %gt3A_761 : vector<16xf32>
        %gt3A_763 = arith.constant 0.000000e+00 : f32
        %gt3A_764 = vector.broadcast %gt3A_763 : f32 to vector<16xf32>
        %gt3A_765 = arith.cmpf ogt, %get3A_551, %gt3A_764 : vector<16xf32>
        %mul3A_766 = arith.constant 16 : i32
        %mul3A_767 = vector.broadcast %mul3A_766 : i32 to vector<16xi32>
        %mul3A_768 = arith.muli %min3A_622, %mul3A_767 : vector<16xi32>
        %add3A_769 = arith.addi %mul3A_768, %iota3A : vector<16xi32>
        %mul3A_770 = arith.constant 16 : i32
        %mul3A_771 = vector.broadcast %mul3A_770 : i32 to vector<16xi32>
        %mul3A_772 = arith.muli %min3A_629, %mul3A_771 : vector<16xi32>
        %add3A_773 = arith.addi %mul3A_772, %iota3A : vector<16xi32>
        %mul3A_774 = arith.constant 16 : i32
        %mul3A_775 = vector.broadcast %mul3A_774 : i32 to vector<16xi32>
        %mul3A_776 = arith.muli %min3A_636, %mul3A_775 : vector<16xi32>
        %add3A_777 = arith.addi %mul3A_776, %iota3A : vector<16xi32>
        %mul3A_778 = arith.constant 16 : i32
        %mul3A_779 = vector.broadcast %mul3A_778 : i32 to vector<16xi32>
        %mul3A_780 = arith.muli %min3A_643, %mul3A_779 : vector<16xi32>
        %add3A_781 = arith.addi %mul3A_780, %iota3A : vector<16xi32>
        %add3A_782 = arith.constant 0 : i32
        %add3A_783 = vector.broadcast %add3A_782 : i32 to vector<16xi32>
        %add3A_784 = arith.addi %add3A_769, %add3A_783 : vector<16xi32>
        tpu.vector_store_idx %arg9[%add3A_784], %broadcast_in_dim3A_324 masked %gt3A_756 {add = true} : memref<1280xf32, #tpu.memory_space<vmem>>[vector<16xi32>], vector<16xf32>, vector<16xi1>
        %add3A_785 = arith.constant 160 : i32
        %add3A_786 = vector.broadcast %add3A_785 : i32 to vector<16xi32>
        %add3A_787 = arith.addi %add3A_769, %add3A_786 : vector<16xi32>
        tpu.vector_store_idx %arg9[%add3A_787], %add3A_736 masked %gt3A_756 {add = true} : memref<1280xf32, #tpu.memory_space<vmem>>[vector<16xi32>], vector<16xf32>, vector<16xi1>
        %add3A_788 = arith.constant 320 : i32
        %add3A_789 = vector.broadcast %add3A_788 : i32 to vector<16xi32>
        %add3A_790 = arith.addi %add3A_773, %add3A_789 : vector<16xi32>
        tpu.vector_store_idx %arg9[%add3A_790], %broadcast_in_dim3A_324 masked %gt3A_759 {add = true} : memref<1280xf32, #tpu.memory_space<vmem>>[vector<16xi32>], vector<16xf32>, vector<16xi1>
        %add3A_791 = arith.constant 480 : i32
        %add3A_792 = vector.broadcast %add3A_791 : i32 to vector<16xi32>
        %add3A_793 = arith.addi %add3A_773, %add3A_792 : vector<16xi32>
        tpu.vector_store_idx %arg9[%add3A_793], %add3A_742 masked %gt3A_759 {add = true} : memref<1280xf32, #tpu.memory_space<vmem>>[vector<16xi32>], vector<16xf32>, vector<16xi1>
        %add3A_794 = arith.constant 640 : i32
        %add3A_795 = vector.broadcast %add3A_794 : i32 to vector<16xi32>
        %add3A_796 = arith.addi %add3A_777, %add3A_795 : vector<16xi32>
        tpu.vector_store_idx %arg9[%add3A_796], %broadcast_in_dim3A_324 masked %gt3A_762 {add = true} : memref<1280xf32, #tpu.memory_space<vmem>>[vector<16xi32>], vector<16xf32>, vector<16xi1>
        %add3A_797 = arith.constant 800 : i32
        %add3A_798 = vector.broadcast %add3A_797 : i32 to vector<16xi32>
        %add3A_799 = arith.addi %add3A_777, %add3A_798 : vector<16xi32>
        tpu.vector_store_idx %arg9[%add3A_799], %add3A_748 masked %gt3A_762 {add = true} : memref<1280xf32, #tpu.memory_space<vmem>>[vector<16xi32>], vector<16xf32>, vector<16xi1>
        %add3A_800 = arith.constant 960 : i32
        %add3A_801 = vector.broadcast %add3A_800 : i32 to vector<16xi32>
        %add3A_802 = arith.addi %add3A_781, %add3A_801 : vector<16xi32>
        tpu.vector_store_idx %arg9[%add3A_802], %broadcast_in_dim3A_324 masked %gt3A_765 {add = true} : memref<1280xf32, #tpu.memory_space<vmem>>[vector<16xi32>], vector<16xf32>, vector<16xi1>
        %add3A_803 = arith.constant 1120 : i32
        %add3A_804 = vector.broadcast %add3A_803 : i32 to vector<16xi32>
        %add3A_805 = arith.addi %add3A_781, %add3A_804 : vector<16xi32>
        tpu.vector_store_idx %arg9[%add3A_805], %add3A_754 masked %gt3A_765 {add = true} : memref<1280xf32, #tpu.memory_space<vmem>>[vector<16xi32>], vector<16xf32>, vector<16xi1>
      }
      %scan3A_473 = arith.constant 128 : i32
    }
    %scan3A_357 = arith.constant 8 : i32
    "tpu.region"() ({
      %run_scoped3A = tpu.sem_alloc : memref<!tpu.dma_semaphore, #tpu.memory_space<semaphore_mem>>
      %dma_start3A_358 = arith.constant 0 : i32
      %dma_start3A_359 = tpu.memref_slice %arg5[%add3A, %dma_start3A_358] : memref<32x1280xf32, #tpu.memory_space<hbm>> -> memref<1x1280xf32, #tpu.memory_space<hbm>>
      %dma_start3A_360 = tpu.memref_squeeze %dma_start3A_359 : memref<1x1280xf32, #tpu.memory_space<hbm>> -> memref<1280xf32, #tpu.memory_space<hbm>>
      %dma_start3A_361 = arith.constant 0 : i32
      %dma_start3A_362 = tpu.memref_slice %arg5[%add3A, %dma_start3A_361] : memref<32x1280xf32, #tpu.memory_space<hbm>> -> memref<1x1280xf32, #tpu.memory_space<hbm>>
      %dma_start3A_363 = tpu.memref_squeeze %dma_start3A_362 : memref<1x1280xf32, #tpu.memory_space<hbm>> -> memref<1280xf32, #tpu.memory_space<hbm>>
      tpu.enqueue_dma source(%arg9 : memref<1280xf32, #tpu.memory_space<vmem>>) target(%dma_start3A_363 : memref<1280xf32, #tpu.memory_space<hbm>>) target_semaphore(%run_scoped3A : memref<!tpu.dma_semaphore, #tpu.memory_space<semaphore_mem>>)
      %dma_wait3A = arith.constant 0 : i32
      %dma_wait3A_364 = tpu.memref_slice %arg5[%add3A, %dma_wait3A] : memref<32x1280xf32, #tpu.memory_space<hbm>> -> memref<1x1280xf32, #tpu.memory_space<hbm>>
      %dma_wait3A_365 = tpu.memref_squeeze %dma_wait3A_364 : memref<1x1280xf32, #tpu.memory_space<hbm>> -> memref<1280xf32, #tpu.memory_space<hbm>>
      %dma_wait3A_366 = arith.constant 0 : i32
      %dma_wait3A_367 = tpu.memref_slice %arg5[%add3A, %dma_wait3A_366] : memref<32x1280xf32, #tpu.memory_space<hbm>> -> memref<1x1280xf32, #tpu.memory_space<hbm>>
      %dma_wait3A_368 = tpu.memref_squeeze %dma_wait3A_367 : memref<1x1280xf32, #tpu.memory_space<hbm>> -> memref<1280xf32, #tpu.memory_space<hbm>>
      tpu.wait_dma2 semaphore(%run_scoped3A : memref<!tpu.dma_semaphore, #tpu.memory_space<semaphore_mem>>) src(%arg9 : memref<1280xf32, #tpu.memory_space<vmem>>) dst(%dma_wait3A_368 : memref<1280xf32, #tpu.memory_space<hbm>>)
      tpu.yield
    }) : () -> ()
    return
  }
}

module attributes {stable_mosaic.version = 14 : i64} {
  func.func @_tc_body(%arg0: i32, %arg1: memref<512x512xf32, #tpu.memory_space<vmem>>, %arg2: memref<512x512xi32, #tpu.memory_space<vmem>>, %arg3: memref<512x512xf32, #tpu.memory_space<vmem>>, %arg4: memref<24x512xf32, #tpu.memory_space<vmem>>) attributes {dimension_semantics = [#tpu.dimension_semantics<arbitrary>], iteration_bounds = array<i64: 16>, scalar_prefetch = 0 : i64, scratch_operands = 0 : i64, tpu.core_type = #tpu.core_type<tc>, window_params = [{transform_indices = @transform_0, window_bounds = array<i64: 512, 512>}, {transform_indices = @transform_1, window_bounds = array<i64: 512, 512>}, {transform_indices = @transform_2, window_bounds = array<i64: 512, 512>}, {pipeline_mode = #tpu.pipeline_mode<synchronous>, transform_indices = @transform_3, window_bounds = array<i64: 24, 512>}]} {
    %get3A = arith.constant 0 : index
    %get3A_0 = arith.constant 0 : index
    %get3A_1 = vector.load %arg1[%get3A, %get3A_0] : memref<512x512xf32, #tpu.memory_space<vmem>>, vector<512x512xf32>
    %get3A_2 = arith.constant 0 : index
    %get3A_3 = arith.constant 0 : index
    %get3A_4 = vector.load %arg2[%get3A_2, %get3A_3] : memref<512x512xi32, #tpu.memory_space<vmem>>, vector<512x512xi32>
    %convert_element_type3A = arith.sitofp %get3A_4 : vector<512x512xi32> to vector<512x512xf32>
    %get3A_5 = arith.constant 0 : index
    %get3A_6 = arith.constant 0 : index
    %get3A_7 = vector.load %arg3[%get3A_5, %get3A_6] : memref<512x512xf32, #tpu.memory_space<vmem>>, vector<512x512xf32>
    %abs3A = math.absf %get3A_1 : vector<512x512xf32>
    %neg3A = arith.constant 0.000000e+00 : f32
    %neg3A_8 = vector.broadcast %neg3A : f32 to vector<512x512xf32>
    %neg3A_9 = arith.subf %neg3A_8, %abs3A : vector<512x512xf32>
    %exp3A = math.exp %neg3A_9 : vector<512x512xf32>
    %add3A = arith.constant 1.000000e+00 : f32
    %add3A_10 = vector.broadcast %add3A : f32 to vector<512x512xf32>
    %add3A_11 = arith.addf %add3A_10, %exp3A : vector<512x512xf32>
    %div3A = arith.constant 1.000000e+00 : f32
    %div3A_12 = vector.broadcast %div3A : f32 to vector<512x512xf32>
    %div3A_13 = arith.divf %div3A_12, %add3A_11 : vector<512x512xf32>
    %ge3A = arith.constant 0.000000e+00 : f32
    %ge3A_14 = vector.broadcast %ge3A : f32 to vector<512x512xf32>
    %ge3A_15 = arith.cmpf oge, %get3A_1, %ge3A_14 : vector<512x512xf32>
    %mul3A = arith.mulf %exp3A, %div3A_13 : vector<512x512xf32>
    %select_n3A = arith.select %ge3A_15, %div3A_13, %mul3A : vector<512x512xi1>, vector<512x512xf32>
    %sub3A = arith.subf %select_n3A, %convert_element_type3A : vector<512x512xf32>
    %abs3A_16 = math.absf %sub3A : vector<512x512xf32>
    %max3A = arith.constant 0.000000e+00 : f32
    %max3A_17 = vector.broadcast %max3A : f32 to vector<512x512xf32>
    %max3A_18 = arith.maximumf %get3A_1, %max3A_17 : vector<512x512xf32>
    %mul3A_19 = arith.mulf %get3A_1, %convert_element_type3A : vector<512x512xf32>
    %sub3A_20 = arith.subf %max3A_18, %mul3A_19 : vector<512x512xf32>
    %mul3A_21 = arith.constant 0.0301026255 : f32
    %mul3A_22 = vector.broadcast %mul3A_21 : f32 to vector<512x512xf32>
    %mul3A_23 = arith.mulf %mul3A_22, %exp3A : vector<512x512xf32>
    %add3A_24 = arith.constant -0.130119413 : f32
    %add3A_25 = vector.broadcast %add3A_24 : f32 to vector<512x512xf32>
    %add3A_26 = arith.addf %mul3A_23, %add3A_25 : vector<512x512xf32>
    %mul3A_27 = arith.mulf %add3A_26, %exp3A : vector<512x512xf32>
    %add3A_28 = arith.constant 0.283304334 : f32
    %add3A_29 = vector.broadcast %add3A_28 : f32 to vector<512x512xf32>
    %add3A_30 = arith.addf %mul3A_27, %add3A_29 : vector<512x512xf32>
    %mul3A_31 = arith.mulf %add3A_30, %exp3A : vector<512x512xf32>
    %add3A_32 = arith.constant -0.489156842 : f32
    %add3A_33 = vector.broadcast %add3A_32 : f32 to vector<512x512xf32>
    %add3A_34 = arith.addf %mul3A_31, %add3A_33 : vector<512x512xf32>
    %mul3A_35 = arith.mulf %add3A_34, %exp3A : vector<512x512xf32>
    %add3A_36 = arith.constant 0.999010443 : f32
    %add3A_37 = vector.broadcast %add3A_36 : f32 to vector<512x512xf32>
    %add3A_38 = arith.addf %mul3A_35, %add3A_37 : vector<512x512xf32>
    %mul3A_39 = arith.mulf %add3A_38, %exp3A : vector<512x512xf32>
    %add3A_40 = arith.constant 2.21170303E-5 : f32
    %add3A_41 = vector.broadcast %add3A_40 : f32 to vector<512x512xf32>
    %add3A_42 = arith.addf %mul3A_39, %add3A_41 : vector<512x512xf32>
    %add3A_43 = arith.addf %sub3A_20, %add3A_42 : vector<512x512xf32>
    %gt3A = arith.constant 0.000000e+00 : f32
    %gt3A_44 = vector.broadcast %gt3A : f32 to vector<512x512xf32>
    %gt3A_45 = arith.cmpf ogt, %get3A_7, %gt3A_44 : vector<512x512xf32>
    %convert_element_type3A_46 = arith.extui %gt3A_45 : vector<512x512xi1> to vector<512x512xi32>
    %convert_element_type3A_47 = arith.sitofp %convert_element_type3A_46 : vector<512x512xi32> to vector<512x512xf32>
    %mul3A_48 = arith.mulf %add3A_43, %convert_element_type3A_47 : vector<512x512xf32>
    %reduce_sum3A = arith.constant dense<0.000000e+00> : vector<512xf32>
    %reduce_sum3A_49 = vector.multi_reduction <add>, %convert_element_type3A_47, %reduce_sum3A [0] : vector<512x512xf32> to vector<512xf32>
    %broadcast_in_dim3A = vector.shape_cast %reduce_sum3A_49 : vector<512xf32> to vector<1x512xf32>
    %reduce_sum3A_50 = arith.constant dense<0.000000e+00> : vector<512xf32>
    %reduce_sum3A_51 = vector.multi_reduction <add>, %mul3A_48, %reduce_sum3A_50 [0] : vector<512x512xf32> to vector<512xf32>
    %broadcast_in_dim3A_52 = vector.shape_cast %reduce_sum3A_51 : vector<512xf32> to vector<1x512xf32>
    %ge3A_53 = arith.constant 1.000000e-01 : f32
    %ge3A_54 = vector.broadcast %ge3A_53 : f32 to vector<512x512xf32>
    %ge3A_55 = arith.cmpf oge, %abs3A_16, %ge3A_54 : vector<512x512xf32>
    %jit3A = arith.constant 0.000000e+00 : f32
    %broadcast_in_dim3A_56 = vector.broadcast %jit3A : f32 to vector<512x512xf32>
    %select_n3A_57 = arith.select %ge3A_55, %convert_element_type3A_47, %broadcast_in_dim3A_56 : vector<512x512xi1>, vector<512x512xf32>
    %jit3A_58 = arith.constant 0.000000e+00 : f32
    %broadcast_in_dim3A_59 = vector.broadcast %jit3A_58 : f32 to vector<512x512xf32>
    %select_n3A_60 = arith.select %ge3A_55, %mul3A_48, %broadcast_in_dim3A_59 : vector<512x512xi1>, vector<512x512xf32>
    %reduce_sum3A_61 = arith.constant dense<0.000000e+00> : vector<512xf32>
    %reduce_sum3A_62 = vector.multi_reduction <add>, %select_n3A_57, %reduce_sum3A_61 [0] : vector<512x512xf32> to vector<512xf32>
    %broadcast_in_dim3A_63 = vector.shape_cast %reduce_sum3A_62 : vector<512xf32> to vector<1x512xf32>
    %reduce_sum3A_64 = arith.constant dense<0.000000e+00> : vector<512xf32>
    %reduce_sum3A_65 = vector.multi_reduction <add>, %select_n3A_60, %reduce_sum3A_64 [0] : vector<512x512xf32> to vector<512xf32>
    %broadcast_in_dim3A_66 = vector.shape_cast %reduce_sum3A_65 : vector<512xf32> to vector<1x512xf32>
    %ge3A_67 = arith.constant 2.000000e-01 : f32
    %ge3A_68 = vector.broadcast %ge3A_67 : f32 to vector<512x512xf32>
    %ge3A_69 = arith.cmpf oge, %abs3A_16, %ge3A_68 : vector<512x512xf32>
    %jit3A_70 = arith.constant 0.000000e+00 : f32
    %broadcast_in_dim3A_71 = vector.broadcast %jit3A_70 : f32 to vector<512x512xf32>
    %select_n3A_72 = arith.select %ge3A_69, %convert_element_type3A_47, %broadcast_in_dim3A_71 : vector<512x512xi1>, vector<512x512xf32>
    %jit3A_73 = arith.constant 0.000000e+00 : f32
    %broadcast_in_dim3A_74 = vector.broadcast %jit3A_73 : f32 to vector<512x512xf32>
    %select_n3A_75 = arith.select %ge3A_69, %mul3A_48, %broadcast_in_dim3A_74 : vector<512x512xi1>, vector<512x512xf32>
    %reduce_sum3A_76 = arith.constant dense<0.000000e+00> : vector<512xf32>
    %reduce_sum3A_77 = vector.multi_reduction <add>, %select_n3A_72, %reduce_sum3A_76 [0] : vector<512x512xf32> to vector<512xf32>
    %broadcast_in_dim3A_78 = vector.shape_cast %reduce_sum3A_77 : vector<512xf32> to vector<1x512xf32>
    %reduce_sum3A_79 = arith.constant dense<0.000000e+00> : vector<512xf32>
    %reduce_sum3A_80 = vector.multi_reduction <add>, %select_n3A_75, %reduce_sum3A_79 [0] : vector<512x512xf32> to vector<512xf32>
    %broadcast_in_dim3A_81 = vector.shape_cast %reduce_sum3A_80 : vector<512xf32> to vector<1x512xf32>
    %ge3A_82 = arith.constant 3.000000e-01 : f32
    %ge3A_83 = vector.broadcast %ge3A_82 : f32 to vector<512x512xf32>
    %ge3A_84 = arith.cmpf oge, %abs3A_16, %ge3A_83 : vector<512x512xf32>
    %jit3A_85 = arith.constant 0.000000e+00 : f32
    %broadcast_in_dim3A_86 = vector.broadcast %jit3A_85 : f32 to vector<512x512xf32>
    %select_n3A_87 = arith.select %ge3A_84, %convert_element_type3A_47, %broadcast_in_dim3A_86 : vector<512x512xi1>, vector<512x512xf32>
    %jit3A_88 = arith.constant 0.000000e+00 : f32
    %broadcast_in_dim3A_89 = vector.broadcast %jit3A_88 : f32 to vector<512x512xf32>
    %select_n3A_90 = arith.select %ge3A_84, %mul3A_48, %broadcast_in_dim3A_89 : vector<512x512xi1>, vector<512x512xf32>
    %reduce_sum3A_91 = arith.constant dense<0.000000e+00> : vector<512xf32>
    %reduce_sum3A_92 = vector.multi_reduction <add>, %select_n3A_87, %reduce_sum3A_91 [0] : vector<512x512xf32> to vector<512xf32>
    %broadcast_in_dim3A_93 = vector.shape_cast %reduce_sum3A_92 : vector<512xf32> to vector<1x512xf32>
    %reduce_sum3A_94 = arith.constant dense<0.000000e+00> : vector<512xf32>
    %reduce_sum3A_95 = vector.multi_reduction <add>, %select_n3A_90, %reduce_sum3A_94 [0] : vector<512x512xf32> to vector<512xf32>
    %broadcast_in_dim3A_96 = vector.shape_cast %reduce_sum3A_95 : vector<512xf32> to vector<1x512xf32>
    %ge3A_97 = arith.constant 4.000000e-01 : f32
    %ge3A_98 = vector.broadcast %ge3A_97 : f32 to vector<512x512xf32>
    %ge3A_99 = arith.cmpf oge, %abs3A_16, %ge3A_98 : vector<512x512xf32>
    %jit3A_100 = arith.constant 0.000000e+00 : f32
    %broadcast_in_dim3A_101 = vector.broadcast %jit3A_100 : f32 to vector<512x512xf32>
    %select_n3A_102 = arith.select %ge3A_99, %convert_element_type3A_47, %broadcast_in_dim3A_101 : vector<512x512xi1>, vector<512x512xf32>
    %jit3A_103 = arith.constant 0.000000e+00 : f32
    %broadcast_in_dim3A_104 = vector.broadcast %jit3A_103 : f32 to vector<512x512xf32>
    %select_n3A_105 = arith.select %ge3A_99, %mul3A_48, %broadcast_in_dim3A_104 : vector<512x512xi1>, vector<512x512xf32>
    %reduce_sum3A_106 = arith.constant dense<0.000000e+00> : vector<512xf32>
    %reduce_sum3A_107 = vector.multi_reduction <add>, %select_n3A_102, %reduce_sum3A_106 [0] : vector<512x512xf32> to vector<512xf32>
    %broadcast_in_dim3A_108 = vector.shape_cast %reduce_sum3A_107 : vector<512xf32> to vector<1x512xf32>
    %reduce_sum3A_109 = arith.constant dense<0.000000e+00> : vector<512xf32>
    %reduce_sum3A_110 = vector.multi_reduction <add>, %select_n3A_105, %reduce_sum3A_109 [0] : vector<512x512xf32> to vector<512xf32>
    %broadcast_in_dim3A_111 = vector.shape_cast %reduce_sum3A_110 : vector<512xf32> to vector<1x512xf32>
    %ge3A_112 = arith.constant 5.000000e-01 : f32
    %ge3A_113 = vector.broadcast %ge3A_112 : f32 to vector<512x512xf32>
    %ge3A_114 = arith.cmpf oge, %abs3A_16, %ge3A_113 : vector<512x512xf32>
    %jit3A_115 = arith.constant 0.000000e+00 : f32
    %broadcast_in_dim3A_116 = vector.broadcast %jit3A_115 : f32 to vector<512x512xf32>
    %select_n3A_117 = arith.select %ge3A_114, %convert_element_type3A_47, %broadcast_in_dim3A_116 : vector<512x512xi1>, vector<512x512xf32>
    %jit3A_118 = arith.constant 0.000000e+00 : f32
    %broadcast_in_dim3A_119 = vector.broadcast %jit3A_118 : f32 to vector<512x512xf32>
    %select_n3A_120 = arith.select %ge3A_114, %mul3A_48, %broadcast_in_dim3A_119 : vector<512x512xi1>, vector<512x512xf32>
    %reduce_sum3A_121 = arith.constant dense<0.000000e+00> : vector<512xf32>
    %reduce_sum3A_122 = vector.multi_reduction <add>, %select_n3A_117, %reduce_sum3A_121 [0] : vector<512x512xf32> to vector<512xf32>
    %broadcast_in_dim3A_123 = vector.shape_cast %reduce_sum3A_122 : vector<512xf32> to vector<1x512xf32>
    %reduce_sum3A_124 = arith.constant dense<0.000000e+00> : vector<512xf32>
    %reduce_sum3A_125 = vector.multi_reduction <add>, %select_n3A_120, %reduce_sum3A_124 [0] : vector<512x512xf32> to vector<512xf32>
    %broadcast_in_dim3A_126 = vector.shape_cast %reduce_sum3A_125 : vector<512xf32> to vector<1x512xf32>
    %ge3A_127 = arith.constant 6.000000e-01 : f32
    %ge3A_128 = vector.broadcast %ge3A_127 : f32 to vector<512x512xf32>
    %ge3A_129 = arith.cmpf oge, %abs3A_16, %ge3A_128 : vector<512x512xf32>
    %jit3A_130 = arith.constant 0.000000e+00 : f32
    %broadcast_in_dim3A_131 = vector.broadcast %jit3A_130 : f32 to vector<512x512xf32>
    %select_n3A_132 = arith.select %ge3A_129, %convert_element_type3A_47, %broadcast_in_dim3A_131 : vector<512x512xi1>, vector<512x512xf32>
    %jit3A_133 = arith.constant 0.000000e+00 : f32
    %broadcast_in_dim3A_134 = vector.broadcast %jit3A_133 : f32 to vector<512x512xf32>
    %select_n3A_135 = arith.select %ge3A_129, %mul3A_48, %broadcast_in_dim3A_134 : vector<512x512xi1>, vector<512x512xf32>
    %reduce_sum3A_136 = arith.constant dense<0.000000e+00> : vector<512xf32>
    %reduce_sum3A_137 = vector.multi_reduction <add>, %select_n3A_132, %reduce_sum3A_136 [0] : vector<512x512xf32> to vector<512xf32>
    %broadcast_in_dim3A_138 = vector.shape_cast %reduce_sum3A_137 : vector<512xf32> to vector<1x512xf32>
    %reduce_sum3A_139 = arith.constant dense<0.000000e+00> : vector<512xf32>
    %reduce_sum3A_140 = vector.multi_reduction <add>, %select_n3A_135, %reduce_sum3A_139 [0] : vector<512x512xf32> to vector<512xf32>
    %broadcast_in_dim3A_141 = vector.shape_cast %reduce_sum3A_140 : vector<512xf32> to vector<1x512xf32>
    %ge3A_142 = arith.constant 0.699999988 : f32
    %ge3A_143 = vector.broadcast %ge3A_142 : f32 to vector<512x512xf32>
    %ge3A_144 = arith.cmpf oge, %abs3A_16, %ge3A_143 : vector<512x512xf32>
    %jit3A_145 = arith.constant 0.000000e+00 : f32
    %broadcast_in_dim3A_146 = vector.broadcast %jit3A_145 : f32 to vector<512x512xf32>
    %select_n3A_147 = arith.select %ge3A_144, %convert_element_type3A_47, %broadcast_in_dim3A_146 : vector<512x512xi1>, vector<512x512xf32>
    %jit3A_148 = arith.constant 0.000000e+00 : f32
    %broadcast_in_dim3A_149 = vector.broadcast %jit3A_148 : f32 to vector<512x512xf32>
    %select_n3A_150 = arith.select %ge3A_144, %mul3A_48, %broadcast_in_dim3A_149 : vector<512x512xi1>, vector<512x512xf32>
    %reduce_sum3A_151 = arith.constant dense<0.000000e+00> : vector<512xf32>
    %reduce_sum3A_152 = vector.multi_reduction <add>, %select_n3A_147, %reduce_sum3A_151 [0] : vector<512x512xf32> to vector<512xf32>
    %broadcast_in_dim3A_153 = vector.shape_cast %reduce_sum3A_152 : vector<512xf32> to vector<1x512xf32>
    %reduce_sum3A_154 = arith.constant dense<0.000000e+00> : vector<512xf32>
    %reduce_sum3A_155 = vector.multi_reduction <add>, %select_n3A_150, %reduce_sum3A_154 [0] : vector<512x512xf32> to vector<512xf32>
    %broadcast_in_dim3A_156 = vector.shape_cast %reduce_sum3A_155 : vector<512xf32> to vector<1x512xf32>
    %ge3A_157 = arith.constant 8.000000e-01 : f32
    %ge3A_158 = vector.broadcast %ge3A_157 : f32 to vector<512x512xf32>
    %ge3A_159 = arith.cmpf oge, %abs3A_16, %ge3A_158 : vector<512x512xf32>
    %jit3A_160 = arith.constant 0.000000e+00 : f32
    %broadcast_in_dim3A_161 = vector.broadcast %jit3A_160 : f32 to vector<512x512xf32>
    %select_n3A_162 = arith.select %ge3A_159, %convert_element_type3A_47, %broadcast_in_dim3A_161 : vector<512x512xi1>, vector<512x512xf32>
    %jit3A_163 = arith.constant 0.000000e+00 : f32
    %broadcast_in_dim3A_164 = vector.broadcast %jit3A_163 : f32 to vector<512x512xf32>
    %select_n3A_165 = arith.select %ge3A_159, %mul3A_48, %broadcast_in_dim3A_164 : vector<512x512xi1>, vector<512x512xf32>
    %reduce_sum3A_166 = arith.constant dense<0.000000e+00> : vector<512xf32>
    %reduce_sum3A_167 = vector.multi_reduction <add>, %select_n3A_162, %reduce_sum3A_166 [0] : vector<512x512xf32> to vector<512xf32>
    %broadcast_in_dim3A_168 = vector.shape_cast %reduce_sum3A_167 : vector<512xf32> to vector<1x512xf32>
    %reduce_sum3A_169 = arith.constant dense<0.000000e+00> : vector<512xf32>
    %reduce_sum3A_170 = vector.multi_reduction <add>, %select_n3A_165, %reduce_sum3A_169 [0] : vector<512x512xf32> to vector<512xf32>
    %broadcast_in_dim3A_171 = vector.shape_cast %reduce_sum3A_170 : vector<512xf32> to vector<1x512xf32>
    %ge3A_172 = arith.constant 0.899999976 : f32
    %ge3A_173 = vector.broadcast %ge3A_172 : f32 to vector<512x512xf32>
    %ge3A_174 = arith.cmpf oge, %abs3A_16, %ge3A_173 : vector<512x512xf32>
    %jit3A_175 = arith.constant 0.000000e+00 : f32
    %broadcast_in_dim3A_176 = vector.broadcast %jit3A_175 : f32 to vector<512x512xf32>
    %select_n3A_177 = arith.select %ge3A_174, %convert_element_type3A_47, %broadcast_in_dim3A_176 : vector<512x512xi1>, vector<512x512xf32>
    %jit3A_178 = arith.constant 0.000000e+00 : f32
    %broadcast_in_dim3A_179 = vector.broadcast %jit3A_178 : f32 to vector<512x512xf32>
    %select_n3A_180 = arith.select %ge3A_174, %mul3A_48, %broadcast_in_dim3A_179 : vector<512x512xi1>, vector<512x512xf32>
    %reduce_sum3A_181 = arith.constant dense<0.000000e+00> : vector<512xf32>
    %reduce_sum3A_182 = vector.multi_reduction <add>, %select_n3A_177, %reduce_sum3A_181 [0] : vector<512x512xf32> to vector<512xf32>
    %broadcast_in_dim3A_183 = vector.shape_cast %reduce_sum3A_182 : vector<512xf32> to vector<1x512xf32>
    %reduce_sum3A_184 = arith.constant dense<0.000000e+00> : vector<512xf32>
    %reduce_sum3A_185 = vector.multi_reduction <add>, %select_n3A_180, %reduce_sum3A_184 [0] : vector<512x512xf32> to vector<512xf32>
    %broadcast_in_dim3A_186 = vector.shape_cast %reduce_sum3A_185 : vector<512xf32> to vector<1x512xf32>
    %broadcast_in_dim3A_187 = arith.constant 0.000000e+00 : f32
    %broadcast_in_dim3A_188 = vector.broadcast %broadcast_in_dim3A_187 : f32 to vector<4x512xf32>
    %concatenate3A = tpu.concatenate %broadcast_in_dim3A, %broadcast_in_dim3A_63, %broadcast_in_dim3A_78, %broadcast_in_dim3A_93, %broadcast_in_dim3A_108, %broadcast_in_dim3A_123, %broadcast_in_dim3A_138, %broadcast_in_dim3A_153, %broadcast_in_dim3A_168, %broadcast_in_dim3A_183, %broadcast_in_dim3A_52, %broadcast_in_dim3A_66, %broadcast_in_dim3A_81, %broadcast_in_dim3A_96, %broadcast_in_dim3A_111, %broadcast_in_dim3A_126, %broadcast_in_dim3A_141, %broadcast_in_dim3A_156, %broadcast_in_dim3A_171, %broadcast_in_dim3A_186, %broadcast_in_dim3A_188 in 0 : vector<1x512xf32>, vector<1x512xf32>, vector<1x512xf32>, vector<1x512xf32>, vector<1x512xf32>, vector<1x512xf32>, vector<1x512xf32>, vector<1x512xf32>, vector<1x512xf32>, vector<1x512xf32>, vector<1x512xf32>, vector<1x512xf32>, vector<1x512xf32>, vector<1x512xf32>, vector<1x512xf32>, vector<1x512xf32>, vector<1x512xf32>, vector<1x512xf32>, vector<1x512xf32>, vector<1x512xf32>, vector<4x512xf32> -> vector<24x512xf32>
    %eq3A = arith.constant 0 : i32
    %eq3A_189 = arith.cmpi eq, %arg0, %eq3A : i32
    %convert_element_type3A_190 = arith.extui %eq3A_189 : i1 to i32
    %cond3A = arith.constant 0 : i32
    %cond3A_191 = arith.cmpi ne, %convert_element_type3A_190, %cond3A : i32
    scf.if %cond3A_191 {
      %broadcast_in_dim3A_198 = arith.constant 0.000000e+00 : f32
      %broadcast_in_dim3A_199 = vector.broadcast %broadcast_in_dim3A_198 : f32 to vector<24x512xf32>
      %swap3A_200 = arith.constant 0 : index
      %swap3A_201 = arith.constant 0 : index
      %swap3A_202 = vector.load %arg4[%swap3A_200, %swap3A_201] : memref<24x512xf32, #tpu.memory_space<vmem>>, vector<24x512xf32>
      tpu.vector_store %arg4[%swap3A_200, %swap3A_201], %broadcast_in_dim3A_199 {strides = array<i32>} : memref<24x512xf32, #tpu.memory_space<vmem>>, vector<24x512xf32>,
    } else {
    }
    %get3A_192 = arith.constant 0 : index
    %get3A_193 = arith.constant 0 : index
    %get3A_194 = vector.load %arg4[%get3A_192, %get3A_193] : memref<24x512xf32, #tpu.memory_space<vmem>>, vector<24x512xf32>
    %add3A_195 = arith.addf %get3A_194, %concatenate3A : vector<24x512xf32>
    %swap3A = arith.constant 0 : index
    %swap3A_196 = arith.constant 0 : index
    %swap3A_197 = vector.load %arg4[%swap3A, %swap3A_196] : memref<24x512xf32, #tpu.memory_space<vmem>>, vector<24x512xf32>
    tpu.vector_store %arg4[%swap3A, %swap3A_196], %add3A_195 {strides = array<i32>} : memref<24x512xf32, #tpu.memory_space<vmem>>, vector<24x512xf32>,
    return
  }
  func.func @transform_0(%arg0: i32) -> (i32, i32) {
    %c0_i32 = arith.constant 0 : i32
    %c0_i32_0 = arith.constant 0 : i32
    return %arg0, %c0_i32 : i32, i32
  }
  func.func @transform_1(%arg0: i32) -> (i32, i32) {
    %c0_i32 = arith.constant 0 : i32
    %c0_i32_0 = arith.constant 0 : i32
    return %arg0, %c0_i32 : i32, i32
  }
  func.func @transform_2(%arg0: i32) -> (i32, i32) {
    %c0_i32 = arith.constant 0 : i32
    %c0_i32_0 = arith.constant 0 : i32
    return %arg0, %c0_i32 : i32, i32
  }
  func.func @transform_3(%arg0: i32) -> (i32, i32) {
    %c0_i32 = arith.constant 0 : i32
    %c0_i32_0 = arith.constant 0 : i32
    %c0_i32_1 = arith.constant 0 : i32
    return %c0_i32, %c0_i32_0 : i32, i32
  }
}

</mosaic_0001>

<sc_bundles>
// kernel: kernel.5.cloned.1.call-start
scs
__scs_entry_jumppad:
0x0: {  	(pc) =	sbr.rel $0x88, $3  }
0x1: {  	(tag) =	ssettag $0x0;
	lr =	simm.s32 $0x1  }
0x2: {  	[smem:$0x3F9E] =	sst lr;
	_ =	strace $0xD0000000  }
0x3: {  	_ = 	snop  }
0x4: {  	_ = 	snop  }
0x5: {  	_ = 	snop  }
0x6: {  	_ = 	snop  }
0x7: {  	_ = 	snop  }
__scs_overlays_trampoline_lowered:
0x8: {  	[smem:$0x3FAD] =	sst s0  }
0x9: {  	[smem:$0x3FAE] =	sst s1  }
0xa: {  	[smem:$0x3FAF] =	sst s2  }
0xb: {  	[smem:$0x3FB0] =	sst s3  }
0xc: {  	[smem:$0x3FB1] =	sst s4  }
0xd: {  	[smem:$0x3FB2] =	sst s5  }
0xe: {  	[smem:$0x3FB3] =	sst s6  }
0xf: {  	[smem:$0x3FB4] =	sst s7  }
0x10: {  	[smem:$0x3FB5] =	sst s8  }
0x11: {  	[smem:$0x3FB6] =	sst s9;
	s0 =	simm.s32 @!p0 $0x0  }
0x12: {  	s1 =	sld [smem:$0x3F9C];
	s0 =	simm.s32 @p0 $0x1  }
0x13: {  	[smem:$0x3FB7] =	sst s0;
	s0 =	simm.s32 @!p1 $0x0  }
0x14: {  	s2 =	sld [smem:$0x3F9B];
	s0 =	simm.s32 @p1 $0x1  }
0x15: {  	[smem:$0x3FB8] =	sst s0;
	s0 =	simm.s32 @!p2 $0x0  }
0x16: {  	s3 =	sld [smem:$0x3FDB];
	s0 =	simm.s32 @p2 $0x1  }
0x17: {  	s4 =	simm.s32 $0x1BF5;
	[smem:$0x3FBA] =	sst s0  }
0x18: {  	s0 =	sld [smem:$0x3F9D];
	_ =	swait.ge [sflag:s4], $0x0  }
0x19: {  	s7 =	sld [smem:$0x3F9E]  }
0x1a: {  	s8 =	sadd.s32 $0xFFFFE003, lr  }
0x1b: {  	s9 =	sadd.s32 $0xFFFFFEF7, lr;
	s5 =	simm.s32 $0xFFFFFFFF;
	p2 =	slt.u32 s8, $0xFFFFF086  }
0x1c: {  	p1 =	slt.u32 s9, $0xF7A;
	s5 =	simm.s32 @!p2 $0x0  }
0x1d: {  	s5 =	simm.s32 @p1 $0x1;
	p0 =	seq.s32 s7, s2  }
0x1e: {  	s7 =	smul.u32 @!p0 $0xF7A, s2;
	p2 =	seq.s32 @!p0 s5, $0x0  }
0x1f: {  	s9 =	smul.u32 $0xF7A, s1;
	s8 =	simm.s32 @!p0 $0x1BF5;
	p2 =	por !p2, p0  }
0x20: {  	[sflag:s8] =	ssyncset.s32 @!p0 $0xFFFFF086;
	s6 =	sadd.s32 @!p0 s3, s7;
	s7 =	simm.s32 @!p0 $0x108  }
0x21: {  	s3 =	sadd.s32 s3, s9;
	s6 =	sadd.s32 @!p0 $0x88, s6;
	s7 =	simm.s32 @p2 $0x1082  }
0x22: {  	[simem:s7], [sflag:s8] =	dma.local @!p0 [hbm:s6], $0xF7A  }
0x23: {  	s9 =	sor.u32 $0xD0000000, s2;
	s6 =	simm.s32 $0x108;
	_ =	swait.ge @!p0 [sflag:s8], $0x0  }
0x24: {  	s3 =	sadd.s32 $0x88, s3;
	s6 =	simm.s32 @!p1 $0x1082;
	[sflag:s4] =	ssyncset.s32 $0xFFFFF086  }
0x25: {  	[simem:s6], [sflag:s4] =	dma.local [hbm:s3], $0xF7A  }
0x26: {  	[smem:$0x3F9E] =	sst s1;
	(tag) =	ssettag s2;
	_ =	strace s9  }
0x27: {  	s1 =	sld [smem:$0x3FAE]  }
0x28: {  	s2 =	sld [smem:$0x3FAF]  }
0x29: {  	s4 =	sld [smem:$0x3FB1]  }
0x2a: {  	p0 =	seq.s32 s5, $0x0;
	s5 =	sld [smem:$0x3FB2]  }
0x2b: {  	s6 =	sld [smem:$0x3FB3]  }
0x2c: {  	s7 =	sld [smem:$0x3FB4]  }
0x2d: {  	s3 =	simm.s32 $0x108;
	s8 =	sld [smem:$0x3FB5]  }
0x2e: {  	s3 =	simm.s32 @!p0 $0x1082;
	s9 =	sld [smem:$0x3FB6]  }
0x2f: {  	lr =	sadd.s32 s0, s3;
	s0 =	sld [smem:$0x3FAD]  }
0x30: {  	s3 =	sld [smem:$0x3FB0]  }
0x31: {  	[smem:$0x3FB9] =	sst s10  }
0x32: {  	s10 =	sld [smem:$0x3FB7];
	_ =	sdelay $0x3  }
0x33: {  	p0 =	seq.s32 s10, $0x1;
	s10 =	sld [smem:$0x3FB9];
	_ =	sdelay $0x3  }
0x34: {  	[smem:$0x3FB9] =	sst s10  }
0x35: {  	s10 =	sld [smem:$0x3FB8];
	_ =	sdelay $0x3  }
0x36: {  	p1 =	seq.s32 s10, $0x1;
	s10 =	sld [smem:$0x3FB9];
	_ =	sdelay $0x3  }
0x37: {  	[smem:$0x3FB9] =	sst s10  }
0x38: {  	s10 =	sld [smem:$0x3FBA]  }
0x39: {  	_ = 	snop;
	(pc) =	sbr.ind lr, $3  }
0x3a: {  	_ = 	snop  }
0x3b: {  	_ = 	snop  }
0x3c: {  	p2 =	seq.s32 s10, $0x1;
	s10 =	sld [smem:$0x3FB9]  }
0x3d: {  	_ =	shalt  }
0x3e: {  	_ =	shalt  }
0x3f: {  	_ =	shalt  }
0x40: {  	_ =	shalt  }
0x41: {  	_ =	shalt  }
0x42: {  	_ =	shalt  }
0x43: {  	_ =	shalt  }
0x44: {  	_ =	shalt  }
0x45: {  	_ =	shalt  }
0x46: {  	_ =	shalt  }
0x47: {  	_ =	shalt  }
0x48: {  	_ =	shalt  }
0x49: {  	_ =	shalt  }
0x4a: {  	_ =	shalt  }
0x4b: {  	_ =	shalt  }
0x4c: {  	_ =	shalt  }
0x4d: {  	_ =	shalt  }
0x4e: {  	_ =	shalt  }
0x4f: {  	_ =	shalt  }
0x50: {  	_ =	shalt  }
0x51: {  	_ =	shalt  }
0x52: {  	_ =	shalt  }
0x53: {  	_ =	shalt  }
0x54: {  	_ =	shalt  }
0x55: {  	_ =	shalt  }
0x56: {  	_ =	shalt  }
0x57: {  	_ =	shalt  }
0x58: {  	_ =	shalt  }
0x59: {  	_ =	shalt  }
0x5a: {  	_ =	shalt  }
0x5b: {  	_ =	shalt  }
0x5c: {  	_ =	shalt  }
0x5d: {  	_ =	shalt  }
0x5e: {  	_ =	shalt  }
0x5f: {  	_ =	shalt  }
0x60: {  	_ =	shalt  }
0x61: {  	_ =	shalt  }
0x62: {  	_ =	shalt  }
0x63: {  	_ =	shalt  }
0x64: {  	_ =	shalt  }
0x65: {  	_ =	shalt  }
0x66: {  	_ =	shalt  }
0x67: {  	_ =	shalt  }
0x68: {  	_ =	shalt  }
0x69: {  	_ =	shalt  }
0x6a: {  	_ =	shalt  }
0x6b: {  	_ =	shalt  }
0x6c: {  	_ =	shalt  }
0x6d: {  	_ =	shalt  }
0x6e: {  	_ =	shalt  }
0x6f: {  	_ =	shalt  }
0x70: {  	_ =	shalt  }
0x71: {  	_ =	shalt  }
0x72: {  	_ =	shalt  }
0x73: {  	_ =	shalt  }
0x74: {  	_ =	shalt  }
0x75: {  	_ =	shalt  }
0x76: {  	_ =	shalt  }
0x77: {  	_ =	shalt  }
0x78: {  	_ =	shalt  }
0x79: {  	_ =	shalt  }
0x7a: {  	_ =	shalt  }
0x7b: {  	_ =	shalt  }
0x7c: {  	_ =	shalt  }
0x7d: {  	_ =	shalt  }
0x7e: {  	_ =	shalt  }
0x7f: {  	_ =	shalt  }
0x80: {  	_ =	shalt  }
0x81: {  	_ =	shalt  }
0x82: {  	_ =	shalt  }
0x83: {  	_ =	shalt  }
0x84: {  	_ =	shalt  }
0x85: {  	_ =	shalt  }
0x86: {  	_ =	shalt  }
0x87: {  	_ =	shalt  }
.Lfunc_end0:
.L_simem_size_0:
called_computation_lowered:
.L_overlay_start_0:
0x88: {  	s2 =	sld [smem:$0x3FD9]  }
0x89: {  	s3 =	sld [smem:$0x3FFE];
	_ =	sdelay $0x1  }
0x8a: {  	s1 =	srdreg.scid  }
0x8b: {  	s0 =	sand.u32 $0x1, s1  }
0x8c: {  	s17 =	sshll.u32 s0, $0xA;
	s2 =	sadd.s32 s3, s2  }
0x8d: {  	s2 =	sadd.s32 s2, s17  }
0x8e: {  	[smem:$0x3FC5] =	sst s2  }
0x8f: {  	_ = 	snop  }
0x90: {  	s2 =	sld [smem:$0x3FC9]  }
0x91: {  	s18 =	sld [smem:$0x3FC8]  }
0x92: {  	s4 =	sld [smem:$0x3FC7];
	(tm) =	ssettm $0x1  }
0x93: {  	s5 =	sld [smem:$0x3FFB];
	_ =	sdelay $0x3  }
0x94: {  	_ =	strace s5  }
0x95: {  	s5 =	sld [smem:$0x3FFC];
	_ =	sdelay $0x3  }
0x96: {  	_ =	strace s5  }
0x97: {  	s5 =	sld [smem:$0x3FFD];
	_ =	sdelay $0x3  }
0x98: {  	_ =	strace s5  }
0x99: {  	_ =	strace $0x8FFFFFFF  }
0x9a: {  	s19 =	sld [smem:$0x3FDB];
	_ =	sdelay $0x1  }
0x9b: {  	s6 =	simm.s32 $_scs_section_size  }
0x9c: {  	s7 =	simm.s32 $_size__tile_overlayer_lowered;
	s8 =	simm.s32 $_tile_overlayer_lowered  }
0x9d: {  	s22 =	simm.s32 $0x1BFF;
	s21 =	sshll.u32 s8, $0x1;
	s5 =	sadd.s32 s6, s19  }
0x9e: {  	s9 =	simm.s32 $0x0;
	s20 =	sshll.u32 s7, $0x1;
	s7 =	sadd.s32 s21, s5  }
0x9f: {  	[timem:s9], [sflag:s22] =	dma.local [hbm:s7], s20  }
0xa0: {  	_ =	swait.ge [sflag:s22], s20  }
0xa1: {  	s6 =	ssub.s32 $0x0, s20;
	[sflag:s22] =	ssyncset.done $0x0  }
0xa2: {  	[sflag:s22] =	ssyncadd.s32 s6;
	_ =	sdelay $0x1  }
0xa3: {  	s23 =	simm.s32 $0x1B8B  }
0xa4: {  	_ =	swait.ge [sflag:s23], $0x1  }
0xa5: {  	[sflag:s23] =	ssyncset.done $0x0  }
0xa6: {  	s25 =	simm.s32 $0x1B8E;
	s24 =	sld [smem:$0x3FFE];
	[sflag:s23] =	ssyncadd.s32 $0xFFFFFFFF  }
0xa7: {  	s26 =	simm.s32 $execute0_lowered;
	[smem:$0x3FD2] =	sst s25  }
0xa8: {  	s7 =	sshll.u32 s26, $0x1;
	_ =	strace $0x80000046;
	[dreg:$0x1] =	wrdreg $0xFFFFFFFF  }
0xa9: {  	s28 =	simm.s32 $_size_execute0_lowered;
	s5 =	sadd.s32 s5, s7;
	[dreg:$0x0] =	wrdreg $0x0  }
0xaa: {  	s7 =	sshll.u32 s28, $0x1;
	[dreg:$0x2] =	wrdreg s5  }
0xab: {  	[dreg:$0x3] =	wrdreg s7  }
0xac: {  	[dreg:$0x4] =	wrdreg $0xC0  }
0xad: {  	_ =	task [dreg:s9], $0x5FFFF  }
0xae: {  	[dreg:$0x1] =	wrdreg $0xFFFFFFFF  }
0xaf: {  	[dreg:$0x0] =	wrdreg $0x60  }
0xb0: {  	[dreg:$0x2] =	wrdreg s2  }
0xb1: {  	[dreg:$0x3] =	wrdreg s18  }
0xb2: {  	[dreg:$0x4] =	wrdreg s4  }
0xb3: {  	[dreg:$0x5] =	wrdreg s24  }
0xb4: {  	[dreg:$0x6] =	wrdreg $0x9  }
0xb5: {  	_ =	task.clear_ibuf [dreg:s9], $0x7FFFF;
	_ =	strace $0x90000046  }
0xb6: {  	s29 =	simm.s32 $0x9;
	_ =	strace $0x80000048  }
0xb7: {  	_ =	swait.ge [sflag:s29], $0x1  }
0xb8: {  	[sflag:s29] =	ssyncadd.s32 $0xFFFFFFFF  }
0xb9: {  	_ =	strace $0x90000048  }
0xba: {  	_ =	sfence  }
0xbb: {  	s30 =	sld [smem:$0x0];
	_ =	sdelay $0x2  }
0xbc: {  	s31 =	sshll.u32 s1, $0xD;
	s1 =	sshrl.u32 s1, $0x2  }
0xbd: {  	s3 =	sand.u32 $0x4000, s31;
	s1 =	sadd.s32 s1, s30  }
0xbe: {  	s0 =	sor.u32 s3, s0;
	s1 =	sshll.u32 s1, $0x11  }
0xbf: {  	s0 =	sor.u32 s1, s0  }
0xc0: {  	s0 =	sadd.s32 $0x8F2B, s0  }
0xc1: {  	[sflag:s0] =	ssyncadd.remote.s32 $0x1  }
0xc2: {  	_ =	sfence.sel $0xFFFF  }
0xc3: {  	[dreg:$0x0] =	wrdreg $0xFFFFFFFF;
	(pc) =	sbr.abs _section_cstart, $3  }
0xc4: {  	[dreg:$0x1] =	wrdreg $0xFFFFFFFF  }
0xc5: {  	_ =	task.clear_ibuf [dreg:s9], $0x2FFFF;
	_ =	strace $0x9FFFFFFF  }
0xc6: {  	(tm) =	ssettm $0x7FFFFFFF  }
0xc7: {  	_ =	shalt  }
tec
execute0_lowered:
.L_overlay_start_1:
0x0: {  	(tag) =	ssettag $0x1  }
0x1: {  	s1 =	rddreg [dreg:$0x0]  }
0x2: {  	s2 =	rddreg [dreg:$0x1]  }
0x3: {  	s4 =	rddreg [dreg:$0x2];
	s3 =	srdreg.scid  }
0x4: {  	s0 =	stileid.u32;
	s6 =	rddreg [dreg:$0x3]  }
0x5: {  	s13 =	simm.s32 $0x1;
	s14 =	simm.s32 $0xC000;
	s15 =	simm.s32 $0x2  }
0x6: {  	s16 =	simm.s32 $0x80;
	s17 =	simm.s32 $0x400;
	s18 =	simm.s32 $0x3  }
0x7: {  	s19 =	simm.s32 $0x0;
	s7 =	sand.u32 $0x1, s3;
	s5 =	sshll.u32 s0, $0x1  }
0x8: {  	s3 =	rddreg [dreg:$0x4];
	s9 =	sshrl.u32 s0, $0x2;
	s8 =	sor.u32 s7, s5  }
0x9: {  	s5 =	simm.s32 $0x0;
	s9 =	smul.u32 $0x2800, s9;
	s7 =	ssub.s32 $0x2, s7  }
0xa: {  	s10 =	sshll.u32 s8, $0x7;
	[smem:$0x7FF] =	sst s5;
	s29 =	sshll.u32 s8, $0xE  }
0xb: {  	s30 =	sshrl.u32 s7, $0x1;
	s10 =	sand.u32 $0x380, s10;
	_ =	strace $0x80000047  }
0xc: {  	v0 =	vlaneseq.u32;
	s31 =	sor.u32 $0x80000, s29;
	s12 =	ssub.s32 s7, s30;
	s9 =	sor.u32 s9, s10  }
0xd: {  	v1 =	vimm.f32 $0.0e+00;
	v2 =	vimm.f32 $1.000000000e+00;
	v3 =	vor.u32 $0xA0, v0;
	s7 =	sadd.s32 s1, s31;
	s12 =	smax.u32 s12, $0x1;
	s9 =	sshrl.u32 s9, $0x3  }
0xe: {  	v4 =	vor.u32 $0x140, v0;
	v5 =	vor.u32 $0x1E0, v0;
	v6 =	vor.u32 $0x280, v0;
	s11 =	sadd.s32 s9, s6;
	s6 =	sshll.u32 s8, $0x11;
	s8 =	sadd.s32 s2, s31  }
0xf: {  	v7 =	vor.u32 $0x320, v0;
	v8 =	vor.u32 $0x3C0, v0;
	v9 =	vor.u32 $0x460, v0;
	s9 =	sadd.s32 s4, s31;
	s10 =	sor.u32 $0x404000, s6;
	s11 =	sadd.s32 $0xA00, s11  }
.LBB2_1:
0x10: {  	[tilespmem:$0xC000] =	vst v1  }
0x11: {  	[tilespmem:$0xC010] =	vst v1  }
0x12: {  	[tilespmem:$0xC020] =	vst v1  }
0x13: {  	[tilespmem:$0xC030] =	vst v1  }
0x14: {  	[tilespmem:$0xC040] =	vst v1  }
0x15: {  	[tilespmem:$0xC050] =	vst v1  }
0x16: {  	[tilespmem:$0xC060] =	vst v1  }
0x17: {  	[tilespmem:$0xC070] =	vst v1  }
0x18: {  	[tilespmem:$0xC080] =	vst v1  }
0x19: {  	[tilespmem:$0xC090] =	vst v1  }
0x1a: {  	[tilespmem:$0xC0A0] =	vst v1  }
0x1b: {  	[tilespmem:$0xC0B0] =	vst v1  }
0x1c: {  	[tilespmem:$0xC0C0] =	vst v1  }
0x1d: {  	[tilespmem:$0xC0D0] =	vst v1  }
0x1e: {  	[tilespmem:$0xC0E0] =	vst v1  }
0x1f: {  	[tilespmem:$0xC0F0] =	vst v1  }
0x20: {  	[tilespmem:$0xC100] =	vst v1  }
0x21: {  	[tilespmem:$0xC110] =	vst v1  }
0x22: {  	[tilespmem:$0xC120] =	vst v1  }
0x23: {  	[tilespmem:$0xC130] =	vst v1  }
0x24: {  	[tilespmem:$0xC140] =	vst v1  }
0x25: {  	[tilespmem:$0xC150] =	vst v1  }
0x26: {  	[tilespmem:$0xC160] =	vst v1  }
0x27: {  	[tilespmem:$0xC170] =	vst v1  }
0x28: {  	[tilespmem:$0xC180] =	vst v1  }
0x29: {  	[tilespmem:$0xC190] =	vst v1  }
0x2a: {  	[tilespmem:$0xC1A0] =	vst v1  }
0x2b: {  	[tilespmem:$0xC1B0] =	vst v1  }
0x2c: {  	[tilespmem:$0xC1C0] =	vst v1  }
0x2d: {  	[tilespmem:$0xC1D0] =	vst v1  }
0x2e: {  	[tilespmem:$0xC1E0] =	vst v1  }
0x2f: {  	[tilespmem:$0xC1F0] =	vst v1  }
0x30: {  	[tilespmem:$0xC200] =	vst v1  }
0x31: {  	[tilespmem:$0xC210] =	vst v1  }
0x32: {  	[tilespmem:$0xC220] =	vst v1  }
0x33: {  	[tilespmem:$0xC230] =	vst v1  }
0x34: {  	[tilespmem:$0xC240] =	vst v1  }
0x35: {  	[tilespmem:$0xC250] =	vst v1  }
0x36: {  	[tilespmem:$0xC260] =	vst v1  }
0x37: {  	[tilespmem:$0xC270] =	vst v1  }
0x38: {  	[tilespmem:$0xC280] =	vst v1  }
0x39: {  	[tilespmem:$0xC290] =	vst v1  }
0x3a: {  	[tilespmem:$0xC2A0] =	vst v1  }
0x3b: {  	[tilespmem:$0xC2B0] =	vst v1  }
0x3c: {  	[tilespmem:$0xC2C0] =	vst v1  }
0x3d: {  	[tilespmem:$0xC2D0] =	vst v1  }
0x3e: {  	[tilespmem:$0xC2E0] =	vst v1  }
0x3f: {  	[tilespmem:$0xC2F0] =	vst v1  }
0x40: {  	[tilespmem:$0xC300] =	vst v1  }
0x41: {  	[tilespmem:$0xC310] =	vst v1  }
0x42: {  	[tilespmem:$0xC320] =	vst v1  }
0x43: {  	[tilespmem:$0xC330] =	vst v1  }
0x44: {  	[tilespmem:$0xC340] =	vst v1  }
0x45: {  	[tilespmem:$0xC350] =	vst v1  }
0x46: {  	[tilespmem:$0xC360] =	vst v1  }
0x47: {  	[tilespmem:$0xC370] =	vst v1  }
0x48: {  	[tilespmem:$0xC380] =	vst v1  }
0x49: {  	[tilespmem:$0xC390] =	vst v1  }
0x4a: {  	[tilespmem:$0xC3A0] =	vst v1  }
0x4b: {  	[tilespmem:$0xC3B0] =	vst v1  }
0x4c: {  	[tilespmem:$0xC3C0] =	vst v1  }
0x4d: {  	[tilespmem:$0xC3D0] =	vst v1  }
0x4e: {  	[tilespmem:$0xC3E0] =	vst v1  }
0x4f: {  	[tilespmem:$0xC3F0] =	vst v1  }
0x50: {  	[tilespmem:$0xC400] =	vst v1  }
0x51: {  	[tilespmem:$0xC410] =	vst v1  }
0x52: {  	[tilespmem:$0xC420] =	vst v1  }
0x53: {  	[tilespmem:$0xC430] =	vst v1  }
0x54: {  	[tilespmem:$0xC440] =	vst v1  }
0x55: {  	[tilespmem:$0xC450] =	vst v1  }
0x56: {  	[tilespmem:$0xC460] =	vst v1  }
0x57: {  	[tilespmem:$0xC470] =	vst v1  }
0x58: {  	[tilespmem:$0xC480] =	vst v1  }
0x59: {  	[tilespmem:$0xC490] =	vst v1  }
0x5a: {  	[tilespmem:$0xC4A0] =	vst v1  }
0x5b: {  	[tilespmem:$0xC4B0] =	vst v1  }
0x5c: {  	[tilespmem:$0xC4C0] =	vst v1  }
0x5d: {  	[tilespmem:$0xC4D0] =	vst v1  }
0x5e: {  	[tilespmem:$0xC4E0] =	vst v1;
	s20 =	simm.s32 $0x10  }
0x5f: {  	[tilespmem:$0xC4F0] =	vst v1;
	s23 =	sadd.s32 $0x0, s7;
	s21 =	simm.s32 $0x100;
	s22 =	simm.s32 $0x0  }
.LBB2_2:
0x60: {  	[tilespmem:s22], [sflag:$0x1] =	stream.linear.gather [hbm4b:s23+s5], $0x80, $0x38;
	[tilespmem:$0xC500] =	vst v63  }
0x61: {  	s23 =	smov.u32 s20;
	s22 =	smov.u32 s21;
	p0 =	sne.s32 s20, $0x3F0  }
.Ltmp0:
0x62: {  	s20 =	sadd.s32 $0x10, s20;
	(pc) =	sbr.rel @p0 .LBB2_2-.Ltmp0, $2  }
0x63: {  	_ =	sdelay $0x2  }
0x64: {  	s21 =	sadd.s32 $0x100, s21;
	s23 =	sadd.s32 s23, s7  }
0x65: {  	[tilespmem:s22], [sflag:$0x1] =	stream.linear.gather [hbm4b:s23+s5], $0x80, $0x38;
	[tilespmem:$0xC500] =	vst v63  }
0x66: {  	s20 =	simm.s32 $0x4000  }
0x67: {  	s21 =	simm.s32 $0x10;
	s23 =	sadd.s32 $0x0, s8;
	s22 =	simm.s32 $0x4100  }
.LBB2_4:
0x68: {  	[tilespmem:s20], [sflag:$0x1] =	stream.linear.gather [hbm4b:s23+s5], $0x80, $0x38;
	[tilespmem:$0xC500] =	vst v63  }
0x69: {  	s23 =	smov.u32 s21;
	s20 =	smov.u32 s22;
	p0 =	sne.s32 s21, $0x3F0  }
.Ltmp1:
0x6a: {  	s21 =	sadd.s32 $0x10, s21;
	(pc) =	sbr.rel @p0 .LBB2_4-.Ltmp1, $2  }
0x6b: {  	_ =	sdelay $0x2  }
0x6c: {  	s22 =	sadd.s32 $0x100, s22;
	s23 =	sadd.s32 s23, s8  }
0x6d: {  	[tilespmem:s20], [sflag:$0x1] =	stream.linear.gather [hbm4b:s23+s5], $0x80, $0x38;
	[tilespmem:$0xC500] =	vst v63  }
0x6e: {  	s20 =	simm.s32 $0x0;
	s21 =	simm.s32 $0x8000  }
0x6f: {  	s22 =	simm.s32 $0x10;
	s24 =	sadd.s32 $0x0, s9;
	s23 =	simm.s32 $0x8100  }
.LBB2_6:
0x70: {  	[tilespmem:s21], [sflag:$0x1] =	stream.linear.gather [hbm4b:s24+s20], $0x80, $0x38;
	[tilespmem:$0xC500] =	vst v63  }
0x71: {  	s24 =	smov.u32 s22;
	s21 =	smov.u32 s23;
	p0 =	sne.s32 s22, $0x3F0  }
.Ltmp2:
0x72: {  	s22 =	sadd.s32 $0x10, s22;
	(pc) =	sbr.rel @p0 .LBB2_6-.Ltmp2, $2  }
0x73: {  	_ =	sdelay $0x2  }
0x74: {  	s23 =	sadd.s32 $0x100, s23;
	s24 =	sadd.s32 s24, s9  }
0x75: {  	[tilespmem:s21], [sflag:$0x1] =	stream.linear.gather [hbm4b:s24+s20], $0x80, $0x38;
	[tilespmem:$0xC500] =	vst v63  }
.LBB2_8:
0x76: {  	_ =	swait.ge [sflag:s13], $0x2000  }
0x77: {  	[sflag:s13] =	ssyncset.done $0x0  }
0x78: {  	[sflag:s13] =	ssyncadd.s32 $0xFFFFE000  }
0x79: {  	s21 =	sshll.u32 s20, $0xE;
	_ =	swait.ge [sflag:s13], $0x2000  }
0x7a: {  	s22 =	sor.u32 s21, s6;
	[sflag:s13] =	ssyncset.done $0x0  }
0x7b: {  	s22 =	sshrl.u32 s22, $0x3;
	[sflag:s13] =	ssyncadd.s32 $0xFFFFE000  }
0x7c: {  	s24 =	simm.s32 $0x80;
	s22 =	sor.u32 $0x80400, s22;
	_ =	swait.ge [sflag:s13], $0x2000  }
0x7d: {  	s25 =	simm.s32 $0x10;
	s23 =	sadd.s32 s1, s22;
	[sflag:s13] =	ssyncset.done $0x0  }
0x7e: {  	s26 =	simm.s32 $0x180;
	s28 =	sadd.s32 $0x0, s23;
	[sflag:s13] =	ssyncadd.s32 $0xFFFFE000  }
.LBB2_9:
0x7f: {  	[tilespmem:s24], [sflag:$0x2] =	stream.linear.gather [hbm4b:s28+s5], $0x80, $0x38;
	[tilespmem:$0xC500] =	vst v63  }
0x80: {  	s28 =	smov.u32 s25;
	s24 =	smov.u32 s26;
	p0 =	sne.s32 s25, $0x3F0  }
.Ltmp3:
0x81: {  	s25 =	sadd.s32 $0x10, s25;
	(pc) =	sbr.rel @p0 .LBB2_9-.Ltmp3, $2  }
0x82: {  	_ =	sdelay $0x2  }
0x83: {  	s26 =	sadd.s32 $0x100, s26;
	s28 =	sadd.s32 s28, s23  }
0x84: {  	[tilespmem:s24], [sflag:$0x2] =	stream.linear.gather [hbm4b:s28+s5], $0x80, $0x38;
	[tilespmem:$0xC500] =	vst v63  }
0x85: {  	s23 =	sadd.s32 s2, s22;
	s24 =	simm.s32 $0x4080  }
0x86: {  	s25 =	simm.s32 $0x10;
	s26 =	simm.s32 $0x4180;
	s28 =	sadd.s32 $0x0, s23  }
.LBB2_11:
0x87: {  	[tilespmem:s24], [sflag:$0x2] =	stream.linear.gather [hbm4b:s28+s5], $0x80, $0x38;
	[tilespmem:$0xC500] =	vst v63  }
0x88: {  	s28 =	smov.u32 s25;
	s24 =	smov.u32 s26;
	p0 =	sne.s32 s25, $0x3F0  }
.Ltmp4:
0x89: {  	s25 =	sadd.s32 $0x10, s25;
	(pc) =	sbr.rel @p0 .LBB2_11-.Ltmp4, $2  }
0x8a: {  	_ =	sdelay $0x2  }
0x8b: {  	s26 =	sadd.s32 $0x100, s26;
	s28 =	sadd.s32 s28, s23  }
0x8c: {  	[tilespmem:s24], [sflag:$0x2] =	stream.linear.gather [hbm4b:s28+s5], $0x80, $0x38;
	[tilespmem:$0xC500] =	vst v63  }
0x8d: {  	s23 =	sadd.s32 s4, s22;
	s22 =	simm.s32 $0x0;
	s24 =	simm.s32 $0x8080  }
0x8e: {  	s25 =	simm.s32 $0x10;
	s26 =	simm.s32 $0x8180;
	s28 =	sadd.s32 $0x0, s23  }
.LBB2_13:
0x8f: {  	[tilespmem:s24], [sflag:$0x2] =	stream.linear.gather [hbm4b:s28+s22], $0x80, $0x38;
	[tilespmem:$0xC500] =	vst v63  }
0x90: {  	s28 =	smov.u32 s25;
	s24 =	smov.u32 s26;
	p0 =	sne.s32 s25, $0x3F0  }
.Ltmp5:
0x91: {  	s25 =	sadd.s32 $0x10, s25;
	(pc) =	sbr.rel @p0 .LBB2_13-.Ltmp5, $2  }
0x92: {  	_ =	sdelay $0x2  }
0x93: {  	s26 =	sadd.s32 $0x100, s26;
	s28 =	sadd.s32 s28, s23  }
0x94: {  	[tilespmem:s24], [sflag:$0x2] =	stream.linear.gather [hbm4b:s28+s22], $0x80, $0x38;
	[tilespmem:$0xC500] =	vst v63  }
0x95: {  	s23 =	sand.u32 $0x40, s22;
	s31 =	sand.u32 $0x3F00, s22  }
0x96: {  	s23 =	sor.u32 s23, s31  }
0x97: {  	v19 =	vld [tilespmem:s23+$0x0]  }
0x98: {  	v16 =	vld [tilespmem:s23+$0x10];
	_ =	sdelay $0x1  }
0x99: {  	v13 =	vld [tilespmem:s23+$0x20];
	_ =	sdelay $0x1  }
0x9a: {  	v10 =	vand.u32 $0x7FFFFFFF, v19  }
0x9b: {  	v11 =	vand.u32 $0x7FFFFFFF, v16;
	v12 =	vsub.f32 $0.0e+00, v10  }
0x9c: {  	v10 =	vld [tilespmem:s23+$0x30];
	v11 =	vsub.f32 $0.0e+00, v11  }
0x9d: {  	v14 =	vand.u32 $0x7FFFFFFF, v13;
	v12 =	vmul.f32 $1.442695020e+00, v12  }
0x9e: {  	v14 =	vsub.f32 $0.0e+00, v14;
	v11 =	vmul.f32 $1.442695020e+00, v11  }
0x9f: {  	(erf) = vpow2.f32 v12  }
0xa0: {  	v14 =	vmul.f32 $1.442695020e+00, v14;
	(erf) = vpow2.f32 v11;
	v11 =	vld [tilespmem:s23+$0x4010]  }
0xa1: {  	v15 =	vand.u32 $0x7FFFFFFF, v10  }
0xa2: {  	v15 =	vsub.f32 $0.0e+00, v15;
	(erf) = vpow2.f32 v14;
	v14 =	vld [tilespmem:s23+$0x4000]  }
0xa3: {  	v17 =	vld [tilespmem:s23+$0x4020]  }
0xa4: {  	v12 =	vld [tilespmem:s23+$0x8020];
	v15 =	vmul.f32 $1.442695020e+00, v15  }
0xa5: {  	v20 =	vcvt.s32.f32 v11  }
0xa6: {  	(erf) = vpow2.f32 v15  }
0xa7: {  	v22 =	vcvt.s32.f32 v14;
	v14 =	vmul.f32 v20, v16  }
0xa8: {  	vm2 =	vge.f32 v13, $0.0e+00;
	v24 =	vcvt.s32.f32 v17;
	vm3 =	vge.f32 v16, $0.0e+00;
	v23 =	vpop (erf)  }
0xa9: {  	vm0 =	vgt.f32 v12, $0.0e+00;
	v11 =	vmax.f32 v16, $0.0e+00;
	v17 =	vadd.f32 $1.000000000e+00, v23  }
0xaa: {  	v15 =	vmax.f32 v13, $0.0e+00;
	v18 =	vmul.f32 $3.010262550e-02, v23;
	v12 =	vpop (erf);
	v11 =	vsub.f32 v11, v14  }
0xab: {  	v21 =	vadd.f32 $1.000000000e+00, v12;
	v27 =	vmul.f32 $3.010262550e-02, v12;
	v14 =	vpop (erf);
	(erf) = vrcp.f32 v17  }
0xac: {  	v26 =	vld [tilespmem:s23+$0x4030];
	v18 =	vadd.f32 $-1.301194130e-01, v18;
	v17 =	vadd.f32 $1.000000000e+00, v14;
	v28 =	vmul.f32 $3.010262550e-02, v14  }
0xad: {  	v13 =	vmul.f32 v24, v13;
	v27 =	vadd.f32 $-1.301194130e-01, v27;
	(erf) = vrcp.f32 v21  }
0xae: {  	v18 =	vmul.f32 v18, v23;
	v21 =	vadd.f32 $-1.301194130e-01, v28;
	(erf) = vrcp.f32 v17  }
0xaf: {  	v13 =	vsub.f32 v15, v13;
	v25 =	vmul.f32 v22, v19;
	v27 =	vmul.f32 v27, v12;
	v15 =	vpop (erf)  }
0xb0: {  	v17 =	vadd.f32 $2.833043340e-01, v18;
	v29 =	vmul.f32 $3.010262550e-02, v15;
	v21 =	vmul.f32 v21, v14  }
0xb1: {  	v18 =	vcvt.s32.f32 v26;
	v26 =	vadd.f32 $1.000000000e+00, v15;
	v16 =	vadd.f32 $2.833043340e-01, v27  }
0xb2: {  	v17 =	vmul.f32 v17, v23;
	v27 =	vadd.f32 $-1.301194130e-01, v29;
	v29 =	vadd.f32 $2.833043340e-01, v21  }
0xb3: {  	v28 =	vmax.f32 v19, $0.0e+00;
	(erf) = vrcp.f32 v26  }
0xb4: {  	v26 =	vmul.f32 v16, v12;
	v30 =	vadd.f32 $-4.891568420e-01, v17;
	v17 =	vsub.f32 v28, v25;
	v25 =	vpop (erf)  }
0xb5: {  	vm4 =	vge.f32 v19, $0.0e+00;
	v27 =	vmul.f32 v27, v15;
	v28 =	vmul.f32 v25, v23  }
0xb6: {  	v21 =	vadd.f32 $-4.891568420e-01, v26;
	v26 =	vmul.f32 v29, v14;
	v19 =	vmul.f32 v30, v23;
	v29 =	vpop (erf)  }
0xb7: {  	v27 =	vadd.f32 $2.833043340e-01, v27;
	v30 =	vld [tilespmem:s23+$0x8000];
	v25 =	vsel vm4, v25, v28;
	v28 =	vmul.f32 v29, v12;
	v31 =	vpop (erf)  }
0xb8: {  	v26 =	vadd.f32 $-4.891568420e-01, v26;
	v32 =	vmul.f32 v31, v14;
	v25 =	vsub.f32 v25, v22  }
0xb9: {  	v22 =	vmul.f32 v27, v15;
	v27 =	vsel vm3, v29, v28;
	v28 =	vadd.f32 $9.990104430e-01, v19  }
0xba: {  	vm1 =	vge.f32 v10, $0.0e+00;
	v16 =	vmul.f32 v18, v10;
	v19 =	vmul.f32 v26, v14  }
0xbb: {  	v26 =	vsel vm2, v31, v32;
	v31 =	vsub.f32 v27, v20;
	v20 =	vmul.f32 v28, v23;
	v23 =	vld [tilespmem:s23+$0x8010]  }
0xbc: {  	v29 =	vand.u32 $0x7FFFFFFF, v25;
	vm2 =	vgt.f32 v30, $0.0e+00;
	v25 =	vsub.f32 v26, v24;
	v24 =	vpop (erf)  }
0xbd: {  	s24 =	simm.s32 $0x40;
	v26 =	vmul.f32 $1.000000000e+01, v29;
	v27 =	vmul.f32 v24, v15;
	v28 =	vand.u32 $0x7FFFFFFF, v31  }
.LBB2_15:
0xbe: {  	p0 =	sne.s32 s24, $0x1FC0  }
0xbf: {  	v25 =	vand.u32 $0x7FFFFFFF, v25;
	v26 =	vtrunc.f32 v26;
	v28 =	vmul.f32 $1.000000000e+01, v28;
	s22 =	sadd.s32 $0x80, s22;
	s25 =	smov.u32 s24;
	s24 =	sadd.s32 $0x40, s24  }
0xc0: {  	v21 =	vmul.f32 v21, v12;
	v24 =	vsel vm1, v24, v27;
	vm1 =	vgt.f32 v23, $0.0e+00  }
0xc1: {  	v25 =	vmul.f32 $1.000000000e+01, v25;
	v23 =	vld [tilespmem:s23+$0x8030];
	v18 =	vsub.f32 v24, v18;
	v24 =	vtrunc.f32 v28  }
0xc2: {  	v26 =	vcvt.f32.s32 v26;
	v21 =	vadd.f32 $9.990104430e-01, v21;
	v24 =	vcvt.f32.s32 v24  }
0xc3: {  	v22 =	vadd.f32 $-4.891568420e-01, v22;
	v25 =	vtrunc.f32 v25;
	v18 =	vand.u32 $0x7FFFFFFF, v18  }
0xc4: {  	s23 =	sand.u32 $0x40, s25;
	s25 =	sand.u32 $0x3F00, s22;
	vm3 =	vlt.s32 v26, $0x9;
	vm4 =	vlt.s32 v24, $0x9;
	v18 =	vmul.f32 $1.000000000e+01, v18  }
0xc5: {  	s23 =	sor.u32 s23, s25;
	v26 =	vnsel vm3, $0x9, v26;
	v25 =	vcvt.f32.s32 v25;
	v24 =	vnsel vm4, $0x9, v24  }
0xc6: {  	v18 =	vtrunc.f32 v18;
	vm3 =	vgt.f32 v23, $0.0e+00;
	v23 =	vshll.u32 v26, $0x4  }
0xc7: {  	v19 =	vadd.f32 $9.990104430e-01, v19;
	vm4 =	vlt.s32 v25, $0x9;
	v18 =	vcvt.f32.s32 v18  }
0xc8: {  	v22 =	vmul.f32 v22, v15;
	v24 =	vshll.u32 v24, $0x4;
	v26 =	vor.u32 v0, v23  }
0xc9: {  	v20 =	vadd.f32 $2.211703030e-05, v20;
	v23 =	vadd.s32 v3, v23;
	vm5 =	vlt.s32 v18, $0x9  }
0xca: {  	v25 =	vnsel vm4, $0x9, v25;
	v27 =	vadd.s32 v4, v24;
	v18 =	vnsel vm5, $0x9, v18  }
0xcb: {  	v17 =	vadd.f32 v20, v17;
	v20 =	vadd.s32 v5, v24;
	v18 =	vshll.u32 v18, $0x4  }
0xcc: {  	v14 =	vmul.f32 v19, v14;
	v19 =	vadd.f32 $9.990104430e-01, v22;
	v22 =	vshll.u32 v25, $0x4  }
0xcd: {  	v10 =	vmax.f32 v10, $0.0e+00;
	v12 =	vmul.f32 v21, v12;
	v21 =	vadd.s32 v8, v18;
	[tilespmem:v26+s14+$0x0] =	vst.idx.add.f32.msk vm2, v2  }
0xce: {  	v14 =	vadd.f32 $2.211703030e-05, v14;
	v15 =	vmul.f32 v19, v15;
	[tilespmem:v23+s14+$0x0] =	vst.idx.add.f32.msk vm2, v17;
	v17 =	vadd.s32 v9, v18  }
0xcf: {  	v10 =	vsub.f32 v10, v16;
	v12 =	vadd.f32 $2.211703030e-05, v12;
	v16 =	vadd.s32 v6, v22;
	[tilespmem:v27+s14+$0x0] =	vst.idx.add.f32.msk vm1, v2  }
0xd0: {  	v13 =	vadd.f32 v14, v13;
	v15 =	vadd.f32 $2.211703030e-05, v15;
	v14 =	vadd.s32 v7, v22  }
0xd1: {  	v11 =	vadd.f32 v12, v11  }
0xd2: {  	v10 =	vadd.f32 v15, v10  }
0xd3: {  	[tilespmem:v20+s14+$0x0] =	vst.idx.add.f32.msk vm1, v11  }
0xd4: {  	[tilespmem:v16+s14+$0x0] =	vst.idx.add.f32.msk vm0, v2  }
0xd5: {  	[tilespmem:v14+s14+$0x0] =	vst.idx.add.f32.msk vm0, v13  }
0xd6: {  	[tilespmem:v21+s14+$0x0] =	vst.idx.add.f32.msk vm3, v2  }
0xd7: {  	[tilespmem:v17+s14+$0x0] =	vst.idx.add.f32.msk vm3, v10  }
0xd8: {  	v19 =	vld [tilespmem:s23+$0x0]  }
0xd9: {  	v16 =	vld [tilespmem:s23+$0x10];
	_ =	sdelay $0x1  }
0xda: {  	v13 =	vld [tilespmem:s23+$0x20];
	_ =	sdelay $0x1  }
0xdb: {  	v11 =	vld [tilespmem:s23+$0x8020];
	v10 =	vand.u32 $0x7FFFFFFF, v19  }
0xdc: {  	v12 =	vand.u32 $0x7FFFFFFF, v16;
	v14 =	vsub.f32 $0.0e+00, v10  }
0xdd: {  	v10 =	vld [tilespmem:s23+$0x30];
	v12 =	vsub.f32 $0.0e+00, v12  }
0xde: {  	v15 =	vand.u32 $0x7FFFFFFF, v13;
	v14 =	vmul.f32 $1.442695020e+00, v14  }
0xdf: {  	v12 =	vmul.f32 $1.442695020e+00, v12;
	v15 =	vsub.f32 $0.0e+00, v15  }
0xe0: {  	v17 =	vld [tilespmem:s23+$0x4010];
	vm0 =	vgt.f32 v11, $0.0e+00;
	(erf) = vpow2.f32 v14  }
0xe1: {  	v11 =	vld [tilespmem:s23+$0x4000];
	v14 =	vmul.f32 $1.442695020e+00, v15;
	v15 =	vmax.f32 v13, $0.0e+00;
	(erf) = vpow2.f32 v12  }
0xe2: {  	v12 =	vand.u32 $0x7FFFFFFF, v10;
	vm1 =	vge.f32 v10, $0.0e+00  }
0xe3: {  	v12 =	vsub.f32 $0.0e+00, v12;
	(erf) = vpow2.f32 v14  }
0xe4: {  	v14 =	vld [tilespmem:s23+$0x4020]  }
0xe5: {  	v12 =	vmul.f32 $1.442695020e+00, v12  }
0xe6: {  	vm2 =	vge.f32 v13, $0.0e+00  }
0xe7: {  	v20 =	vcvt.s32.f32 v17;
	(erf) = vpow2.f32 v12  }
0xe8: {  	v22 =	vcvt.s32.f32 v11  }
0xe9: {  	v11 =	vmax.f32 v16, $0.0e+00;
	v17 =	vmul.f32 v20, v16;
	v24 =	vpop (erf)  }
0xea: {  	v25 =	vcvt.s32.f32 v14;
	v18 =	vadd.f32 $1.000000000e+00, v24;
	v28 =	vmul.f32 $3.010262550e-02, v24;
	v12 =	vpop (erf)  }
0xeb: {  	v23 =	vmul.f32 v22, v19;
	v11 =	vsub.f32 v11, v17;
	v21 =	vadd.f32 $1.000000000e+00, v12  }
0xec: {  	v27 =	vmul.f32 $3.010262550e-02, v12;
	v17 =	vld [tilespmem:s23+$0x4030];
	v26 =	vadd.f32 $-1.301194130e-01, v28;
	v14 =	vpop (erf);
	(erf) = vrcp.f32 v18  }
0xed: {  	v13 =	vmul.f32 v25, v13;
	v18 =	vadd.f32 $1.000000000e+00, v14;
	v28 =	vmul.f32 $3.010262550e-02, v14  }
0xee: {  	v27 =	vadd.f32 $-1.301194130e-01, v27;
	v26 =	vmul.f32 v26, v24;
	(erf) = vrcp.f32 v21  }
0xef: {  	v13 =	vsub.f32 v15, v13;
	v21 =	vadd.f32 $-1.301194130e-01, v28;
	(erf) = vrcp.f32 v18  }
0xf0: {  	v27 =	vmul.f32 v27, v12;
	v28 =	vmax.f32 v19, $0.0e+00;
	v26 =	vadd.f32 $2.833043340e-01, v26;
	v15 =	vpop (erf)  }
0xf1: {  	v18 =	vcvt.s32.f32 v17;
	v17 =	vadd.f32 $1.000000000e+00, v15;
	v29 =	vmul.f32 $3.010262550e-02, v15  }
0xf2: {  	vm3 =	vge.f32 v16, $0.0e+00;
	v16 =	vadd.f32 $2.833043340e-01, v27;
	v21 =	vmul.f32 v21, v14  }
0xf3: {  	v26 =	vmul.f32 v26, v24;
	v27 =	vadd.f32 $-1.301194130e-01, v29;
	(erf) = vrcp.f32 v17  }
0xf4: {  	v29 =	vmul.f32 v16, v12;
	v30 =	vadd.f32 $2.833043340e-01, v21;
	v16 =	vmul.f32 v18, v10  }
0xf5: {  	v17 =	vsub.f32 v28, v23;
	v26 =	vadd.f32 $-4.891568420e-01, v26;
	v32 =	vmul.f32 v27, v15;
	v23 =	vpop (erf)  }
0xf6: {  	v21 =	vadd.f32 $-4.891568420e-01, v29;
	v29 =	vmul.f32 v30, v14;
	v31 =	vld [tilespmem:s23+$0x8000];
	v28 =	vmul.f32 v23, v24  }
0xf7: {  	vm4 =	vge.f32 v19, $0.0e+00;
	v19 =	vmul.f32 v26, v24;
	v26 =	vadd.f32 $2.833043340e-01, v32;
	v27 =	vpop (erf)  }
0xf8: {  	v29 =	vadd.f32 $-4.891568420e-01, v29;
	v23 =	vsel vm4, v23, v28;
	v28 =	vmul.f32 v27, v12;
	v30 =	vpop (erf)  }
.Ltmp6:
0xf9: {  	v32 =	vmul.f32 v30, v14;
	v33 =	vsub.f32 v23, v22;
	v22 =	vmul.f32 v26, v15;
	(pc) =	sbr.rel @p0 .LBB2_15-.Ltmp6, $4  }
0xfa: {  	v23 =	vld [tilespmem:s23+$0x8010];
	v26 =	vsel vm3, v27, v28;
	v27 =	vadd.f32 $9.990104430e-01, v19;
	v19 =	vmul.f32 v29, v14  }
0xfb: {  	v28 =	vsel vm2, v30, v32;
	v29 =	vand.u32 $0x7FFFFFFF, v33;
	v30 =	vsub.f32 v26, v20  }
0xfc: {  	v25 =	vsub.f32 v28, v25;
	v26 =	vmul.f32 $1.000000000e+01, v29;
	v20 =	vmul.f32 v27, v24;
	v24 =	vpop (erf)  }
0xfd: {  	vm2 =	vgt.f32 v31, $0.0e+00;
	v27 =	vmul.f32 v24, v15;
	v28 =	vand.u32 $0x7FFFFFFF, v30  }
0xfe: {  	v25 =	vand.u32 $0x7FFFFFFF, v25;
	v26 =	vtrunc.f32 v26;
	v28 =	vmul.f32 $1.000000000e+01, v28  }
0xff: {  	v21 =	vmul.f32 v21, v12;
	v22 =	vadd.f32 $-4.891568420e-01, v22;
	v19 =	vadd.f32 $9.990104430e-01, v19  }
0x100: {  	v20 =	vadd.f32 $2.211703030e-05, v20;
	v10 =	vmax.f32 v10, $0.0e+00;
	v24 =	vsel vm1, v24, v27  }
0x101: {  	vm13 =	vgt.f32 v23, $0.0e+00;
	v25 =	vmul.f32 $1.000000000e+01, v25;
	v26 =	vcvt.f32.s32 v26  }
0x102: {  	v18 =	vsub.f32 v24, v18;
	v53 =	vtrunc.f32 v28;
	v21 =	vadd.f32 $9.990104430e-01, v21  }
0x103: {  	v22 =	vmul.f32 v22, v15;
	v17 =	vadd.f32 v20, v17;
	v14 =	vmul.f32 v19, v14  }
0x104: {  	v24 =	vcvt.f32.s32 v53;
	v25 =	vtrunc.f32 v25;
	vm3 =	vlt.s32 v26, $0x9  }
0x105: {  	v52 =	vld [tilespmem:s23+$0x8030];
	v18 =	vand.u32 $0x7FFFFFFF, v18;
	v26 =	vnsel vm3, $0x9, v26;
	v25 =	vcvt.f32.s32 v25  }
0x106: {  	v56 =	vmul.f32 v21, v12;
	vm4 =	vlt.s32 v24, $0x9;
	v18 =	vmul.f32 $1.000000000e+01, v18  }
0x107: {  	v59 =	vadd.f32 $9.990104430e-01, v22;
	v54 =	vshll.u32 v26, $0x4;
	v24 =	vnsel vm4, $0x9, v24  }
0x108: {  	vm15 =	vlt.s32 v25, $0x9;
	v26 =	vor.u32 v0, v54;
	v18 =	vtrunc.f32 v18  }
0x109: {  	v23 =	vadd.s32 v3, v54;
	v24 =	vshll.u32 v24, $0x4;
	v18 =	vcvt.f32.s32 v18  }
0x10a: {  	vm14 =	vgt.f32 v52, $0.0e+00;
	v25 =	vnsel vm15, $0x9, v25;
	v55 =	vadd.s32 v4, v24  }
0x10b: {  	v57 =	vadd.s32 v5, v24;
	v58 =	vshll.u32 v25, $0x4;
	vm5 =	vlt.s32 v18, $0x9  }
0x10c: {  	v12 =	vadd.f32 $2.211703030e-05, v56;
	v60 =	vadd.s32 v6, v58;
	v18 =	vnsel vm5, $0x9, v18  }
0x10d: {  	v62 =	vmul.f32 v59, v15;
	v19 =	vadd.s32 v7, v58;
	[tilespmem:v26+s14+$0x0] =	vst.idx.add.f32.msk vm2, v2;
	v18 =	vshll.u32 v18, $0x4  }
0x10e: {  	v14 =	vadd.f32 $2.211703030e-05, v14;
	v11 =	vadd.f32 v12, v11;
	[tilespmem:v23+s14+$0x0] =	vst.idx.add.f32.msk vm2, v17;
	v61 =	vadd.s32 v8, v18  }
0x10f: {  	v10 =	vsub.f32 v10, v16;
	v63 =	vadd.s32 v9, v18;
	[tilespmem:v55+s14+$0x0] =	vst.idx.add.f32.msk vm13, v2  }
0x110: {  	v13 =	vadd.f32 v14, v13;
	v15 =	vadd.f32 $2.211703030e-05, v62;
	[tilespmem:v57+s14+$0x0] =	vst.idx.add.f32.msk vm13, v11  }
0x111: {  	[tilespmem:v60+s14+$0x0] =	vst.idx.add.f32.msk vm0, v2  }
0x112: {  	v10 =	vadd.f32 v15, v10;
	[tilespmem:v19+s14+$0x0] =	vst.idx.add.f32.msk vm0, v13  }
0x113: {  	[tilespmem:v61+s14+$0x0] =	vst.idx.add.f32.msk vm14, v2  }
0x114: {  	[tilespmem:v63+s14+$0x0] =	vst.idx.add.f32.msk vm14, v10  }
0x115: {  	_ =	swait.ge [sflag:s15], $0x2000  }
0x116: {  	[sflag:s15] =	ssyncset.done $0x0  }
0x117: {  	[sflag:s15] =	ssyncadd.s32 $0xFFFFE000  }
0x118: {  	p0 =	seq.s32 s20, $0x7;
	_ =	swait.ge [sflag:s15], $0x2000  }
.Ltmp7:
0x119: {  	[sflag:s15] =	ssyncset.done $0x0;
	(pc) =	sbr.rel @p0 .LBB2_24-.Ltmp7, $4  }
0x11a: {  	[sflag:s15] =	ssyncadd.s32 $0xFFFFE000  }
0x11b: {  	_ =	swait.ge [sflag:s15], $0x2000  }
0x11c: {  	[sflag:s15] =	ssyncset.done $0x0  }
0x11d: {  	[sflag:s15] =	ssyncadd.s32 $0xFFFFE000  }
0x11e: {  	s21 =	sadd.s32 s21, s10  }
0x11f: {  	s21 =	sshrl.u32 s21, $0x3  }
0x120: {  	s23 =	simm.s32 $0x0;
	s22 =	sadd.s32 s1, s21  }
0x121: {  	s24 =	simm.s32 $0x10;
	s25 =	simm.s32 $0x100;
	s26 =	sadd.s32 $0x0, s22  }
.LBB2_18:
0x122: {  	[tilespmem:s23], [sflag:$0x1] =	stream.linear.gather [hbm4b:s26+s5], $0x80, $0x38;
	[tilespmem:$0xC500] =	vst v63  }
0x123: {  	s26 =	smov.u32 s24;
	s23 =	smov.u32 s25;
	p0 =	sne.s32 s24, $0x3F0  }
.Ltmp8:
0x124: {  	s24 =	sadd.s32 $0x10, s24;
	(pc) =	sbr.rel @p0 .LBB2_18-.Ltmp8, $2  }
0x125: {  	_ =	sdelay $0x2  }
0x126: {  	s25 =	sadd.s32 $0x100, s25;
	s26 =	sadd.s32 s26, s22  }
0x127: {  	[tilespmem:s23], [sflag:$0x1] =	stream.linear.gather [hbm4b:s26+s5], $0x80, $0x38;
	[tilespmem:$0xC500] =	vst v63  }
0x128: {  	s22 =	sadd.s32 s2, s21;
	s23 =	simm.s32 $0x4000  }
0x129: {  	s24 =	simm.s32 $0x10;
	s25 =	simm.s32 $0x4100;
	s26 =	sadd.s32 $0x0, s22  }
.LBB2_20:
0x12a: {  	[tilespmem:s23], [sflag:$0x1] =	stream.linear.gather [hbm4b:s26+s5], $0x80, $0x38;
	[tilespmem:$0xC500] =	vst v63  }
0x12b: {  	s26 =	smov.u32 s24;
	s23 =	smov.u32 s25;
	p0 =	sne.s32 s24, $0x3F0  }
.Ltmp9:
0x12c: {  	s24 =	sadd.s32 $0x10, s24;
	(pc) =	sbr.rel @p0 .LBB2_20-.Ltmp9, $2  }
0x12d: {  	_ =	sdelay $0x2  }
0x12e: {  	s25 =	sadd.s32 $0x100, s25;
	s26 =	sadd.s32 s26, s22  }
0x12f: {  	[tilespmem:s23], [sflag:$0x1] =	stream.linear.gather [hbm4b:s26+s5], $0x80, $0x38;
	[tilespmem:$0xC500] =	vst v63  }
0x130: {  	s21 =	sadd.s32 s4, s21;
	s22 =	simm.s32 $0x8000  }
0x131: {  	s23 =	simm.s32 $0x10;
	s24 =	simm.s32 $0x8100;
	s25 =	sadd.s32 $0x0, s21  }
.LBB2_22:
0x132: {  	[tilespmem:s22], [sflag:$0x1] =	stream.linear.gather [hbm4b:s25+s5], $0x80, $0x38;
	[tilespmem:$0xC500] =	vst v63  }
0x133: {  	s25 =	smov.u32 s23;
	s22 =	smov.u32 s24;
	p0 =	sne.s32 s23, $0x3F0  }
.Ltmp10:
0x134: {  	s23 =	sadd.s32 $0x10, s23;
	(pc) =	sbr.rel @p0 .LBB2_22-.Ltmp10, $2  }
0x135: {  	_ =	sdelay $0x2  }
0x136: {  	s24 =	sadd.s32 $0x100, s24;
	s25 =	sadd.s32 s25, s21  }
0x137: {  	[tilespmem:s22], [sflag:$0x1] =	stream.linear.gather [hbm4b:s25+s5], $0x80, $0x38;
	[tilespmem:$0xC500] =	vst v63  }
.LBB2_24:
0x138: {  	p0 =	por $0x0, $0x0;
	s21 =	simm.s32 $0x1  }
0x139: {  	s21 =	simm.s32 @!p0 $0x0  }
0x13a: {  	s21 =	sshll.u32 s21, $0x6  }
0x13b: {  	s22 =	sadd.s32 $0x0, s21  }
0x13c: {  	s21 =	sor.u32 $0xB0, s22  }
0x13d: {  	s23 =	sor.u32 $0x80, s22;
	v10 =	vld [tilespmem:s21+$0x0]  }
0x13e: {  	s25 =	sor.u32 $0x90, s22;
	v22 =	vld [tilespmem:s23+$0x0]  }
0x13f: {  	v21 =	vld [tilespmem:s25+$0x0];
	_ =	sdelay $0x2  }
0x140: {  	v11 =	vand.u32 $0x7FFFFFFF, v10  }
0x141: {  	s22 =	sor.u32 $0xA0, s22;
	v12 =	vand.u32 $0x7FFFFFFF, v22;
	v11 =	vsub.f32 $0.0e+00, v11  }
0x142: {  	v13 =	vld [tilespmem:s22+$0x0];
	v14 =	vand.u32 $0x7FFFFFFF, v21;
	v12 =	vsub.f32 $0.0e+00, v12  }
0x143: {  	v14 =	vsub.f32 $0.0e+00, v14;
	v11 =	vmul.f32 $1.442695020e+00, v11  }
0x144: {  	v12 =	vmul.f32 $1.442695020e+00, v12  }
0x145: {  	v14 =	vmul.f32 $1.442695020e+00, v14;
	(erf) = vpow2.f32 v11  }
0x146: {  	(erf) = vpow2.f32 v12  }
0x147: {  	v11 =	vand.u32 $0x7FFFFFFF, v13;
	(erf) = vpow2.f32 v14  }
0x148: {  	v11 =	vsub.f32 $0.0e+00, v11;
	_ =	sdelay $0x1  }
0x149: {  	v15 =	vld [tilespmem:s23+$0x4000];
	v11 =	vmul.f32 $1.442695020e+00, v11  }
0x14a: {  	v14 =	vld [tilespmem:s25+$0x4000]  }
0x14b: {  	v18 =	vld [tilespmem:s22+$0x4000];
	(erf) = vpow2.f32 v11;
	_ =	sdelay $0x1  }
0x14c: {  	v16 =	vpop (erf)  }
0x14d: {  	v29 =	vcvt.s32.f32 v15;
	v25 =	vpop (erf)  }
0x14e: {  	v24 =	vld [tilespmem:s21+$0x4000];
	v26 =	vcvt.s32.f32 v14;
	v19 =	vadd.f32 $1.000000000e+00, v16;
	v28 =	vmul.f32 $3.010262550e-02, v25;
	v14 =	vpop (erf)  }
0x14f: {  	v20 =	vcvt.s32.f32 v18;
	v27 =	vadd.f32 $1.000000000e+00, v25;
	v15 =	vadd.f32 $1.000000000e+00, v14  }
0x150: {  	v23 =	vmul.f32 $3.010262550e-02, v16;
	(erf) = vrcp.f32 v19;
	v18 =	vadd.f32 $-1.301194130e-01, v28  }
0x151: {  	(erf) = vrcp.f32 v27;
	v27 =	vmul.f32 $3.010262550e-02, v14  }
0x152: {  	vm0 =	vge.f32 v10, $0.0e+00;
	v23 =	vadd.f32 $-1.301194130e-01, v23;
	v18 =	vmul.f32 v18, v25  }
0x153: {  	v28 =	vcvt.s32.f32 v24;
	(erf) = vrcp.f32 v15;
	v27 =	vadd.f32 $-1.301194130e-01, v27;
	v15 =	vpop (erf)  }
0x154: {  	v23 =	vmul.f32 v23, v16;
	v24 =	vadd.f32 $1.000000000e+00, v15;
	v31 =	vadd.f32 $2.833043340e-01, v18  }
0x155: {  	v17 =	vmax.f32 v21, $0.0e+00;
	v30 =	vmul.f32 $3.010262550e-02, v15;
	v27 =	vmul.f32 v27, v14  }
0x156: {  	(erf) = vrcp.f32 v24;
	v24 =	vmul.f32 v31, v25;
	v31 =	vadd.f32 $2.833043340e-01, v23  }
0x157: {  	vm1 =	vge.f32 v13, $0.0e+00;
	vm2 =	vge.f32 v21, $0.0e+00;
	v30 =	vadd.f32 $-1.301194130e-01, v30  }
0x158: {  	vm3 =	vge.f32 v22, $0.0e+00;
	v23 =	vadd.f32 $2.833043340e-01, v27;
	v27 =	vmul.f32 v31, v16  }
0x159: {  	v12 =	vmax.f32 v22, $0.0e+00;
	v11 =	vmax.f32 v13, $0.0e+00;
	v30 =	vmul.f32 v30, v15  }
0x15a: {  	v63 =	vld [tilespmem:s23+$0x8000];
	v21 =	vmul.f32 v26, v21;
	v19 =	vmul.f32 v29, v22;
	v24 =	vadd.f32 $-4.891568420e-01, v24;
	v31 =	vpop (erf)  }
0x15b: {  	v18 =	vmul.f32 v28, v10;
	v30 =	vadd.f32 $2.833043340e-01, v30;
	v22 =	vmul.f32 v31, v16;
	v32 =	vpop (erf)  }
0x15c: {  	v34 =	vmul.f32 v24, v25;
	v24 =	vadd.f32 $-4.891568420e-01, v27;
	v33 =	vmul.f32 v32, v25;
	v27 =	vpop (erf)  }
0x15d: {  	v30 =	vmul.f32 v30, v15;
	v35 =	vmul.f32 v27, v14;
	v22 =	vsel vm0, v31, v22  }
0x15e: {  	v31 =	vsel vm3, v32, v33;
	v22 =	vsub.f32 v22, v28;
	v28 =	vadd.f32 $9.990104430e-01, v34  }
0x15f: {  	vm0 =	vgt.f32 v63, $0.0e+00;
	v27 =	vsel vm2, v27, v35;
	v29 =	vsub.f32 v31, v29  }
0x160: {  	v30 =	vadd.f32 $-4.891568420e-01, v30;
	v26 =	vsub.f32 v27, v26;
	v27 =	vmul.f32 v28, v25;
	v25 =	vpop (erf)  }
0x161: {  	v22 =	vand.u32 $0x7FFFFFFF, v22;
	v28 =	vmul.f32 v25, v15;
	v29 =	vand.u32 $0x7FFFFFFF, v29  }
0x162: {  	v22 =	vmul.f32 $1.000000000e+01, v22;
	v26 =	vand.u32 $0x7FFFFFFF, v26;
	v29 =	vmul.f32 $1.000000000e+01, v29  }
0x163: {  	v30 =	vmul.f32 v30, v15;
	v25 =	vsel vm1, v25, v28;
	v26 =	vmul.f32 $1.000000000e+01, v26  }
0x164: {  	v31 =	vtrunc.f32 v22;
	v28 =	vsub.f32 v25, v20;
	v22 =	vtrunc.f32 v29  }
0x165: {  	v25 =	vcvt.f32.s32 v22;
	v29 =	vtrunc.f32 v26;
	v22 =	vadd.f32 $9.990104430e-01, v30  }
0x166: {  	s24 =	simm.s32 $0x40;
	s23 =	simm.s32 $0x0;
	v26 =	vld [tilespmem:s25+$0x8000];
	v28 =	vand.u32 $0x7FFFFFFF, v28;
	v30 =	vcvt.f32.s32 v29;
	v29 =	vcvt.f32.s32 v31  }
.LBB2_25:
0x167: {  	p1 =	sne.s32 s24, $0x1FC0;
	v27 =	vadd.f32 $2.211703030e-05, v27;
	v23 =	vmul.f32 v23, v14;
	v24 =	vmul.f32 v24, v16;
	s23 =	sadd.s32 $0x80, s23;
	p0 =	por !p0, !p0  }
0x168: {  	s24 =	sadd.s32 $0x40, s24;
	v13 =	vmul.f32 v20, v13;
	v31 =	vld [tilespmem:s22+$0x8000];
	vm1 =	vlt.s32 v30, $0x9;
	vm2 =	vlt.s32 v29, $0x9  }
0x169: {  	s22 =	simm.s32 $0x1;
	v20 =	vnsel vm1, $0x9, v30;
	v29 =	vnsel vm2, $0x9, v29;
	v23 =	vadd.f32 $-4.891568420e-01, v23  }
0x16a: {  	s22 =	simm.s32 @!p0 $0x0;
	v24 =	vadd.f32 $9.990104430e-01, v24;
	v20 =	vshll.u32 v20, $0x4;
	v29 =	vshll.u32 v29, $0x4  }
0x16b: {  	v28 =	vmul.f32 $1.000000000e+01, v28;
	s22 =	sshll.u32 s22, $0x6;
	vm1 =	vgt.f32 v26, $0.0e+00;
	v23 =	vmul.f32 v23, v14  }
0x16c: {  	v17 =	vsub.f32 v17, v21;
	vm2 =	vlt.s32 v25, $0x9;
	s28 =	sadd.s32 s22, s23;
	v16 =	vmul.f32 v24, v16  }
0x16d: {  	v21 =	vnsel vm2, $0x9, v25;
	v24 =	vtrunc.f32 v28;
	s26 =	sor.u32 $0x80, s28;
	s25 =	sor.u32 $0x90, s28;
	s22 =	sor.u32 $0xA0, s28;
	v23 =	vadd.f32 $9.990104430e-01, v23  }
0x16e: {  	v21 =	vshll.u32 v21, $0x4;
	s28 =	sor.u32 $0xB0, s28;
	v24 =	vcvt.f32.s32 v24;
	vm2 =	vgt.f32 v31, $0.0e+00  }
0x16f: {  	v12 =	vsub.f32 v12, v19;
	v19 =	vor.u32 v0, v21;
	v25 =	vld [tilespmem:s21+$0x8000];
	v14 =	vmul.f32 v23, v14;
	s21 =	smov.u32 s28  }
0x170: {  	v21 =	vadd.s32 v3, v21;
	vm3 =	vlt.s32 v24, $0x9;
	v23 =	vadd.s32 v4, v20  }
0x171: {  	v10 =	vmax.f32 v10, $0.0e+00;
	v24 =	vnsel vm3, $0x9, v24;
	v14 =	vadd.f32 $2.211703030e-05, v14  }
0x172: {  	v10 =	vsub.f32 v10, v18;
	v20 =	vadd.s32 v5, v20;
	v18 =	vshll.u32 v24, $0x4  }
0x173: {  	v15 =	vmul.f32 v22, v15;
	v12 =	vadd.f32 v27, v12;
	v22 =	vadd.s32 v6, v18  }
0x174: {  	v11 =	vsub.f32 v11, v13;
	v13 =	vadd.s32 v7, v18;
	vm3 =	vgt.f32 v25, $0.0e+00;
	[tilespmem:v19+s14+$0x0] =	vst.idx.add.f32.msk vm0, v2  }
0x175: {  	v15 =	vadd.f32 $2.211703030e-05, v15;
	v14 =	vadd.f32 v14, v17;
	[tilespmem:v21+s14+$0x0] =	vst.idx.add.f32.msk vm0, v12;
	v12 =	vadd.s32 v8, v29  }
0x176: {  	v17 =	vadd.s32 v9, v29;
	[tilespmem:v23+s14+$0x0] =	vst.idx.add.f32.msk vm1, v2  }
0x177: {  	v11 =	vadd.f32 v15, v11;
	v16 =	vadd.f32 $2.211703030e-05, v16;
	[tilespmem:v20+s14+$0x0] =	vst.idx.add.f32.msk vm1, v14  }
0x178: {  	[tilespmem:v22+s14+$0x0] =	vst.idx.add.f32.msk vm2, v2  }
0x179: {  	v10 =	vadd.f32 v16, v10;
	[tilespmem:v13+s14+$0x0] =	vst.idx.add.f32.msk vm2, v11  }
0x17a: {  	[tilespmem:v12+s14+$0x0] =	vst.idx.add.f32.msk vm3, v2  }
0x17b: {  	[tilespmem:v17+s14+$0x0] =	vst.idx.add.f32.msk vm3, v10  }
0x17c: {  	v10 =	vld [tilespmem:s21+$0x0]  }
0x17d: {  	v22 =	vld [tilespmem:s26+$0x0]  }
0x17e: {  	v21 =	vld [tilespmem:s25+$0x0];
	_ =	sdelay $0x2  }
0x17f: {  	v11 =	vand.u32 $0x7FFFFFFF, v10  }
0x180: {  	v13 =	vld [tilespmem:s22+$0x0];
	v12 =	vand.u32 $0x7FFFFFFF, v22;
	v11 =	vsub.f32 $0.0e+00, v11  }
0x181: {  	v14 =	vand.u32 $0x7FFFFFFF, v21;
	v12 =	vsub.f32 $0.0e+00, v12  }
0x182: {  	v14 =	vsub.f32 $0.0e+00, v14;
	v11 =	vmul.f32 $1.442695020e+00, v11  }
0x183: {  	v12 =	vmul.f32 $1.442695020e+00, v12  }
0x184: {  	v14 =	vmul.f32 $1.442695020e+00, v14;
	(erf) = vpow2.f32 v11  }
0x185: {  	v11 =	vand.u32 $0x7FFFFFFF, v13;
	(erf) = vpow2.f32 v12  }
0x186: {  	v11 =	vsub.f32 $0.0e+00, v11;
	(erf) = vpow2.f32 v14;
	_ =	sdelay $0x1  }
0x187: {  	v15 =	vld [tilespmem:s26+$0x4000];
	v11 =	vmul.f32 $1.442695020e+00, v11;
	_ =	sdelay $0x1  }
0x188: {  	v14 =	vld [tilespmem:s25+$0x4000];
	(erf) = vpow2.f32 v11;
	_ =	sdelay $0x1  }
0x189: {  	v18 =	vld [tilespmem:s22+$0x4000]  }
0x18a: {  	vm1 =	vge.f32 v10, $0.0e+00;
	v12 =	vmax.f32 v22, $0.0e+00;
	v11 =	vmax.f32 v13, $0.0e+00;
	v16 =	vpop (erf)  }
0x18b: {  	v17 =	vmax.f32 v21, $0.0e+00;
	v19 =	vadd.f32 $1.000000000e+00, v16;
	v23 =	vmul.f32 $3.010262550e-02, v16;
	v25 =	vpop (erf)  }
0x18c: {  	v26 =	vcvt.s32.f32 v14;
	v24 =	vld [tilespmem:s21+$0x4000];
	v27 =	vadd.f32 $1.000000000e+00, v25;
	v28 =	vmul.f32 $3.010262550e-02, v25;
	v14 =	vpop (erf)  }
0x18d: {  	v29 =	vcvt.s32.f32 v15;
	v30 =	vadd.f32 $1.000000000e+00, v14;
	(erf) = vrcp.f32 v19  }
0x18e: {  	v20 =	vcvt.s32.f32 v18;
	v18 =	vadd.f32 $-1.301194130e-01, v28;
	(erf) = vrcp.f32 v27  }
0x18f: {  	vm0 =	vge.f32 v13, $0.0e+00;
	v27 =	vmul.f32 $3.010262550e-02, v14;
	(erf) = vrcp.f32 v30  }
0x190: {  	v23 =	vadd.f32 $-1.301194130e-01, v23;
	v19 =	vmul.f32 v29, v22;
	v18 =	vmul.f32 v18, v25;
	v15 =	vpop (erf)  }
0x191: {  	v28 =	vcvt.s32.f32 v24;
	v24 =	vadd.f32 $1.000000000e+00, v15;
	v30 =	vmul.f32 $3.010262550e-02, v15  }
0x192: {  	v23 =	vmul.f32 v23, v16;
	v27 =	vadd.f32 $-1.301194130e-01, v27;
	v31 =	vadd.f32 $2.833043340e-01, v18  }
0x193: {  	v30 =	vadd.f32 $-1.301194130e-01, v30;
	v18 =	vmul.f32 v28, v10;
	(erf) = vrcp.f32 v24  }
0x194: {  	v33 =	vadd.f32 $2.833043340e-01, v23;
	v27 =	vmul.f32 v27, v14;
	v24 =	vmul.f32 v31, v25  }
0x195: {  	vm2 =	vge.f32 v21, $0.0e+00;
	v21 =	vmul.f32 v26, v21;
	v30 =	vmul.f32 v30, v15  }
0x196: {  	v35 =	vmul.f32 v33, v16;
	v23 =	vadd.f32 $2.833043340e-01, v27;
	v24 =	vadd.f32 $-4.891568420e-01, v24;
	v31 =	vpop (erf)  }
0x197: {  	vm3 =	vge.f32 v22, $0.0e+00;
	v22 =	vmul.f32 v31, v16;
	v30 =	vadd.f32 $2.833043340e-01, v30;
	v32 =	vpop (erf)  }
0x198: {  	v33 =	vmul.f32 v32, v25;
	v34 =	vmul.f32 v24, v25;
	v24 =	vadd.f32 $-4.891568420e-01, v35;
	v27 =	vpop (erf)  }
0x199: {  	v35 =	vmul.f32 v27, v14;
	v22 =	vsel vm1, v31, v22;
	v30 =	vmul.f32 v30, v15  }
0x19a: {  	v31 =	vld [tilespmem:s26+$0x8000];
	v32 =	vsel vm3, v32, v33;
	v22 =	vsub.f32 v22, v28;
	v28 =	vadd.f32 $9.990104430e-01, v34  }
0x19b: {  	v27 =	vsel vm2, v27, v35;
	v29 =	vsub.f32 v32, v29;
	v30 =	vadd.f32 $-4.891568420e-01, v30  }
0x19c: {  	v26 =	vsub.f32 v27, v26;
	v22 =	vand.u32 $0x7FFFFFFF, v22;
	v27 =	vmul.f32 v28, v25;
	v25 =	vpop (erf)  }
0x19d: {  	v28 =	vmul.f32 v25, v15;
	v29 =	vand.u32 $0x7FFFFFFF, v29;
	v22 =	vmul.f32 $1.000000000e+01, v22  }
.Ltmp11:
0x19e: {  	v30 =	vmul.f32 v30, v15;
	v26 =	vand.u32 $0x7FFFFFFF, v26;
	v29 =	vmul.f32 $1.000000000e+01, v29;
	(pc) =	sbr.rel @p1 .LBB2_25-.Ltmp11, $4  }
0x19f: {  	v25 =	vsel vm0, v25, v28;
	v28 =	vmul.f32 $1.000000000e+01, v26;
	v32 =	vtrunc.f32 v22  }
0x1a0: {  	vm0 =	vgt.f32 v31, $0.0e+00;
	v33 =	vsub.f32 v25, v20;
	v22 =	vtrunc.f32 v29  }
0x1a1: {  	v26 =	vld [tilespmem:s25+$0x8000];
	v25 =	vcvt.f32.s32 v22;
	v29 =	vtrunc.f32 v28;
	v22 =	vadd.f32 $9.990104430e-01, v30  }
0x1a2: {  	v28 =	vand.u32 $0x7FFFFFFF, v33;
	v30 =	vcvt.f32.s32 v29;
	v29 =	vcvt.f32.s32 v32  }
0x1a3: {  	v23 =	vmul.f32 v23, v14;
	v24 =	vmul.f32 v24, v16  }
0x1a4: {  	v27 =	vadd.f32 $2.211703030e-05, v27;
	v13 =	vmul.f32 v20, v13;
	v28 =	vmul.f32 $1.000000000e+01, v28  }
0x1a5: {  	vm13 =	vlt.s32 v25, $0x9;
	v17 =	vsub.f32 v17, v21;
	v12 =	vsub.f32 v12, v19  }
0x1a6: {  	v10 =	vmax.f32 v10, $0.0e+00;
	v15 =	vmul.f32 v22, v15;
	vm1 =	vlt.s32 v30, $0x9  }
0x1a7: {  	vm2 =	vlt.s32 v29, $0x9;
	v52 =	vnsel vm13, $0x9, v25;
	v23 =	vadd.f32 $-4.891568420e-01, v23  }
0x1a8: {  	v49 =	vnsel vm1, $0x9, v30;
	v29 =	vnsel vm2, $0x9, v29;
	v24 =	vadd.f32 $9.990104430e-01, v24  }
0x1a9: {  	v50 =	vld [tilespmem:s22+$0x8000];
	v53 =	vtrunc.f32 v28;
	v12 =	vadd.f32 v27, v12;
	v23 =	vmul.f32 v23, v14  }
0x1aa: {  	v54 =	vcvt.f32.s32 v53;
	v51 =	vmul.f32 v24, v16;
	v24 =	vshll.u32 v52, $0x4  }
0x1ab: {  	v55 =	vld [tilespmem:s21+$0x8000];
	v20 =	vshll.u32 v49, $0x4;
	v57 =	vor.u32 v0, v24;
	v23 =	vadd.f32 $9.990104430e-01, v23  }
0x1ac: {  	vm12 =	vgt.f32 v26, $0.0e+00;
	vm3 =	vlt.s32 v54, $0x9;
	v58 =	vadd.s32 v3, v24  }
0x1ad: {  	v59 =	vadd.s32 v4, v20;
	v21 =	vnsel vm3, $0x9, v54;
	v56 =	vmul.f32 v23, v14  }
0x1ae: {  	v20 =	vadd.s32 v5, v20;
	vm14 =	vgt.f32 v50, $0.0e+00;
	v21 =	vshll.u32 v21, $0x4  }
0x1af: {  	v11 =	vsub.f32 v11, v13;
	v60 =	vadd.s32 v6, v21;
	v14 =	vadd.f32 $2.211703030e-05, v56  }
0x1b0: {  	v29 =	vshll.u32 v29, $0x4;
	vm15 =	vgt.f32 v55, $0.0e+00;
	v61 =	vadd.s32 v7, v21;
	[tilespmem:v57+s14+$0x0] =	vst.idx.add.f32.msk vm0, v2  }
0x1b1: {  	s20 =	sadd.s32 $0x1, s20;
	v15 =	vadd.f32 $2.211703030e-05, v15;
	v62 =	vadd.s32 v8, v29;
	[tilespmem:v58+s14+$0x0] =	vst.idx.add.f32.msk vm0, v12;
	v14 =	vadd.f32 v14, v17  }
0x1b2: {  	v10 =	vsub.f32 v10, v18;
	p0 =	sne.s32 s20, $0x8;
	v63 =	vadd.s32 v9, v29;
	[tilespmem:v59+s14+$0x0] =	vst.idx.add.f32.msk vm12, v2  }
.Ltmp12:
0x1b3: {  	v11 =	vadd.f32 v15, v11;
	v16 =	vadd.f32 $2.211703030e-05, v51;
	[tilespmem:v20+s14+$0x0] =	vst.idx.add.f32.msk vm12, v14;
	(pc) =	sbr.rel @p0 .LBB2_8-.Ltmp12, $4  }
0x1b4: {  	[tilespmem:v60+s14+$0x0] =	vst.idx.add.f32.msk vm14, v2  }
0x1b5: {  	v10 =	vadd.f32 v16, v10;
	[tilespmem:v61+s14+$0x0] =	vst.idx.add.f32.msk vm14, v11  }
0x1b6: {  	[tilespmem:v62+s14+$0x0] =	vst.idx.add.f32.msk vm15, v2  }
0x1b7: {  	[tilespmem:v63+s14+$0x0] =	vst.idx.add.f32.msk vm15, v10  }
0x1b8: {  	s19 =	sadd.s32 $0x1, s19  }
0x1b9: {  	p0 =	sne.s32 s19, s12  }
.Ltmp13:
0x1ba: {  	_ = 	snop;
	(pc) =	sbr.rel @p0 .LBB2_1-.Ltmp13, $4  }
0x1bb: {  	[hbm4b:s11+s16] =	stream.strided.scatter [tilespmem:s14], [sflag:$0x3], $0x500, s17, s16, $0x38;
	[tilespmem:$0xC500] =	vst v63  }
0x1bc: {  	_ =	swait.ge [sflag:s18], $0x500  }
0x1bd: {  	[sflag:s18] =	ssyncset.done $0x0  }
0x1be: {  	[sflag:s18] =	ssyncadd.s32 $0xFFFFFB00  }
0x1bf: {  	_ =	sfence.sel $0x180000  }
0x1c0: {  	[bflag:$0x0] =	sbarrier.arrive $0xFFFF  }
0x1c1: {  	p0 =	sne.s32 s0, $0x0;
	_ =	strace $0x90000047  }
0x1c2: {  	s0 =	sadd.s32 @!p0 $0x100000, s3;
	[bflag:$0x2] =	sbarrier.arrive $0xFFFF  }
0x1c3: {  	[sflag:s0] =	ssyncadd.tile.s32 @!p0 $0x1;
	_ =	shalt  }
.Lfunc_end2:
_tile_overlayer_lowered:
.L_overlay_start_2:
0x1c4: {  	(tag) =	ssettag $0x2  }
0x1c5: {  	s0 =	rddreg [dreg:$0x0];
	s2 =	stileid.u32  }
0x1c6: {  	s1 =	rddreg [dreg:$0x1];
	p0 =	sne.s32 s2, $0x0  }
0x1c7: {  	s3 =	rddreg [dreg:$0x2];
	[bflag:$0x3] =	sbarrier.arrive $0xFFFF;
	s2 =	simm.s32 @!p0 $0x1C03  }
0x1c8: {  	[timem:s3], [sflag:s2] =	dma.local @!p0 [hbm:s0], s1  }
0x1c9: {  	s0 =	simm.s32 @!p0 $0x3  }
0x1ca: {  	_ =	swait.ge @!p0 [sflag:s0], s1  }
0x1cb: {  	s1 =	ssub.s32 @!p0 $0x0, s1;
	[sflag:s0] =	ssyncset.done @!p0 $0x0  }
0x1cc: {  	[sflag:s0] =	ssyncadd.s32 @!p0 s1  }
0x1cd: {  	[bflag:$0x3] =	sbarrier.arrive $0xFFFF  }
0x1ce: {  	_ =	shalt  }

// kernel: kernel.8.cloned.1.call-start
scs
__scs_entry_jumppad:
0x0: {  	(pc) =	sbr.rel $0x88, $3  }
0x1: {  	(tag) =	ssettag $0x0;
	lr =	simm.s32 $0x1  }
0x2: {  	[smem:$0x3F9E] =	sst lr;
	_ =	strace $0xD0000000  }
0x3: {  	_ = 	snop  }
0x4: {  	_ = 	snop  }
0x5: {  	_ = 	snop  }
0x6: {  	_ = 	snop  }
0x7: {  	_ = 	snop  }
__scs_overlays_trampoline_lowered:
0x8: {  	[smem:$0x3FAD] =	sst s0  }
0x9: {  	[smem:$0x3FAE] =	sst s1  }
0xa: {  	[smem:$0x3FAF] =	sst s2  }
0xb: {  	[smem:$0x3FB0] =	sst s3  }
0xc: {  	[smem:$0x3FB1] =	sst s4  }
0xd: {  	[smem:$0x3FB2] =	sst s5  }
0xe: {  	[smem:$0x3FB3] =	sst s6  }
0xf: {  	[smem:$0x3FB4] =	sst s7  }
0x10: {  	[smem:$0x3FB5] =	sst s8  }
0x11: {  	[smem:$0x3FB6] =	sst s9;
	s0 =	simm.s32 @!p0 $0x0  }
0x12: {  	s1 =	sld [smem:$0x3F9C];
	s0 =	simm.s32 @p0 $0x1  }
0x13: {  	[smem:$0x3FB7] =	sst s0;
	s0 =	simm.s32 @!p1 $0x0  }
0x14: {  	s2 =	sld [smem:$0x3F9B];
	s0 =	simm.s32 @p1 $0x1  }
0x15: {  	[smem:$0x3FB8] =	sst s0;
	s0 =	simm.s32 @!p2 $0x0  }
0x16: {  	s3 =	sld [smem:$0x3FDB];
	s0 =	simm.s32 @p2 $0x1  }
0x17: {  	s4 =	simm.s32 $0x1BF5;
	[smem:$0x3FBA] =	sst s0  }
0x18: {  	s0 =	sld [smem:$0x3F9D];
	_ =	swait.ge [sflag:s4], $0x0  }
0x19: {  	s7 =	sld [smem:$0x3F9E]  }
0x1a: {  	s8 =	sadd.s32 $0xFFFFE003, lr  }
0x1b: {  	s9 =	sadd.s32 $0xFFFFFEF7, lr;
	s5 =	simm.s32 $0xFFFFFFFF;
	p2 =	slt.u32 s8, $0xFFFFF086  }
0x1c: {  	p1 =	slt.u32 s9, $0xF7A;
	s5 =	simm.s32 @!p2 $0x0  }
0x1d: {  	s5 =	simm.s32 @p1 $0x1;
	p0 =	seq.s32 s7, s2  }
0x1e: {  	s7 =	smul.u32 @!p0 $0xF7A, s2;
	p2 =	seq.s32 @!p0 s5, $0x0  }
0x1f: {  	s9 =	smul.u32 $0xF7A, s1;
	s8 =	simm.s32 @!p0 $0x1BF5;
	p2 =	por !p2, p0  }
0x20: {  	[sflag:s8] =	ssyncset.s32 @!p0 $0xFFFFF086;
	s6 =	sadd.s32 @!p0 s3, s7;
	s7 =	simm.s32 @!p0 $0x108  }
0x21: {  	s3 =	sadd.s32 s3, s9;
	s6 =	sadd.s32 @!p0 $0x88, s6;
	s7 =	simm.s32 @p2 $0x1082  }
0x22: {  	[simem:s7], [sflag:s8] =	dma.local @!p0 [hbm:s6], $0xF7A  }
0x23: {  	s9 =	sor.u32 $0xD0000000, s2;
	s6 =	simm.s32 $0x108;
	_ =	swait.ge @!p0 [sflag:s8], $0x0  }
0x24: {  	s3 =	sadd.s32 $0x88, s3;
	s6 =	simm.s32 @!p1 $0x1082;
	[sflag:s4] =	ssyncset.s32 $0xFFFFF086  }
0x25: {  	[simem:s6], [sflag:s4] =	dma.local [hbm:s3], $0xF7A  }
0x26: {  	[smem:$0x3F9E] =	sst s1;
	(tag) =	ssettag s2;
	_ =	strace s9  }
0x27: {  	s1 =	sld [smem:$0x3FAE]  }
0x28: {  	s2 =	sld [smem:$0x3FAF]  }
0x29: {  	s4 =	sld [smem:$0x3FB1]  }
0x2a: {  	p0 =	seq.s32 s5, $0x0;
	s5 =	sld [smem:$0x3FB2]  }
0x2b: {  	s6 =	sld [smem:$0x3FB3]  }
0x2c: {  	s7 =	sld [smem:$0x3FB4]  }
0x2d: {  	s3 =	simm.s32 $0x108;
	s8 =	sld [smem:$0x3FB5]  }
0x2e: {  	s3 =	simm.s32 @!p0 $0x1082;
	s9 =	sld [smem:$0x3FB6]  }
0x2f: {  	lr =	sadd.s32 s0, s3;
	s0 =	sld [smem:$0x3FAD]  }
0x30: {  	s3 =	sld [smem:$0x3FB0]  }
0x31: {  	[smem:$0x3FB9] =	sst s10  }
0x32: {  	s10 =	sld [smem:$0x3FB7];
	_ =	sdelay $0x3  }
0x33: {  	p0 =	seq.s32 s10, $0x1;
	s10 =	sld [smem:$0x3FB9];
	_ =	sdelay $0x3  }
0x34: {  	[smem:$0x3FB9] =	sst s10  }
0x35: {  	s10 =	sld [smem:$0x3FB8];
	_ =	sdelay $0x3  }
0x36: {  	p1 =	seq.s32 s10, $0x1;
	s10 =	sld [smem:$0x3FB9];
	_ =	sdelay $0x3  }
0x37: {  	[smem:$0x3FB9] =	sst s10  }
0x38: {  	s10 =	sld [smem:$0x3FBA]  }
0x39: {  	_ = 	snop;
	(pc) =	sbr.ind lr, $3  }
0x3a: {  	_ = 	snop  }
0x3b: {  	_ = 	snop  }
0x3c: {  	p2 =	seq.s32 s10, $0x1;
	s10 =	sld [smem:$0x3FB9]  }
0x3d: {  	_ =	shalt  }
0x3e: {  	_ =	shalt  }
0x3f: {  	_ =	shalt  }
0x40: {  	_ =	shalt  }
0x41: {  	_ =	shalt  }
0x42: {  	_ =	shalt  }
0x43: {  	_ =	shalt  }
0x44: {  	_ =	shalt  }
0x45: {  	_ =	shalt  }
0x46: {  	_ =	shalt  }
0x47: {  	_ =	shalt  }
0x48: {  	_ =	shalt  }
0x49: {  	_ =	shalt  }
0x4a: {  	_ =	shalt  }
0x4b: {  	_ =	shalt  }
0x4c: {  	_ =	shalt  }
0x4d: {  	_ =	shalt  }
0x4e: {  	_ =	shalt  }
0x4f: {  	_ =	shalt  }
0x50: {  	_ =	shalt  }
0x51: {  	_ =	shalt  }
0x52: {  	_ =	shalt  }
0x53: {  	_ =	shalt  }
0x54: {  	_ =	shalt  }
0x55: {  	_ =	shalt  }
0x56: {  	_ =	shalt  }
0x57: {  	_ =	shalt  }
0x58: {  	_ =	shalt  }
0x59: {  	_ =	shalt  }
0x5a: {  	_ =	shalt  }
0x5b: {  	_ =	shalt  }
0x5c: {  	_ =	shalt  }
0x5d: {  	_ =	shalt  }
0x5e: {  	_ =	shalt  }
0x5f: {  	_ =	shalt  }
0x60: {  	_ =	shalt  }
0x61: {  	_ =	shalt  }
0x62: {  	_ =	shalt  }
0x63: {  	_ =	shalt  }
0x64: {  	_ =	shalt  }
0x65: {  	_ =	shalt  }
0x66: {  	_ =	shalt  }
0x67: {  	_ =	shalt  }
0x68: {  	_ =	shalt  }
0x69: {  	_ =	shalt  }
0x6a: {  	_ =	shalt  }
0x6b: {  	_ =	shalt  }
0x6c: {  	_ =	shalt  }
0x6d: {  	_ =	shalt  }
0x6e: {  	_ =	shalt  }
0x6f: {  	_ =	shalt  }
0x70: {  	_ =	shalt  }
0x71: {  	_ =	shalt  }
0x72: {  	_ =	shalt  }
0x73: {  	_ =	shalt  }
0x74: {  	_ =	shalt  }
0x75: {  	_ =	shalt  }
0x76: {  	_ =	shalt  }
0x77: {  	_ =	shalt  }
0x78: {  	_ =	shalt  }
0x79: {  	_ =	shalt  }
0x7a: {  	_ =	shalt  }
0x7b: {  	_ =	shalt  }
0x7c: {  	_ =	shalt  }
0x7d: {  	_ =	shalt  }
0x7e: {  	_ =	shalt  }
0x7f: {  	_ =	shalt  }
0x80: {  	_ =	shalt  }
0x81: {  	_ =	shalt  }
0x82: {  	_ =	shalt  }
0x83: {  	_ =	shalt  }
0x84: {  	_ =	shalt  }
0x85: {  	_ =	shalt  }
0x86: {  	_ =	shalt  }
0x87: {  	_ =	shalt  }
.Lfunc_end0:
.L_simem_size_0:
called_computation.1_lowered:
.L_overlay_start_0:
0x88: {  	s2 =	sld [smem:$0x3FD9]  }
0x89: {  	s3 =	sld [smem:$0x3FFE];
	_ =	sdelay $0x1  }
0x8a: {  	s1 =	srdreg.scid  }
0x8b: {  	s0 =	sand.u32 $0x1, s1  }
0x8c: {  	s17 =	sshll.u32 s0, $0xA;
	s2 =	sadd.s32 s3, s2  }
0x8d: {  	s2 =	sadd.s32 s2, s17  }
0x8e: {  	[smem:$0x3FC5] =	sst s2  }
0x8f: {  	_ = 	snop  }
0x90: {  	s2 =	sld [smem:$0x3FD0];
	(tm) =	ssettm $0x1  }
0x91: {  	s18 =	sld [smem:$0x3FFB];
	_ =	sdelay $0x3  }
0x92: {  	_ =	strace s18  }
0x93: {  	s3 =	sld [smem:$0x3FFC];
	_ =	sdelay $0x3  }
0x94: {  	_ =	strace s3  }
0x95: {  	s3 =	sld [smem:$0x3FFD];
	_ =	sdelay $0x3  }
0x96: {  	_ =	strace s3  }
0x97: {  	_ =	strace $0x8FFFFFFF  }
0x98: {  	s19 =	sld [smem:$0x3FDB];
	_ =	sdelay $0x1  }
0x99: {  	s4 =	simm.s32 $_scs_section_size  }
0x9a: {  	s5 =	simm.s32 $_size__tile_overlayer_lowered;
	s6 =	simm.s32 $_tile_overlayer_lowered  }
0x9b: {  	s22 =	simm.s32 $0x1BFF;
	s21 =	sshll.u32 s6, $0x1;
	s3 =	sadd.s32 s4, s19  }
0x9c: {  	s7 =	simm.s32 $0x0;
	s20 =	sshll.u32 s5, $0x1;
	s5 =	sadd.s32 s21, s3  }
0x9d: {  	[timem:s7], [sflag:s22] =	dma.local [hbm:s5], s20  }
0x9e: {  	_ =	swait.ge [sflag:s22], s20  }
0x9f: {  	s4 =	ssub.s32 $0x0, s20;
	[sflag:s22] =	ssyncset.done $0x0  }
0xa0: {  	[sflag:s22] =	ssyncadd.s32 s4;
	_ =	sdelay $0x1  }
0xa1: {  	s23 =	simm.s32 $0x1B8B  }
0xa2: {  	_ =	swait.ge [sflag:s23], $0x1  }
0xa3: {  	[sflag:s23] =	ssyncset.done $0x0  }
0xa4: {  	s25 =	simm.s32 $0x1B8E;
	s24 =	sld [smem:$0x3FFE];
	[sflag:s23] =	ssyncadd.s32 $0xFFFFFFFF  }
0xa5: {  	s26 =	simm.s32 $execute0_lowered;
	[smem:$0x3FD2] =	sst s25  }
0xa6: {  	s5 =	sshll.u32 s26, $0x1;
	_ =	strace $0x80000049;
	[dreg:$0x1] =	wrdreg $0xFFFFFFFF  }
0xa7: {  	s28 =	simm.s32 $_size_execute0_lowered;
	s3 =	sadd.s32 s3, s5;
	[dreg:$0x0] =	wrdreg $0x0  }
0xa8: {  	s5 =	sshll.u32 s28, $0x1;
	[dreg:$0x2] =	wrdreg s3  }
0xa9: {  	[dreg:$0x3] =	wrdreg s5  }
0xaa: {  	[dreg:$0x4] =	wrdreg $0xC0  }
0xab: {  	_ =	task [dreg:s7], $0x5FFFF  }
0xac: {  	[dreg:$0x1] =	wrdreg $0xFFFFFFFF  }
0xad: {  	[dreg:$0x0] =	wrdreg $0x60  }
0xae: {  	[dreg:$0x2] =	wrdreg s24  }
0xaf: {  	[dreg:$0x3] =	wrdreg s2  }
0xb0: {  	[dreg:$0x4] =	wrdreg $0x9  }
0xb1: {  	_ =	task.clear_ibuf [dreg:s7], $0x5FFFF;
	_ =	strace $0x90000049  }
0xb2: {  	s29 =	simm.s32 $0x9;
	_ =	strace $0x8000004B  }
0xb3: {  	_ =	swait.ge [sflag:s29], $0x1  }
0xb4: {  	[sflag:s29] =	ssyncadd.s32 $0xFFFFFFFF  }
0xb5: {  	_ =	strace $0x9000004B  }
0xb6: {  	_ =	sfence  }
0xb7: {  	s30 =	sld [smem:$0x0];
	_ =	sdelay $0x2  }
0xb8: {  	s31 =	sshll.u32 s1, $0xD;
	s1 =	sshrl.u32 s1, $0x2  }
0xb9: {  	s3 =	sand.u32 $0x4000, s31;
	s1 =	sadd.s32 s1, s30  }
0xba: {  	s0 =	sor.u32 s3, s0;
	s1 =	sshll.u32 s1, $0x11  }
0xbb: {  	s0 =	sor.u32 s1, s0  }
0xbc: {  	s0 =	sadd.s32 $0x8F2B, s0  }
0xbd: {  	[sflag:s0] =	ssyncadd.remote.s32 $0x1  }
0xbe: {  	_ =	sfence.sel $0xFFFF  }
0xbf: {  	[dreg:$0x0] =	wrdreg $0xFFFFFFFF;
	(pc) =	sbr.abs _section_cstart, $3  }
0xc0: {  	[dreg:$0x1] =	wrdreg $0xFFFFFFFF  }
0xc1: {  	_ =	task.clear_ibuf [dreg:s7], $0x2FFFF;
	_ =	strace $0x9FFFFFFF  }
0xc2: {  	(tm) =	ssettm $0x7FFFFFFF  }
0xc3: {  	_ =	shalt  }
tec
execute0_lowered:
.L_overlay_start_1:
0x0: {  	(tag) =	ssettag $0x1  }
0x1: {  	s0 =	srdreg.scid  }
0x2: {  	s31 =	stileid.u32;
	s3 =	sand.u32 $0x1, s0  }
0x3: {  	s5 =	sshll.u32 s31, $0x1;
	s6 =	ssub.s32 $0x0, s3  }
0x4: {  	p0 =	sne.s32 s5, s6  }
.Ltmp0:
0x5: {  	_ = 	snop;
	(pc) =	sbr.rel @p0 .LBB2_7-.Ltmp0, $2  }
0x6: {  	_ =	sdelay $0x2  }
0x7: {  	s4 =	rddreg [dreg:$0x0];
	_ =	strace $0x8000004A  }
0x8: {  	s3 =	ssub.s32 $0x2, s3  }
0x9: {  	s6 =	simm.s32 $0x0;
	s8 =	simm.s32 $0x1;
	s5 =	sshrl.u32 s3, $0x1  }
0xa: {  	s10 =	simm.s32 $0x2;
	s11 =	simm.s32 $0x0;
	s5 =	ssub.s32 s3, s5  }
0xb: {  	v46 =	vimm.f32 $0.0e+00;
	s3 =	sadd.s32 $0xA00, s4;
	s4 =	sadd.s32 $0x1E00, s4;
	s5 =	smax.u32 s5, $0x1  }
.LBB2_2:
0xc: {  	[tilespmem:s6], [sflag:$0x1] =	stream.linear.gather [hbm4b:s3+s6], $0xA000, $0x38;
	[tilespmem:$0xD080] =	vst v63  }
0xd: {  	s0 =	simm.s32 $0xA000  }
0xe: {  	[tilespmem:s0], [sflag:$0x1] =	stream.linear.gather [hbm4b:s4+s6], $0x3000, $0x38;
	[tilespmem:$0xD080] =	vst v63  }
0xf: {  	_ =	swait.ge [sflag:s8], $0xA000  }
0x10: {  	s12 =	simm.s32 $0x0;
	[sflag:s8] =	ssyncset.done $0x0  }
0x11: {  	s12 =	smul.u32 $0xA000, s12;
	[sflag:s8] =	ssyncadd.s32 $0xFFFF6000  }
0x12: {  	_ =	swait.ge [sflag:s8], $0x3000  }
0x13: {  	s13 =	sand.u32 $0x380, s6;
	s12 =	sshra.s32 s12, $0x2;
	[sflag:s8] =	ssyncset.done $0x0  }
0x14: {  	s12 =	sor.u32 s13, s12;
	[sflag:s8] =	ssyncadd.s32 $0xFFFFD000  }
0x15: {  	v1 =	vld [tilespmem:s12+$0x1C40]  }
0x16: {  	v2 =	vld [tilespmem:s12+$0x1C50]  }
0x17: {  	v3 =	vld [tilespmem:s12+$0x1C60]  }
0x18: {  	v4 =	vld [tilespmem:s12+$0x1C70]  }
0x19: {  	v5 =	vld [tilespmem:s12+$0x2000]  }
0x1a: {  	v11 =	vld [tilespmem:s12+$0x2010]  }
0x1b: {  	v12 =	vld [tilespmem:s12+$0x2020]  }
0x1c: {  	v23 =	vld [tilespmem:s12+$0x2030]  }
0x1d: {  	v24 =	vld [tilespmem:s12+$0x2040]  }
0x1e: {  	v25 =	vld [tilespmem:s12+$0x2050]  }
0x1f: {  	v27 =	vld [tilespmem:s12+$0x2060]  }
0x20: {  	v29 =	vld [tilespmem:s12+$0x2070]  }
0x21: {  	v17 =	vld [tilespmem:s12+$0x2400]  }
0x22: {  	v18 =	vld [tilespmem:s12+$0x2410]  }
0x23: {  	v15 =	vld [tilespmem:s12+$0x2420]  }
0x24: {  	v16 =	vld [tilespmem:s12+$0x2430]  }
0x25: {  	v13 =	vld [tilespmem:s12+$0x2440]  }
0x26: {  	v14 =	vld [tilespmem:s12+$0x2450]  }
0x27: {  	v6 =	vld [tilespmem:s12+$0x1400]  }
0x28: {  	v7 =	vld [tilespmem:s12+$0x1410]  }
0x29: {  	v8 =	vld [tilespmem:s12+$0x1420]  }
0x2a: {  	v9 =	vld [tilespmem:s12+$0x1430]  }
0x2b: {  	v26 =	vld [tilespmem:s12+$0x1440]  }
0x2c: {  	v28 =	vld [tilespmem:s12+$0x1450]  }
0x2d: {  	v30 =	vld [tilespmem:s12+$0x1460]  }
0x2e: {  	v31 =	vld [tilespmem:s12+$0x1470]  }
0x2f: {  	v32 =	vld [tilespmem:s12+$0x1800]  }
0x30: {  	v33 =	vld [tilespmem:s12+$0x1810]  }
0x31: {  	v34 =	vld [tilespmem:s12+$0x1820]  }
0x32: {  	v35 =	vld [tilespmem:s12+$0x1830]  }
0x33: {  	v22 =	vld [tilespmem:s12+$0x1840]  }
0x34: {  	v21 =	vld [tilespmem:s12+$0x1850]  }
0x35: {  	v19 =	vld [tilespmem:s12+$0x1860]  }
0x36: {  	v20 =	vld [tilespmem:s12+$0x1870]  }
0x37: {  	v10 =	vld [tilespmem:s12+$0x840]  }
0x38: {  	v36 =	vld [tilespmem:s12+$0x850]  }
0x39: {  	v37 =	vld [tilespmem:s12+$0x0]  }
0x3a: {  	v38 =	vld [tilespmem:s12+$0x10]  }
0x3b: {  	v39 =	vld [tilespmem:s12+$0x20]  }
0x3c: {  	v40 =	vld [tilespmem:s12+$0x30]  }
0x3d: {  	v41 =	vld [tilespmem:s12+$0x860]  }
0x3e: {  	v42 =	vld [tilespmem:s12+$0x870]  }
0x3f: {  	v43 =	vld [tilespmem:s12+$0xC00]  }
0x40: {  	v44 =	vld [tilespmem:s12+$0xC10];
	v37 =	vadd.f32 v37, v46  }
0x41: {  	v45 =	vld [tilespmem:s12+$0x40];
	v38 =	vadd.f32 v38, v46;
	v39 =	vadd.f32 v39, v46  }
0x42: {  	v52 =	vld [tilespmem:s12+$0x50];
	v40 =	vadd.f32 v40, v46;
	v10 =	vadd.f32 v10, v37  }
0x43: {  	v54 =	vld [tilespmem:s12+$0x60];
	v36 =	vadd.f32 v36, v38;
	v53 =	vadd.f32 v41, v39  }
0x44: {  	v55 =	vld [tilespmem:s12+$0x70];
	v40 =	vadd.f32 v42, v40;
	v6 =	vadd.f32 v6, v10  }
0x45: {  	v57 =	vld [tilespmem:s12+$0xC20];
	v7 =	vadd.f32 v7, v36;
	v56 =	vadd.f32 v8, v53  }
0x46: {  	v58 =	vld [tilespmem:s12+$0xC40];
	v9 =	vadd.f32 v9, v40;
	v10 =	vadd.f32 v1, v6  }
0x47: {  	v60 =	vld [tilespmem:s12+$0x400];
	v8 =	vadd.f32 v2, v7;
	v7 =	vadd.f32 v3, v56  }
0x48: {  	v1 =	vld [tilespmem:s12+$0xC30];
	v2 =	vadd.f32 v45, v46;
	v3 =	vadd.f32 v52, v46  }
0x49: {  	v61 =	vld [tilespmem:s12+$0x410];
	v6 =	vadd.f32 v4, v9;
	v9 =	vadd.f32 v54, v46  }
0x4a: {  	v62 =	vld [tilespmem:s12+$0x420];
	v2 =	vadd.f32 v43, v2;
	v3 =	vadd.f32 v44, v3  }
0x4b: {  	v63 =	vld [tilespmem:s12+$0x430];
	v59 =	vadd.f32 v55, v46;
	v9 =	vadd.f32 v57, v9  }
0x4c: {  	v37 =	vld [tilespmem:s12+$0x1000];
	v2 =	vadd.f32 v26, v2;
	v3 =	vadd.f32 v28, v3  }
0x4d: {  	v4 =	vld [tilespmem:s12+$0xC50];
	v26 =	vadd.f32 v30, v9;
	v1 =	vadd.f32 v1, v59  }
0x4e: {  	v30 =	vld [tilespmem:s12+$0xC60];
	v9 =	vadd.f32 v5, v2;
	v3 =	vadd.f32 v11, v3  }
0x4f: {  	v5 =	vld [tilespmem:s12+$0xC70];
	v2 =	vadd.f32 v12, v26;
	v11 =	vadd.f32 v60, v46  }
0x50: {  	v38 =	vld [tilespmem:s12+$0x1010];
	v12 =	vadd.f32 v61, v46;
	v1 =	vadd.f32 v31, v1  }
0x51: {  	v39 =	vld [tilespmem:s12+$0x440];
	v31 =	vadd.f32 v63, v46;
	v11 =	vadd.f32 v58, v11  }
0x52: {  	v42 =	vld [tilespmem:s12+$0x460];
	v50 =	vadd.f32 v23, v1;
	v23 =	vadd.f32 v62, v46  }
0x53: {  	v41 =	vld [tilespmem:s12+$0x1020];
	v4 =	vadd.f32 v4, v12;
	v11 =	vadd.f32 v32, v11  }
0x54: {  	v40 =	vld [tilespmem:s12+$0x450];
	v12 =	vadd.f32 v30, v23;
	v5 =	vadd.f32 v5, v31  }
0x55: {  	v44 =	vld [tilespmem:s12+$0x470];
	v4 =	vadd.f32 v33, v4;
	v32 =	vimm.f32 $0.0e+00;
	v30 =	vimm.f32 $0.0e+00  }
0x56: {  	v43 =	vld [tilespmem:s12+$0x1030];
	v31 =	vimm.f32 $0.0e+00;
	v12 =	vadd.f32 v34, v12;
	v23 =	vadd.f32 v35, v5  }
0x57: {  	v28 =	vld [tilespmem:s12+$0x1C10];
	v4 =	vadd.f32 v25, v4;
	v25 =	vimm.f32 $0.0e+00;
	v5 =	vadd.f32 v24, v11  }
0x58: {  	v26 =	vld [tilespmem:s12+$0x1C00];
	v24 =	vimm.f32 $0.0e+00;
	v12 =	vadd.f32 v27, v12;
	v11 =	vadd.f32 v29, v23  }
0x59: {  	s14 =	simm.s32 $0x0;
	s13 =	simm.s32 $0x1;
	v33 =	vld [tilespmem:s12+$0x1040];
	v29 =	vimm.f32 $0.0e+00;
	v27 =	vimm.f32 $0.0e+00;
	v23 =	vimm.f32 $0.0e+00  }
.LBB2_3:
0x5a: {  	v34 =	vld [tilespmem:s12+$0x1050]  }
0x5b: {  	v35 =	vld [tilespmem:s12+$0x800];
	v30 =	vadd.f32 v39, v30  }
0x5c: {  	v36 =	vld [tilespmem:s12+$0x810];
	v29 =	vadd.f32 v40, v29  }
0x5d: {  	v59 =	vld [tilespmem:s12+$0x820];
	v30 =	vadd.f32 v37, v30  }
0x5e: {  	v60 =	vld [tilespmem:s12+$0x830];
	v29 =	vadd.f32 v38, v29  }
0x5f: {  	v61 =	vld [tilespmem:s12+$0x1060];
	v22 =	vadd.f32 v22, v30  }
0x60: {  	s15 =	sshrl.u32 s13, $0x3;
	v62 =	vld [tilespmem:s12+$0x1070];
	v21 =	vadd.f32 v21, v29  }
0x61: {  	s15 =	smul.u32 $0xA000, s15;
	v30 =	vadd.f32 v17, v22;
	v17 =	vld [tilespmem:s12+$0x1C20]  }
0x62: {  	s14 =	sadd.s32 $0x80, s14;
	v29 =	vadd.f32 v18, v21;
	v18 =	vld [tilespmem:s12+$0x1C30]  }
0x63: {  	s16 =	sand.u32 $0x380, s14;
	s15 =	sshra.s32 s15, $0x2;
	v32 =	vadd.f32 v42, v32;
	v21 =	vld [tilespmem:s12+$0x2460]  }
0x64: {  	v22 =	vld [tilespmem:s12+$0x2470];
	s12 =	sor.u32 s16, s15  }
0x65: {  	v31 =	vadd.f32 v44, v31;
	v32 =	vadd.f32 v41, v32;
	v41 =	vld [tilespmem:s12+$0x1C40]  }
0x66: {  	v42 =	vld [tilespmem:s12+$0x1C50]  }
0x67: {  	v31 =	vadd.f32 v43, v31;
	v43 =	vld [tilespmem:s12+$0x1C60]  }
0x68: {  	v44 =	vld [tilespmem:s12+$0x1C70]  }
0x69: {  	v37 =	vld [tilespmem:s12+$0x2000]  }
0x6a: {  	v39 =	vld [tilespmem:s12+$0x2010]  }
0x6b: {  	v38 =	vld [tilespmem:s12+$0x2020]  }
0x6c: {  	v19 =	vadd.f32 v19, v32;
	v40 =	vld [tilespmem:s12+$0x2030]  }
0x6d: {  	v20 =	vadd.f32 v20, v31;
	v0 =	vld [tilespmem:s12+$0x2040]  }
0x6e: {  	v32 =	vadd.f32 v15, v19;
	v15 =	vadd.f32 v35, v25;
	v35 =	vld [tilespmem:s12+$0x2050]  }
0x6f: {  	v31 =	vadd.f32 v16, v20;
	v16 =	vadd.f32 v36, v27;
	v36 =	vld [tilespmem:s12+$0x2070]  }
0x70: {  	v45 =	vld [tilespmem:s12+$0x1400]  }
0x71: {  	v46 =	vld [tilespmem:s12+$0x1410]  }
0x72: {  	v47 =	vld [tilespmem:s12+$0x1420]  }
0x73: {  	v48 =	vld [tilespmem:s12+$0x1430]  }
0x74: {  	v49 =	vld [tilespmem:s12+$0x1440]  }
0x75: {  	v51 =	vld [tilespmem:s12+$0x1460]  }
0x76: {  	v52 =	vld [tilespmem:s12+$0x1470]  }
0x77: {  	v53 =	vld [tilespmem:s12+$0x1800]  }
0x78: {  	v54 =	vld [tilespmem:s12+$0x1810]  }
0x79: {  	v55 =	vld [tilespmem:s12+$0x1820]  }
0x7a: {  	v56 =	vld [tilespmem:s12+$0x1830]  }
0x7b: {  	v57 =	vld [tilespmem:s12+$0x840]  }
0x7c: {  	v58 =	vld [tilespmem:s12+$0x850]  }
0x7d: {  	v19 =	vadd.f32 v59, v24;
	v59 =	vld [tilespmem:s12+$0x0]  }
0x7e: {  	v20 =	vadd.f32 v60, v23;
	v60 =	vld [tilespmem:s12+$0x10]  }
0x7f: {  	v63 =	vld [tilespmem:s12+$0x860]  }
0x80: {  	v1 =	vld [tilespmem:s12+$0xC00]  }
0x81: {  	v16 =	vadd.f32 v34, v16;
	v34 =	vld [tilespmem:s12+$0x2060]  }
0x82: {  	v15 =	vadd.f32 v33, v15;
	v33 =	vld [tilespmem:s12+$0x2400]  }
0x83: {  	v19 =	vadd.f32 v61, v19;
	v61 =	vld [tilespmem:s12+$0x20]  }
0x84: {  	v20 =	vadd.f32 v62, v20;
	v62 =	vld [tilespmem:s12+$0x30]  }
0x85: {  	v15 =	vadd.f32 v26, v15;
	v26 =	vld [tilespmem:s12+$0x1C00]  }
0x86: {  	v16 =	vadd.f32 v28, v16;
	v28 =	vld [tilespmem:s12+$0x1C10]  }
0x87: {  	v17 =	vadd.f32 v17, v19;
	v19 =	vld [tilespmem:s12+$0x1860]  }
0x88: {  	v18 =	vadd.f32 v18, v20;
	v20 =	vld [tilespmem:s12+$0x1870]  }
0x89: {  	v27 =	vadd.f32 v14, v16;
	v16 =	vld [tilespmem:s12+$0x2430]  }
0x8a: {  	v25 =	vadd.f32 v13, v15;
	v15 =	vld [tilespmem:s12+$0x2440]  }
0x8b: {  	v14 =	vld [tilespmem:s12+$0x2450]  }
0x8c: {  	v13 =	vmov v11;
	v11 =	vmov v4;
	v4 =	vld [tilespmem:s12+$0x1450]  }
0x8d: {  	[tilespmem:$0x1FFF0] =	vst v0;
	v0 =	vld [tilespmem:s12+$0x870]  }
0x8e: {  	v10 =	vadd.f32 v59, v10;
	v59 =	vld [tilespmem:s12+$0xC10]  }
0x8f: {  	v8 =	vadd.f32 v60, v8;
	v60 =	vld [tilespmem:s12+$0x40]  }
0x90: {  	v23 =	vadd.f32 v22, v18;
	v18 =	vld [tilespmem:s12+$0x2410]  }
0x91: {  	v24 =	vadd.f32 v21, v17;
	v17 =	vld [tilespmem:s12+$0x2420]  }
0x92: {  	v22 =	vld [tilespmem:s12+$0x1840]  }
0x93: {  	v7 =	vadd.f32 v61, v7;
	v61 =	vld [tilespmem:s12+$0x50]  }
0x94: {  	v21 =	vld [tilespmem:s12+$0x1850];
	v6 =	vadd.f32 v62, v6;
	v8 =	vadd.f32 v58, v8  }
0x95: {  	v10 =	vadd.f32 v57, v10;
	v57 =	vld [tilespmem:s12+$0x60];
	v7 =	vadd.f32 v63, v7  }
0x96: {  	v63 =	vld [tilespmem:s12+$0x70];
	v8 =	vadd.f32 v46, v8;
	v0 =	vadd.f32 v0, v6  }
0x97: {  	v6 =	vadd.f32 v45, v10;
	v45 =	vld [tilespmem:s12+$0xC20];
	v7 =	vadd.f32 v47, v7  }
0x98: {  	v62 =	vld [tilespmem:s12+$0xC30];
	v8 =	vadd.f32 v42, v8;
	v3 =	vadd.f32 v61, v3  }
0x99: {  	v58 =	vld [tilespmem:s12+$0x420];
	v0 =	vadd.f32 v48, v0;
	v10 =	vadd.f32 v41, v6  }
0x9a: {  	v42 =	vld [tilespmem:s12+$0xC50];
	v7 =	vadd.f32 v43, v7;
	v2 =	vadd.f32 v57, v2  }
0x9b: {  	v41 =	vld [tilespmem:s12+$0xC40];
	v6 =	vadd.f32 v44, v0;
	v0 =	vadd.f32 v60, v9  }
0x9c: {  	v57 =	vld [tilespmem:s12+$0x410];
	v9 =	vadd.f32 v63, v50;
	v2 =	vadd.f32 v45, v2  }
0x9d: {  	v60 =	vld [tilespmem:s12+$0xC60];
	v0 =	vadd.f32 v1, v0;
	v1 =	vadd.f32 v59, v3  }
0x9e: {  	v63 =	vld [tilespmem:s12+$0x400];
	v3 =	vadd.f32 v62, v9;
	v2 =	vadd.f32 v51, v2  }
0x9f: {  	v59 =	vld [tilespmem:s12+$0x430];
	v0 =	vadd.f32 v49, v0;
	v1 =	vadd.f32 v4, v1  }
0xa0: {  	v43 =	vld [tilespmem:s12+$0x1030];
	v61 =	vadd.f32 v52, v3;
	v4 =	vadd.f32 v58, v12  }
0xa1: {  	v62 =	vld [tilespmem:s12+$0xC70];
	v2 =	vadd.f32 v38, v2;
	v9 =	vadd.f32 v37, v0  }
0xa2: {  	v44 =	vld [tilespmem:s12+$0x470];
	v3 =	vadd.f32 v39, v1;
	v4 =	vadd.f32 v60, v4  }
0xa3: {  	v38 =	vld [tilespmem:s12+$0x1010];
	v0 =	vadd.f32 v63, v5;
	v1 =	vadd.f32 v57, v11  }
0xa4: {  	v5 =	vadd.f32 v59, v13;
	v11 =	vadd.f32 v55, v4;
	v4 =	vld [tilespmem:$0x1FFF0]  }
0xa5: {  	p0 =	sne.s32 s13, $0x1F;
	v37 =	vld [tilespmem:s12+$0x1000];
	v0 =	vadd.f32 v41, v0  }
.Ltmp1:
0xa6: {  	v39 =	vld [tilespmem:s12+$0x440];
	v1 =	vadd.f32 v42, v1;
	v5 =	vadd.f32 v62, v5;
	(pc) =	sbr.rel @p0 .LBB2_3-.Ltmp1, $4  }
0xa7: {  	v50 =	vadd.f32 v40, v61;
	v40 =	vld [tilespmem:s12+$0x450];
	v0 =	vadd.f32 v53, v0  }
0xa8: {  	v13 =	vmovc v15;
	v15 =	vmovc v17;
	v17 =	vmov v33;
	v33 =	vld [tilespmem:s12+$0x1040];
	v1 =	vadd.f32 v54, v1;
	v63 =	vadd.f32 v56, v5  }
0xa9: {  	v42 =	vld [tilespmem:s12+$0x460];
	v12 =	vadd.f32 v34, v11;
	v5 =	vadd.f32 v4, v0  }
0xaa: {  	s13 =	sadd.s32 $0x1, s13;
	v41 =	vld [tilespmem:s12+$0x1020];
	v4 =	vadd.f32 v35, v1;
	v11 =	vadd.f32 v36, v63  }
0xab: {  	v0 =	vld [tilespmem:s12+$0x1050]  }
0xac: {  	v1 =	vld [tilespmem:s12+$0x800]  }
0xad: {  	v34 =	vld [tilespmem:s12+$0x810]  }
0xae: {  	v35 =	vld [tilespmem:s12+$0x820]  }
0xaf: {  	v36 =	vld [tilespmem:s12+$0x830]  }
0xb0: {  	v45 =	vld [tilespmem:s12+$0x1060]  }
0xb1: {  	v30 =	vadd.f32 v39, v30;
	v58 =	vld [tilespmem:s12+$0x1070];
	v31 =	vadd.f32 v44, v31  }
0xb2: {  	v59 =	vld [tilespmem:s12+$0x1C20];
	v29 =	vadd.f32 v40, v29  }
0xb3: {  	v60 =	vld [tilespmem:s12+$0x1C30];
	s13 =	simm.s32 $0x0;
	v30 =	vadd.f32 v37, v30;
	v31 =	vadd.f32 v43, v31  }
0xb4: {  	v61 =	vld [tilespmem:s12+$0x2460];
	s14 =	sand.u32 $0x70, s13;
	s15 =	sand.u32 $0xC00, s13;
	v32 =	vadd.f32 v42, v32;
	v29 =	vadd.f32 v38, v29  }
0xb5: {  	v22 =	vadd.f32 v22, v30;
	v30 =	vld [tilespmem:s12+$0x2470];
	s12 =	sor.u32 s14, s15;
	v31 =	vadd.f32 v20, v31  }
0xb6: {  	v32 =	vadd.f32 v41, v32;
	v21 =	vadd.f32 v21, v29;
	v62 =	vld [tilespmem:s12+$0xC180]  }
0xb7: {  	v63 =	vld [tilespmem:s12+$0xA000];
	v1 =	vadd.f32 v1, v25;
	v20 =	vadd.f32 v17, v22  }
0xb8: {  	v25 =	vld [tilespmem:s12+$0xA100];
	v29 =	vadd.f32 v19, v32;
	v19 =	vadd.f32 v18, v21  }
0xb9: {  	v18 =	vadd.f32 v35, v24;
	v24 =	vld [tilespmem:s12+$0xA180];
	v21 =	vadd.f32 v36, v23  }
0xba: {  	v1 =	vadd.f32 v33, v1;
	v23 =	vld [tilespmem:s12+$0xA200];
	v17 =	vadd.f32 v15, v29  }
0xbb: {  	v29 =	vld [tilespmem:s12+$0xA080];
	v15 =	vadd.f32 v16, v31;
	v16 =	vadd.f32 v34, v27  }
0xbc: {  	v27 =	vld [tilespmem:s12+$0xA280];
	v1 =	vadd.f32 v26, v1  }
0xbd: {  	s13 =	sor.u32 s13, s13;
	v22 =	vimm.f32 $0.0e+00;
	v26 =	vld [tilespmem:s12+$0xA300];
	v0 =	vadd.f32 v0, v16;
	v16 =	vadd.f32 v45, v18  }
0xbe: {  	s13 =	sor.u32 $0x380, s13;
	v18 =	vadd.f32 v58, v21;
	v36 =	vadd.f32 v24, v22;
	v24 =	vld [tilespmem:s12+$0xB200]  }
0xbf: {  	v40 =	vadd.f32 v63, v22;
	v0 =	vadd.f32 v28, v0;
	v28 =	vld [tilespmem:s13+$0xA000]  }
0xc0: {  	v31 =	vadd.f32 v60, v18;
	v18 =	vadd.f32 v13, v1;
	v1 =	vld [tilespmem:s12+$0xB000]  }
0xc1: {  	v39 =	vadd.f32 v25, v22;
	v38 =	vadd.f32 v29, v22;
	v29 =	vld [tilespmem:s12+$0xB180]  }
0xc2: {  	v21 =	vadd.f32 v59, v16;
	v16 =	vadd.f32 v14, v0;
	v0 =	vld [tilespmem:s12+$0xB080]  }
0xc3: {  	v35 =	vadd.f32 v23, v22;
	v13 =	vadd.f32 v30, v31;
	v31 =	vld [tilespmem:s12+$0xB100]  }
0xc4: {  	v37 =	vimm.f32 $0.0e+00;
	v44 =	vld [tilespmem:s12+$0xB280];
	v32 =	vadd.f32 v27, v22;
	v14 =	vadd.f32 v61, v21  }
0xc5: {  	v43 =	vld [tilespmem:s12+$0xB300];
	v33 =	vimm.f32 $0.0e+00;
	v21 =	vadd.f32 v62, v22;
	v30 =	vadd.f32 v26, v22  }
0xc6: {  	v42 =	vld [tilespmem:s12+$0xB380];
	v34 =	vimm.f32 $0.0e+00;
	v24 =	vadd.f32 v24, v22;
	v28 =	vadd.f32 v28, v22  }
0xc7: {  	s14 =	simm.s32 $0x10;
	v41 =	vld [tilespmem:s12+$0xC000];
	s13 =	simm.s32 $0x80;
	v27 =	vadd.f32 v1, v22;
	v23 =	vadd.f32 v29, v22;
	v29 =	vimm.f32 $0.0e+00  }
0xc8: {  	s15 =	simm.s32 $0x20;
	s16 =	sand.u32 $0x70, s14;
	v45 =	vld [tilespmem:s12+$0xC080];
	s17 =	sand.u32 $0xC00, s13;
	v26 =	vadd.f32 v0, v22;
	v25 =	vadd.f32 v31, v22;
	v31 =	vimm.f32 $0.0e+00  }
.LBB2_5:
0xc9: {  	p0 =	sne.s32 s15, $0x1F0;
	s14 =	sor.u32 s13, s14;
	v22 =	vadd.f32 v44, v22;
	v0 =	vld [tilespmem:s12+$0xC100];
	s12 =	sor.u32 s16, s17  }
0xca: {  	s16 =	sor.u32 $0x380, s14;
	v1 =	vld [tilespmem:s12+$0xC180];
	v37 =	vadd.f32 v43, v37;
	s14 =	smov.u32 s15  }
0xcb: {  	v43 =	vld [tilespmem:s12+$0xA000];
	v33 =	vadd.f32 v42, v33  }
0xcc: {  	v42 =	vld [tilespmem:s12+$0xA080];
	v34 =	vadd.f32 v41, v34  }
0xcd: {  	v41 =	vld [tilespmem:s12+$0xA100];
	v31 =	vadd.f32 v45, v31  }
0xce: {  	v44 =	vld [tilespmem:s12+$0xA180];
	v29 =	vadd.f32 v0, v29  }
0xcf: {  	v0 =	vld [tilespmem:s12+$0xA200];
	v21 =	vadd.f32 v1, v21  }
0xd0: {  	v40 =	vadd.f32 v43, v40;
	v1 =	vld [tilespmem:s12+$0xA280]  }
0xd1: {  	v38 =	vadd.f32 v42, v38;
	v42 =	vld [tilespmem:s12+$0xA300]  }
0xd2: {  	v39 =	vadd.f32 v41, v39;
	v41 =	vld [tilespmem:s16+$0xA000]  }
0xd3: {  	v36 =	vadd.f32 v44, v36;
	v43 =	vld [tilespmem:s12+$0xB000]  }
0xd4: {  	v35 =	vadd.f32 v0, v35;
	v0 =	vld [tilespmem:s12+$0xB080]  }
0xd5: {  	v32 =	vadd.f32 v1, v32;
	v1 =	vld [tilespmem:s12+$0xB100]  }
0xd6: {  	v30 =	vadd.f32 v42, v30;
	v45 =	vld [tilespmem:s12+$0xB180]  }
0xd7: {  	v28 =	vadd.f32 v41, v28;
	v46 =	vld [tilespmem:s12+$0xB200]  }
.Ltmp2:
0xd8: {  	v27 =	vadd.f32 v43, v27;
	v44 =	vld [tilespmem:s12+$0xB280];
	(pc) =	sbr.rel @p0 .LBB2_5-.Ltmp2, $4  }
0xd9: {  	v26 =	vadd.f32 v0, v26;
	v43 =	vld [tilespmem:s12+$0xB300]  }
0xda: {  	v25 =	vadd.f32 v1, v25;
	v42 =	vld [tilespmem:s12+$0xB380]  }
0xdb: {  	s13 =	sadd.s32 $0x80, s13;
	v23 =	vadd.f32 v45, v23;
	v41 =	vld [tilespmem:s12+$0xC000]  }
0xdc: {  	s17 =	sand.u32 $0xC00, s13;
	s15 =	sadd.s32 $0x10, s15;
	s16 =	sand.u32 $0x70, s14;
	v24 =	vadd.f32 v46, v24;
	v45 =	vld [tilespmem:s12+$0xC080]  }
0xdd: {  	s15 =	sor.u32 s16, s17;
	v0 =	vld [tilespmem:s12+$0xC100]  }
0xde: {  	v1 =	vld [tilespmem:s15+$0xA000]  }
0xdf: {  	v46 =	vld [tilespmem:s15+$0xA080]  }
0xe0: {  	v47 =	vld [tilespmem:s15+$0xA100]  }
0xe1: {  	v48 =	vld [tilespmem:s15+$0xA180]  }
0xe2: {  	v49 =	vld [tilespmem:s15+$0xA200]  }
0xe3: {  	s7 =	sor.u32 s13, s14;
	v59 =	vld [tilespmem:s15+$0xA280];
	v1 =	vadd.f32 v1, v40  }
0xe4: {  	s12 =	sor.u32 $0x380, s7;
	v60 =	vld [tilespmem:s15+$0xA300];
	v38 =	vadd.f32 v46, v38  }
0xe5: {  	v61 =	vld [tilespmem:s12+$0xA000];
	v39 =	vadd.f32 v47, v39;
	(xrf2) =	vadd.scan.msk.f32 $0xffff, v1  }
0xe6: {  	v62 =	vld [tilespmem:s15+$0xB000];
	v36 =	vadd.f32 v48, v36;
	(xrf2) =	vadd.scan.msk.f32 $0xffff, v38  }
0xe7: {  	v63 =	vld [tilespmem:s15+$0xB080];
	v35 =	vadd.f32 v49, v35;
	(xrf2) =	vadd.scan.msk.f32 $0xffff, v39  }
0xe8: {  	v32 =	vadd.f32 v59, v32;
	v47 =	vld [tilespmem:s15+$0xB100];
	(xrf2) =	vadd.scan.msk.f32 $0xffff, v36  }
0xe9: {  	v30 =	vadd.f32 v60, v30;
	v48 =	vld [tilespmem:s15+$0xB180];
	(xrf2) =	vadd.scan.msk.f32 $0xffff, v35  }
0xea: {  	v49 =	vld [tilespmem:s15+$0xB200];
	v1 =	vadd.f32 v61, v28;
	(xrf2) =	vadd.scan.msk.f32 $0xffff, v32  }
0xeb: {  	v22 =	vadd.f32 v44, v22;
	v52 =	vld [tilespmem:s15+$0xB280];
	v27 =	vadd.f32 v62, v27;
	(xrf2) =	vadd.scan.msk.f32 $0xffff, v30  }
0xec: {  	v51 =	vadd.f32 v43, v37;
	v54 =	vld [tilespmem:s15+$0xB300];
	v26 =	vadd.f32 v63, v26;
	(xrf2) =	vadd.scan.msk.f32 $0xffff, v1  }
0xed: {  	v56 =	vld [tilespmem:s15+$0xB380];
	v53 =	vadd.f32 v42, v33;
	v25 =	vadd.f32 v47, v25;
	(xrf2) =	vadd.scan.msk.f32 $0xffff, v27  }
0xee: {  	v58 =	vld [tilespmem:s15+$0xC000];
	v55 =	vadd.f32 v41, v34;
	v23 =	vadd.f32 v48, v23;
	(xrf2) =	vadd.scan.msk.f32 $0xffff, v26  }
0xef: {  	v57 =	vadd.f32 v45, v31;
	v59 =	vld [tilespmem:s15+$0xC080];
	v24 =	vadd.f32 v49, v24;
	v60, _, _ =	vpop (xrf2);
	(xrf2) =	vadd.scan.msk.f32 $0xffff, v25  }
0xf0: {  	v0 =	vadd.f32 v0, v29;
	v22 =	vadd.f32 v52, v22;
	v61 =	vld [tilespmem:s15+$0xC100];
	v62, _, _ =	vpop (xrf2);
	(xrf2) =	vadd.scan.msk.f32 $0xffff, v23  }
0xf1: {  	v63 =	vld [tilespmem:s15+$0xC180];
	v32 =	vadd.f32 v54, v51;
	(v2sf) =	vpush v60, $0xF;
	v33, _, _ =	vpop (xrf2);
	(xrf2) =	vadd.scan.msk.f32 $0xffff, v24  }
0xf2: {  	v35 =	vadd.f32 v56, v53;
	(v2sf) =	vpush v62, $0xF;
	v36, _, _ =	vpop (xrf2);
	(xrf2) =	vadd.scan.msk.f32 $0xffff, v22  }
0xf3: {  	v1 =	vadd.f32 v58, v55;
	(v2sf) =	vpush v33, $0xF;
	v37, _, _ =	vpop (xrf2);
	(xrf2) =	vadd.scan.msk.f32 $0xffff, v32  }
0xf4: {  	v26 =	vadd.f32 v59, v57;
	(v2sf) =	vpush v36, $0xF;
	v38, _, _ =	vpop (xrf2);
	(xrf2) =	vadd.scan.msk.f32 $0xffff, v35  }
0xf5: {  	v0 =	vadd.f32 v61, v0;
	(v2sf) =	vpush v37, $0xF;
	v39, _, _ =	vpop (xrf2);
	(xrf2) =	vadd.scan.msk.f32 $0xffff, v1  }
0xf6: {  	v40 =	vadd.f32 v63, v21;
	(v2sf) =	vpush v38, $0xF;
	v41, _, _ =	vpop (xrf2);
	(xrf2) =	vadd.scan.msk.f32 $0xffff, v26  }
0xf7: {  	(v2sf) =	vpush v39, $0xF;
	v42, _, _ =	vpop (xrf2);
	(xrf2) =	vadd.scan.msk.f32 $0xffff, v0  }
0xf8: {  	(v2sf) =	vpush v41, $0xF;
	v43, _, _ =	vpop (xrf2);
	(xrf2) =	vadd.scan.msk.f32 $0xffff, v40  }
0xf9: {  	(v2sf) =	vpush v42, $0xF;
	v44, _, _ =	vpop (xrf2)  }
0xfa: {  	(v2sf) =	vpush v43, $0xF;
	(xrf2) =	vadd.scan.msk.f32 $0xffff, v10;
	v45, _, _ =	vpop (xrf2)  }
0xfb: {  	(v2sf) =	vpush v44, $0xF;
	(xrf2) =	vadd.scan.msk.f32 $0xffff, v12;
	v46, _, _ =	vpop (xrf2)  }
0xfc: {  	(v2sf) =	vpush v45, $0xF;
	v47, _, _ =	vpop (xrf2);
	(xrf2) =	vadd.scan.msk.f32 $0xffff, v8  }
0xfd: {  	(v2sf) =	vpush v46, $0xF;
	v48, _, _ =	vpop (xrf2);
	(xrf2) =	vadd.scan.msk.f32 $0xffff, v11  }
0xfe: {  	(v2sf) =	vpush v47, $0xF;
	v49, _, _ =	vpop (xrf2);
	(xrf2) =	vadd.scan.msk.f32 $0xffff, v7  }
0xff: {  	(v2sf) =	vpush v48, $0xF;
	v51, _, _ =	vpop (xrf2);
	(xrf2) =	vadd.scan.msk.f32 $0xffff, v20  }
0x100: {  	s31 =	spop (v2sf);
	(v2sf) =	vpush v49, $0xF;
	v52, _, _ =	vpop (xrf2);
	(xrf2) =	vadd.scan.msk.f32 $0xffff, v6  }
0x101: {  	s30 =	spop (v2sf);
	(v2sf) =	vpush v51, $0xF;
	v53, _, _ =	vpop (xrf2);
	(xrf2) =	vadd.scan.msk.f32 $0xffff, v19  }
0x102: {  	s29 =	spop (v2sf);
	(v2sf) =	vpush v52, $0xF;
	v54, _, _ =	vpop (xrf2);
	(xrf2) =	vadd.scan.msk.f32 $0xffff, v9  }
0x103: {  	s24 =	spop (v2sf);
	(v2sf) =	vpush v53, $0xF  }
0x104: {  	s23 =	spop (v2sf);
	(v2sf) =	vpush v54, $0xF;
	v55, _, _ =	vpop (xrf2)  }
0x105: {  	s20 =	spop (v2sf);
	(v2sf) =	vpush v55, $0xF;
	v56, _, _ =	vpop (xrf2)  }
0x106: {  	s21 =	spop (v2sf);
	(v2sf) =	vpush v56, $0xF;
	v57, _, _ =	vpop (xrf2)  }
0x107: {  	(xrf2) =	vadd.scan.msk.f32 $0xffff, v17;
	s19 =	spop (v2sf);
	(v2sf) =	vpush v57, $0xF;
	v58, _, _ =	vpop (xrf2)  }
0x108: {  	(xrf2) =	vadd.scan.msk.f32 $0xffff, v3;
	s18 =	spop (v2sf);
	(v2sf) =	vpush v58, $0xF;
	v59, _, _ =	vpop (xrf2)  }
0x109: {  	(xrf2) =	vadd.scan.msk.f32 $0xffff, v15;
	s17 =	spop (v2sf);
	(v2sf) =	vpush v59, $0xF;
	v60, _, _ =	vpop (xrf2)  }
0x10a: {  	(xrf2) =	vadd.scan.msk.f32 $0xffff, v2;
	s1 =	spop (v2sf);
	(v2sf) =	vpush v60, $0xF;
	v61, _, _ =	vpop (xrf2)  }
0x10b: {  	s28 =	spop (v2sf);
	(v2sf) =	vpush v61, $0xF;
	v62, _, _ =	vpop (xrf2)  }
0x10c: {  	(xrf2) =	vadd.scan.msk.f32 $0xffff, v18;
	s26 =	spop (v2sf);
	(v2sf) =	vpush v62, $0xF;
	v63, _, _ =	vpop (xrf2)  }
0x10d: {  	(xrf2) =	vadd.scan.msk.f32 $0xffff, v50;
	s22 =	spop (v2sf);
	(v2sf) =	vpush v63, $0xF  }
0x10e: {  	(xrf2) =	vadd.scan.msk.f32 $0xffff, v16;
	s25 =	spop (v2sf)  }
0x10f: {  	s31 =	ssub.f32 s31, s30;
	(xrf2) =	vadd.scan.msk.f32 $0xffff, v5;
	s16 =	spop (v2sf)  }
0x110: {  	s2 =	ssub.f32 s30, s29;
	(xrf2) =	vadd.scan.msk.f32 $0xffff, v14;
	s15 =	spop (v2sf)  }
0x111: {  	s29 =	ssub.f32 s29, s24;
	(xrf2) =	vadd.scan.msk.f32 $0xffff, v4;
	v4, _, _ =	vpop (xrf2);
	s14 =	spop (v2sf)  }
0x112: {  	s24 =	ssub.f32 s24, s23;
	v5, _, _ =	vpop (xrf2);
	(v2sf) =	vpush v4, $0xF;
	s13 =	spop (v2sf)  }
0x113: {  	s23 =	ssub.f32 s23, s20;
	v6, _, _ =	vpop (xrf2);
	(v2sf) =	vpush v5, $0xF;
	s12 =	spop (v2sf)  }
0x114: {  	s1 =	ssub.f32 s1, s28;
	v7, _, _ =	vpop (xrf2);
	(v2sf) =	vpush v6, $0xF;
	s0 =	spop (v2sf)  }
0x115: {  	(v2sf) =	vpush v7, $0xF;
	s0 =	sadd.f32 s31, s0;
	s9 =	spop (v2sf)  }
0x116: {  	v8, _, _ =	vpop (xrf2);
	s31 =	sadd.f32 s1, s9;
	s9 =	spop (v2sf)  }
0x117: {  	s20 =	ssub.f32 s20, s21;
	v9, _, _ =	vpop (xrf2);
	(v2sf) =	vpush v8, $0xF;
	s7 =	spop (v2sf)  }
0x118: {  	v10, _, _ =	vpop (xrf2);
	(v2sf) =	vpush v9, $0xF;
	s1 =	sadd.f32 s2, s9;
	s2 =	spop (v2sf)  }
0x119: {  	s21 =	ssub.f32 s21, s19;
	(xrf2) =	vadd.scan.msk.f32 $0xffff, v13;
	v11, _, _ =	vpop (xrf2);
	(v2sf) =	vpush v10, $0xF;
	v12 =	vmov s0;
	s30 =	spop (v2sf)  }
0x11a: {  	v15, _, _ =	vpop (xrf2);
	(v2sf) =	vpush v11, $0xF;
	v17 =	vmax.f32 v12, $1.000000000e+00;
	s29 =	sadd.f32 s29, s2;
	s9 =	spop (v2sf)  }
0x11b: {  	v46 =	vimm.f32 $0.0e+00;
	(v2sf) =	vpush v15, $0xF;
	(erf) = vrcp.f32 v17;
	s2 =	spop (v2sf);
	s9 =	sadd.f32 s24, s9  }
0x11c: {  	v18, _, _ =	vpop (xrf2);
	vm3 =	vgt.f32 v12, $0.0e+00;
	v14 =	vmov s1;
	v16 =	vmov s29;
	s29 =	ssub.f32 s28, s26;
	s24 =	spop (v2sf)  }
0x11d: {  	(v2sf) =	vpush v18, $0xF;
	v19 =	vmax.f32 v14, $1.000000000e+00;
	vm2 =	vgt.f32 v14, $0.0e+00;
	s1 =	sadd.f32 s23, s24  }
0x11e: {  	v28 =	vsel vm3, $0x3F800000, v46;
	(erf) = vrcp.f32 v19;
	v29 =	vsel vm2, $0x3F800000, v46;
	s23 =	ssub.f32 s26, s22  }
0x11f: {  	v21 =	vmax.f32 v16, $1.000000000e+00;
	v2 =	vadd.f32 v29, v28;
	vm1 =	vgt.f32 v16, $0.0e+00;
	s7 =	sadd.f32 s29, s7  }
0x120: {  	v20 =	vmov s9;
	(erf) = vrcp.f32 v21;
	s24 =	ssub.f32 s22, s25;
	v33 =	vsel vm1, $0x3F800000, v46  }
0x121: {  	s26 =	ssub.f32 s25, s16;
	s28 =	spop (v2sf);
	v22 =	vmax.f32 v20, $1.000000000e+00;
	v2 =	vadd.f32 v33, v2;
	v23 =	vmov s1  }
0x122: {  	s29 =	spop (v2sf);
	vm4 =	vgt.f32 v20, $0.0e+00;
	(erf) = vrcp.f32 v22;
	s1 =	sadd.f32 s24, s2;
	v24 =	vmax.f32 v23, $1.000000000e+00  }
0x123: {  	v41, _, _ =	vpop (xrf2);
	s22 =	spop (v2sf);
	s2 =	sadd.f32 s20, s29;
	v36 =	vsel vm4, $0x3F800000, v46;
	(erf) = vrcp.f32 v24  }
0x124: {  	(v2sf) =	vpush v41, $0xF;
	s0 =	sadd.f32 s23, s30;
	s30 =	spop (v2sf);
	v2 =	vadd.f32 v36, v2;
	vm0 =	vgt.f32 v23, $0.0e+00;
	v25 =	vpop (erf)  }
0x125: {  	s24 =	sadd.f32 s21, s30;
	v32 =	vmov s2;
	v39 =	vsel vm0, $0x3F800000, v46;
	v4 =	vmul.f32 s31, v25  }
0x126: {  	v2 =	vadd.f32 v39, v2;
	v40 =	vmax.f32 v32, $1.000000000e+00;
	vm11 =	vgt.f32 v32, $0.0e+00  }
0x127: {  	s9 =	sadd.f32 s26, s28;
	v34 =	vmov s24;
	(erf) = vrcp.f32 v40;
	v42 =	vsel vm11, $0x3F800000, v46;
	v26 =	vpop (erf)  }
0x128: {  	s28 =	ssub.f32 s19, s18;
	s20 =	spop (v2sf);
	v4 =	vadd.f32 $0.0e+00, v4;
	vm12 =	vgt.f32 v34, $0.0e+00;
	v6 =	vmul.f32 s7, v26  }
0x129: {  	s30 =	ssub.f32 s18, s17;
	s25 =	spop (v2sf);
	v43 =	vmax.f32 v34, $1.000000000e+00;
	v2 =	vadd.f32 v42, v2;
	v44 =	vsel vm12, $0x3F800000, v46;
	v27 =	vpop (erf)  }
0x12a: {  	s26 =	spop (v2sf);
	v4 =	vnsel vm3, $0x0, v4;
	v0 =	vmul.f32 s0, v27;
	s0 =	sadd.f32 s28, s25;
	v6 =	vnsel vm2, $0x0, v6  }
0x12b: {  	s29 =	spop (v2sf);
	(erf) = vrcp.f32 v43;
	v2 =	vadd.f32 v44, v2;
	v30 =	vpop (erf);
	v4 =	vadd.f32 v6, v4  }
0x12c: {  	s31 =	spop (v2sf);
	v8 =	vmul.f32 s1, v30;
	s1 =	sadd.f32 s30, s29;
	v35 =	vmov s0;
	v0 =	vnsel vm1, $0x0, v0;
	v31 =	vpop (erf)  }
0x12d: {  	v45 =	vmax.f32 v35, $1.000000000e+00;
	vm13 =	vgt.f32 v35, $0.0e+00;
	v1 =	vmul.f32 s9, v31;
	s9 =	spop (v2sf)  }
0x12e: {  	v37 =	vmov s1;
	(erf) = vrcp.f32 v45;
	v3 =	vsel vm13, $0x3F800000, v46;
	s17 =	sadd.f32 s17, s9  }
0x12f: {  	s19 =	ssub.f32 s16, s15;
	v0 =	vadd.f32 v0, v4;
	v47 =	vmax.f32 v37, $1.000000000e+00;
	v2 =	vadd.f32 v3, v2  }
0x130: {  	vm5 =	vgt.f32 v37, $0.0e+00;
	(erf) = vrcp.f32 v47;
	v38 =	vmov s17  }
0x131: {  	s0 =	sadd.f32 s19, s22;
	v48 =	vnsel vm4, $0x0, v8;
	v49 =	vsel vm5, $0x3F800000, v46;
	v50 =	vmax.f32 v38, $1.000000000e+00  }
0x132: {  	s22 =	ssub.f32 s15, s14;
	v2 =	vadd.f32 v49, v2;
	vm14 =	vgt.f32 v38, $0.0e+00;
	(erf) = vrcp.f32 v50  }
0x133: {  	s23 =	ssub.f32 s14, s13;
	v51 =	vpop (erf);
	v0 =	vadd.f32 v48, v0;
	v52 =	vsel vm14, $0x3F800000, v46  }
0x134: {  	s24 =	sadd.f32 s22, s20;
	v4 =	vmul.f32 s0, v51;
	v1 =	vnsel vm0, $0x0, v1;
	v2 =	vadd.f32 v2, v52  }
0x135: {  	s25 =	sadd.f32 s23, s26;
	v53 =	vpop (erf);
	v0 =	vadd.f32 v1, v0  }
0x136: {  	s26 =	ssub.f32 s13, s12;
	v54 =	vmul.f32 s24, v53;
	v55 =	vnsel vm11, $0x0, v4;
	v56 =	vmax.f32 v2, $1.000000000e+00  }
0x137: {  	v0 =	vadd.f32 v55, v0;
	v57 =	vpop (erf);
	(erf) = vrcp.f32 v56  }
0x138: {  	s0 =	sadd.f32 s26, s31;
	v1 =	vnsel vm12, $0x0, v54;
	v3 =	vmul.f32 s25, v57  }
0x139: {  	s28 =	spop (v2sf);
	v0 =	vadd.f32 v1, v0;
	v58 =	vpop (erf)  }
0x13a: {  	s29 =	sadd.f32 s12, s28;
	v59 =	vmul.f32 s0, v58;
	v3 =	vnsel vm13, $0x0, v3  }
0x13b: {  	v0 =	vadd.f32 v3, v0;
	v60 =	vpop (erf)  }
0x13c: {  	v1 =	vnsel vm5, $0x0, v59;
	v61 =	vmul.f32 s29, v60  }
0x13d: {  	v0 =	vadd.f32 v1, v0  }
0x13e: {  	v62 =	vnsel vm14, $0x0, v61  }
0x13f: {  	v0 =	vadd.f32 v0, v62  }
0x140: {  	v63 =	vpop (erf)  }
0x141: {  	v0 =	vmul.f32 v0, v63  }
0x142: {  	s11 =	sadd.s32 $0x1, s11;
	vm15 =	vgt.f32 v2, $0.0e+00  }
0x143: {  	p0 =	sne.s32 s11, s5;
	v0 =	vnsel vm15, $0x0, v0  }
.Ltmp3:
0x144: {  	s30 =	rddreg [dreg:$0x1];
	s31 =	simm.s32 $0xD000;
	[tilespmem:$0xD000] =	vst v0;
	(pc) =	sbr.rel @p0 .LBB2_2-.Ltmp3, $4  }
0x145: {  	[hbm4b:s30+s6] =	stream.linear.scatter [tilespmem:s31], [sflag:$0x2], $0x80, $0x38;
	[tilespmem:$0xD080] =	vst v63  }
0x146: {  	_ =	swait.ge [sflag:s10], $0x80  }
0x147: {  	[sflag:s10] =	ssyncset.done $0x0  }
0x148: {  	[sflag:s10] =	ssyncadd.s32 $0xFFFFFF80  }
.LBB2_7:
0x149: {  	_ =	sfence.sel $0x180000  }
0x14a: {  	[bflag:$0x0] =	sbarrier.arrive $0xFFFF  }
0x14b: {  	_ =	strace $0x9000004A  }
0x14c: {  	s0 =	stileid.u32;
	[bflag:$0x2] =	sbarrier.arrive $0xFFFF  }
0x14d: {  	p0 =	sne.s32 s0, $0x0;
	s0 =	rddreg [dreg:$0x2]  }
0x14e: {  	s0 =	sadd.s32 @!p0 $0x100000, s0  }
0x14f: {  	[sflag:s0] =	ssyncadd.tile.s32 @!p0 $0x1;
	_ =	shalt  }
.Lfunc_end2:
_tile_overlayer_lowered:
.L_overlay_start_2:
0x150: {  	(tag) =	ssettag $0x2  }
0x151: {  	s0 =	rddreg [dreg:$0x0];
	s2 =	stileid.u32  }
0x152: {  	s1 =	rddreg [dreg:$0x1];
	p0 =	sne.s32 s2, $0x0  }
0x153: {  	s3 =	rddreg [dreg:$0x2];
	[bflag:$0x3] =	sbarrier.arrive $0xFFFF;
	s2 =	simm.s32 @!p0 $0x1C02  }
0x154: {  	[timem:s3], [sflag:s2] =	dma.local @!p0 [hbm:s0], s1  }
0x155: {  	s0 =	simm.s32 @!p0 $0x2  }
0x156: {  	_ =	swait.ge @!p0 [sflag:s0], s1  }
0x157: {  	s1 =	ssub.s32 @!p0 $0x0, s1;
	[sflag:s0] =	ssyncset.done @!p0 $0x0  }
0x158: {  	[sflag:s0] =	ssyncadd.s32 @!p0 s1  }
0x159: {  	[bflag:$0x3] =	sbarrier.arrive $0xFFFF  }
0x15a: {  	_ =	shalt  }

</sc_bundles>
